<compile_context>
chip_gen: v7x
topology: tpu7x:2x2x1
jax: 0.10.2.dev20260603
libtpu: 0.0.44.dev20260713+nightly
codegen_flags: <defaults>
</compile_context>

<pallas_src>
import jax
import jax.numpy as jnp
from jax import lax
from jax.experimental import pallas as pl
from jax.experimental.pallas import tpu as pltpu
from jax.experimental.pallas import tpu_sc as plsc

N_NODES = 10000
HIDDEN = 128
NUM_CLASSES = 4
N_EDGES = 320000

NUM_CORES = 2
NUM_SUBCORES = 16
NUM_TILES = NUM_CORES * NUM_SUBCORES
EDGES_PER_TILE = N_EDGES // NUM_TILES
CHUNK = 80
CHUNKS_PER_TILE = EDGES_PER_TILE // CHUNK
IDX_GROUPS = 5
GCHUNKS = CHUNKS_PER_TILE // IDX_GROUPS
NBUF = 4
ACC_ROWS = N_NODES
ZERO_SUBCORES = 10
ZERO_ROWS = ACC_ROWS // ZERO_SUBCORES

ROW_BLOCK = 400
GRID = N_NODES // ROW_BLOCK
PART_BLOCKS = ACC_ROWS // ROW_BLOCK


def _sc_aggregate(q, src, dst, zeros, d, gather):
  mesh = plsc.VectorSubcoreMesh(core_axis_name="c", subcore_axis_name="s")

  def body(*refs):
    if gather:
      (q_hbm, srcr_hbm, dstr_hbm, z_hbm, out_hbm,
       srcs_v, dsts_v, r0b, r1b, r2b, r3b, acc,
       sg0, sg1, sg2, sg3, ss0, ss1, ss2, ss3) = refs
      rows = (r0b, r1b, r2b, r3b)
      semg = (sg0, sg1, sg2, sg3)
      sems = (ss0, ss1, ss2, ss3)
    else:
      dstr_hbm, z_hbm, out_hbm, dsts_v, r0b, acc, ss0 = refs
      rows = (r0b,)
      sems = (ss0,)
    c = lax.axis_index("c")
    s = lax.axis_index("s")
    wid = c * NUM_SUBCORES + s

    r0 = s * ZERO_ROWS

    @pl.when(s < ZERO_SUBCORES)
    def _zero():
      pltpu.sync_copy(z_hbm.at[pl.ds(r0, ZERO_ROWS)],
                      acc.at[pl.ds(r0, ZERO_ROWS)])

    if not gather:
      @pl.loop(0, CHUNK)
      def _fill(r):
        for j in range(d // 16):
          rows[0][r, pl.ds(j * 16, 16)] = jnp.ones((16,), jnp.float32)

    plsc.subcore_barrier()

    t0 = wid * CHUNKS_PER_TILE

    if gather:
      @pl.loop(0, IDX_GROUPS)
      def _group(g):
        pltpu.sync_copy(dstr_hbm.at[pl.ds(t0 + g * GCHUNKS, GCHUNKS)], dsts_v)
        pltpu.sync_copy(srcr_hbm.at[pl.ds(t0 + g * GCHUNKS, GCHUNKS)], srcs_v)
        for pb in range(NBUF - 1):
          pltpu.async_copy(q_hbm.at[srcs_v.at[pb]], rows[pb], semg[pb])

        @pl.loop(0, GCHUNKS // NBUF)
        def _ring(tt):
          for b in range(NBUF):
            j = tt * NBUF + b
            p = (b + NBUF - 1) % NBUF
            pltpu.make_async_copy(q_hbm.at[srcs_v.at[j]], rows[b],
                                  semg[b]).wait()
            pltpu.async_copy(rows[b], acc.at[dsts_v.at[j]], sems[b], add=True)

            @pl.when(jnp.logical_and(j + NBUF - 1 <= GCHUNKS - 1, j >= 1))
            def _reuse():
              pltpu.make_async_copy(rows[p], acc.at[dsts_v.at[j - 1]],
                                    sems[p]).wait()
              pltpu.async_copy(q_hbm.at[srcs_v.at[j + NBUF - 1]], rows[p],
                               semg[p])

            @pl.when(jnp.logical_and(j + NBUF - 1 <= GCHUNKS - 1, j < 1))
            def _first():
              pltpu.async_copy(q_hbm.at[srcs_v.at[j + NBUF - 1]], rows[p],
                               semg[p])

        last = GCHUNKS - 1
        pltpu.make_async_copy(q_hbm.at[srcs_v.at[last]], rows[0],
                              semg[0]).wait()
        pltpu.async_copy(rows[0], acc.at[dsts_v.at[last]], sems[0], add=True)
        for b in list(range(1, NBUF)) + [0]:
          j = GCHUNKS - NBUF + ((b - 1) % NBUF)
          pltpu.make_async_copy(rows[b], acc.at[dsts_v.at[j]], sems[b]).wait()
    else:
      @pl.loop(0, IDX_GROUPS)
      def _dgroup(g):
        pltpu.sync_copy(dstr_hbm.at[pl.ds(t0 + g * GCHUNKS, GCHUNKS)], dsts_v)

        @pl.loop(0, GCHUNKS, step=5)
        def _deg_batch(j):
          for b in range(5):
            pltpu.async_copy(rows[0], acc.at[dsts_v.at[j + b]], sems[0],
                             add=True)
          for b in range(5):
            pltpu.make_async_copy(rows[0], acc.at[dsts_v.at[j + b]],
                                  sems[0]).wait()

    plsc.subcore_barrier()

    @pl.when(s < ZERO_SUBCORES)
    def _writeback():
      pltpu.sync_copy(acc.at[pl.ds(r0, ZERO_ROWS)],
                      out_hbm.at[pl.ds(c * ACC_ROWS + r0, ZERO_ROWS)])

  if gather:
    scratch = [
        pltpu.VMEM((GCHUNKS, CHUNK), jnp.int32),
        pltpu.VMEM((GCHUNKS, CHUNK), jnp.int32),
        pltpu.VMEM((CHUNK, d), jnp.float32),
        pltpu.VMEM((CHUNK, d), jnp.float32),
        pltpu.VMEM((CHUNK, d), jnp.float32),
        pltpu.VMEM((CHUNK, d), jnp.float32),
        pltpu.VMEM_SHARED((ACC_ROWS, d), jnp.float32),
    ] + [pltpu.SemaphoreType.DMA] * 8
  else:
    scratch = [
        pltpu.VMEM((GCHUNKS, CHUNK), jnp.int32),
        pltpu.VMEM((CHUNK, d), jnp.float32),
        pltpu.VMEM_SHARED((ACC_ROWS, d), jnp.float32),
        pltpu.SemaphoreType.DMA,
    ]
  k = pl.kernel(
      body,
      out_type=jax.ShapeDtypeStruct((NUM_CORES * ACC_ROWS, d), jnp.float32),
      mesh=mesh,
      scratch_types=scratch,
      compiler_params=pltpu.CompilerParams(use_tc_tiling_on_sc=False),
  )
  if gather:
    return k(q, src, dst, zeros)
  return k(dst, zeros)


def _tc_embed(xf, degp, W_pre, b_pre, W1):

  def body(deg0_ref, deg1_ref, x_ref, wp_ref, bp_ref, w1_ref, q1_ref, dinv_ref):
    deg = deg0_ref[:, 0] + deg1_ref[:, 0] + 1.0
    dinv = lax.rsqrt(deg)
    h = jnp.maximum(
        jnp.dot(x_ref[...], wp_ref[...], preferred_element_type=jnp.float32)
        + bp_ref[...], 0.0)
    p = jnp.dot(h, w1_ref[...], preferred_element_type=jnp.float32)
    q1_ref[...] = p * dinv[:, None]
    dinv_ref[...] = dinv[:, None]

  return pl.pallas_call(
      body,
      grid=(GRID,),
      in_specs=[
          pl.BlockSpec((ROW_BLOCK, 16), lambda i: (i, 0)),
          pl.BlockSpec((ROW_BLOCK, 16), lambda i: (i + PART_BLOCKS, 0)),
          pl.BlockSpec((ROW_BLOCK, 4096), lambda i: (i, 0)),
          pl.BlockSpec((4096, HIDDEN), lambda i: (0, 0)),
          pl.BlockSpec((1, HIDDEN), lambda i: (0, 0)),
          pl.BlockSpec((HIDDEN, HIDDEN), lambda i: (0, 0)),
      ],
      out_specs=[
          pl.BlockSpec((ROW_BLOCK, HIDDEN), lambda i: (i, 0)),
          pl.BlockSpec((ROW_BLOCK, 1), lambda i: (i, 0)),
      ],
      out_shape=[
          jax.ShapeDtypeStruct((N_NODES, HIDDEN), jnp.float32),
          jax.ShapeDtypeStruct((N_NODES, 1), jnp.float32),
      ],
      compiler_params=pltpu.CompilerParams(
          dimension_semantics=("arbitrary",),
          allow_input_fusion=[False, False, True, False, False, False]),
  )(degp, degp, xf, W_pre, b_pre, W1)


def _tc_mid(aggp1, q1, dinv, W2p, b1):

  def body(a0_ref, a1_ref, q1_ref, dinv_ref, w2_ref, b1_ref, q2_ref):
    s = a0_ref[...] + a1_ref[...] + q1_ref[...]
    dinv = dinv_ref[...]
    h1 = jnp.maximum(s * dinv + b1_ref[...], 0.0)
    q2_ref[...] = jnp.dot(
        h1, w2_ref[...], preferred_element_type=jnp.float32) * dinv

  return pl.pallas_call(
      body,
      grid=(GRID,),
      in_specs=[
          pl.BlockSpec((ROW_BLOCK, HIDDEN), lambda i: (i, 0)),
          pl.BlockSpec((ROW_BLOCK, HIDDEN), lambda i: (i + PART_BLOCKS, 0)),
          pl.BlockSpec((ROW_BLOCK, HIDDEN), lambda i: (i, 0)),
          pl.BlockSpec((ROW_BLOCK, 1), lambda i: (i, 0)),
          pl.BlockSpec((HIDDEN, 8), lambda i: (0, 0)),
          pl.BlockSpec((1, HIDDEN), lambda i: (0, 0)),
      ],
      out_specs=pl.BlockSpec((ROW_BLOCK, 8), lambda i: (i, 0)),
      out_shape=jax.ShapeDtypeStruct((N_NODES, 8), jnp.float32),
      compiler_params=pltpu.CompilerParams(
          dimension_semantics=("arbitrary",)),
  )(aggp1, aggp1, q1, dinv, W2p, b1)


def _tc_final(aggp2, q2, dinv, b2):

  def body(a0_ref, a1_ref, q2_ref, dinv_ref, b2_ref, out_ref):
    s = a0_ref[...] + a1_ref[...] + q2_ref[...]
    out_ref[...] = s[:, :NUM_CLASSES] * dinv_ref[...] + b2_ref[...]

  return pl.pallas_call(
      body,
      grid=(GRID,),
      in_specs=[
          pl.BlockSpec((ROW_BLOCK, 8), lambda i: (i, 0)),
          pl.BlockSpec((ROW_BLOCK, 8), lambda i: (i + PART_BLOCKS, 0)),
          pl.BlockSpec((ROW_BLOCK, 8), lambda i: (i, 0)),
          pl.BlockSpec((ROW_BLOCK, 1), lambda i: (i, 0)),
          pl.BlockSpec((1, NUM_CLASSES), lambda i: (0, 0)),
      ],
      out_specs=pl.BlockSpec((ROW_BLOCK, NUM_CLASSES), lambda i: (i, 0)),
      out_shape=jax.ShapeDtypeStruct((N_NODES, NUM_CLASSES), jnp.float32),
      compiler_params=pltpu.CompilerParams(
          dimension_semantics=("arbitrary",)),
  )(aggp2, aggp2, q2, dinv, b2)


def kernel(x, edge_index, W_pre, b_pre, W1, b1, W2, b2):
  n = x.shape[0]
  xf = x.astype(jnp.bfloat16).reshape(n, -1)
  src = edge_index[0].astype(jnp.int32).reshape(N_EDGES // CHUNK, CHUNK)
  dst = edge_index[1].astype(jnp.int32).reshape(N_EDGES // CHUNK, CHUNK)

  zeros16 = jnp.zeros((ACC_ROWS, 16), jnp.float32)
  zeros8 = jnp.zeros((ACC_ROWS, 8), jnp.float32)
  zeros128 = jnp.zeros((ACC_ROWS, HIDDEN), jnp.float32)
  W2p = jnp.pad(W2, ((0, 0), (0, 8 - NUM_CLASSES)))
  b_pre2 = b_pre.reshape(1, HIDDEN)
  b1_2 = b1.reshape(1, HIDDEN)
  b2_2 = b2.reshape(1, NUM_CLASSES)

  degp = _sc_aggregate(None, None, dst, zeros16, 16, gather=False)
  q1, dinv = _tc_embed(xf, degp, W_pre.astype(jnp.bfloat16), b_pre2, W1)
  aggp1 = _sc_aggregate(q1, src, dst, zeros128, HIDDEN, gather=True)
  q2 = _tc_mid(aggp1, q1, dinv, W2p, b1_2)
  aggp2 = _sc_aggregate(q2, src, dst, zeros8, 8, gather=True)
  return _tc_final(aggp2, q2, dinv, b2_2)

# --- scband reference (transcript-rebuilt; emitter-appended) ---
"""Pipeline reference for scband-mel-gcn-76218489635509 (READ-ONLY COPY).

The authoritative reference and input builder live on the scoring server;
editing this copy changes nothing except your own understanding.
"""

import jax, jax.numpy as jnp
import numpy as np

N_NODES = 10000
N_EDGES = 320000
MEL_H, MEL_W = 128, 32
HIDDEN = 128
NUM_CLASSES = 4


def gcn_conv(x, edge_index, W, b, num_nodes):
    # PyG GCNConv: linear transform, add self-loops, symmetric normalization, sum-aggregate, add bias
    x = x @ W
    loops = jnp.arange(num_nodes, dtype=edge_index.dtype)
    src = jnp.concatenate([edge_index[0], loops])
    dst = jnp.concatenate([edge_index[1], loops])
    ones = jnp.ones_like(dst, dtype=x.dtype)
    deg = jax.ops.segment_sum(ones, dst, num_segments=num_nodes)
    dinv = jnp.where(deg > 0, deg ** -0.5, 0.0)
    norm = dinv[src] * dinv[dst]
    msgs = x[src] * norm[:, None]
    out = jax.ops.segment_sum(msgs, dst, num_segments=num_nodes)
    return out + b


def setup_inputs(seed: int = 0) -> dict:
    key = jax.random.key(seed)
    ks = [jax.random.fold_in(key, i) for i in range(8)]
    x = jax.random.normal(ks[0], (N_NODES, MEL_H, MEL_W), dtype=jnp.float32)
    edge_index = jax.random.randint(ks[1], (2, N_EDGES), 0, N_NODES, dtype=jnp.int64)
    d_in = MEL_H * MEL_W
    W_pre = jax.random.normal(ks[2], (d_in, HIDDEN), dtype=jnp.float32) * (1.0 / np.sqrt(d_in))
    b_pre = jnp.zeros((HIDDEN,), dtype=jnp.float32)
    W1 = jax.random.normal(ks[3], (HIDDEN, HIDDEN), dtype=jnp.float32) * (1.0 / np.sqrt(HIDDEN))
    b1 = jnp.zeros((HIDDEN,), dtype=jnp.float32)
    W2 = jax.random.normal(ks[4], (HIDDEN, NUM_CLASSES), dtype=jnp.float32) * (1.0 / np.sqrt(HIDDEN))
    b2 = jnp.zeros((NUM_CLASSES,), dtype=jnp.float32)
    return {"x": x, "edge_index": edge_index, "W_pre": W_pre, "b_pre": b_pre,
            "W1": W1, "b1": b1, "W2": W2, "b2": b2}


def reference(x, edge_index, W_pre, b_pre, W1, b1, W2, b2):
    n = x.shape[0]
    xf = x.reshape(n, -1)
    h = jax.nn.relu(xf @ W_pre + b_pre)
    h = jax.nn.relu(gcn_conv(h, edge_index, W1, b1, n))
    out = gcn_conv(h, edge_index, W2, b2, n)
    return out

if __name__ == "__main__":
    import jax
    _d = setup_inputs()
    print(jax.jit(kernel)(*tuple(_d.values())))

</pallas_src>

<mosaic_0001>
#map = affine_map<(d0, d1) -> (0, 0)>
module attributes {stable_mosaic.version = 14 : i64} {
  func.func @body(%arg0: i32, %arg1: i32, %arg2: memref<4000x80xi32, #tpu.memory_space<hbm>>, %arg3: memref<10000x16xf32, #tpu.memory_space<hbm>>, %arg4: memref<20000x16xf32, #tpu.memory_space<hbm>>, %arg5: memref<25x80xi32, #tpu.memory_space<vmem>>, %arg6: memref<80x16xf32, #tpu.memory_space<vmem>>, %arg7: memref<10000x16xf32, #tpu.memory_space<vmem_shared>>, %arg8: memref<!tpu.dma_semaphore, #tpu.memory_space<semaphore_mem>>) attributes {dimension_semantics = [#tpu.dimension_semantics<core_parallel>, #tpu.dimension_semantics<subcore_parallel>], iteration_bounds = array<i64: 2, 16>, scalar_prefetch = 0 : i64, scratch_operands = 4 : i64, tpu.core_type = #tpu.core_type<sc_vector_subcore>, window_params = [{transform_indices = #map}, {transform_indices = #map}, {transform_indices = #map}]} {
    %mul3A = arith.constant 16 : i32
    %mul3A_0 = arith.muli %arg0, %mul3A : i32
    %add3A = arith.addi %mul3A_0, %arg1 : i32
    %mul3A_1 = arith.constant 1000 : i32
    %mul3A_2 = arith.muli %arg1, %mul3A_1 : i32
    %lt3A = arith.constant 10 : i32
    %lt3A_3 = arith.cmpi slt, %arg1, %lt3A : i32
    %convert_element_type3A = arith.extui %lt3A_3 : i1 to i32
    %cond3A = arith.constant 0 : i32
    %cond3A_4 = arith.cmpi ne, %convert_element_type3A, %cond3A : i32
    scf.if %cond3A_4 {
      "tpu.region"() ({
        %run_scoped3A = tpu.sem_alloc : memref<!tpu.dma_semaphore, #tpu.memory_space<semaphore_mem>>
        %dma_start3A = arith.constant 0 : i32
        %dma_start3A_22 = tpu.memref_slice %arg7[%mul3A_2, %dma_start3A] : memref<10000x16xf32, #tpu.memory_space<vmem_shared>> -> memref<1000x16xf32, #tpu.memory_space<vmem_shared>>
        %dma_start3A_23 = arith.constant 0 : i32
        %dma_start3A_24 = tpu.memref_slice %arg3[%mul3A_2, %dma_start3A_23] : memref<10000x16xf32, #tpu.memory_space<hbm>> -> memref<1000x16xf32, #tpu.memory_space<hbm>>
        tpu.enqueue_dma source(%dma_start3A_24 : memref<1000x16xf32, #tpu.memory_space<hbm>>) target(%dma_start3A_22 : memref<1000x16xf32, #tpu.memory_space<vmem_shared>>) target_semaphore(%run_scoped3A : memref<!tpu.dma_semaphore, #tpu.memory_space<semaphore_mem>>)
        %dma_wait3A = arith.constant 0 : i32
        %dma_wait3A_25 = tpu.memref_slice %arg7[%mul3A_2, %dma_wait3A] : memref<10000x16xf32, #tpu.memory_space<vmem_shared>> -> memref<1000x16xf32, #tpu.memory_space<vmem_shared>>
        %dma_wait3A_26 = arith.constant 0 : i32
        %dma_wait3A_27 = tpu.memref_slice %arg3[%mul3A_2, %dma_wait3A_26] : memref<10000x16xf32, #tpu.memory_space<hbm>> -> memref<1000x16xf32, #tpu.memory_space<hbm>>
        tpu.wait_dma2 semaphore(%run_scoped3A : memref<!tpu.dma_semaphore, #tpu.memory_space<semaphore_mem>>) src(%dma_wait3A_27 : memref<1000x16xf32, #tpu.memory_space<hbm>>) dst(%dma_wait3A_25 : memref<1000x16xf32, #tpu.memory_space<vmem_shared>>)
        tpu.yield
      }) : () -> ()
    } else {
    }
    %scan3A = arith.constant 0 : i32
    %scan3A_5 = arith.constant 80 : i32
    %scan3A_6 = arith.addi %scan3A, %scan3A_5 : i32
    %scan3A_7 = arith.constant 1 : i32
    scf.for %scan3A_22 = %scan3A to %scan3A_6 step %scan3A_7  : i32 {
      %mul3A_23 = arith.constant 1 : i32
      %mul3A_24 = arith.muli %scan3A_22, %mul3A_23 : i32
      %add3A_25 = arith.constant 0 : i32
      %add3A_26 = arith.addi %add3A_25, %mul3A_24 : i32
      %broadcast_in_dim3A = arith.constant 1.000000e+00 : f32
      %broadcast_in_dim3A_27 = vector.broadcast %broadcast_in_dim3A : f32 to vector<16xf32>
      %swap3A = arith.index_cast %add3A_26 : i32 to index
      %swap3A_28 = arith.constant 0 : index
      %swap3A_29 = tpu.vector_load %arg6[%swap3A, %swap3A_28] {strides = array<i32>} : memref<80x16xf32, #tpu.memory_space<vmem>>, vector<1x16xf32>,
      %swap3A_30 = vector.shape_cast %swap3A_29 : vector<1x16xf32> to vector<16xf32>
      %swap3A_31 = vector.shape_cast %broadcast_in_dim3A_27 : vector<16xf32> to vector<1x16xf32>
      tpu.vector_store %arg6[%swap3A, %swap3A_28], %swap3A_31 {strides = array<i32>} : memref<80x16xf32, #tpu.memory_space<vmem>>, vector<1x16xf32>,
    }
    %scan3A_8 = arith.constant 80 : i32
    %barrier3A = arith.constant 0 : index
    tpu.barrier barrier_id(%barrier3A)
    %mul3A_9 = arith.constant 125 : i32
    %mul3A_10 = arith.muli %add3A, %mul3A_9 : i32
    %scan3A_11 = arith.constant 0 : i32
    %scan3A_12 = arith.constant 5 : i32
    %scan3A_13 = arith.addi %scan3A_11, %scan3A_12 : i32
    %scan3A_14 = arith.constant 1 : i32
    scf.for %scan3A_22 = %scan3A_11 to %scan3A_13 step %scan3A_14  : i32 {
      %mul3A_23 = arith.constant 1 : i32
      %mul3A_24 = arith.muli %scan3A_22, %mul3A_23 : i32
      %add3A_25 = arith.constant 0 : i32
      %add3A_26 = arith.addi %add3A_25, %mul3A_24 : i32
      %mul3A_27 = arith.constant 25 : i32
      %mul3A_28 = arith.muli %add3A_26, %mul3A_27 : i32
      %add3A_29 = arith.addi %mul3A_10, %mul3A_28 : i32
      "tpu.region"() ({
        %run_scoped3A = tpu.sem_alloc : memref<!tpu.dma_semaphore, #tpu.memory_space<semaphore_mem>>
        %dma_start3A = arith.constant 0 : i32
        %dma_start3A_35 = tpu.memref_slice %arg2[%add3A_29, %dma_start3A] : memref<4000x80xi32, #tpu.memory_space<hbm>> -> memref<25x80xi32, #tpu.memory_space<hbm>>
        %dma_start3A_36 = arith.constant 0 : i32
        %dma_start3A_37 = tpu.memref_slice %arg2[%add3A_29, %dma_start3A_36] : memref<4000x80xi32, #tpu.memory_space<hbm>> -> memref<25x80xi32, #tpu.memory_space<hbm>>
        tpu.enqueue_dma source(%dma_start3A_37 : memref<25x80xi32, #tpu.memory_space<hbm>>) target(%arg5 : memref<25x80xi32, #tpu.memory_space<vmem>>) target_semaphore(%run_scoped3A : memref<!tpu.dma_semaphore, #tpu.memory_space<semaphore_mem>>)
        %dma_wait3A = arith.constant 0 : i32
        %dma_wait3A_38 = tpu.memref_slice %arg2[%add3A_29, %dma_wait3A] : memref<4000x80xi32, #tpu.memory_space<hbm>> -> memref<25x80xi32, #tpu.memory_space<hbm>>
        %dma_wait3A_39 = arith.constant 0 : i32
        %dma_wait3A_40 = tpu.memref_slice %arg2[%add3A_29, %dma_wait3A_39] : memref<4000x80xi32, #tpu.memory_space<hbm>> -> memref<25x80xi32, #tpu.memory_space<hbm>>
        tpu.wait_dma2 semaphore(%run_scoped3A : memref<!tpu.dma_semaphore, #tpu.memory_space<semaphore_mem>>) src(%dma_wait3A_40 : memref<25x80xi32, #tpu.memory_space<hbm>>) dst(%arg5 : memref<25x80xi32, #tpu.memory_space<vmem>>)
        tpu.yield
      }) : () -> ()
      %scan3A_30 = arith.constant 0 : i32
      %scan3A_31 = arith.constant 5 : i32
      %scan3A_32 = arith.addi %scan3A_30, %scan3A_31 : i32
      %scan3A_33 = arith.constant 1 : i32
      scf.for %scan3A_35 = %scan3A_30 to %scan3A_32 step %scan3A_33  : i32 {
        %mul3A_36 = arith.constant 5 : i32
        %mul3A_37 = arith.muli %scan3A_35, %mul3A_36 : i32
        %add3A_38 = arith.constant 0 : i32
        %add3A_39 = arith.addi %add3A_38, %mul3A_37 : i32
        %add3A_40 = arith.constant 0 : i32
        %add3A_41 = arith.addi %add3A_39, %add3A_40 : i32
        %dma_start3A = arith.constant 0 : i32
        %dma_start3A_42 = tpu.memref_slice %arg5[%add3A_41, %dma_start3A] : memref<25x80xi32, #tpu.memory_space<vmem>> -> memref<1x80xi32, #tpu.memory_space<vmem>>
        %dma_start3A_43 = tpu.memref_squeeze %dma_start3A_42 : memref<1x80xi32, #tpu.memory_space<vmem>> -> memref<80xi32, #tpu.memory_space<vmem>>
        %dma_start3A_44 = arith.constant 0 : i32
        %dma_start3A_45 = arith.constant 0 : i32
        %dma_start3A_46 = tpu.memref_slice %arg7[%dma_start3A_44, %dma_start3A_45] : memref<10000x16xf32, #tpu.memory_space<vmem_shared>> -> memref<10000x16xf32, #tpu.memory_space<vmem_shared>>
        tpu.enqueue_indirect_dma source(%arg6 : memref<80x16xf32, #tpu.memory_space<vmem>>) target(%dma_start3A_46 : memref<10000x16xf32, #tpu.memory_space<vmem_shared>>) offsets(%dma_start3A_43 : memref<80xi32, #tpu.memory_space<vmem>>) semaphore(%arg8 : memref<!tpu.dma_semaphore, #tpu.memory_space<semaphore_mem>>) {add = true}
        %add3A_47 = arith.constant 1 : i32
        %add3A_48 = arith.addi %add3A_39, %add3A_47 : i32
        %dma_start3A_49 = arith.constant 0 : i32
        %dma_start3A_50 = tpu.memref_slice %arg5[%add3A_48, %dma_start3A_49] : memref<25x80xi32, #tpu.memory_space<vmem>> -> memref<1x80xi32, #tpu.memory_space<vmem>>
        %dma_start3A_51 = tpu.memref_squeeze %dma_start3A_50 : memref<1x80xi32, #tpu.memory_space<vmem>> -> memref<80xi32, #tpu.memory_space<vmem>>
        %dma_start3A_52 = arith.constant 0 : i32
        %dma_start3A_53 = arith.constant 0 : i32
        %dma_start3A_54 = tpu.memref_slice %arg7[%dma_start3A_52, %dma_start3A_53] : memref<10000x16xf32, #tpu.memory_space<vmem_shared>> -> memref<10000x16xf32, #tpu.memory_space<vmem_shared>>
        tpu.enqueue_indirect_dma source(%arg6 : memref<80x16xf32, #tpu.memory_space<vmem>>) target(%dma_start3A_54 : memref<10000x16xf32, #tpu.memory_space<vmem_shared>>) offsets(%dma_start3A_51 : memref<80xi32, #tpu.memory_space<vmem>>) semaphore(%arg8 : memref<!tpu.dma_semaphore, #tpu.memory_space<semaphore_mem>>) {add = true}
        %add3A_55 = arith.constant 2 : i32
        %add3A_56 = arith.addi %add3A_39, %add3A_55 : i32
        %dma_start3A_57 = arith.constant 0 : i32
        %dma_start3A_58 = tpu.memref_slice %arg5[%add3A_56, %dma_start3A_57] : memref<25x80xi32, #tpu.memory_space<vmem>> -> memref<1x80xi32, #tpu.memory_space<vmem>>
        %dma_start3A_59 = tpu.memref_squeeze %dma_start3A_58 : memref<1x80xi32, #tpu.memory_space<vmem>> -> memref<80xi32, #tpu.memory_space<vmem>>
        %dma_start3A_60 = arith.constant 0 : i32
        %dma_start3A_61 = arith.constant 0 : i32
        %dma_start3A_62 = tpu.memref_slice %arg7[%dma_start3A_60, %dma_start3A_61] : memref<10000x16xf32, #tpu.memory_space<vmem_shared>> -> memref<10000x16xf32, #tpu.memory_space<vmem_shared>>
        tpu.enqueue_indirect_dma source(%arg6 : memref<80x16xf32, #tpu.memory_space<vmem>>) target(%dma_start3A_62 : memref<10000x16xf32, #tpu.memory_space<vmem_shared>>) offsets(%dma_start3A_59 : memref<80xi32, #tpu.memory_space<vmem>>) semaphore(%arg8 : memref<!tpu.dma_semaphore, #tpu.memory_space<semaphore_mem>>) {add = true}
        %add3A_63 = arith.constant 3 : i32
        %add3A_64 = arith.addi %add3A_39, %add3A_63 : i32
        %dma_start3A_65 = arith.constant 0 : i32
        %dma_start3A_66 = tpu.memref_slice %arg5[%add3A_64, %dma_start3A_65] : memref<25x80xi32, #tpu.memory_space<vmem>> -> memref<1x80xi32, #tpu.memory_space<vmem>>
        %dma_start3A_67 = tpu.memref_squeeze %dma_start3A_66 : memref<1x80xi32, #tpu.memory_space<vmem>> -> memref<80xi32, #tpu.memory_space<vmem>>
        %dma_start3A_68 = arith.constant 0 : i32
        %dma_start3A_69 = arith.constant 0 : i32
        %dma_start3A_70 = tpu.memref_slice %arg7[%dma_start3A_68, %dma_start3A_69] : memref<10000x16xf32, #tpu.memory_space<vmem_shared>> -> memref<10000x16xf32, #tpu.memory_space<vmem_shared>>
        tpu.enqueue_indirect_dma source(%arg6 : memref<80x16xf32, #tpu.memory_space<vmem>>) target(%dma_start3A_70 : memref<10000x16xf32, #tpu.memory_space<vmem_shared>>) offsets(%dma_start3A_67 : memref<80xi32, #tpu.memory_space<vmem>>) semaphore(%arg8 : memref<!tpu.dma_semaphore, #tpu.memory_space<semaphore_mem>>) {add = true}
        %add3A_71 = arith.constant 4 : i32
        %add3A_72 = arith.addi %add3A_39, %add3A_71 : i32
        %dma_start3A_73 = arith.constant 0 : i32
        %dma_start3A_74 = tpu.memref_slice %arg5[%add3A_72, %dma_start3A_73] : memref<25x80xi32, #tpu.memory_space<vmem>> -> memref<1x80xi32, #tpu.memory_space<vmem>>
        %dma_start3A_75 = tpu.memref_squeeze %dma_start3A_74 : memref<1x80xi32, #tpu.memory_space<vmem>> -> memref<80xi32, #tpu.memory_space<vmem>>
        %dma_start3A_76 = arith.constant 0 : i32
        %dma_start3A_77 = arith.constant 0 : i32
        %dma_start3A_78 = tpu.memref_slice %arg7[%dma_start3A_76, %dma_start3A_77] : memref<10000x16xf32, #tpu.memory_space<vmem_shared>> -> memref<10000x16xf32, #tpu.memory_space<vmem_shared>>
        tpu.enqueue_indirect_dma source(%arg6 : memref<80x16xf32, #tpu.memory_space<vmem>>) target(%dma_start3A_78 : memref<10000x16xf32, #tpu.memory_space<vmem_shared>>) offsets(%dma_start3A_75 : memref<80xi32, #tpu.memory_space<vmem>>) semaphore(%arg8 : memref<!tpu.dma_semaphore, #tpu.memory_space<semaphore_mem>>) {add = true}
        %add3A_79 = arith.constant 0 : i32
        %add3A_80 = arith.addi %add3A_39, %add3A_79 : i32
        %dma_wait3A = arith.constant 0 : i32
        %dma_wait3A_81 = tpu.memref_slice %arg5[%add3A_80, %dma_wait3A] : memref<25x80xi32, #tpu.memory_space<vmem>> -> memref<1x80xi32, #tpu.memory_space<vmem>>
        %dma_wait3A_82 = tpu.memref_squeeze %dma_wait3A_81 : memref<1x80xi32, #tpu.memory_space<vmem>> -> memref<80xi32, #tpu.memory_space<vmem>>
        %dma_wait3A_83 = arith.constant 0 : i32
        %dma_wait3A_84 = arith.constant 0 : i32
        %dma_wait3A_85 = tpu.memref_slice %arg7[%dma_wait3A_83, %dma_wait3A_84] : memref<10000x16xf32, #tpu.memory_space<vmem_shared>> -> memref<10000x16xf32, #tpu.memory_space<vmem_shared>>
        tpu.wait_indirect_dma semaphore(%arg8 : memref<!tpu.dma_semaphore, #tpu.memory_space<semaphore_mem>>) src(%arg6 : memref<80x16xf32, #tpu.memory_space<vmem>>) dst(%dma_wait3A_85 : memref<10000x16xf32, #tpu.memory_space<vmem_shared>>)
        %add3A_86 = arith.constant 1 : i32
        %add3A_87 = arith.addi %add3A_39, %add3A_86 : i32
        %dma_wait3A_88 = arith.constant 0 : i32
        %dma_wait3A_89 = tpu.memref_slice %arg5[%add3A_87, %dma_wait3A_88] : memref<25x80xi32, #tpu.memory_space<vmem>> -> memref<1x80xi32, #tpu.memory_space<vmem>>
        %dma_wait3A_90 = tpu.memref_squeeze %dma_wait3A_89 : memref<1x80xi32, #tpu.memory_space<vmem>> -> memref<80xi32, #tpu.memory_space<vmem>>
        %dma_wait3A_91 = arith.constant 0 : i32
        %dma_wait3A_92 = arith.constant 0 : i32
        %dma_wait3A_93 = tpu.memref_slice %arg7[%dma_wait3A_91, %dma_wait3A_92] : memref<10000x16xf32, #tpu.memory_space<vmem_shared>> -> memref<10000x16xf32, #tpu.memory_space<vmem_shared>>
        tpu.wait_indirect_dma semaphore(%arg8 : memref<!tpu.dma_semaphore, #tpu.memory_space<semaphore_mem>>) src(%arg6 : memref<80x16xf32, #tpu.memory_space<vmem>>) dst(%dma_wait3A_93 : memref<10000x16xf32, #tpu.memory_space<vmem_shared>>)
        %add3A_94 = arith.constant 2 : i32
        %add3A_95 = arith.addi %add3A_39, %add3A_94 : i32
        %dma_wait3A_96 = arith.constant 0 : i32
        %dma_wait3A_97 = tpu.memref_slice %arg5[%add3A_95, %dma_wait3A_96] : memref<25x80xi32, #tpu.memory_space<vmem>> -> memref<1x80xi32, #tpu.memory_space<vmem>>
        %dma_wait3A_98 = tpu.memref_squeeze %dma_wait3A_97 : memref<1x80xi32, #tpu.memory_space<vmem>> -> memref<80xi32, #tpu.memory_space<vmem>>
        %dma_wait3A_99 = arith.constant 0 : i32
        %dma_wait3A_100 = arith.constant 0 : i32
        %dma_wait3A_101 = tpu.memref_slice %arg7[%dma_wait3A_99, %dma_wait3A_100] : memref<10000x16xf32, #tpu.memory_space<vmem_shared>> -> memref<10000x16xf32, #tpu.memory_space<vmem_shared>>
        tpu.wait_indirect_dma semaphore(%arg8 : memref<!tpu.dma_semaphore, #tpu.memory_space<semaphore_mem>>) src(%arg6 : memref<80x16xf32, #tpu.memory_space<vmem>>) dst(%dma_wait3A_101 : memref<10000x16xf32, #tpu.memory_space<vmem_shared>>)
        %add3A_102 = arith.constant 3 : i32
        %add3A_103 = arith.addi %add3A_39, %add3A_102 : i32
        %dma_wait3A_104 = arith.constant 0 : i32
        %dma_wait3A_105 = tpu.memref_slice %arg5[%add3A_103, %dma_wait3A_104] : memref<25x80xi32, #tpu.memory_space<vmem>> -> memref<1x80xi32, #tpu.memory_space<vmem>>
        %dma_wait3A_106 = tpu.memref_squeeze %dma_wait3A_105 : memref<1x80xi32, #tpu.memory_space<vmem>> -> memref<80xi32, #tpu.memory_space<vmem>>
        %dma_wait3A_107 = arith.constant 0 : i32
        %dma_wait3A_108 = arith.constant 0 : i32
        %dma_wait3A_109 = tpu.memref_slice %arg7[%dma_wait3A_107, %dma_wait3A_108] : memref<10000x16xf32, #tpu.memory_space<vmem_shared>> -> memref<10000x16xf32, #tpu.memory_space<vmem_shared>>
        tpu.wait_indirect_dma semaphore(%arg8 : memref<!tpu.dma_semaphore, #tpu.memory_space<semaphore_mem>>) src(%arg6 : memref<80x16xf32, #tpu.memory_space<vmem>>) dst(%dma_wait3A_109 : memref<10000x16xf32, #tpu.memory_space<vmem_shared>>)
        %add3A_110 = arith.constant 4 : i32
        %add3A_111 = arith.addi %add3A_39, %add3A_110 : i32
        %dma_wait3A_112 = arith.constant 0 : i32
        %dma_wait3A_113 = tpu.memref_slice %arg5[%add3A_111, %dma_wait3A_112] : memref<25x80xi32, #tpu.memory_space<vmem>> -> memref<1x80xi32, #tpu.memory_space<vmem>>
        %dma_wait3A_114 = tpu.memref_squeeze %dma_wait3A_113 : memref<1x80xi32, #tpu.memory_space<vmem>> -> memref<80xi32, #tpu.memory_space<vmem>>
        %dma_wait3A_115 = arith.constant 0 : i32
        %dma_wait3A_116 = arith.constant 0 : i32
        %dma_wait3A_117 = tpu.memref_slice %arg7[%dma_wait3A_115, %dma_wait3A_116] : memref<10000x16xf32, #tpu.memory_space<vmem_shared>> -> memref<10000x16xf32, #tpu.memory_space<vmem_shared>>
        tpu.wait_indirect_dma semaphore(%arg8 : memref<!tpu.dma_semaphore, #tpu.memory_space<semaphore_mem>>) src(%arg6 : memref<80x16xf32, #tpu.memory_space<vmem>>) dst(%dma_wait3A_117 : memref<10000x16xf32, #tpu.memory_space<vmem_shared>>)
      }
      %scan3A_34 = arith.constant 5 : i32
    }
    %scan3A_15 = arith.constant 5 : i32
    %barrier3A_16 = arith.constant 0 : index
    tpu.barrier barrier_id(%barrier3A_16)
    %lt3A_17 = arith.constant 10 : i32
    %lt3A_18 = arith.cmpi slt, %arg1, %lt3A_17 : i32
    %convert_element_type3A_19 = arith.extui %lt3A_18 : i1 to i32
    %cond3A_20 = arith.constant 0 : i32
    %cond3A_21 = arith.cmpi ne, %convert_element_type3A_19, %cond3A_20 : i32
    scf.if %cond3A_21 {
      %mul3A_22 = arith.constant 10000 : i32
      %mul3A_23 = arith.muli %arg0, %mul3A_22 : i32
      %add3A_24 = arith.addi %mul3A_23, %mul3A_2 : i32
      "tpu.region"() ({
        %run_scoped3A = tpu.sem_alloc : memref<!tpu.dma_semaphore, #tpu.memory_space<semaphore_mem>>
        %dma_start3A = arith.constant 0 : i32
        %dma_start3A_25 = tpu.memref_slice %arg4[%add3A_24, %dma_start3A] : memref<20000x16xf32, #tpu.memory_space<hbm>> -> memref<1000x16xf32, #tpu.memory_space<hbm>>
        %dma_start3A_26 = arith.constant 0 : i32
        %dma_start3A_27 = tpu.memref_slice %arg7[%mul3A_2, %dma_start3A_26] : memref<10000x16xf32, #tpu.memory_space<vmem_shared>> -> memref<1000x16xf32, #tpu.memory_space<vmem_shared>>
        tpu.enqueue_dma source(%dma_start3A_27 : memref<1000x16xf32, #tpu.memory_space<vmem_shared>>) target(%dma_start3A_25 : memref<1000x16xf32, #tpu.memory_space<hbm>>) target_semaphore(%run_scoped3A : memref<!tpu.dma_semaphore, #tpu.memory_space<semaphore_mem>>)
        %dma_wait3A = arith.constant 0 : i32
        %dma_wait3A_28 = tpu.memref_slice %arg4[%add3A_24, %dma_wait3A] : memref<20000x16xf32, #tpu.memory_space<hbm>> -> memref<1000x16xf32, #tpu.memory_space<hbm>>
        %dma_wait3A_29 = arith.constant 0 : i32
        %dma_wait3A_30 = tpu.memref_slice %arg7[%mul3A_2, %dma_wait3A_29] : memref<10000x16xf32, #tpu.memory_space<vmem_shared>> -> memref<1000x16xf32, #tpu.memory_space<vmem_shared>>
        tpu.wait_dma2 semaphore(%run_scoped3A : memref<!tpu.dma_semaphore, #tpu.memory_space<semaphore_mem>>) src(%dma_wait3A_30 : memref<1000x16xf32, #tpu.memory_space<vmem_shared>>) dst(%dma_wait3A_28 : memref<1000x16xf32, #tpu.memory_space<hbm>>)
        tpu.yield
      }) : () -> ()
    } else {
    }
    return
  }
}

#map = affine_map<(d0, d1) -> (0, 0)>
module attributes {stable_mosaic.version = 14 : i64} {
  func.func @body(%arg0: i32, %arg1: i32, %arg2: memref<10000x8xf32, #tpu.memory_space<hbm>>, %arg3: memref<4000x80xi32, #tpu.memory_space<hbm>>, %arg4: memref<4000x80xi32, #tpu.memory_space<hbm>>, %arg5: memref<10000x8xf32, #tpu.memory_space<hbm>>, %arg6: memref<20000x8xf32, #tpu.memory_space<hbm>>, %arg7: memref<25x80xi32, #tpu.memory_space<vmem>>, %arg8: memref<25x80xi32, #tpu.memory_space<vmem>>, %arg9: memref<80x8xf32, #tpu.memory_space<vmem>>, %arg10: memref<80x8xf32, #tpu.memory_space<vmem>>, %arg11: memref<80x8xf32, #tpu.memory_space<vmem>>, %arg12: memref<80x8xf32, #tpu.memory_space<vmem>>, %arg13: memref<10000x8xf32, #tpu.memory_space<vmem_shared>>, %arg14: memref<!tpu.dma_semaphore, #tpu.memory_space<semaphore_mem>>, %arg15: memref<!tpu.dma_semaphore, #tpu.memory_space<semaphore_mem>>, %arg16: memref<!tpu.dma_semaphore, #tpu.memory_space<semaphore_mem>>, %arg17: memref<!tpu.dma_semaphore, #tpu.memory_space<semaphore_mem>>, %arg18: memref<!tpu.dma_semaphore, #tpu.memory_space<semaphore_mem>>, %arg19: memref<!tpu.dma_semaphore, #tpu.memory_space<semaphore_mem>>, %arg20: memref<!tpu.dma_semaphore, #tpu.memory_space<semaphore_mem>>, %arg21: memref<!tpu.dma_semaphore, #tpu.memory_space<semaphore_mem>>) attributes {dimension_semantics = [#tpu.dimension_semantics<core_parallel>, #tpu.dimension_semantics<subcore_parallel>], iteration_bounds = array<i64: 2, 16>, scalar_prefetch = 0 : i64, scratch_operands = 15 : i64, tpu.core_type = #tpu.core_type<sc_vector_subcore>, window_params = [{transform_indices = #map}, {transform_indices = #map}, {transform_indices = #map}, {transform_indices = #map}, {transform_indices = #map}]} {
    %mul3A = arith.constant 16 : i32
    %mul3A_0 = arith.muli %arg0, %mul3A : i32
    %add3A = arith.addi %mul3A_0, %arg1 : i32
    %mul3A_1 = arith.constant 1000 : i32
    %mul3A_2 = arith.muli %arg1, %mul3A_1 : i32
    %lt3A = arith.constant 10 : i32
    %lt3A_3 = arith.cmpi slt, %arg1, %lt3A : i32
    %convert_element_type3A = arith.extui %lt3A_3 : i1 to i32
    %cond3A = arith.constant 0 : i32
    %cond3A_4 = arith.cmpi ne, %convert_element_type3A, %cond3A : i32
    scf.if %cond3A_4 {
      "tpu.region"() ({
        %run_scoped3A = tpu.sem_alloc : memref<!tpu.dma_semaphore, #tpu.memory_space<semaphore_mem>>
        %dma_start3A = arith.constant 0 : i32
        %dma_start3A_17 = tpu.memref_slice %arg13[%mul3A_2, %dma_start3A] : memref<10000x8xf32, #tpu.memory_space<vmem_shared>> -> memref<1000x8xf32, #tpu.memory_space<vmem_shared>>
        %dma_start3A_18 = arith.constant 0 : i32
        %dma_start3A_19 = tpu.memref_slice %arg5[%mul3A_2, %dma_start3A_18] : memref<10000x8xf32, #tpu.memory_space<hbm>> -> memref<1000x8xf32, #tpu.memory_space<hbm>>
        tpu.enqueue_dma source(%dma_start3A_19 : memref<1000x8xf32, #tpu.memory_space<hbm>>) target(%dma_start3A_17 : memref<1000x8xf32, #tpu.memory_space<vmem_shared>>) target_semaphore(%run_scoped3A : memref<!tpu.dma_semaphore, #tpu.memory_space<semaphore_mem>>)
        %dma_wait3A = arith.constant 0 : i32
        %dma_wait3A_20 = tpu.memref_slice %arg13[%mul3A_2, %dma_wait3A] : memref<10000x8xf32, #tpu.memory_space<vmem_shared>> -> memref<1000x8xf32, #tpu.memory_space<vmem_shared>>
        %dma_wait3A_21 = arith.constant 0 : i32
        %dma_wait3A_22 = tpu.memref_slice %arg5[%mul3A_2, %dma_wait3A_21] : memref<10000x8xf32, #tpu.memory_space<hbm>> -> memref<1000x8xf32, #tpu.memory_space<hbm>>
        tpu.wait_dma2 semaphore(%run_scoped3A : memref<!tpu.dma_semaphore, #tpu.memory_space<semaphore_mem>>) src(%dma_wait3A_22 : memref<1000x8xf32, #tpu.memory_space<hbm>>) dst(%dma_wait3A_20 : memref<1000x8xf32, #tpu.memory_space<vmem_shared>>)
        tpu.yield
      }) : () -> ()
    } else {
    }
    %barrier3A = arith.constant 0 : index
    tpu.barrier barrier_id(%barrier3A)
    %mul3A_5 = arith.constant 125 : i32
    %mul3A_6 = arith.muli %add3A, %mul3A_5 : i32
    %scan3A = arith.constant 0 : i32
    %scan3A_7 = arith.constant 5 : i32
    %scan3A_8 = arith.addi %scan3A, %scan3A_7 : i32
    %scan3A_9 = arith.constant 1 : i32
    scf.for %scan3A_17 = %scan3A to %scan3A_8 step %scan3A_9  : i32 {
      %mul3A_18 = arith.constant 1 : i32
      %mul3A_19 = arith.muli %scan3A_17, %mul3A_18 : i32
      %add3A_20 = arith.constant 0 : i32
      %add3A_21 = arith.addi %add3A_20, %mul3A_19 : i32
      %mul3A_22 = arith.constant 25 : i32
      %mul3A_23 = arith.muli %add3A_21, %mul3A_22 : i32
      %add3A_24 = arith.addi %mul3A_6, %mul3A_23 : i32
      "tpu.region"() ({
        %run_scoped3A = tpu.sem_alloc : memref<!tpu.dma_semaphore, #tpu.memory_space<semaphore_mem>>
        %dma_start3A_94 = arith.constant 0 : i32
        %dma_start3A_95 = tpu.memref_slice %arg4[%add3A_24, %dma_start3A_94] : memref<4000x80xi32, #tpu.memory_space<hbm>> -> memref<25x80xi32, #tpu.memory_space<hbm>>
        %dma_start3A_96 = arith.constant 0 : i32
        %dma_start3A_97 = tpu.memref_slice %arg4[%add3A_24, %dma_start3A_96] : memref<4000x80xi32, #tpu.memory_space<hbm>> -> memref<25x80xi32, #tpu.memory_space<hbm>>
        tpu.enqueue_dma source(%dma_start3A_97 : memref<25x80xi32, #tpu.memory_space<hbm>>) target(%arg8 : memref<25x80xi32, #tpu.memory_space<vmem>>) target_semaphore(%run_scoped3A : memref<!tpu.dma_semaphore, #tpu.memory_space<semaphore_mem>>)
        %dma_wait3A_98 = arith.constant 0 : i32
        %dma_wait3A_99 = tpu.memref_slice %arg4[%add3A_24, %dma_wait3A_98] : memref<4000x80xi32, #tpu.memory_space<hbm>> -> memref<25x80xi32, #tpu.memory_space<hbm>>
        %dma_wait3A_100 = arith.constant 0 : i32
        %dma_wait3A_101 = tpu.memref_slice %arg4[%add3A_24, %dma_wait3A_100] : memref<4000x80xi32, #tpu.memory_space<hbm>> -> memref<25x80xi32, #tpu.memory_space<hbm>>
        tpu.wait_dma2 semaphore(%run_scoped3A : memref<!tpu.dma_semaphore, #tpu.memory_space<semaphore_mem>>) src(%dma_wait3A_101 : memref<25x80xi32, #tpu.memory_space<hbm>>) dst(%arg8 : memref<25x80xi32, #tpu.memory_space<vmem>>)
        tpu.yield
      }) : () -> ()
      %mul3A_25 = arith.constant 25 : i32
      %mul3A_26 = arith.muli %add3A_21, %mul3A_25 : i32
      %add3A_27 = arith.addi %mul3A_6, %mul3A_26 : i32
      "tpu.region"() ({
        %run_scoped3A = tpu.sem_alloc : memref<!tpu.dma_semaphore, #tpu.memory_space<semaphore_mem>>
        %dma_start3A_94 = arith.constant 0 : i32
        %dma_start3A_95 = tpu.memref_slice %arg3[%add3A_27, %dma_start3A_94] : memref<4000x80xi32, #tpu.memory_space<hbm>> -> memref<25x80xi32, #tpu.memory_space<hbm>>
        %dma_start3A_96 = arith.constant 0 : i32
        %dma_start3A_97 = tpu.memref_slice %arg3[%add3A_27, %dma_start3A_96] : memref<4000x80xi32, #tpu.memory_space<hbm>> -> memref<25x80xi32, #tpu.memory_space<hbm>>
        tpu.enqueue_dma source(%dma_start3A_97 : memref<25x80xi32, #tpu.memory_space<hbm>>) target(%arg7 : memref<25x80xi32, #tpu.memory_space<vmem>>) target_semaphore(%run_scoped3A : memref<!tpu.dma_semaphore, #tpu.memory_space<semaphore_mem>>)
        %dma_wait3A_98 = arith.constant 0 : i32
        %dma_wait3A_99 = tpu.memref_slice %arg3[%add3A_27, %dma_wait3A_98] : memref<4000x80xi32, #tpu.memory_space<hbm>> -> memref<25x80xi32, #tpu.memory_space<hbm>>
        %dma_wait3A_100 = arith.constant 0 : i32
        %dma_wait3A_101 = tpu.memref_slice %arg3[%add3A_27, %dma_wait3A_100] : memref<4000x80xi32, #tpu.memory_space<hbm>> -> memref<25x80xi32, #tpu.memory_space<hbm>>
        tpu.wait_dma2 semaphore(%run_scoped3A : memref<!tpu.dma_semaphore, #tpu.memory_space<semaphore_mem>>) src(%dma_wait3A_101 : memref<25x80xi32, #tpu.memory_space<hbm>>) dst(%arg7 : memref<25x80xi32, #tpu.memory_space<vmem>>)
        tpu.yield
      }) : () -> ()
      %dma_start3A = arith.constant 0 : i32
      %dma_start3A_28 = arith.constant 0 : i32
      %dma_start3A_29 = tpu.memref_slice %arg7[%dma_start3A, %dma_start3A_28] : memref<25x80xi32, #tpu.memory_space<vmem>> -> memref<1x80xi32, #tpu.memory_space<vmem>>
      %dma_start3A_30 = tpu.memref_squeeze %dma_start3A_29 : memref<1x80xi32, #tpu.memory_space<vmem>> -> memref<80xi32, #tpu.memory_space<vmem>>
      %dma_start3A_31 = arith.constant 0 : i32
      %dma_start3A_32 = arith.constant 0 : i32
      %dma_start3A_33 = tpu.memref_slice %arg2[%dma_start3A_31, %dma_start3A_32] : memref<10000x8xf32, #tpu.memory_space<hbm>> -> memref<10000x8xf32, #tpu.memory_space<hbm>>
      tpu.enqueue_indirect_dma source(%dma_start3A_33 : memref<10000x8xf32, #tpu.memory_space<hbm>>) target(%arg9 : memref<80x8xf32, #tpu.memory_space<vmem>>) offsets(%dma_start3A_30 : memref<80xi32, #tpu.memory_space<vmem>>) semaphore(%arg14 : memref<!tpu.dma_semaphore, #tpu.memory_space<semaphore_mem>>)
      %dma_start3A_34 = arith.constant 1 : i32
      %dma_start3A_35 = arith.constant 0 : i32
      %dma_start3A_36 = tpu.memref_slice %arg7[%dma_start3A_34, %dma_start3A_35] : memref<25x80xi32, #tpu.memory_space<vmem>> -> memref<1x80xi32, #tpu.memory_space<vmem>>
      %dma_start3A_37 = tpu.memref_squeeze %dma_start3A_36 : memref<1x80xi32, #tpu.memory_space<vmem>> -> memref<80xi32, #tpu.memory_space<vmem>>
      %dma_start3A_38 = arith.constant 0 : i32
      %dma_start3A_39 = arith.constant 0 : i32
      %dma_start3A_40 = tpu.memref_slice %arg2[%dma_start3A_38, %dma_start3A_39] : memref<10000x8xf32, #tpu.memory_space<hbm>> -> memref<10000x8xf32, #tpu.memory_space<hbm>>
      tpu.enqueue_indirect_dma source(%dma_start3A_40 : memref<10000x8xf32, #tpu.memory_space<hbm>>) target(%arg10 : memref<80x8xf32, #tpu.memory_space<vmem>>) offsets(%dma_start3A_37 : memref<80xi32, #tpu.memory_space<vmem>>) semaphore(%arg15 : memref<!tpu.dma_semaphore, #tpu.memory_space<semaphore_mem>>)
      %dma_start3A_41 = arith.constant 2 : i32
      %dma_start3A_42 = arith.constant 0 : i32
      %dma_start3A_43 = tpu.memref_slice %arg7[%dma_start3A_41, %dma_start3A_42] : memref<25x80xi32, #tpu.memory_space<vmem>> -> memref<1x80xi32, #tpu.memory_space<vmem>>
      %dma_start3A_44 = tpu.memref_squeeze %dma_start3A_43 : memref<1x80xi32, #tpu.memory_space<vmem>> -> memref<80xi32, #tpu.memory_space<vmem>>
      %dma_start3A_45 = arith.constant 0 : i32
      %dma_start3A_46 = arith.constant 0 : i32
      %dma_start3A_47 = tpu.memref_slice %arg2[%dma_start3A_45, %dma_start3A_46] : memref<10000x8xf32, #tpu.memory_space<hbm>> -> memref<10000x8xf32, #tpu.memory_space<hbm>>
      tpu.enqueue_indirect_dma source(%dma_start3A_47 : memref<10000x8xf32, #tpu.memory_space<hbm>>) target(%arg11 : memref<80x8xf32, #tpu.memory_space<vmem>>) offsets(%dma_start3A_44 : memref<80xi32, #tpu.memory_space<vmem>>) semaphore(%arg16 : memref<!tpu.dma_semaphore, #tpu.memory_space<semaphore_mem>>)
      %scan3A_48 = arith.constant 0 : i32
      %scan3A_49 = arith.constant 6 : i32
      %scan3A_50 = arith.addi %scan3A_48, %scan3A_49 : i32
      %scan3A_51 = arith.constant 1 : i32
      scf.for %scan3A_94 = %scan3A_48 to %scan3A_50 step %scan3A_51  : i32 {
        %mul3A_95 = arith.constant 1 : i32
        %mul3A_96 = arith.muli %scan3A_94, %mul3A_95 : i32
        %add3A_97 = arith.constant 0 : i32
        %add3A_98 = arith.addi %add3A_97, %mul3A_96 : i32
        %mul3A_99 = arith.constant 4 : i32
        %mul3A_100 = arith.muli %add3A_98, %mul3A_99 : i32
        %add3A_101 = arith.constant 0 : i32
        %add3A_102 = arith.addi %mul3A_100, %add3A_101 : i32
        %dma_wait3A_103 = arith.constant 0 : i32
        %dma_wait3A_104 = tpu.memref_slice %arg7[%add3A_102, %dma_wait3A_103] : memref<25x80xi32, #tpu.memory_space<vmem>> -> memref<1x80xi32, #tpu.memory_space<vmem>>
        %dma_wait3A_105 = tpu.memref_squeeze %dma_wait3A_104 : memref<1x80xi32, #tpu.memory_space<vmem>> -> memref<80xi32, #tpu.memory_space<vmem>>
        %dma_wait3A_106 = arith.constant 0 : i32
        %dma_wait3A_107 = arith.constant 0 : i32
        %dma_wait3A_108 = tpu.memref_slice %arg2[%dma_wait3A_106, %dma_wait3A_107] : memref<10000x8xf32, #tpu.memory_space<hbm>> -> memref<10000x8xf32, #tpu.memory_space<hbm>>
        tpu.wait_indirect_dma semaphore(%arg14 : memref<!tpu.dma_semaphore, #tpu.memory_space<semaphore_mem>>) src(%dma_wait3A_108 : memref<10000x8xf32, #tpu.memory_space<hbm>>) dst(%arg9 : memref<80x8xf32, #tpu.memory_space<vmem>>)
        %dma_start3A_109 = arith.constant 0 : i32
        %dma_start3A_110 = tpu.memref_slice %arg8[%add3A_102, %dma_start3A_109] : memref<25x80xi32, #tpu.memory_space<vmem>> -> memref<1x80xi32, #tpu.memory_space<vmem>>
        %dma_start3A_111 = tpu.memref_squeeze %dma_start3A_110 : memref<1x80xi32, #tpu.memory_space<vmem>> -> memref<80xi32, #tpu.memory_space<vmem>>
        %dma_start3A_112 = arith.constant 0 : i32
        %dma_start3A_113 = arith.constant 0 : i32
        %dma_start3A_114 = tpu.memref_slice %arg13[%dma_start3A_112, %dma_start3A_113] : memref<10000x8xf32, #tpu.memory_space<vmem_shared>> -> memref<10000x8xf32, #tpu.memory_space<vmem_shared>>
        tpu.enqueue_indirect_dma source(%arg9 : memref<80x8xf32, #tpu.memory_space<vmem>>) target(%dma_start3A_114 : memref<10000x8xf32, #tpu.memory_space<vmem_shared>>) offsets(%dma_start3A_111 : memref<80xi32, #tpu.memory_space<vmem>>) semaphore(%arg18 : memref<!tpu.dma_semaphore, #tpu.memory_space<semaphore_mem>>) {add = true}
        %add3A_115 = arith.constant 4 : i32
        %add3A_116 = arith.addi %add3A_102, %add3A_115 : i32
        %sub3A = arith.constant 1 : i32
        %sub3A_117 = arith.subi %add3A_116, %sub3A : i32
        %le3A = arith.constant 24 : i32
        %le3A_118 = arith.cmpi sle, %sub3A_117, %le3A : i32
        %ge3A = arith.constant 1 : i32
        %ge3A_119 = arith.cmpi sge, %add3A_102, %ge3A : i32
        %and3A = arith.andi %le3A_118, %ge3A_119 : i1
        %convert_element_type3A_120 = arith.extui %and3A : i1 to i32
        %cond3A_121 = arith.constant 0 : i32
        %cond3A_122 = arith.cmpi ne, %convert_element_type3A_120, %cond3A_121 : i32
        scf.if %cond3A_122 {
          %sub3A_255 = arith.constant 1 : i32
          %sub3A_256 = arith.subi %add3A_102, %sub3A_255 : i32
          %dma_wait3A_257 = arith.constant 0 : i32
          %dma_wait3A_258 = tpu.memref_slice %arg8[%sub3A_256, %dma_wait3A_257] : memref<25x80xi32, #tpu.memory_space<vmem>> -> memref<1x80xi32, #tpu.memory_space<vmem>>
          %dma_wait3A_259 = tpu.memref_squeeze %dma_wait3A_258 : memref<1x80xi32, #tpu.memory_space<vmem>> -> memref<80xi32, #tpu.memory_space<vmem>>
          %dma_wait3A_260 = arith.constant 0 : i32
          %dma_wait3A_261 = arith.constant 0 : i32
          %dma_wait3A_262 = tpu.memref_slice %arg13[%dma_wait3A_260, %dma_wait3A_261] : memref<10000x8xf32, #tpu.memory_space<vmem_shared>> -> memref<10000x8xf32, #tpu.memory_space<vmem_shared>>
          tpu.wait_indirect_dma semaphore(%arg21 : memref<!tpu.dma_semaphore, #tpu.memory_space<semaphore_mem>>) src(%arg12 : memref<80x8xf32, #tpu.memory_space<vmem>>) dst(%dma_wait3A_262 : memref<10000x8xf32, #tpu.memory_space<vmem_shared>>)
          %add3A_263 = arith.constant 4 : i32
          %add3A_264 = arith.addi %add3A_102, %add3A_263 : i32
          %sub3A_265 = arith.constant 1 : i32
          %sub3A_266 = arith.subi %add3A_264, %sub3A_265 : i32
          %dma_start3A_267 = arith.constant 0 : i32
          %dma_start3A_268 = tpu.memref_slice %arg7[%sub3A_266, %dma_start3A_267] : memref<25x80xi32, #tpu.memory_space<vmem>> -> memref<1x80xi32, #tpu.memory_space<vmem>>
          %dma_start3A_269 = tpu.memref_squeeze %dma_start3A_268 : memref<1x80xi32, #tpu.memory_space<vmem>> -> memref<80xi32, #tpu.memory_space<vmem>>
          %dma_start3A_270 = arith.constant 0 : i32
          %dma_start3A_271 = arith.constant 0 : i32
          %dma_start3A_272 = tpu.memref_slice %arg2[%dma_start3A_270, %dma_start3A_271] : memref<10000x8xf32, #tpu.memory_space<hbm>> -> memref<10000x8xf32, #tpu.memory_space<hbm>>
          tpu.enqueue_indirect_dma source(%dma_start3A_272 : memref<10000x8xf32, #tpu.memory_space<hbm>>) target(%arg12 : memref<80x8xf32, #tpu.memory_space<vmem>>) offsets(%dma_start3A_269 : memref<80xi32, #tpu.memory_space<vmem>>) semaphore(%arg17 : memref<!tpu.dma_semaphore, #tpu.memory_space<semaphore_mem>>)
        } else {
        }
        %add3A_123 = arith.constant 4 : i32
        %add3A_124 = arith.addi %add3A_102, %add3A_123 : i32
        %sub3A_125 = arith.constant 1 : i32
        %sub3A_126 = arith.subi %add3A_124, %sub3A_125 : i32
        %le3A_127 = arith.constant 24 : i32
        %le3A_128 = arith.cmpi sle, %sub3A_126, %le3A_127 : i32
        %lt3A_129 = arith.constant 1 : i32
        %lt3A_130 = arith.cmpi slt, %add3A_102, %lt3A_129 : i32
        %and3A_131 = arith.andi %le3A_128, %lt3A_130 : i1
        %convert_element_type3A_132 = arith.extui %and3A_131 : i1 to i32
        %cond3A_133 = arith.constant 0 : i32
        %cond3A_134 = arith.cmpi ne, %convert_element_type3A_132, %cond3A_133 : i32
        scf.if %cond3A_134 {
          %add3A_255 = arith.constant 4 : i32
          %add3A_256 = arith.addi %add3A_102, %add3A_255 : i32
          %sub3A_257 = arith.constant 1 : i32
          %sub3A_258 = arith.subi %add3A_256, %sub3A_257 : i32
          %dma_start3A_259 = arith.constant 0 : i32
          %dma_start3A_260 = tpu.memref_slice %arg7[%sub3A_258, %dma_start3A_259] : memref<25x80xi32, #tpu.memory_space<vmem>> -> memref<1x80xi32, #tpu.memory_space<vmem>>
          %dma_start3A_261 = tpu.memref_squeeze %dma_start3A_260 : memref<1x80xi32, #tpu.memory_space<vmem>> -> memref<80xi32, #tpu.memory_space<vmem>>
          %dma_start3A_262 = arith.constant 0 : i32
          %dma_start3A_263 = arith.constant 0 : i32
          %dma_start3A_264 = tpu.memref_slice %arg2[%dma_start3A_262, %dma_start3A_263] : memref<10000x8xf32, #tpu.memory_space<hbm>> -> memref<10000x8xf32, #tpu.memory_space<hbm>>
          tpu.enqueue_indirect_dma source(%dma_start3A_264 : memref<10000x8xf32, #tpu.memory_space<hbm>>) target(%arg12 : memref<80x8xf32, #tpu.memory_space<vmem>>) offsets(%dma_start3A_261 : memref<80xi32, #tpu.memory_space<vmem>>) semaphore(%arg17 : memref<!tpu.dma_semaphore, #tpu.memory_space<semaphore_mem>>)
        } else {
        }
        %mul3A_135 = arith.constant 4 : i32
        %mul3A_136 = arith.muli %add3A_98, %mul3A_135 : i32
        %add3A_137 = arith.constant 1 : i32
        %add3A_138 = arith.addi %mul3A_136, %add3A_137 : i32
        %dma_wait3A_139 = arith.constant 0 : i32
        %dma_wait3A_140 = tpu.memref_slice %arg7[%add3A_138, %dma_wait3A_139] : memref<25x80xi32, #tpu.memory_space<vmem>> -> memref<1x80xi32, #tpu.memory_space<vmem>>
        %dma_wait3A_141 = tpu.memref_squeeze %dma_wait3A_140 : memref<1x80xi32, #tpu.memory_space<vmem>> -> memref<80xi32, #tpu.memory_space<vmem>>
        %dma_wait3A_142 = arith.constant 0 : i32
        %dma_wait3A_143 = arith.constant 0 : i32
        %dma_wait3A_144 = tpu.memref_slice %arg2[%dma_wait3A_142, %dma_wait3A_143] : memref<10000x8xf32, #tpu.memory_space<hbm>> -> memref<10000x8xf32, #tpu.memory_space<hbm>>
        tpu.wait_indirect_dma semaphore(%arg15 : memref<!tpu.dma_semaphore, #tpu.memory_space<semaphore_mem>>) src(%dma_wait3A_144 : memref<10000x8xf32, #tpu.memory_space<hbm>>) dst(%arg10 : memref<80x8xf32, #tpu.memory_space<vmem>>)
        %dma_start3A_145 = arith.constant 0 : i32
        %dma_start3A_146 = tpu.memref_slice %arg8[%add3A_138, %dma_start3A_145] : memref<25x80xi32, #tpu.memory_space<vmem>> -> memref<1x80xi32, #tpu.memory_space<vmem>>
        %dma_start3A_147 = tpu.memref_squeeze %dma_start3A_146 : memref<1x80xi32, #tpu.memory_space<vmem>> -> memref<80xi32, #tpu.memory_space<vmem>>
        %dma_start3A_148 = arith.constant 0 : i32
        %dma_start3A_149 = arith.constant 0 : i32
        %dma_start3A_150 = tpu.memref_slice %arg13[%dma_start3A_148, %dma_start3A_149] : memref<10000x8xf32, #tpu.memory_space<vmem_shared>> -> memref<10000x8xf32, #tpu.memory_space<vmem_shared>>
        tpu.enqueue_indirect_dma source(%arg10 : memref<80x8xf32, #tpu.memory_space<vmem>>) target(%dma_start3A_150 : memref<10000x8xf32, #tpu.memory_space<vmem_shared>>) offsets(%dma_start3A_147 : memref<80xi32, #tpu.memory_space<vmem>>) semaphore(%arg19 : memref<!tpu.dma_semaphore, #tpu.memory_space<semaphore_mem>>) {add = true}
        %add3A_151 = arith.constant 4 : i32
        %add3A_152 = arith.addi %add3A_138, %add3A_151 : i32
        %sub3A_153 = arith.constant 1 : i32
        %sub3A_154 = arith.subi %add3A_152, %sub3A_153 : i32
        %le3A_155 = arith.constant 24 : i32
        %le3A_156 = arith.cmpi sle, %sub3A_154, %le3A_155 : i32
        %ge3A_157 = arith.constant 1 : i32
        %ge3A_158 = arith.cmpi sge, %add3A_138, %ge3A_157 : i32
        %and3A_159 = arith.andi %le3A_156, %ge3A_158 : i1
        %convert_element_type3A_160 = arith.extui %and3A_159 : i1 to i32
        %cond3A_161 = arith.constant 0 : i32
        %cond3A_162 = arith.cmpi ne, %convert_element_type3A_160, %cond3A_161 : i32
        scf.if %cond3A_162 {
          %sub3A_255 = arith.constant 1 : i32
          %sub3A_256 = arith.subi %add3A_138, %sub3A_255 : i32
          %dma_wait3A_257 = arith.constant 0 : i32
          %dma_wait3A_258 = tpu.memref_slice %arg8[%sub3A_256, %dma_wait3A_257] : memref<25x80xi32, #tpu.memory_space<vmem>> -> memref<1x80xi32, #tpu.memory_space<vmem>>
          %dma_wait3A_259 = tpu.memref_squeeze %dma_wait3A_258 : memref<1x80xi32, #tpu.memory_space<vmem>> -> memref<80xi32, #tpu.memory_space<vmem>>
          %dma_wait3A_260 = arith.constant 0 : i32
          %dma_wait3A_261 = arith.constant 0 : i32
          %dma_wait3A_262 = tpu.memref_slice %arg13[%dma_wait3A_260, %dma_wait3A_261] : memref<10000x8xf32, #tpu.memory_space<vmem_shared>> -> memref<10000x8xf32, #tpu.memory_space<vmem_shared>>
          tpu.wait_indirect_dma semaphore(%arg18 : memref<!tpu.dma_semaphore, #tpu.memory_space<semaphore_mem>>) src(%arg9 : memref<80x8xf32, #tpu.memory_space<vmem>>) dst(%dma_wait3A_262 : memref<10000x8xf32, #tpu.memory_space<vmem_shared>>)
          %add3A_263 = arith.constant 4 : i32
          %add3A_264 = arith.addi %add3A_138, %add3A_263 : i32
          %sub3A_265 = arith.constant 1 : i32
          %sub3A_266 = arith.subi %add3A_264, %sub3A_265 : i32
          %dma_start3A_267 = arith.constant 0 : i32
          %dma_start3A_268 = tpu.memref_slice %arg7[%sub3A_266, %dma_start3A_267] : memref<25x80xi32, #tpu.memory_space<vmem>> -> memref<1x80xi32, #tpu.memory_space<vmem>>
          %dma_start3A_269 = tpu.memref_squeeze %dma_start3A_268 : memref<1x80xi32, #tpu.memory_space<vmem>> -> memref<80xi32, #tpu.memory_space<vmem>>
          %dma_start3A_270 = arith.constant 0 : i32
          %dma_start3A_271 = arith.constant 0 : i32
          %dma_start3A_272 = tpu.memref_slice %arg2[%dma_start3A_270, %dma_start3A_271] : memref<10000x8xf32, #tpu.memory_space<hbm>> -> memref<10000x8xf32, #tpu.memory_space<hbm>>
          tpu.enqueue_indirect_dma source(%dma_start3A_272 : memref<10000x8xf32, #tpu.memory_space<hbm>>) target(%arg9 : memref<80x8xf32, #tpu.memory_space<vmem>>) offsets(%dma_start3A_269 : memref<80xi32, #tpu.memory_space<vmem>>) semaphore(%arg14 : memref<!tpu.dma_semaphore, #tpu.memory_space<semaphore_mem>>)
        } else {
        }
        %add3A_163 = arith.constant 4 : i32
        %add3A_164 = arith.addi %add3A_138, %add3A_163 : i32
        %sub3A_165 = arith.constant 1 : i32
        %sub3A_166 = arith.subi %add3A_164, %sub3A_165 : i32
        %le3A_167 = arith.constant 24 : i32
        %le3A_168 = arith.cmpi sle, %sub3A_166, %le3A_167 : i32
        %lt3A_169 = arith.constant 1 : i32
        %lt3A_170 = arith.cmpi slt, %add3A_138, %lt3A_169 : i32
        %and3A_171 = arith.andi %le3A_168, %lt3A_170 : i1
        %convert_element_type3A_172 = arith.extui %and3A_171 : i1 to i32
        %cond3A_173 = arith.constant 0 : i32
        %cond3A_174 = arith.cmpi ne, %convert_element_type3A_172, %cond3A_173 : i32
        scf.if %cond3A_174 {
          %add3A_255 = arith.constant 4 : i32
          %add3A_256 = arith.addi %add3A_138, %add3A_255 : i32
          %sub3A_257 = arith.constant 1 : i32
          %sub3A_258 = arith.subi %add3A_256, %sub3A_257 : i32
          %dma_start3A_259 = arith.constant 0 : i32
          %dma_start3A_260 = tpu.memref_slice %arg7[%sub3A_258, %dma_start3A_259] : memref<25x80xi32, #tpu.memory_space<vmem>> -> memref<1x80xi32, #tpu.memory_space<vmem>>
          %dma_start3A_261 = tpu.memref_squeeze %dma_start3A_260 : memref<1x80xi32, #tpu.memory_space<vmem>> -> memref<80xi32, #tpu.memory_space<vmem>>
          %dma_start3A_262 = arith.constant 0 : i32
          %dma_start3A_263 = arith.constant 0 : i32
          %dma_start3A_264 = tpu.memref_slice %arg2[%dma_start3A_262, %dma_start3A_263] : memref<10000x8xf32, #tpu.memory_space<hbm>> -> memref<10000x8xf32, #tpu.memory_space<hbm>>
          tpu.enqueue_indirect_dma source(%dma_start3A_264 : memref<10000x8xf32, #tpu.memory_space<hbm>>) target(%arg9 : memref<80x8xf32, #tpu.memory_space<vmem>>) offsets(%dma_start3A_261 : memref<80xi32, #tpu.memory_space<vmem>>) semaphore(%arg14 : memref<!tpu.dma_semaphore, #tpu.memory_space<semaphore_mem>>)
        } else {
        }
        %mul3A_175 = arith.constant 4 : i32
        %mul3A_176 = arith.muli %add3A_98, %mul3A_175 : i32
        %add3A_177 = arith.constant 2 : i32
        %add3A_178 = arith.addi %mul3A_176, %add3A_177 : i32
        %dma_wait3A_179 = arith.constant 0 : i32
        %dma_wait3A_180 = tpu.memref_slice %arg7[%add3A_178, %dma_wait3A_179] : memref<25x80xi32, #tpu.memory_space<vmem>> -> memref<1x80xi32, #tpu.memory_space<vmem>>
        %dma_wait3A_181 = tpu.memref_squeeze %dma_wait3A_180 : memref<1x80xi32, #tpu.memory_space<vmem>> -> memref<80xi32, #tpu.memory_space<vmem>>
        %dma_wait3A_182 = arith.constant 0 : i32
        %dma_wait3A_183 = arith.constant 0 : i32
        %dma_wait3A_184 = tpu.memref_slice %arg2[%dma_wait3A_182, %dma_wait3A_183] : memref<10000x8xf32, #tpu.memory_space<hbm>> -> memref<10000x8xf32, #tpu.memory_space<hbm>>
        tpu.wait_indirect_dma semaphore(%arg16 : memref<!tpu.dma_semaphore, #tpu.memory_space<semaphore_mem>>) src(%dma_wait3A_184 : memref<10000x8xf32, #tpu.memory_space<hbm>>) dst(%arg11 : memref<80x8xf32, #tpu.memory_space<vmem>>)
        %dma_start3A_185 = arith.constant 0 : i32
        %dma_start3A_186 = tpu.memref_slice %arg8[%add3A_178, %dma_start3A_185] : memref<25x80xi32, #tpu.memory_space<vmem>> -> memref<1x80xi32, #tpu.memory_space<vmem>>
        %dma_start3A_187 = tpu.memref_squeeze %dma_start3A_186 : memref<1x80xi32, #tpu.memory_space<vmem>> -> memref<80xi32, #tpu.memory_space<vmem>>
        %dma_start3A_188 = arith.constant 0 : i32
        %dma_start3A_189 = arith.constant 0 : i32
        %dma_start3A_190 = tpu.memref_slice %arg13[%dma_start3A_188, %dma_start3A_189] : memref<10000x8xf32, #tpu.memory_space<vmem_shared>> -> memref<10000x8xf32, #tpu.memory_space<vmem_shared>>
        tpu.enqueue_indirect_dma source(%arg11 : memref<80x8xf32, #tpu.memory_space<vmem>>) target(%dma_start3A_190 : memref<10000x8xf32, #tpu.memory_space<vmem_shared>>) offsets(%dma_start3A_187 : memref<80xi32, #tpu.memory_space<vmem>>) semaphore(%arg20 : memref<!tpu.dma_semaphore, #tpu.memory_space<semaphore_mem>>) {add = true}
        %add3A_191 = arith.constant 4 : i32
        %add3A_192 = arith.addi %add3A_178, %add3A_191 : i32
        %sub3A_193 = arith.constant 1 : i32
        %sub3A_194 = arith.subi %add3A_192, %sub3A_193 : i32
        %le3A_195 = arith.constant 24 : i32
        %le3A_196 = arith.cmpi sle, %sub3A_194, %le3A_195 : i32
        %ge3A_197 = arith.constant 1 : i32
        %ge3A_198 = arith.cmpi sge, %add3A_178, %ge3A_197 : i32
        %and3A_199 = arith.andi %le3A_196, %ge3A_198 : i1
        %convert_element_type3A_200 = arith.extui %and3A_199 : i1 to i32
        %cond3A_201 = arith.constant 0 : i32
        %cond3A_202 = arith.cmpi ne, %convert_element_type3A_200, %cond3A_201 : i32
        scf.if %cond3A_202 {
          %sub3A_255 = arith.constant 1 : i32
          %sub3A_256 = arith.subi %add3A_178, %sub3A_255 : i32
          %dma_wait3A_257 = arith.constant 0 : i32
          %dma_wait3A_258 = tpu.memref_slice %arg8[%sub3A_256, %dma_wait3A_257] : memref<25x80xi32, #tpu.memory_space<vmem>> -> memref<1x80xi32, #tpu.memory_space<vmem>>
          %dma_wait3A_259 = tpu.memref_squeeze %dma_wait3A_258 : memref<1x80xi32, #tpu.memory_space<vmem>> -> memref<80xi32, #tpu.memory_space<vmem>>
          %dma_wait3A_260 = arith.constant 0 : i32
          %dma_wait3A_261 = arith.constant 0 : i32
          %dma_wait3A_262 = tpu.memref_slice %arg13[%dma_wait3A_260, %dma_wait3A_261] : memref<10000x8xf32, #tpu.memory_space<vmem_shared>> -> memref<10000x8xf32, #tpu.memory_space<vmem_shared>>
          tpu.wait_indirect_dma semaphore(%arg19 : memref<!tpu.dma_semaphore, #tpu.memory_space<semaphore_mem>>) src(%arg10 : memref<80x8xf32, #tpu.memory_space<vmem>>) dst(%dma_wait3A_262 : memref<10000x8xf32, #tpu.memory_space<vmem_shared>>)
          %add3A_263 = arith.constant 4 : i32
          %add3A_264 = arith.addi %add3A_178, %add3A_263 : i32
          %sub3A_265 = arith.constant 1 : i32
          %sub3A_266 = arith.subi %add3A_264, %sub3A_265 : i32
          %dma_start3A_267 = arith.constant 0 : i32
          %dma_start3A_268 = tpu.memref_slice %arg7[%sub3A_266, %dma_start3A_267] : memref<25x80xi32, #tpu.memory_space<vmem>> -> memref<1x80xi32, #tpu.memory_space<vmem>>
          %dma_start3A_269 = tpu.memref_squeeze %dma_start3A_268 : memref<1x80xi32, #tpu.memory_space<vmem>> -> memref<80xi32, #tpu.memory_space<vmem>>
          %dma_start3A_270 = arith.constant 0 : i32
          %dma_start3A_271 = arith.constant 0 : i32
          %dma_start3A_272 = tpu.memref_slice %arg2[%dma_start3A_270, %dma_start3A_271] : memref<10000x8xf32, #tpu.memory_space<hbm>> -> memref<10000x8xf32, #tpu.memory_space<hbm>>
          tpu.enqueue_indirect_dma source(%dma_start3A_272 : memref<10000x8xf32, #tpu.memory_space<hbm>>) target(%arg10 : memref<80x8xf32, #tpu.memory_space<vmem>>) offsets(%dma_start3A_269 : memref<80xi32, #tpu.memory_space<vmem>>) semaphore(%arg15 : memref<!tpu.dma_semaphore, #tpu.memory_space<semaphore_mem>>)
        } else {
        }
        %add3A_203 = arith.constant 4 : i32
        %add3A_204 = arith.addi %add3A_178, %add3A_203 : i32
        %sub3A_205 = arith.constant 1 : i32
        %sub3A_206 = arith.subi %add3A_204, %sub3A_205 : i32
        %le3A_207 = arith.constant 24 : i32
        %le3A_208 = arith.cmpi sle, %sub3A_206, %le3A_207 : i32
        %lt3A_209 = arith.constant 1 : i32
        %lt3A_210 = arith.cmpi slt, %add3A_178, %lt3A_209 : i32
        %and3A_211 = arith.andi %le3A_208, %lt3A_210 : i1
        %convert_element_type3A_212 = arith.extui %and3A_211 : i1 to i32
        %cond3A_213 = arith.constant 0 : i32
        %cond3A_214 = arith.cmpi ne, %convert_element_type3A_212, %cond3A_213 : i32
        scf.if %cond3A_214 {
          %add3A_255 = arith.constant 4 : i32
          %add3A_256 = arith.addi %add3A_178, %add3A_255 : i32
          %sub3A_257 = arith.constant 1 : i32
          %sub3A_258 = arith.subi %add3A_256, %sub3A_257 : i32
          %dma_start3A_259 = arith.constant 0 : i32
          %dma_start3A_260 = tpu.memref_slice %arg7[%sub3A_258, %dma_start3A_259] : memref<25x80xi32, #tpu.memory_space<vmem>> -> memref<1x80xi32, #tpu.memory_space<vmem>>
          %dma_start3A_261 = tpu.memref_squeeze %dma_start3A_260 : memref<1x80xi32, #tpu.memory_space<vmem>> -> memref<80xi32, #tpu.memory_space<vmem>>
          %dma_start3A_262 = arith.constant 0 : i32
          %dma_start3A_263 = arith.constant 0 : i32
          %dma_start3A_264 = tpu.memref_slice %arg2[%dma_start3A_262, %dma_start3A_263] : memref<10000x8xf32, #tpu.memory_space<hbm>> -> memref<10000x8xf32, #tpu.memory_space<hbm>>
          tpu.enqueue_indirect_dma source(%dma_start3A_264 : memref<10000x8xf32, #tpu.memory_space<hbm>>) target(%arg10 : memref<80x8xf32, #tpu.memory_space<vmem>>) offsets(%dma_start3A_261 : memref<80xi32, #tpu.memory_space<vmem>>) semaphore(%arg15 : memref<!tpu.dma_semaphore, #tpu.memory_space<semaphore_mem>>)
        } else {
        }
        %mul3A_215 = arith.constant 4 : i32
        %mul3A_216 = arith.muli %add3A_98, %mul3A_215 : i32
        %add3A_217 = arith.constant 3 : i32
        %add3A_218 = arith.addi %mul3A_216, %add3A_217 : i32
        %dma_wait3A_219 = arith.constant 0 : i32
        %dma_wait3A_220 = tpu.memref_slice %arg7[%add3A_218, %dma_wait3A_219] : memref<25x80xi32, #tpu.memory_space<vmem>> -> memref<1x80xi32, #tpu.memory_space<vmem>>
        %dma_wait3A_221 = tpu.memref_squeeze %dma_wait3A_220 : memref<1x80xi32, #tpu.memory_space<vmem>> -> memref<80xi32, #tpu.memory_space<vmem>>
        %dma_wait3A_222 = arith.constant 0 : i32
        %dma_wait3A_223 = arith.constant 0 : i32
        %dma_wait3A_224 = tpu.memref_slice %arg2[%dma_wait3A_222, %dma_wait3A_223] : memref<10000x8xf32, #tpu.memory_space<hbm>> -> memref<10000x8xf32, #tpu.memory_space<hbm>>
        tpu.wait_indirect_dma semaphore(%arg17 : memref<!tpu.dma_semaphore, #tpu.memory_space<semaphore_mem>>) src(%dma_wait3A_224 : memref<10000x8xf32, #tpu.memory_space<hbm>>) dst(%arg12 : memref<80x8xf32, #tpu.memory_space<vmem>>)
        %dma_start3A_225 = arith.constant 0 : i32
        %dma_start3A_226 = tpu.memref_slice %arg8[%add3A_218, %dma_start3A_225] : memref<25x80xi32, #tpu.memory_space<vmem>> -> memref<1x80xi32, #tpu.memory_space<vmem>>
        %dma_start3A_227 = tpu.memref_squeeze %dma_start3A_226 : memref<1x80xi32, #tpu.memory_space<vmem>> -> memref<80xi32, #tpu.memory_space<vmem>>
        %dma_start3A_228 = arith.constant 0 : i32
        %dma_start3A_229 = arith.constant 0 : i32
        %dma_start3A_230 = tpu.memref_slice %arg13[%dma_start3A_228, %dma_start3A_229] : memref<10000x8xf32, #tpu.memory_space<vmem_shared>> -> memref<10000x8xf32, #tpu.memory_space<vmem_shared>>
        tpu.enqueue_indirect_dma source(%arg12 : memref<80x8xf32, #tpu.memory_space<vmem>>) target(%dma_start3A_230 : memref<10000x8xf32, #tpu.memory_space<vmem_shared>>) offsets(%dma_start3A_227 : memref<80xi32, #tpu.memory_space<vmem>>) semaphore(%arg21 : memref<!tpu.dma_semaphore, #tpu.memory_space<semaphore_mem>>) {add = true}
        %add3A_231 = arith.constant 4 : i32
        %add3A_232 = arith.addi %add3A_218, %add3A_231 : i32
        %sub3A_233 = arith.constant 1 : i32
        %sub3A_234 = arith.subi %add3A_232, %sub3A_233 : i32
        %le3A_235 = arith.constant 24 : i32
        %le3A_236 = arith.cmpi sle, %sub3A_234, %le3A_235 : i32
        %ge3A_237 = arith.constant 1 : i32
        %ge3A_238 = arith.cmpi sge, %add3A_218, %ge3A_237 : i32
        %and3A_239 = arith.andi %le3A_236, %ge3A_238 : i1
        %convert_element_type3A_240 = arith.extui %and3A_239 : i1 to i32
        %cond3A_241 = arith.constant 0 : i32
        %cond3A_242 = arith.cmpi ne, %convert_element_type3A_240, %cond3A_241 : i32
        scf.if %cond3A_242 {
          %sub3A_255 = arith.constant 1 : i32
          %sub3A_256 = arith.subi %add3A_218, %sub3A_255 : i32
          %dma_wait3A_257 = arith.constant 0 : i32
          %dma_wait3A_258 = tpu.memref_slice %arg8[%sub3A_256, %dma_wait3A_257] : memref<25x80xi32, #tpu.memory_space<vmem>> -> memref<1x80xi32, #tpu.memory_space<vmem>>
          %dma_wait3A_259 = tpu.memref_squeeze %dma_wait3A_258 : memref<1x80xi32, #tpu.memory_space<vmem>> -> memref<80xi32, #tpu.memory_space<vmem>>
          %dma_wait3A_260 = arith.constant 0 : i32
          %dma_wait3A_261 = arith.constant 0 : i32
          %dma_wait3A_262 = tpu.memref_slice %arg13[%dma_wait3A_260, %dma_wait3A_261] : memref<10000x8xf32, #tpu.memory_space<vmem_shared>> -> memref<10000x8xf32, #tpu.memory_space<vmem_shared>>
          tpu.wait_indirect_dma semaphore(%arg20 : memref<!tpu.dma_semaphore, #tpu.memory_space<semaphore_mem>>) src(%arg11 : memref<80x8xf32, #tpu.memory_space<vmem>>) dst(%dma_wait3A_262 : memref<10000x8xf32, #tpu.memory_space<vmem_shared>>)
          %add3A_263 = arith.constant 4 : i32
          %add3A_264 = arith.addi %add3A_218, %add3A_263 : i32
          %sub3A_265 = arith.constant 1 : i32
          %sub3A_266 = arith.subi %add3A_264, %sub3A_265 : i32
          %dma_start3A_267 = arith.constant 0 : i32
          %dma_start3A_268 = tpu.memref_slice %arg7[%sub3A_266, %dma_start3A_267] : memref<25x80xi32, #tpu.memory_space<vmem>> -> memref<1x80xi32, #tpu.memory_space<vmem>>
          %dma_start3A_269 = tpu.memref_squeeze %dma_start3A_268 : memref<1x80xi32, #tpu.memory_space<vmem>> -> memref<80xi32, #tpu.memory_space<vmem>>
          %dma_start3A_270 = arith.constant 0 : i32
          %dma_start3A_271 = arith.constant 0 : i32
          %dma_start3A_272 = tpu.memref_slice %arg2[%dma_start3A_270, %dma_start3A_271] : memref<10000x8xf32, #tpu.memory_space<hbm>> -> memref<10000x8xf32, #tpu.memory_space<hbm>>
          tpu.enqueue_indirect_dma source(%dma_start3A_272 : memref<10000x8xf32, #tpu.memory_space<hbm>>) target(%arg11 : memref<80x8xf32, #tpu.memory_space<vmem>>) offsets(%dma_start3A_269 : memref<80xi32, #tpu.memory_space<vmem>>) semaphore(%arg16 : memref<!tpu.dma_semaphore, #tpu.memory_space<semaphore_mem>>)
        } else {
        }
        %add3A_243 = arith.constant 4 : i32
        %add3A_244 = arith.addi %add3A_218, %add3A_243 : i32
        %sub3A_245 = arith.constant 1 : i32
        %sub3A_246 = arith.subi %add3A_244, %sub3A_245 : i32
        %le3A_247 = arith.constant 24 : i32
        %le3A_248 = arith.cmpi sle, %sub3A_246, %le3A_247 : i32
        %lt3A_249 = arith.constant 1 : i32
        %lt3A_250 = arith.cmpi slt, %add3A_218, %lt3A_249 : i32
        %and3A_251 = arith.andi %le3A_248, %lt3A_250 : i1
        %convert_element_type3A_252 = arith.extui %and3A_251 : i1 to i32
        %cond3A_253 = arith.constant 0 : i32
        %cond3A_254 = arith.cmpi ne, %convert_element_type3A_252, %cond3A_253 : i32
        scf.if %cond3A_254 {
          %add3A_255 = arith.constant 4 : i32
          %add3A_256 = arith.addi %add3A_218, %add3A_255 : i32
          %sub3A_257 = arith.constant 1 : i32
          %sub3A_258 = arith.subi %add3A_256, %sub3A_257 : i32
          %dma_start3A_259 = arith.constant 0 : i32
          %dma_start3A_260 = tpu.memref_slice %arg7[%sub3A_258, %dma_start3A_259] : memref<25x80xi32, #tpu.memory_space<vmem>> -> memref<1x80xi32, #tpu.memory_space<vmem>>
          %dma_start3A_261 = tpu.memref_squeeze %dma_start3A_260 : memref<1x80xi32, #tpu.memory_space<vmem>> -> memref<80xi32, #tpu.memory_space<vmem>>
          %dma_start3A_262 = arith.constant 0 : i32
          %dma_start3A_263 = arith.constant 0 : i32
          %dma_start3A_264 = tpu.memref_slice %arg2[%dma_start3A_262, %dma_start3A_263] : memref<10000x8xf32, #tpu.memory_space<hbm>> -> memref<10000x8xf32, #tpu.memory_space<hbm>>
          tpu.enqueue_indirect_dma source(%dma_start3A_264 : memref<10000x8xf32, #tpu.memory_space<hbm>>) target(%arg11 : memref<80x8xf32, #tpu.memory_space<vmem>>) offsets(%dma_start3A_261 : memref<80xi32, #tpu.memory_space<vmem>>) semaphore(%arg16 : memref<!tpu.dma_semaphore, #tpu.memory_space<semaphore_mem>>)
        } else {
        }
      }
      %scan3A_52 = arith.constant 6 : i32
      %dma_wait3A = arith.constant 24 : i32
      %dma_wait3A_53 = arith.constant 0 : i32
      %dma_wait3A_54 = tpu.memref_slice %arg7[%dma_wait3A, %dma_wait3A_53] : memref<25x80xi32, #tpu.memory_space<vmem>> -> memref<1x80xi32, #tpu.memory_space<vmem>>
      %dma_wait3A_55 = tpu.memref_squeeze %dma_wait3A_54 : memref<1x80xi32, #tpu.memory_space<vmem>> -> memref<80xi32, #tpu.memory_space<vmem>>
      %dma_wait3A_56 = arith.constant 0 : i32
      %dma_wait3A_57 = arith.constant 0 : i32
      %dma_wait3A_58 = tpu.memref_slice %arg2[%dma_wait3A_56, %dma_wait3A_57] : memref<10000x8xf32, #tpu.memory_space<hbm>> -> memref<10000x8xf32, #tpu.memory_space<hbm>>
      tpu.wait_indirect_dma semaphore(%arg14 : memref<!tpu.dma_semaphore, #tpu.memory_space<semaphore_mem>>) src(%dma_wait3A_58 : memref<10000x8xf32, #tpu.memory_space<hbm>>) dst(%arg9 : memref<80x8xf32, #tpu.memory_space<vmem>>)
      %dma_start3A_59 = arith.constant 24 : i32
      %dma_start3A_60 = arith.constant 0 : i32
      %dma_start3A_61 = tpu.memref_slice %arg8[%dma_start3A_59, %dma_start3A_60] : memref<25x80xi32, #tpu.memory_space<vmem>> -> memref<1x80xi32, #tpu.memory_space<vmem>>
      %dma_start3A_62 = tpu.memref_squeeze %dma_start3A_61 : memref<1x80xi32, #tpu.memory_space<vmem>> -> memref<80xi32, #tpu.memory_space<vmem>>
      %dma_start3A_63 = arith.constant 0 : i32
      %dma_start3A_64 = arith.constant 0 : i32
      %dma_start3A_65 = tpu.memref_slice %arg13[%dma_start3A_63, %dma_start3A_64] : memref<10000x8xf32, #tpu.memory_space<vmem_shared>> -> memref<10000x8xf32, #tpu.memory_space<vmem_shared>>
      tpu.enqueue_indirect_dma source(%arg9 : memref<80x8xf32, #tpu.memory_space<vmem>>) target(%dma_start3A_65 : memref<10000x8xf32, #tpu.memory_space<vmem_shared>>) offsets(%dma_start3A_62 : memref<80xi32, #tpu.memory_space<vmem>>) semaphore(%arg18 : memref<!tpu.dma_semaphore, #tpu.memory_space<semaphore_mem>>) {add = true}
      %dma_wait3A_66 = arith.constant 21 : i32
      %dma_wait3A_67 = arith.constant 0 : i32
      %dma_wait3A_68 = tpu.memref_slice %arg8[%dma_wait3A_66, %dma_wait3A_67] : memref<25x80xi32, #tpu.memory_space<vmem>> -> memref<1x80xi32, #tpu.memory_space<vmem>>
      %dma_wait3A_69 = tpu.memref_squeeze %dma_wait3A_68 : memref<1x80xi32, #tpu.memory_space<vmem>> -> memref<80xi32, #tpu.memory_space<vmem>>
      %dma_wait3A_70 = arith.constant 0 : i32
      %dma_wait3A_71 = arith.constant 0 : i32
      %dma_wait3A_72 = tpu.memref_slice %arg13[%dma_wait3A_70, %dma_wait3A_71] : memref<10000x8xf32, #tpu.memory_space<vmem_shared>> -> memref<10000x8xf32, #tpu.memory_space<vmem_shared>>
      tpu.wait_indirect_dma semaphore(%arg19 : memref<!tpu.dma_semaphore, #tpu.memory_space<semaphore_mem>>) src(%arg10 : memref<80x8xf32, #tpu.memory_space<vmem>>) dst(%dma_wait3A_72 : memref<10000x8xf32, #tpu.memory_space<vmem_shared>>)
      %dma_wait3A_73 = arith.constant 22 : i32
      %dma_wait3A_74 = arith.constant 0 : i32
      %dma_wait3A_75 = tpu.memref_slice %arg8[%dma_wait3A_73, %dma_wait3A_74] : memref<25x80xi32, #tpu.memory_space<vmem>> -> memref<1x80xi32, #tpu.memory_space<vmem>>
      %dma_wait3A_76 = tpu.memref_squeeze %dma_wait3A_75 : memref<1x80xi32, #tpu.memory_space<vmem>> -> memref<80xi32, #tpu.memory_space<vmem>>
      %dma_wait3A_77 = arith.constant 0 : i32
      %dma_wait3A_78 = arith.constant 0 : i32
      %dma_wait3A_79 = tpu.memref_slice %arg13[%dma_wait3A_77, %dma_wait3A_78] : memref<10000x8xf32, #tpu.memory_space<vmem_shared>> -> memref<10000x8xf32, #tpu.memory_space<vmem_shared>>
      tpu.wait_indirect_dma semaphore(%arg20 : memref<!tpu.dma_semaphore, #tpu.memory_space<semaphore_mem>>) src(%arg11 : memref<80x8xf32, #tpu.memory_space<vmem>>) dst(%dma_wait3A_79 : memref<10000x8xf32, #tpu.memory_space<vmem_shared>>)
      %dma_wait3A_80 = arith.constant 23 : i32
      %dma_wait3A_81 = arith.constant 0 : i32
      %dma_wait3A_82 = tpu.memref_slice %arg8[%dma_wait3A_80, %dma_wait3A_81] : memref<25x80xi32, #tpu.memory_space<vmem>> -> memref<1x80xi32, #tpu.memory_space<vmem>>
      %dma_wait3A_83 = tpu.memref_squeeze %dma_wait3A_82 : memref<1x80xi32, #tpu.memory_space<vmem>> -> memref<80xi32, #tpu.memory_space<vmem>>
      %dma_wait3A_84 = arith.constant 0 : i32
      %dma_wait3A_85 = arith.constant 0 : i32
      %dma_wait3A_86 = tpu.memref_slice %arg13[%dma_wait3A_84, %dma_wait3A_85] : memref<10000x8xf32, #tpu.memory_space<vmem_shared>> -> memref<10000x8xf32, #tpu.memory_space<vmem_shared>>
      tpu.wait_indirect_dma semaphore(%arg21 : memref<!tpu.dma_semaphore, #tpu.memory_space<semaphore_mem>>) src(%arg12 : memref<80x8xf32, #tpu.memory_space<vmem>>) dst(%dma_wait3A_86 : memref<10000x8xf32, #tpu.memory_space<vmem_shared>>)
      %dma_wait3A_87 = arith.constant 24 : i32
      %dma_wait3A_88 = arith.constant 0 : i32
      %dma_wait3A_89 = tpu.memref_slice %arg8[%dma_wait3A_87, %dma_wait3A_88] : memref<25x80xi32, #tpu.memory_space<vmem>> -> memref<1x80xi32, #tpu.memory_space<vmem>>
      %dma_wait3A_90 = tpu.memref_squeeze %dma_wait3A_89 : memref<1x80xi32, #tpu.memory_space<vmem>> -> memref<80xi32, #tpu.memory_space<vmem>>
      %dma_wait3A_91 = arith.constant 0 : i32
      %dma_wait3A_92 = arith.constant 0 : i32
      %dma_wait3A_93 = tpu.memref_slice %arg13[%dma_wait3A_91, %dma_wait3A_92] : memref<10000x8xf32, #tpu.memory_space<vmem_shared>> -> memref<10000x8xf32, #tpu.memory_space<vmem_shared>>
      tpu.wait_indirect_dma semaphore(%arg18 : memref<!tpu.dma_semaphore, #tpu.memory_space<semaphore_mem>>) src(%arg9 : memref<80x8xf32, #tpu.memory_space<vmem>>) dst(%dma_wait3A_93 : memref<10000x8xf32, #tpu.memory_space<vmem_shared>>)
    }
    %scan3A_10 = arith.constant 5 : i32
    %barrier3A_11 = arith.constant 0 : index
    tpu.barrier barrier_id(%barrier3A_11)
    %lt3A_12 = arith.constant 10 : i32
    %lt3A_13 = arith.cmpi slt, %arg1, %lt3A_12 : i32
    %convert_element_type3A_14 = arith.extui %lt3A_13 : i1 to i32
    %cond3A_15 = arith.constant 0 : i32
    %cond3A_16 = arith.cmpi ne, %convert_element_type3A_14, %cond3A_15 : i32
    scf.if %cond3A_16 {
      %mul3A_17 = arith.constant 10000 : i32
      %mul3A_18 = arith.muli %arg0, %mul3A_17 : i32
      %add3A_19 = arith.addi %mul3A_18, %mul3A_2 : i32
      "tpu.region"() ({
        %run_scoped3A = tpu.sem_alloc : memref<!tpu.dma_semaphore, #tpu.memory_space<semaphore_mem>>
        %dma_start3A = arith.constant 0 : i32
        %dma_start3A_20 = tpu.memref_slice %arg6[%add3A_19, %dma_start3A] : memref<20000x8xf32, #tpu.memory_space<hbm>> -> memref<1000x8xf32, #tpu.memory_space<hbm>>
        %dma_start3A_21 = arith.constant 0 : i32
        %dma_start3A_22 = tpu.memref_slice %arg13[%mul3A_2, %dma_start3A_21] : memref<10000x8xf32, #tpu.memory_space<vmem_shared>> -> memref<1000x8xf32, #tpu.memory_space<vmem_shared>>
        tpu.enqueue_dma source(%dma_start3A_22 : memref<1000x8xf32, #tpu.memory_space<vmem_shared>>) target(%dma_start3A_20 : memref<1000x8xf32, #tpu.memory_space<hbm>>) target_semaphore(%run_scoped3A : memref<!tpu.dma_semaphore, #tpu.memory_space<semaphore_mem>>)
        %dma_wait3A = arith.constant 0 : i32
        %dma_wait3A_23 = tpu.memref_slice %arg6[%add3A_19, %dma_wait3A] : memref<20000x8xf32, #tpu.memory_space<hbm>> -> memref<1000x8xf32, #tpu.memory_space<hbm>>
        %dma_wait3A_24 = arith.constant 0 : i32
        %dma_wait3A_25 = tpu.memref_slice %arg13[%mul3A_2, %dma_wait3A_24] : memref<10000x8xf32, #tpu.memory_space<vmem_shared>> -> memref<1000x8xf32, #tpu.memory_space<vmem_shared>>
        tpu.wait_dma2 semaphore(%run_scoped3A : memref<!tpu.dma_semaphore, #tpu.memory_space<semaphore_mem>>) src(%dma_wait3A_25 : memref<1000x8xf32, #tpu.memory_space<vmem_shared>>) dst(%dma_wait3A_23 : memref<1000x8xf32, #tpu.memory_space<hbm>>)
        tpu.yield
      }) : () -> ()
    } else {
    }
    return
  }
}

#map = affine_map<(d0, d1) -> (0, 0)>
module attributes {stable_mosaic.version = 14 : i64} {
  func.func @body(%arg0: i32, %arg1: i32, %arg2: memref<10000x128xf32, #tpu.memory_space<hbm>>, %arg3: memref<4000x80xi32, #tpu.memory_space<hbm>>, %arg4: memref<4000x80xi32, #tpu.memory_space<hbm>>, %arg5: memref<10000x128xf32, #tpu.memory_space<hbm>>, %arg6: memref<20000x128xf32, #tpu.memory_space<hbm>>, %arg7: memref<25x80xi32, #tpu.memory_space<vmem>>, %arg8: memref<25x80xi32, #tpu.memory_space<vmem>>, %arg9: memref<80x128xf32, #tpu.memory_space<vmem>>, %arg10: memref<80x128xf32, #tpu.memory_space<vmem>>, %arg11: memref<80x128xf32, #tpu.memory_space<vmem>>, %arg12: memref<80x128xf32, #tpu.memory_space<vmem>>, %arg13: memref<10000x128xf32, #tpu.memory_space<vmem_shared>>, %arg14: memref<!tpu.dma_semaphore, #tpu.memory_space<semaphore_mem>>, %arg15: memref<!tpu.dma_semaphore, #tpu.memory_space<semaphore_mem>>, %arg16: memref<!tpu.dma_semaphore, #tpu.memory_space<semaphore_mem>>, %arg17: memref<!tpu.dma_semaphore, #tpu.memory_space<semaphore_mem>>, %arg18: memref<!tpu.dma_semaphore, #tpu.memory_space<semaphore_mem>>, %arg19: memref<!tpu.dma_semaphore, #tpu.memory_space<semaphore_mem>>, %arg20: memref<!tpu.dma_semaphore, #tpu.memory_space<semaphore_mem>>, %arg21: memref<!tpu.dma_semaphore, #tpu.memory_space<semaphore_mem>>) attributes {dimension_semantics = [#tpu.dimension_semantics<core_parallel>, #tpu.dimension_semantics<subcore_parallel>], iteration_bounds = array<i64: 2, 16>, scalar_prefetch = 0 : i64, scratch_operands = 15 : i64, tpu.core_type = #tpu.core_type<sc_vector_subcore>, window_params = [{transform_indices = #map}, {transform_indices = #map}, {transform_indices = #map}, {transform_indices = #map}, {transform_indices = #map}]} {
    %mul3A = arith.constant 16 : i32
    %mul3A_0 = arith.muli %arg0, %mul3A : i32
    %add3A = arith.addi %mul3A_0, %arg1 : i32
    %mul3A_1 = arith.constant 1000 : i32
    %mul3A_2 = arith.muli %arg1, %mul3A_1 : i32
    %lt3A = arith.constant 10 : i32
    %lt3A_3 = arith.cmpi slt, %arg1, %lt3A : i32
    %convert_element_type3A = arith.extui %lt3A_3 : i1 to i32
    %cond3A = arith.constant 0 : i32
    %cond3A_4 = arith.cmpi ne, %convert_element_type3A, %cond3A : i32
    scf.if %cond3A_4 {
      "tpu.region"() ({
        %run_scoped3A = tpu.sem_alloc : memref<!tpu.dma_semaphore, #tpu.memory_space<semaphore_mem>>
        %dma_start3A = arith.constant 0 : i32
        %dma_start3A_17 = tpu.memref_slice %arg13[%mul3A_2, %dma_start3A] : memref<10000x128xf32, #tpu.memory_space<vmem_shared>> -> memref<1000x128xf32, #tpu.memory_space<vmem_shared>>
        %dma_start3A_18 = arith.constant 0 : i32
        %dma_start3A_19 = tpu.memref_slice %arg5[%mul3A_2, %dma_start3A_18] : memref<10000x128xf32, #tpu.memory_space<hbm>> -> memref<1000x128xf32, #tpu.memory_space<hbm>>
        tpu.enqueue_dma source(%dma_start3A_19 : memref<1000x128xf32, #tpu.memory_space<hbm>>) target(%dma_start3A_17 : memref<1000x128xf32, #tpu.memory_space<vmem_shared>>) target_semaphore(%run_scoped3A : memref<!tpu.dma_semaphore, #tpu.memory_space<semaphore_mem>>)
        %dma_wait3A = arith.constant 0 : i32
        %dma_wait3A_20 = tpu.memref_slice %arg13[%mul3A_2, %dma_wait3A] : memref<10000x128xf32, #tpu.memory_space<vmem_shared>> -> memref<1000x128xf32, #tpu.memory_space<vmem_shared>>
        %dma_wait3A_21 = arith.constant 0 : i32
        %dma_wait3A_22 = tpu.memref_slice %arg5[%mul3A_2, %dma_wait3A_21] : memref<10000x128xf32, #tpu.memory_space<hbm>> -> memref<1000x128xf32, #tpu.memory_space<hbm>>
        tpu.wait_dma2 semaphore(%run_scoped3A : memref<!tpu.dma_semaphore, #tpu.memory_space<semaphore_mem>>) src(%dma_wait3A_22 : memref<1000x128xf32, #tpu.memory_space<hbm>>) dst(%dma_wait3A_20 : memref<1000x128xf32, #tpu.memory_space<vmem_shared>>)
        tpu.yield
      }) : () -> ()
    } else {
    }
    %barrier3A = arith.constant 0 : index
    tpu.barrier barrier_id(%barrier3A)
    %mul3A_5 = arith.constant 125 : i32
    %mul3A_6 = arith.muli %add3A, %mul3A_5 : i32
    %scan3A = arith.constant 0 : i32
    %scan3A_7 = arith.constant 5 : i32
    %scan3A_8 = arith.addi %scan3A, %scan3A_7 : i32
    %scan3A_9 = arith.constant 1 : i32
    scf.for %scan3A_17 = %scan3A to %scan3A_8 step %scan3A_9  : i32 {
      %mul3A_18 = arith.constant 1 : i32
      %mul3A_19 = arith.muli %scan3A_17, %mul3A_18 : i32
      %add3A_20 = arith.constant 0 : i32
      %add3A_21 = arith.addi %add3A_20, %mul3A_19 : i32
      %mul3A_22 = arith.constant 25 : i32
      %mul3A_23 = arith.muli %add3A_21, %mul3A_22 : i32
      %add3A_24 = arith.addi %mul3A_6, %mul3A_23 : i32
      "tpu.region"() ({
        %run_scoped3A = tpu.sem_alloc : memref<!tpu.dma_semaphore, #tpu.memory_space<semaphore_mem>>
        %dma_start3A_94 = arith.constant 0 : i32
        %dma_start3A_95 = tpu.memref_slice %arg4[%add3A_24, %dma_start3A_94] : memref<4000x80xi32, #tpu.memory_space<hbm>> -> memref<25x80xi32, #tpu.memory_space<hbm>>
        %dma_start3A_96 = arith.constant 0 : i32
        %dma_start3A_97 = tpu.memref_slice %arg4[%add3A_24, %dma_start3A_96] : memref<4000x80xi32, #tpu.memory_space<hbm>> -> memref<25x80xi32, #tpu.memory_space<hbm>>
        tpu.enqueue_dma source(%dma_start3A_97 : memref<25x80xi32, #tpu.memory_space<hbm>>) target(%arg8 : memref<25x80xi32, #tpu.memory_space<vmem>>) target_semaphore(%run_scoped3A : memref<!tpu.dma_semaphore, #tpu.memory_space<semaphore_mem>>)
        %dma_wait3A_98 = arith.constant 0 : i32
        %dma_wait3A_99 = tpu.memref_slice %arg4[%add3A_24, %dma_wait3A_98] : memref<4000x80xi32, #tpu.memory_space<hbm>> -> memref<25x80xi32, #tpu.memory_space<hbm>>
        %dma_wait3A_100 = arith.constant 0 : i32
        %dma_wait3A_101 = tpu.memref_slice %arg4[%add3A_24, %dma_wait3A_100] : memref<4000x80xi32, #tpu.memory_space<hbm>> -> memref<25x80xi32, #tpu.memory_space<hbm>>
        tpu.wait_dma2 semaphore(%run_scoped3A : memref<!tpu.dma_semaphore, #tpu.memory_space<semaphore_mem>>) src(%dma_wait3A_101 : memref<25x80xi32, #tpu.memory_space<hbm>>) dst(%arg8 : memref<25x80xi32, #tpu.memory_space<vmem>>)
        tpu.yield
      }) : () -> ()
      %mul3A_25 = arith.constant 25 : i32
      %mul3A_26 = arith.muli %add3A_21, %mul3A_25 : i32
      %add3A_27 = arith.addi %mul3A_6, %mul3A_26 : i32
      "tpu.region"() ({
        %run_scoped3A = tpu.sem_alloc : memref<!tpu.dma_semaphore, #tpu.memory_space<semaphore_mem>>
        %dma_start3A_94 = arith.constant 0 : i32
        %dma_start3A_95 = tpu.memref_slice %arg3[%add3A_27, %dma_start3A_94] : memref<4000x80xi32, #tpu.memory_space<hbm>> -> memref<25x80xi32, #tpu.memory_space<hbm>>
        %dma_start3A_96 = arith.constant 0 : i32
        %dma_start3A_97 = tpu.memref_slice %arg3[%add3A_27, %dma_start3A_96] : memref<4000x80xi32, #tpu.memory_space<hbm>> -> memref<25x80xi32, #tpu.memory_space<hbm>>
        tpu.enqueue_dma source(%dma_start3A_97 : memref<25x80xi32, #tpu.memory_space<hbm>>) target(%arg7 : memref<25x80xi32, #tpu.memory_space<vmem>>) target_semaphore(%run_scoped3A : memref<!tpu.dma_semaphore, #tpu.memory_space<semaphore_mem>>)
        %dma_wait3A_98 = arith.constant 0 : i32
        %dma_wait3A_99 = tpu.memref_slice %arg3[%add3A_27, %dma_wait3A_98] : memref<4000x80xi32, #tpu.memory_space<hbm>> -> memref<25x80xi32, #tpu.memory_space<hbm>>
        %dma_wait3A_100 = arith.constant 0 : i32
        %dma_wait3A_101 = tpu.memref_slice %arg3[%add3A_27, %dma_wait3A_100] : memref<4000x80xi32, #tpu.memory_space<hbm>> -> memref<25x80xi32, #tpu.memory_space<hbm>>
        tpu.wait_dma2 semaphore(%run_scoped3A : memref<!tpu.dma_semaphore, #tpu.memory_space<semaphore_mem>>) src(%dma_wait3A_101 : memref<25x80xi32, #tpu.memory_space<hbm>>) dst(%arg7 : memref<25x80xi32, #tpu.memory_space<vmem>>)
        tpu.yield
      }) : () -> ()
      %dma_start3A = arith.constant 0 : i32
      %dma_start3A_28 = arith.constant 0 : i32
      %dma_start3A_29 = tpu.memref_slice %arg7[%dma_start3A, %dma_start3A_28] : memref<25x80xi32, #tpu.memory_space<vmem>> -> memref<1x80xi32, #tpu.memory_space<vmem>>
      %dma_start3A_30 = tpu.memref_squeeze %dma_start3A_29 : memref<1x80xi32, #tpu.memory_space<vmem>> -> memref<80xi32, #tpu.memory_space<vmem>>
      %dma_start3A_31 = arith.constant 0 : i32
      %dma_start3A_32 = arith.constant 0 : i32
      %dma_start3A_33 = tpu.memref_slice %arg2[%dma_start3A_31, %dma_start3A_32] : memref<10000x128xf32, #tpu.memory_space<hbm>> -> memref<10000x128xf32, #tpu.memory_space<hbm>>
      tpu.enqueue_indirect_dma source(%dma_start3A_33 : memref<10000x128xf32, #tpu.memory_space<hbm>>) target(%arg9 : memref<80x128xf32, #tpu.memory_space<vmem>>) offsets(%dma_start3A_30 : memref<80xi32, #tpu.memory_space<vmem>>) semaphore(%arg14 : memref<!tpu.dma_semaphore, #tpu.memory_space<semaphore_mem>>)
      %dma_start3A_34 = arith.constant 1 : i32
      %dma_start3A_35 = arith.constant 0 : i32
      %dma_start3A_36 = tpu.memref_slice %arg7[%dma_start3A_34, %dma_start3A_35] : memref<25x80xi32, #tpu.memory_space<vmem>> -> memref<1x80xi32, #tpu.memory_space<vmem>>
      %dma_start3A_37 = tpu.memref_squeeze %dma_start3A_36 : memref<1x80xi32, #tpu.memory_space<vmem>> -> memref<80xi32, #tpu.memory_space<vmem>>
      %dma_start3A_38 = arith.constant 0 : i32
      %dma_start3A_39 = arith.constant 0 : i32
      %dma_start3A_40 = tpu.memref_slice %arg2[%dma_start3A_38, %dma_start3A_39] : memref<10000x128xf32, #tpu.memory_space<hbm>> -> memref<10000x128xf32, #tpu.memory_space<hbm>>
      tpu.enqueue_indirect_dma source(%dma_start3A_40 : memref<10000x128xf32, #tpu.memory_space<hbm>>) target(%arg10 : memref<80x128xf32, #tpu.memory_space<vmem>>) offsets(%dma_start3A_37 : memref<80xi32, #tpu.memory_space<vmem>>) semaphore(%arg15 : memref<!tpu.dma_semaphore, #tpu.memory_space<semaphore_mem>>)
      %dma_start3A_41 = arith.constant 2 : i32
      %dma_start3A_42 = arith.constant 0 : i32
      %dma_start3A_43 = tpu.memref_slice %arg7[%dma_start3A_41, %dma_start3A_42] : memref<25x80xi32, #tpu.memory_space<vmem>> -> memref<1x80xi32, #tpu.memory_space<vmem>>
      %dma_start3A_44 = tpu.memref_squeeze %dma_start3A_43 : memref<1x80xi32, #tpu.memory_space<vmem>> -> memref<80xi32, #tpu.memory_space<vmem>>
      %dma_start3A_45 = arith.constant 0 : i32
      %dma_start3A_46 = arith.constant 0 : i32
      %dma_start3A_47 = tpu.memref_slice %arg2[%dma_start3A_45, %dma_start3A_46] : memref<10000x128xf32, #tpu.memory_space<hbm>> -> memref<10000x128xf32, #tpu.memory_space<hbm>>
      tpu.enqueue_indirect_dma source(%dma_start3A_47 : memref<10000x128xf32, #tpu.memory_space<hbm>>) target(%arg11 : memref<80x128xf32, #tpu.memory_space<vmem>>) offsets(%dma_start3A_44 : memref<80xi32, #tpu.memory_space<vmem>>) semaphore(%arg16 : memref<!tpu.dma_semaphore, #tpu.memory_space<semaphore_mem>>)
      %scan3A_48 = arith.constant 0 : i32
      %scan3A_49 = arith.constant 6 : i32
      %scan3A_50 = arith.addi %scan3A_48, %scan3A_49 : i32
      %scan3A_51 = arith.constant 1 : i32
      scf.for %scan3A_94 = %scan3A_48 to %scan3A_50 step %scan3A_51  : i32 {
        %mul3A_95 = arith.constant 1 : i32
        %mul3A_96 = arith.muli %scan3A_94, %mul3A_95 : i32
        %add3A_97 = arith.constant 0 : i32
        %add3A_98 = arith.addi %add3A_97, %mul3A_96 : i32
        %mul3A_99 = arith.constant 4 : i32
        %mul3A_100 = arith.muli %add3A_98, %mul3A_99 : i32
        %add3A_101 = arith.constant 0 : i32
        %add3A_102 = arith.addi %mul3A_100, %add3A_101 : i32
        %dma_wait3A_103 = arith.constant 0 : i32
        %dma_wait3A_104 = tpu.memref_slice %arg7[%add3A_102, %dma_wait3A_103] : memref<25x80xi32, #tpu.memory_space<vmem>> -> memref<1x80xi32, #tpu.memory_space<vmem>>
        %dma_wait3A_105 = tpu.memref_squeeze %dma_wait3A_104 : memref<1x80xi32, #tpu.memory_space<vmem>> -> memref<80xi32, #tpu.memory_space<vmem>>
        %dma_wait3A_106 = arith.constant 0 : i32
        %dma_wait3A_107 = arith.constant 0 : i32
        %dma_wait3A_108 = tpu.memref_slice %arg2[%dma_wait3A_106, %dma_wait3A_107] : memref<10000x128xf32, #tpu.memory_space<hbm>> -> memref<10000x128xf32, #tpu.memory_space<hbm>>
        tpu.wait_indirect_dma semaphore(%arg14 : memref<!tpu.dma_semaphore, #tpu.memory_space<semaphore_mem>>) src(%dma_wait3A_108 : memref<10000x128xf32, #tpu.memory_space<hbm>>) dst(%arg9 : memref<80x128xf32, #tpu.memory_space<vmem>>)
        %dma_start3A_109 = arith.constant 0 : i32
        %dma_start3A_110 = tpu.memref_slice %arg8[%add3A_102, %dma_start3A_109] : memref<25x80xi32, #tpu.memory_space<vmem>> -> memref<1x80xi32, #tpu.memory_space<vmem>>
        %dma_start3A_111 = tpu.memref_squeeze %dma_start3A_110 : memref<1x80xi32, #tpu.memory_space<vmem>> -> memref<80xi32, #tpu.memory_space<vmem>>
        %dma_start3A_112 = arith.constant 0 : i32
        %dma_start3A_113 = arith.constant 0 : i32
        %dma_start3A_114 = tpu.memref_slice %arg13[%dma_start3A_112, %dma_start3A_113] : memref<10000x128xf32, #tpu.memory_space<vmem_shared>> -> memref<10000x128xf32, #tpu.memory_space<vmem_shared>>
        tpu.enqueue_indirect_dma source(%arg9 : memref<80x128xf32, #tpu.memory_space<vmem>>) target(%dma_start3A_114 : memref<10000x128xf32, #tpu.memory_space<vmem_shared>>) offsets(%dma_start3A_111 : memref<80xi32, #tpu.memory_space<vmem>>) semaphore(%arg18 : memref<!tpu.dma_semaphore, #tpu.memory_space<semaphore_mem>>) {add = true}
        %add3A_115 = arith.constant 4 : i32
        %add3A_116 = arith.addi %add3A_102, %add3A_115 : i32
        %sub3A = arith.constant 1 : i32
        %sub3A_117 = arith.subi %add3A_116, %sub3A : i32
        %le3A = arith.constant 24 : i32
        %le3A_118 = arith.cmpi sle, %sub3A_117, %le3A : i32
        %ge3A = arith.constant 1 : i32
        %ge3A_119 = arith.cmpi sge, %add3A_102, %ge3A : i32
        %and3A = arith.andi %le3A_118, %ge3A_119 : i1
        %convert_element_type3A_120 = arith.extui %and3A : i1 to i32
        %cond3A_121 = arith.constant 0 : i32
        %cond3A_122 = arith.cmpi ne, %convert_element_type3A_120, %cond3A_121 : i32
        scf.if %cond3A_122 {
          %sub3A_255 = arith.constant 1 : i32
          %sub3A_256 = arith.subi %add3A_102, %sub3A_255 : i32
          %dma_wait3A_257 = arith.constant 0 : i32
          %dma_wait3A_258 = tpu.memref_slice %arg8[%sub3A_256, %dma_wait3A_257] : memref<25x80xi32, #tpu.memory_space<vmem>> -> memref<1x80xi32, #tpu.memory_space<vmem>>
          %dma_wait3A_259 = tpu.memref_squeeze %dma_wait3A_258 : memref<1x80xi32, #tpu.memory_space<vmem>> -> memref<80xi32, #tpu.memory_space<vmem>>
          %dma_wait3A_260 = arith.constant 0 : i32
          %dma_wait3A_261 = arith.constant 0 : i32
          %dma_wait3A_262 = tpu.memref_slice %arg13[%dma_wait3A_260, %dma_wait3A_261] : memref<10000x128xf32, #tpu.memory_space<vmem_shared>> -> memref<10000x128xf32, #tpu.memory_space<vmem_shared>>
          tpu.wait_indirect_dma semaphore(%arg21 : memref<!tpu.dma_semaphore, #tpu.memory_space<semaphore_mem>>) src(%arg12 : memref<80x128xf32, #tpu.memory_space<vmem>>) dst(%dma_wait3A_262 : memref<10000x128xf32, #tpu.memory_space<vmem_shared>>)
          %add3A_263 = arith.constant 4 : i32
          %add3A_264 = arith.addi %add3A_102, %add3A_263 : i32
          %sub3A_265 = arith.constant 1 : i32
          %sub3A_266 = arith.subi %add3A_264, %sub3A_265 : i32
          %dma_start3A_267 = arith.constant 0 : i32
          %dma_start3A_268 = tpu.memref_slice %arg7[%sub3A_266, %dma_start3A_267] : memref<25x80xi32, #tpu.memory_space<vmem>> -> memref<1x80xi32, #tpu.memory_space<vmem>>
          %dma_start3A_269 = tpu.memref_squeeze %dma_start3A_268 : memref<1x80xi32, #tpu.memory_space<vmem>> -> memref<80xi32, #tpu.memory_space<vmem>>
          %dma_start3A_270 = arith.constant 0 : i32
          %dma_start3A_271 = arith.constant 0 : i32
          %dma_start3A_272 = tpu.memref_slice %arg2[%dma_start3A_270, %dma_start3A_271] : memref<10000x128xf32, #tpu.memory_space<hbm>> -> memref<10000x128xf32, #tpu.memory_space<hbm>>
          tpu.enqueue_indirect_dma source(%dma_start3A_272 : memref<10000x128xf32, #tpu.memory_space<hbm>>) target(%arg12 : memref<80x128xf32, #tpu.memory_space<vmem>>) offsets(%dma_start3A_269 : memref<80xi32, #tpu.memory_space<vmem>>) semaphore(%arg17 : memref<!tpu.dma_semaphore, #tpu.memory_space<semaphore_mem>>)
        } else {
        }
        %add3A_123 = arith.constant 4 : i32
        %add3A_124 = arith.addi %add3A_102, %add3A_123 : i32
        %sub3A_125 = arith.constant 1 : i32
        %sub3A_126 = arith.subi %add3A_124, %sub3A_125 : i32
        %le3A_127 = arith.constant 24 : i32
        %le3A_128 = arith.cmpi sle, %sub3A_126, %le3A_127 : i32
        %lt3A_129 = arith.constant 1 : i32
        %lt3A_130 = arith.cmpi slt, %add3A_102, %lt3A_129 : i32
        %and3A_131 = arith.andi %le3A_128, %lt3A_130 : i1
        %convert_element_type3A_132 = arith.extui %and3A_131 : i1 to i32
        %cond3A_133 = arith.constant 0 : i32
        %cond3A_134 = arith.cmpi ne, %convert_element_type3A_132, %cond3A_133 : i32
        scf.if %cond3A_134 {
          %add3A_255 = arith.constant 4 : i32
          %add3A_256 = arith.addi %add3A_102, %add3A_255 : i32
          %sub3A_257 = arith.constant 1 : i32
          %sub3A_258 = arith.subi %add3A_256, %sub3A_257 : i32
          %dma_start3A_259 = arith.constant 0 : i32
          %dma_start3A_260 = tpu.memref_slice %arg7[%sub3A_258, %dma_start3A_259] : memref<25x80xi32, #tpu.memory_space<vmem>> -> memref<1x80xi32, #tpu.memory_space<vmem>>
          %dma_start3A_261 = tpu.memref_squeeze %dma_start3A_260 : memref<1x80xi32, #tpu.memory_space<vmem>> -> memref<80xi32, #tpu.memory_space<vmem>>
          %dma_start3A_262 = arith.constant 0 : i32
          %dma_start3A_263 = arith.constant 0 : i32
          %dma_start3A_264 = tpu.memref_slice %arg2[%dma_start3A_262, %dma_start3A_263] : memref<10000x128xf32, #tpu.memory_space<hbm>> -> memref<10000x128xf32, #tpu.memory_space<hbm>>
          tpu.enqueue_indirect_dma source(%dma_start3A_264 : memref<10000x128xf32, #tpu.memory_space<hbm>>) target(%arg12 : memref<80x128xf32, #tpu.memory_space<vmem>>) offsets(%dma_start3A_261 : memref<80xi32, #tpu.memory_space<vmem>>) semaphore(%arg17 : memref<!tpu.dma_semaphore, #tpu.memory_space<semaphore_mem>>)
        } else {
        }
        %mul3A_135 = arith.constant 4 : i32
        %mul3A_136 = arith.muli %add3A_98, %mul3A_135 : i32
        %add3A_137 = arith.constant 1 : i32
        %add3A_138 = arith.addi %mul3A_136, %add3A_137 : i32
        %dma_wait3A_139 = arith.constant 0 : i32
        %dma_wait3A_140 = tpu.memref_slice %arg7[%add3A_138, %dma_wait3A_139] : memref<25x80xi32, #tpu.memory_space<vmem>> -> memref<1x80xi32, #tpu.memory_space<vmem>>
        %dma_wait3A_141 = tpu.memref_squeeze %dma_wait3A_140 : memref<1x80xi32, #tpu.memory_space<vmem>> -> memref<80xi32, #tpu.memory_space<vmem>>
        %dma_wait3A_142 = arith.constant 0 : i32
        %dma_wait3A_143 = arith.constant 0 : i32
        %dma_wait3A_144 = tpu.memref_slice %arg2[%dma_wait3A_142, %dma_wait3A_143] : memref<10000x128xf32, #tpu.memory_space<hbm>> -> memref<10000x128xf32, #tpu.memory_space<hbm>>
        tpu.wait_indirect_dma semaphore(%arg15 : memref<!tpu.dma_semaphore, #tpu.memory_space<semaphore_mem>>) src(%dma_wait3A_144 : memref<10000x128xf32, #tpu.memory_space<hbm>>) dst(%arg10 : memref<80x128xf32, #tpu.memory_space<vmem>>)
        %dma_start3A_145 = arith.constant 0 : i32
        %dma_start3A_146 = tpu.memref_slice %arg8[%add3A_138, %dma_start3A_145] : memref<25x80xi32, #tpu.memory_space<vmem>> -> memref<1x80xi32, #tpu.memory_space<vmem>>
        %dma_start3A_147 = tpu.memref_squeeze %dma_start3A_146 : memref<1x80xi32, #tpu.memory_space<vmem>> -> memref<80xi32, #tpu.memory_space<vmem>>
        %dma_start3A_148 = arith.constant 0 : i32
        %dma_start3A_149 = arith.constant 0 : i32
        %dma_start3A_150 = tpu.memref_slice %arg13[%dma_start3A_148, %dma_start3A_149] : memref<10000x128xf32, #tpu.memory_space<vmem_shared>> -> memref<10000x128xf32, #tpu.memory_space<vmem_shared>>
        tpu.enqueue_indirect_dma source(%arg10 : memref<80x128xf32, #tpu.memory_space<vmem>>) target(%dma_start3A_150 : memref<10000x128xf32, #tpu.memory_space<vmem_shared>>) offsets(%dma_start3A_147 : memref<80xi32, #tpu.memory_space<vmem>>) semaphore(%arg19 : memref<!tpu.dma_semaphore, #tpu.memory_space<semaphore_mem>>) {add = true}
        %add3A_151 = arith.constant 4 : i32
        %add3A_152 = arith.addi %add3A_138, %add3A_151 : i32
        %sub3A_153 = arith.constant 1 : i32
        %sub3A_154 = arith.subi %add3A_152, %sub3A_153 : i32
        %le3A_155 = arith.constant 24 : i32
        %le3A_156 = arith.cmpi sle, %sub3A_154, %le3A_155 : i32
        %ge3A_157 = arith.constant 1 : i32
        %ge3A_158 = arith.cmpi sge, %add3A_138, %ge3A_157 : i32
        %and3A_159 = arith.andi %le3A_156, %ge3A_158 : i1
        %convert_element_type3A_160 = arith.extui %and3A_159 : i1 to i32
        %cond3A_161 = arith.constant 0 : i32
        %cond3A_162 = arith.cmpi ne, %convert_element_type3A_160, %cond3A_161 : i32
        scf.if %cond3A_162 {
          %sub3A_255 = arith.constant 1 : i32
          %sub3A_256 = arith.subi %add3A_138, %sub3A_255 : i32
          %dma_wait3A_257 = arith.constant 0 : i32
          %dma_wait3A_258 = tpu.memref_slice %arg8[%sub3A_256, %dma_wait3A_257] : memref<25x80xi32, #tpu.memory_space<vmem>> -> memref<1x80xi32, #tpu.memory_space<vmem>>
          %dma_wait3A_259 = tpu.memref_squeeze %dma_wait3A_258 : memref<1x80xi32, #tpu.memory_space<vmem>> -> memref<80xi32, #tpu.memory_space<vmem>>
          %dma_wait3A_260 = arith.constant 0 : i32
          %dma_wait3A_261 = arith.constant 0 : i32
          %dma_wait3A_262 = tpu.memref_slice %arg13[%dma_wait3A_260, %dma_wait3A_261] : memref<10000x128xf32, #tpu.memory_space<vmem_shared>> -> memref<10000x128xf32, #tpu.memory_space<vmem_shared>>
          tpu.wait_indirect_dma semaphore(%arg18 : memref<!tpu.dma_semaphore, #tpu.memory_space<semaphore_mem>>) src(%arg9 : memref<80x128xf32, #tpu.memory_space<vmem>>) dst(%dma_wait3A_262 : memref<10000x128xf32, #tpu.memory_space<vmem_shared>>)
          %add3A_263 = arith.constant 4 : i32
          %add3A_264 = arith.addi %add3A_138, %add3A_263 : i32
          %sub3A_265 = arith.constant 1 : i32
          %sub3A_266 = arith.subi %add3A_264, %sub3A_265 : i32
          %dma_start3A_267 = arith.constant 0 : i32
          %dma_start3A_268 = tpu.memref_slice %arg7[%sub3A_266, %dma_start3A_267] : memref<25x80xi32, #tpu.memory_space<vmem>> -> memref<1x80xi32, #tpu.memory_space<vmem>>
          %dma_start3A_269 = tpu.memref_squeeze %dma_start3A_268 : memref<1x80xi32, #tpu.memory_space<vmem>> -> memref<80xi32, #tpu.memory_space<vmem>>
          %dma_start3A_270 = arith.constant 0 : i32
          %dma_start3A_271 = arith.constant 0 : i32
          %dma_start3A_272 = tpu.memref_slice %arg2[%dma_start3A_270, %dma_start3A_271] : memref<10000x128xf32, #tpu.memory_space<hbm>> -> memref<10000x128xf32, #tpu.memory_space<hbm>>
          tpu.enqueue_indirect_dma source(%dma_start3A_272 : memref<10000x128xf32, #tpu.memory_space<hbm>>) target(%arg9 : memref<80x128xf32, #tpu.memory_space<vmem>>) offsets(%dma_start3A_269 : memref<80xi32, #tpu.memory_space<vmem>>) semaphore(%arg14 : memref<!tpu.dma_semaphore, #tpu.memory_space<semaphore_mem>>)
        } else {
        }
        %add3A_163 = arith.constant 4 : i32
        %add3A_164 = arith.addi %add3A_138, %add3A_163 : i32
        %sub3A_165 = arith.constant 1 : i32
        %sub3A_166 = arith.subi %add3A_164, %sub3A_165 : i32
        %le3A_167 = arith.constant 24 : i32
        %le3A_168 = arith.cmpi sle, %sub3A_166, %le3A_167 : i32
        %lt3A_169 = arith.constant 1 : i32
        %lt3A_170 = arith.cmpi slt, %add3A_138, %lt3A_169 : i32
        %and3A_171 = arith.andi %le3A_168, %lt3A_170 : i1
        %convert_element_type3A_172 = arith.extui %and3A_171 : i1 to i32
        %cond3A_173 = arith.constant 0 : i32
        %cond3A_174 = arith.cmpi ne, %convert_element_type3A_172, %cond3A_173 : i32
        scf.if %cond3A_174 {
          %add3A_255 = arith.constant 4 : i32
          %add3A_256 = arith.addi %add3A_138, %add3A_255 : i32
          %sub3A_257 = arith.constant 1 : i32
          %sub3A_258 = arith.subi %add3A_256, %sub3A_257 : i32
          %dma_start3A_259 = arith.constant 0 : i32
          %dma_start3A_260 = tpu.memref_slice %arg7[%sub3A_258, %dma_start3A_259] : memref<25x80xi32, #tpu.memory_space<vmem>> -> memref<1x80xi32, #tpu.memory_space<vmem>>
          %dma_start3A_261 = tpu.memref_squeeze %dma_start3A_260 : memref<1x80xi32, #tpu.memory_space<vmem>> -> memref<80xi32, #tpu.memory_space<vmem>>
          %dma_start3A_262 = arith.constant 0 : i32
          %dma_start3A_263 = arith.constant 0 : i32
          %dma_start3A_264 = tpu.memref_slice %arg2[%dma_start3A_262, %dma_start3A_263] : memref<10000x128xf32, #tpu.memory_space<hbm>> -> memref<10000x128xf32, #tpu.memory_space<hbm>>
          tpu.enqueue_indirect_dma source(%dma_start3A_264 : memref<10000x128xf32, #tpu.memory_space<hbm>>) target(%arg9 : memref<80x128xf32, #tpu.memory_space<vmem>>) offsets(%dma_start3A_261 : memref<80xi32, #tpu.memory_space<vmem>>) semaphore(%arg14 : memref<!tpu.dma_semaphore, #tpu.memory_space<semaphore_mem>>)
        } else {
        }
        %mul3A_175 = arith.constant 4 : i32
        %mul3A_176 = arith.muli %add3A_98, %mul3A_175 : i32
        %add3A_177 = arith.constant 2 : i32
        %add3A_178 = arith.addi %mul3A_176, %add3A_177 : i32
        %dma_wait3A_179 = arith.constant 0 : i32
        %dma_wait3A_180 = tpu.memref_slice %arg7[%add3A_178, %dma_wait3A_179] : memref<25x80xi32, #tpu.memory_space<vmem>> -> memref<1x80xi32, #tpu.memory_space<vmem>>
        %dma_wait3A_181 = tpu.memref_squeeze %dma_wait3A_180 : memref<1x80xi32, #tpu.memory_space<vmem>> -> memref<80xi32, #tpu.memory_space<vmem>>
        %dma_wait3A_182 = arith.constant 0 : i32
        %dma_wait3A_183 = arith.constant 0 : i32
        %dma_wait3A_184 = tpu.memref_slice %arg2[%dma_wait3A_182, %dma_wait3A_183] : memref<10000x128xf32, #tpu.memory_space<hbm>> -> memref<10000x128xf32, #tpu.memory_space<hbm>>
        tpu.wait_indirect_dma semaphore(%arg16 : memref<!tpu.dma_semaphore, #tpu.memory_space<semaphore_mem>>) src(%dma_wait3A_184 : memref<10000x128xf32, #tpu.memory_space<hbm>>) dst(%arg11 : memref<80x128xf32, #tpu.memory_space<vmem>>)
        %dma_start3A_185 = arith.constant 0 : i32
        %dma_start3A_186 = tpu.memref_slice %arg8[%add3A_178, %dma_start3A_185] : memref<25x80xi32, #tpu.memory_space<vmem>> -> memref<1x80xi32, #tpu.memory_space<vmem>>
        %dma_start3A_187 = tpu.memref_squeeze %dma_start3A_186 : memref<1x80xi32, #tpu.memory_space<vmem>> -> memref<80xi32, #tpu.memory_space<vmem>>
        %dma_start3A_188 = arith.constant 0 : i32
        %dma_start3A_189 = arith.constant 0 : i32
        %dma_start3A_190 = tpu.memref_slice %arg13[%dma_start3A_188, %dma_start3A_189] : memref<10000x128xf32, #tpu.memory_space<vmem_shared>> -> memref<10000x128xf32, #tpu.memory_space<vmem_shared>>
        tpu.enqueue_indirect_dma source(%arg11 : memref<80x128xf32, #tpu.memory_space<vmem>>) target(%dma_start3A_190 : memref<10000x128xf32, #tpu.memory_space<vmem_shared>>) offsets(%dma_start3A_187 : memref<80xi32, #tpu.memory_space<vmem>>) semaphore(%arg20 : memref<!tpu.dma_semaphore, #tpu.memory_space<semaphore_mem>>) {add = true}
        %add3A_191 = arith.constant 4 : i32
        %add3A_192 = arith.addi %add3A_178, %add3A_191 : i32
        %sub3A_193 = arith.constant 1 : i32
        %sub3A_194 = arith.subi %add3A_192, %sub3A_193 : i32
        %le3A_195 = arith.constant 24 : i32
        %le3A_196 = arith.cmpi sle, %sub3A_194, %le3A_195 : i32
        %ge3A_197 = arith.constant 1 : i32
        %ge3A_198 = arith.cmpi sge, %add3A_178, %ge3A_197 : i32
        %and3A_199 = arith.andi %le3A_196, %ge3A_198 : i1
        %convert_element_type3A_200 = arith.extui %and3A_199 : i1 to i32
        %cond3A_201 = arith.constant 0 : i32
        %cond3A_202 = arith.cmpi ne, %convert_element_type3A_200, %cond3A_201 : i32
        scf.if %cond3A_202 {
          %sub3A_255 = arith.constant 1 : i32
          %sub3A_256 = arith.subi %add3A_178, %sub3A_255 : i32
          %dma_wait3A_257 = arith.constant 0 : i32
          %dma_wait3A_258 = tpu.memref_slice %arg8[%sub3A_256, %dma_wait3A_257] : memref<25x80xi32, #tpu.memory_space<vmem>> -> memref<1x80xi32, #tpu.memory_space<vmem>>
          %dma_wait3A_259 = tpu.memref_squeeze %dma_wait3A_258 : memref<1x80xi32, #tpu.memory_space<vmem>> -> memref<80xi32, #tpu.memory_space<vmem>>
          %dma_wait3A_260 = arith.constant 0 : i32
          %dma_wait3A_261 = arith.constant 0 : i32
          %dma_wait3A_262 = tpu.memref_slice %arg13[%dma_wait3A_260, %dma_wait3A_261] : memref<10000x128xf32, #tpu.memory_space<vmem_shared>> -> memref<10000x128xf32, #tpu.memory_space<vmem_shared>>
          tpu.wait_indirect_dma semaphore(%arg19 : memref<!tpu.dma_semaphore, #tpu.memory_space<semaphore_mem>>) src(%arg10 : memref<80x128xf32, #tpu.memory_space<vmem>>) dst(%dma_wait3A_262 : memref<10000x128xf32, #tpu.memory_space<vmem_shared>>)
          %add3A_263 = arith.constant 4 : i32
          %add3A_264 = arith.addi %add3A_178, %add3A_263 : i32
          %sub3A_265 = arith.constant 1 : i32
          %sub3A_266 = arith.subi %add3A_264, %sub3A_265 : i32
          %dma_start3A_267 = arith.constant 0 : i32
          %dma_start3A_268 = tpu.memref_slice %arg7[%sub3A_266, %dma_start3A_267] : memref<25x80xi32, #tpu.memory_space<vmem>> -> memref<1x80xi32, #tpu.memory_space<vmem>>
          %dma_start3A_269 = tpu.memref_squeeze %dma_start3A_268 : memref<1x80xi32, #tpu.memory_space<vmem>> -> memref<80xi32, #tpu.memory_space<vmem>>
          %dma_start3A_270 = arith.constant 0 : i32
          %dma_start3A_271 = arith.constant 0 : i32
          %dma_start3A_272 = tpu.memref_slice %arg2[%dma_start3A_270, %dma_start3A_271] : memref<10000x128xf32, #tpu.memory_space<hbm>> -> memref<10000x128xf32, #tpu.memory_space<hbm>>
          tpu.enqueue_indirect_dma source(%dma_start3A_272 : memref<10000x128xf32, #tpu.memory_space<hbm>>) target(%arg10 : memref<80x128xf32, #tpu.memory_space<vmem>>) offsets(%dma_start3A_269 : memref<80xi32, #tpu.memory_space<vmem>>) semaphore(%arg15 : memref<!tpu.dma_semaphore, #tpu.memory_space<semaphore_mem>>)
        } else {
        }
        %add3A_203 = arith.constant 4 : i32
        %add3A_204 = arith.addi %add3A_178, %add3A_203 : i32
        %sub3A_205 = arith.constant 1 : i32
        %sub3A_206 = arith.subi %add3A_204, %sub3A_205 : i32
        %le3A_207 = arith.constant 24 : i32
        %le3A_208 = arith.cmpi sle, %sub3A_206, %le3A_207 : i32
        %lt3A_209 = arith.constant 1 : i32
        %lt3A_210 = arith.cmpi slt, %add3A_178, %lt3A_209 : i32
        %and3A_211 = arith.andi %le3A_208, %lt3A_210 : i1
        %convert_element_type3A_212 = arith.extui %and3A_211 : i1 to i32
        %cond3A_213 = arith.constant 0 : i32
        %cond3A_214 = arith.cmpi ne, %convert_element_type3A_212, %cond3A_213 : i32
        scf.if %cond3A_214 {
          %add3A_255 = arith.constant 4 : i32
          %add3A_256 = arith.addi %add3A_178, %add3A_255 : i32
          %sub3A_257 = arith.constant 1 : i32
          %sub3A_258 = arith.subi %add3A_256, %sub3A_257 : i32
          %dma_start3A_259 = arith.constant 0 : i32
          %dma_start3A_260 = tpu.memref_slice %arg7[%sub3A_258, %dma_start3A_259] : memref<25x80xi32, #tpu.memory_space<vmem>> -> memref<1x80xi32, #tpu.memory_space<vmem>>
          %dma_start3A_261 = tpu.memref_squeeze %dma_start3A_260 : memref<1x80xi32, #tpu.memory_space<vmem>> -> memref<80xi32, #tpu.memory_space<vmem>>
          %dma_start3A_262 = arith.constant 0 : i32
          %dma_start3A_263 = arith.constant 0 : i32
          %dma_start3A_264 = tpu.memref_slice %arg2[%dma_start3A_262, %dma_start3A_263] : memref<10000x128xf32, #tpu.memory_space<hbm>> -> memref<10000x128xf32, #tpu.memory_space<hbm>>
          tpu.enqueue_indirect_dma source(%dma_start3A_264 : memref<10000x128xf32, #tpu.memory_space<hbm>>) target(%arg10 : memref<80x128xf32, #tpu.memory_space<vmem>>) offsets(%dma_start3A_261 : memref<80xi32, #tpu.memory_space<vmem>>) semaphore(%arg15 : memref<!tpu.dma_semaphore, #tpu.memory_space<semaphore_mem>>)
        } else {
        }
        %mul3A_215 = arith.constant 4 : i32
        %mul3A_216 = arith.muli %add3A_98, %mul3A_215 : i32
        %add3A_217 = arith.constant 3 : i32
        %add3A_218 = arith.addi %mul3A_216, %add3A_217 : i32
        %dma_wait3A_219 = arith.constant 0 : i32
        %dma_wait3A_220 = tpu.memref_slice %arg7[%add3A_218, %dma_wait3A_219] : memref<25x80xi32, #tpu.memory_space<vmem>> -> memref<1x80xi32, #tpu.memory_space<vmem>>
        %dma_wait3A_221 = tpu.memref_squeeze %dma_wait3A_220 : memref<1x80xi32, #tpu.memory_space<vmem>> -> memref<80xi32, #tpu.memory_space<vmem>>
        %dma_wait3A_222 = arith.constant 0 : i32
        %dma_wait3A_223 = arith.constant 0 : i32
        %dma_wait3A_224 = tpu.memref_slice %arg2[%dma_wait3A_222, %dma_wait3A_223] : memref<10000x128xf32, #tpu.memory_space<hbm>> -> memref<10000x128xf32, #tpu.memory_space<hbm>>
        tpu.wait_indirect_dma semaphore(%arg17 : memref<!tpu.dma_semaphore, #tpu.memory_space<semaphore_mem>>) src(%dma_wait3A_224 : memref<10000x128xf32, #tpu.memory_space<hbm>>) dst(%arg12 : memref<80x128xf32, #tpu.memory_space<vmem>>)
        %dma_start3A_225 = arith.constant 0 : i32
        %dma_start3A_226 = tpu.memref_slice %arg8[%add3A_218, %dma_start3A_225] : memref<25x80xi32, #tpu.memory_space<vmem>> -> memref<1x80xi32, #tpu.memory_space<vmem>>
        %dma_start3A_227 = tpu.memref_squeeze %dma_start3A_226 : memref<1x80xi32, #tpu.memory_space<vmem>> -> memref<80xi32, #tpu.memory_space<vmem>>
        %dma_start3A_228 = arith.constant 0 : i32
        %dma_start3A_229 = arith.constant 0 : i32
        %dma_start3A_230 = tpu.memref_slice %arg13[%dma_start3A_228, %dma_start3A_229] : memref<10000x128xf32, #tpu.memory_space<vmem_shared>> -> memref<10000x128xf32, #tpu.memory_space<vmem_shared>>
        tpu.enqueue_indirect_dma source(%arg12 : memref<80x128xf32, #tpu.memory_space<vmem>>) target(%dma_start3A_230 : memref<10000x128xf32, #tpu.memory_space<vmem_shared>>) offsets(%dma_start3A_227 : memref<80xi32, #tpu.memory_space<vmem>>) semaphore(%arg21 : memref<!tpu.dma_semaphore, #tpu.memory_space<semaphore_mem>>) {add = true}
        %add3A_231 = arith.constant 4 : i32
        %add3A_232 = arith.addi %add3A_218, %add3A_231 : i32
        %sub3A_233 = arith.constant 1 : i32
        %sub3A_234 = arith.subi %add3A_232, %sub3A_233 : i32
        %le3A_235 = arith.constant 24 : i32
        %le3A_236 = arith.cmpi sle, %sub3A_234, %le3A_235 : i32
        %ge3A_237 = arith.constant 1 : i32
        %ge3A_238 = arith.cmpi sge, %add3A_218, %ge3A_237 : i32
        %and3A_239 = arith.andi %le3A_236, %ge3A_238 : i1
        %convert_element_type3A_240 = arith.extui %and3A_239 : i1 to i32
        %cond3A_241 = arith.constant 0 : i32
        %cond3A_242 = arith.cmpi ne, %convert_element_type3A_240, %cond3A_241 : i32
        scf.if %cond3A_242 {
          %sub3A_255 = arith.constant 1 : i32
          %sub3A_256 = arith.subi %add3A_218, %sub3A_255 : i32
          %dma_wait3A_257 = arith.constant 0 : i32
          %dma_wait3A_258 = tpu.memref_slice %arg8[%sub3A_256, %dma_wait3A_257] : memref<25x80xi32, #tpu.memory_space<vmem>> -> memref<1x80xi32, #tpu.memory_space<vmem>>
          %dma_wait3A_259 = tpu.memref_squeeze %dma_wait3A_258 : memref<1x80xi32, #tpu.memory_space<vmem>> -> memref<80xi32, #tpu.memory_space<vmem>>
          %dma_wait3A_260 = arith.constant 0 : i32
          %dma_wait3A_261 = arith.constant 0 : i32
          %dma_wait3A_262 = tpu.memref_slice %arg13[%dma_wait3A_260, %dma_wait3A_261] : memref<10000x128xf32, #tpu.memory_space<vmem_shared>> -> memref<10000x128xf32, #tpu.memory_space<vmem_shared>>
          tpu.wait_indirect_dma semaphore(%arg20 : memref<!tpu.dma_semaphore, #tpu.memory_space<semaphore_mem>>) src(%arg11 : memref<80x128xf32, #tpu.memory_space<vmem>>) dst(%dma_wait3A_262 : memref<10000x128xf32, #tpu.memory_space<vmem_shared>>)
          %add3A_263 = arith.constant 4 : i32
          %add3A_264 = arith.addi %add3A_218, %add3A_263 : i32
          %sub3A_265 = arith.constant 1 : i32
          %sub3A_266 = arith.subi %add3A_264, %sub3A_265 : i32
          %dma_start3A_267 = arith.constant 0 : i32
          %dma_start3A_268 = tpu.memref_slice %arg7[%sub3A_266, %dma_start3A_267] : memref<25x80xi32, #tpu.memory_space<vmem>> -> memref<1x80xi32, #tpu.memory_space<vmem>>
          %dma_start3A_269 = tpu.memref_squeeze %dma_start3A_268 : memref<1x80xi32, #tpu.memory_space<vmem>> -> memref<80xi32, #tpu.memory_space<vmem>>
          %dma_start3A_270 = arith.constant 0 : i32
          %dma_start3A_271 = arith.constant 0 : i32
          %dma_start3A_272 = tpu.memref_slice %arg2[%dma_start3A_270, %dma_start3A_271] : memref<10000x128xf32, #tpu.memory_space<hbm>> -> memref<10000x128xf32, #tpu.memory_space<hbm>>
          tpu.enqueue_indirect_dma source(%dma_start3A_272 : memref<10000x128xf32, #tpu.memory_space<hbm>>) target(%arg11 : memref<80x128xf32, #tpu.memory_space<vmem>>) offsets(%dma_start3A_269 : memref<80xi32, #tpu.memory_space<vmem>>) semaphore(%arg16 : memref<!tpu.dma_semaphore, #tpu.memory_space<semaphore_mem>>)
        } else {
        }
        %add3A_243 = arith.constant 4 : i32
        %add3A_244 = arith.addi %add3A_218, %add3A_243 : i32
        %sub3A_245 = arith.constant 1 : i32
        %sub3A_246 = arith.subi %add3A_244, %sub3A_245 : i32
        %le3A_247 = arith.constant 24 : i32
        %le3A_248 = arith.cmpi sle, %sub3A_246, %le3A_247 : i32
        %lt3A_249 = arith.constant 1 : i32
        %lt3A_250 = arith.cmpi slt, %add3A_218, %lt3A_249 : i32
        %and3A_251 = arith.andi %le3A_248, %lt3A_250 : i1
        %convert_element_type3A_252 = arith.extui %and3A_251 : i1 to i32
        %cond3A_253 = arith.constant 0 : i32
        %cond3A_254 = arith.cmpi ne, %convert_element_type3A_252, %cond3A_253 : i32
        scf.if %cond3A_254 {
          %add3A_255 = arith.constant 4 : i32
          %add3A_256 = arith.addi %add3A_218, %add3A_255 : i32
          %sub3A_257 = arith.constant 1 : i32
          %sub3A_258 = arith.subi %add3A_256, %sub3A_257 : i32
          %dma_start3A_259 = arith.constant 0 : i32
          %dma_start3A_260 = tpu.memref_slice %arg7[%sub3A_258, %dma_start3A_259] : memref<25x80xi32, #tpu.memory_space<vmem>> -> memref<1x80xi32, #tpu.memory_space<vmem>>
          %dma_start3A_261 = tpu.memref_squeeze %dma_start3A_260 : memref<1x80xi32, #tpu.memory_space<vmem>> -> memref<80xi32, #tpu.memory_space<vmem>>
          %dma_start3A_262 = arith.constant 0 : i32
          %dma_start3A_263 = arith.constant 0 : i32
          %dma_start3A_264 = tpu.memref_slice %arg2[%dma_start3A_262, %dma_start3A_263] : memref<10000x128xf32, #tpu.memory_space<hbm>> -> memref<10000x128xf32, #tpu.memory_space<hbm>>
          tpu.enqueue_indirect_dma source(%dma_start3A_264 : memref<10000x128xf32, #tpu.memory_space<hbm>>) target(%arg11 : memref<80x128xf32, #tpu.memory_space<vmem>>) offsets(%dma_start3A_261 : memref<80xi32, #tpu.memory_space<vmem>>) semaphore(%arg16 : memref<!tpu.dma_semaphore, #tpu.memory_space<semaphore_mem>>)
        } else {
        }
      }
      %scan3A_52 = arith.constant 6 : i32
      %dma_wait3A = arith.constant 24 : i32
      %dma_wait3A_53 = arith.constant 0 : i32
      %dma_wait3A_54 = tpu.memref_slice %arg7[%dma_wait3A, %dma_wait3A_53] : memref<25x80xi32, #tpu.memory_space<vmem>> -> memref<1x80xi32, #tpu.memory_space<vmem>>
      %dma_wait3A_55 = tpu.memref_squeeze %dma_wait3A_54 : memref<1x80xi32, #tpu.memory_space<vmem>> -> memref<80xi32, #tpu.memory_space<vmem>>
      %dma_wait3A_56 = arith.constant 0 : i32
      %dma_wait3A_57 = arith.constant 0 : i32
      %dma_wait3A_58 = tpu.memref_slice %arg2[%dma_wait3A_56, %dma_wait3A_57] : memref<10000x128xf32, #tpu.memory_space<hbm>> -> memref<10000x128xf32, #tpu.memory_space<hbm>>
      tpu.wait_indirect_dma semaphore(%arg14 : memref<!tpu.dma_semaphore, #tpu.memory_space<semaphore_mem>>) src(%dma_wait3A_58 : memref<10000x128xf32, #tpu.memory_space<hbm>>) dst(%arg9 : memref<80x128xf32, #tpu.memory_space<vmem>>)
      %dma_start3A_59 = arith.constant 24 : i32
      %dma_start3A_60 = arith.constant 0 : i32
      %dma_start3A_61 = tpu.memref_slice %arg8[%dma_start3A_59, %dma_start3A_60] : memref<25x80xi32, #tpu.memory_space<vmem>> -> memref<1x80xi32, #tpu.memory_space<vmem>>
      %dma_start3A_62 = tpu.memref_squeeze %dma_start3A_61 : memref<1x80xi32, #tpu.memory_space<vmem>> -> memref<80xi32, #tpu.memory_space<vmem>>
      %dma_start3A_63 = arith.constant 0 : i32
      %dma_start3A_64 = arith.constant 0 : i32
      %dma_start3A_65 = tpu.memref_slice %arg13[%dma_start3A_63, %dma_start3A_64] : memref<10000x128xf32, #tpu.memory_space<vmem_shared>> -> memref<10000x128xf32, #tpu.memory_space<vmem_shared>>
      tpu.enqueue_indirect_dma source(%arg9 : memref<80x128xf32, #tpu.memory_space<vmem>>) target(%dma_start3A_65 : memref<10000x128xf32, #tpu.memory_space<vmem_shared>>) offsets(%dma_start3A_62 : memref<80xi32, #tpu.memory_space<vmem>>) semaphore(%arg18 : memref<!tpu.dma_semaphore, #tpu.memory_space<semaphore_mem>>) {add = true}
      %dma_wait3A_66 = arith.constant 21 : i32
      %dma_wait3A_67 = arith.constant 0 : i32
      %dma_wait3A_68 = tpu.memref_slice %arg8[%dma_wait3A_66, %dma_wait3A_67] : memref<25x80xi32, #tpu.memory_space<vmem>> -> memref<1x80xi32, #tpu.memory_space<vmem>>
      %dma_wait3A_69 = tpu.memref_squeeze %dma_wait3A_68 : memref<1x80xi32, #tpu.memory_space<vmem>> -> memref<80xi32, #tpu.memory_space<vmem>>
      %dma_wait3A_70 = arith.constant 0 : i32
      %dma_wait3A_71 = arith.constant 0 : i32
      %dma_wait3A_72 = tpu.memref_slice %arg13[%dma_wait3A_70, %dma_wait3A_71] : memref<10000x128xf32, #tpu.memory_space<vmem_shared>> -> memref<10000x128xf32, #tpu.memory_space<vmem_shared>>
      tpu.wait_indirect_dma semaphore(%arg19 : memref<!tpu.dma_semaphore, #tpu.memory_space<semaphore_mem>>) src(%arg10 : memref<80x128xf32, #tpu.memory_space<vmem>>) dst(%dma_wait3A_72 : memref<10000x128xf32, #tpu.memory_space<vmem_shared>>)
      %dma_wait3A_73 = arith.constant 22 : i32
      %dma_wait3A_74 = arith.constant 0 : i32
      %dma_wait3A_75 = tpu.memref_slice %arg8[%dma_wait3A_73, %dma_wait3A_74] : memref<25x80xi32, #tpu.memory_space<vmem>> -> memref<1x80xi32, #tpu.memory_space<vmem>>
      %dma_wait3A_76 = tpu.memref_squeeze %dma_wait3A_75 : memref<1x80xi32, #tpu.memory_space<vmem>> -> memref<80xi32, #tpu.memory_space<vmem>>
      %dma_wait3A_77 = arith.constant 0 : i32
      %dma_wait3A_78 = arith.constant 0 : i32
      %dma_wait3A_79 = tpu.memref_slice %arg13[%dma_wait3A_77, %dma_wait3A_78] : memref<10000x128xf32, #tpu.memory_space<vmem_shared>> -> memref<10000x128xf32, #tpu.memory_space<vmem_shared>>
      tpu.wait_indirect_dma semaphore(%arg20 : memref<!tpu.dma_semaphore, #tpu.memory_space<semaphore_mem>>) src(%arg11 : memref<80x128xf32, #tpu.memory_space<vmem>>) dst(%dma_wait3A_79 : memref<10000x128xf32, #tpu.memory_space<vmem_shared>>)
      %dma_wait3A_80 = arith.constant 23 : i32
      %dma_wait3A_81 = arith.constant 0 : i32
      %dma_wait3A_82 = tpu.memref_slice %arg8[%dma_wait3A_80, %dma_wait3A_81] : memref<25x80xi32, #tpu.memory_space<vmem>> -> memref<1x80xi32, #tpu.memory_space<vmem>>
      %dma_wait3A_83 = tpu.memref_squeeze %dma_wait3A_82 : memref<1x80xi32, #tpu.memory_space<vmem>> -> memref<80xi32, #tpu.memory_space<vmem>>
      %dma_wait3A_84 = arith.constant 0 : i32
      %dma_wait3A_85 = arith.constant 0 : i32
      %dma_wait3A_86 = tpu.memref_slice %arg13[%dma_wait3A_84, %dma_wait3A_85] : memref<10000x128xf32, #tpu.memory_space<vmem_shared>> -> memref<10000x128xf32, #tpu.memory_space<vmem_shared>>
      tpu.wait_indirect_dma semaphore(%arg21 : memref<!tpu.dma_semaphore, #tpu.memory_space<semaphore_mem>>) src(%arg12 : memref<80x128xf32, #tpu.memory_space<vmem>>) dst(%dma_wait3A_86 : memref<10000x128xf32, #tpu.memory_space<vmem_shared>>)
      %dma_wait3A_87 = arith.constant 24 : i32
      %dma_wait3A_88 = arith.constant 0 : i32
      %dma_wait3A_89 = tpu.memref_slice %arg8[%dma_wait3A_87, %dma_wait3A_88] : memref<25x80xi32, #tpu.memory_space<vmem>> -> memref<1x80xi32, #tpu.memory_space<vmem>>
      %dma_wait3A_90 = tpu.memref_squeeze %dma_wait3A_89 : memref<1x80xi32, #tpu.memory_space<vmem>> -> memref<80xi32, #tpu.memory_space<vmem>>
      %dma_wait3A_91 = arith.constant 0 : i32
      %dma_wait3A_92 = arith.constant 0 : i32
      %dma_wait3A_93 = tpu.memref_slice %arg13[%dma_wait3A_91, %dma_wait3A_92] : memref<10000x128xf32, #tpu.memory_space<vmem_shared>> -> memref<10000x128xf32, #tpu.memory_space<vmem_shared>>
      tpu.wait_indirect_dma semaphore(%arg18 : memref<!tpu.dma_semaphore, #tpu.memory_space<semaphore_mem>>) src(%arg9 : memref<80x128xf32, #tpu.memory_space<vmem>>) dst(%dma_wait3A_93 : memref<10000x128xf32, #tpu.memory_space<vmem_shared>>)
    }
    %scan3A_10 = arith.constant 5 : i32
    %barrier3A_11 = arith.constant 0 : index
    tpu.barrier barrier_id(%barrier3A_11)
    %lt3A_12 = arith.constant 10 : i32
    %lt3A_13 = arith.cmpi slt, %arg1, %lt3A_12 : i32
    %convert_element_type3A_14 = arith.extui %lt3A_13 : i1 to i32
    %cond3A_15 = arith.constant 0 : i32
    %cond3A_16 = arith.cmpi ne, %convert_element_type3A_14, %cond3A_15 : i32
    scf.if %cond3A_16 {
      %mul3A_17 = arith.constant 10000 : i32
      %mul3A_18 = arith.muli %arg0, %mul3A_17 : i32
      %add3A_19 = arith.addi %mul3A_18, %mul3A_2 : i32
      "tpu.region"() ({
        %run_scoped3A = tpu.sem_alloc : memref<!tpu.dma_semaphore, #tpu.memory_space<semaphore_mem>>
        %dma_start3A = arith.constant 0 : i32
        %dma_start3A_20 = tpu.memref_slice %arg6[%add3A_19, %dma_start3A] : memref<20000x128xf32, #tpu.memory_space<hbm>> -> memref<1000x128xf32, #tpu.memory_space<hbm>>
        %dma_start3A_21 = arith.constant 0 : i32
        %dma_start3A_22 = tpu.memref_slice %arg13[%mul3A_2, %dma_start3A_21] : memref<10000x128xf32, #tpu.memory_space<vmem_shared>> -> memref<1000x128xf32, #tpu.memory_space<vmem_shared>>
        tpu.enqueue_dma source(%dma_start3A_22 : memref<1000x128xf32, #tpu.memory_space<vmem_shared>>) target(%dma_start3A_20 : memref<1000x128xf32, #tpu.memory_space<hbm>>) target_semaphore(%run_scoped3A : memref<!tpu.dma_semaphore, #tpu.memory_space<semaphore_mem>>)
        %dma_wait3A = arith.constant 0 : i32
        %dma_wait3A_23 = tpu.memref_slice %arg6[%add3A_19, %dma_wait3A] : memref<20000x128xf32, #tpu.memory_space<hbm>> -> memref<1000x128xf32, #tpu.memory_space<hbm>>
        %dma_wait3A_24 = arith.constant 0 : i32
        %dma_wait3A_25 = tpu.memref_slice %arg13[%mul3A_2, %dma_wait3A_24] : memref<10000x128xf32, #tpu.memory_space<vmem_shared>> -> memref<1000x128xf32, #tpu.memory_space<vmem_shared>>
        tpu.wait_dma2 semaphore(%run_scoped3A : memref<!tpu.dma_semaphore, #tpu.memory_space<semaphore_mem>>) src(%dma_wait3A_25 : memref<1000x128xf32, #tpu.memory_space<vmem_shared>>) dst(%dma_wait3A_23 : memref<1000x128xf32, #tpu.memory_space<hbm>>)
        tpu.yield
      }) : () -> ()
    } else {
    }
    return
  }
}

module attributes {stable_mosaic.version = 14 : i64} {
  func.func @body(%arg0: i32, %arg1: memref<400x16xf32, #tpu.memory_space<vmem>>, %arg2: memref<400x16xf32, #tpu.memory_space<vmem>>, %arg3: memref<400x4096xbf16, #tpu.memory_space<vmem>>, %arg4: memref<4096x128xbf16, #tpu.memory_space<vmem>>, %arg5: memref<1x128xf32, #tpu.memory_space<vmem>>, %arg6: memref<128x128xf32, #tpu.memory_space<vmem>>, %arg7: memref<400x128xf32, #tpu.memory_space<vmem>>, %arg8: memref<400x1xf32, #tpu.memory_space<vmem>>) attributes {dimension_semantics = [#tpu.dimension_semantics<arbitrary>], iteration_bounds = array<i64: 25>, scalar_prefetch = 0 : i64, scratch_operands = 0 : i64, tpu.core_type = #tpu.core_type<tc>, window_params = [{transform_indices = @transform_0, window_bounds = array<i64: 400, 16>}, {transform_indices = @transform_1, window_bounds = array<i64: 400, 16>}, {transform_indices = @transform_2, window_bounds = array<i64: 400, 4096>}, {pipeline_mode = #tpu.pipeline_mode<synchronous>, transform_indices = @transform_3, window_bounds = array<i64: 4096, 128>}, {pipeline_mode = #tpu.pipeline_mode<synchronous>, transform_indices = @transform_4, window_bounds = array<i64: 1, 128>}, {pipeline_mode = #tpu.pipeline_mode<synchronous>, transform_indices = @transform_5, window_bounds = array<i64: 128, 128>}, {transform_indices = @transform_6, window_bounds = array<i64: 400, 128>}, {transform_indices = @transform_7, window_bounds = array<i64: 400, 1>}]} {
    %get3A = arith.constant 0 : index
    %get3A_0 = arith.constant 0 : index
    %get3A_1 = vector.load %arg1[%get3A, %get3A_0] : memref<400x16xf32, #tpu.memory_space<vmem>>, vector<400x1xf32>
    %get3A_2 = vector.shape_cast %get3A_1 : vector<400x1xf32> to vector<400xf32>
    %get3A_3 = arith.constant 0 : index
    %get3A_4 = arith.constant 0 : index
    %get3A_5 = vector.load %arg2[%get3A_3, %get3A_4] : memref<400x16xf32, #tpu.memory_space<vmem>>, vector<400x1xf32>
    %get3A_6 = vector.shape_cast %get3A_5 : vector<400x1xf32> to vector<400xf32>
    %add3A = arith.addf %get3A_2, %get3A_6 : vector<400xf32>
    %add3A_7 = arith.constant 1.000000e+00 : f32
    %add3A_8 = vector.broadcast %add3A_7 : f32 to vector<400xf32>
    %add3A_9 = arith.addf %add3A, %add3A_8 : vector<400xf32>
    %rsqrt3A = math.rsqrt %add3A_9 : vector<400xf32>
    %get3A_10 = arith.constant 0 : index
    %get3A_11 = arith.constant 0 : index
    %get3A_12 = vector.load %arg3[%get3A_10, %get3A_11] : memref<400x4096xbf16, #tpu.memory_space<vmem>>, vector<400x4096xbf16>
    %get3A_13 = arith.constant 0 : index
    %get3A_14 = arith.constant 0 : index
    %get3A_15 = vector.load %arg4[%get3A_13, %get3A_14] : memref<4096x128xbf16, #tpu.memory_space<vmem>>, vector<4096x128xbf16>
    %dot_general3A = arith.constant dense<0.000000e+00> : vector<400x128xf32>
    %dot_general3A_16 = tpu.matmul %get3A_12, %get3A_15, %dot_general3A {dimension_numbers = #tpu.dot_dimension_numbers<[1], [0], [0], [1], [0, 0, 1, 1], [], []>, transpose_lhs_hint = false} : vector<400x4096xbf16>, vector<4096x128xbf16>, vector<400x128xf32> -> vector<400x128xf32>
    %get3A_17 = arith.constant 0 : index
    %get3A_18 = arith.constant 0 : index
    %get3A_19 = vector.load %arg5[%get3A_17, %get3A_18] : memref<1x128xf32, #tpu.memory_space<vmem>>, vector<1x128xf32>
    %add3A_20 = vector.broadcast %get3A_19 : vector<1x128xf32> to vector<400x128xf32>
    %add3A_21 = arith.addf %dot_general3A_16, %add3A_20 : vector<400x128xf32>
    %max3A = arith.constant 0.000000e+00 : f32
    %max3A_22 = vector.broadcast %max3A : f32 to vector<400x128xf32>
    %max3A_23 = arith.maximumf %add3A_21, %max3A_22 : vector<400x128xf32>
    %get3A_24 = arith.constant 0 : index
    %get3A_25 = arith.constant 0 : index
    %get3A_26 = vector.load %arg6[%get3A_24, %get3A_25] : memref<128x128xf32, #tpu.memory_space<vmem>>, vector<128x128xf32>
    %dot_general3A_27 = arith.constant dense<0.000000e+00> : vector<400x128xf32>
    %dot_general3A_28 = tpu.matmul %max3A_23, %get3A_26, %dot_general3A_27 {dimension_numbers = #tpu.dot_dimension_numbers<[1], [0], [0], [1], [0, 0, 1, 1], [], []>, transpose_lhs_hint = false} : vector<400x128xf32>, vector<128x128xf32>, vector<400x128xf32> -> vector<400x128xf32>
    %broadcast_in_dim3A = vector.shape_cast %rsqrt3A : vector<400xf32> to vector<400x1xf32>
    %mul3A = vector.broadcast %broadcast_in_dim3A : vector<400x1xf32> to vector<400x128xf32>
    %mul3A_29 = arith.mulf %dot_general3A_28, %mul3A : vector<400x128xf32>
    %swap3A = arith.constant 0 : index
    %swap3A_30 = arith.constant 0 : index
    %swap3A_31 = vector.load %arg7[%swap3A, %swap3A_30] : memref<400x128xf32, #tpu.memory_space<vmem>>, vector<400x128xf32>
    tpu.vector_store %arg7[%swap3A, %swap3A_30], %mul3A_29 {strides = array<i32>} : memref<400x128xf32, #tpu.memory_space<vmem>>, vector<400x128xf32>,
    %broadcast_in_dim3A_32 = vector.shape_cast %rsqrt3A : vector<400xf32> to vector<400x1xf32>
    %swap3A_33 = arith.constant 0 : index
    %swap3A_34 = arith.constant 0 : index
    %swap3A_35 = vector.load %arg8[%swap3A_33, %swap3A_34] : memref<400x1xf32, #tpu.memory_space<vmem>>, vector<400x1xf32>
    tpu.vector_store %arg8[%swap3A_33, %swap3A_34], %broadcast_in_dim3A_32 {strides = array<i32>} : memref<400x1xf32, #tpu.memory_space<vmem>>, vector<400x1xf32>,
    return
  }
  func.func @transform_0(%arg0: i32) -> (i32, i32) {
    %c0_i32 = arith.constant 0 : i32
    %c0_i32_0 = arith.constant 0 : i32
    return %arg0, %c0_i32 : i32, i32
  }
  func.func @transform_1(%arg0: i32) -> (i32, i32) {
    %add3A = arith.constant 25 : i32
    %add3A_0 = arith.addi %arg0, %add3A : i32
    %c0_i32 = arith.constant 0 : i32
    %c0_i32_1 = arith.constant 0 : i32
    return %add3A_0, %c0_i32 : i32, i32
  }
  func.func @transform_2(%arg0: i32) -> (i32, i32) {
    %c0_i32 = arith.constant 0 : i32
    %c0_i32_0 = arith.constant 0 : i32
    return %arg0, %c0_i32 : i32, i32
  }
  func.func @transform_3(%arg0: i32) -> (i32, i32) {
    %c0_i32 = arith.constant 0 : i32
    %c0_i32_0 = arith.constant 0 : i32
    %c0_i32_1 = arith.constant 0 : i32
    return %c0_i32, %c0_i32_0 : i32, i32
  }
  func.func @transform_4(%arg0: i32) -> (i32, i32) {
    %c0_i32 = arith.constant 0 : i32
    %c0_i32_0 = arith.constant 0 : i32
    %c0_i32_1 = arith.constant 0 : i32
    return %c0_i32, %c0_i32_0 : i32, i32
  }
  func.func @transform_5(%arg0: i32) -> (i32, i32) {
    %c0_i32 = arith.constant 0 : i32
    %c0_i32_0 = arith.constant 0 : i32
    %c0_i32_1 = arith.constant 0 : i32
    return %c0_i32, %c0_i32_0 : i32, i32
  }
  func.func @transform_6(%arg0: i32) -> (i32, i32) {
    %c0_i32 = arith.constant 0 : i32
    %c0_i32_0 = arith.constant 0 : i32
    return %arg0, %c0_i32 : i32, i32
  }
  func.func @transform_7(%arg0: i32) -> (i32, i32) {
    %c0_i32 = arith.constant 0 : i32
    %c0_i32_0 = arith.constant 0 : i32
    return %arg0, %c0_i32 : i32, i32
  }
}

module attributes {stable_mosaic.version = 14 : i64} {
  func.func @body(%arg0: i32, %arg1: memref<400x128xf32, #tpu.memory_space<vmem>>, %arg2: memref<400x128xf32, #tpu.memory_space<vmem>>, %arg3: memref<400x128xf32, #tpu.memory_space<vmem>>, %arg4: memref<400x1xf32, #tpu.memory_space<vmem>>, %arg5: memref<128x8xf32, #tpu.memory_space<vmem>>, %arg6: memref<1x128xf32, #tpu.memory_space<vmem>>, %arg7: memref<400x8xf32, #tpu.memory_space<vmem>>) attributes {dimension_semantics = [#tpu.dimension_semantics<arbitrary>], iteration_bounds = array<i64: 25>, scalar_prefetch = 0 : i64, scratch_operands = 0 : i64, tpu.core_type = #tpu.core_type<tc>, window_params = [{transform_indices = @transform_0, window_bounds = array<i64: 400, 128>}, {transform_indices = @transform_1, window_bounds = array<i64: 400, 128>}, {transform_indices = @transform_2, window_bounds = array<i64: 400, 128>}, {transform_indices = @transform_3, window_bounds = array<i64: 400, 1>}, {pipeline_mode = #tpu.pipeline_mode<synchronous>, transform_indices = @transform_4, window_bounds = array<i64: 128, 8>}, {pipeline_mode = #tpu.pipeline_mode<synchronous>, transform_indices = @transform_5, window_bounds = array<i64: 1, 128>}, {transform_indices = @transform_6, window_bounds = array<i64: 400, 8>}]} {
    %get3A = arith.constant 0 : index
    %get3A_0 = arith.constant 0 : index
    %get3A_1 = vector.load %arg1[%get3A, %get3A_0] : memref<400x128xf32, #tpu.memory_space<vmem>>, vector<400x128xf32>
    %get3A_2 = arith.constant 0 : index
    %get3A_3 = arith.constant 0 : index
    %get3A_4 = vector.load %arg2[%get3A_2, %get3A_3] : memref<400x128xf32, #tpu.memory_space<vmem>>, vector<400x128xf32>
    %add3A = arith.addf %get3A_1, %get3A_4 : vector<400x128xf32>
    %get3A_5 = arith.constant 0 : index
    %get3A_6 = arith.constant 0 : index
    %get3A_7 = vector.load %arg3[%get3A_5, %get3A_6] : memref<400x128xf32, #tpu.memory_space<vmem>>, vector<400x128xf32>
    %add3A_8 = arith.addf %add3A, %get3A_7 : vector<400x128xf32>
    %get3A_9 = arith.constant 0 : index
    %get3A_10 = arith.constant 0 : index
    %get3A_11 = vector.load %arg4[%get3A_9, %get3A_10] : memref<400x1xf32, #tpu.memory_space<vmem>>, vector<400x1xf32>
    %mul3A = vector.broadcast %get3A_11 : vector<400x1xf32> to vector<400x128xf32>
    %mul3A_12 = arith.mulf %add3A_8, %mul3A : vector<400x128xf32>
    %get3A_13 = arith.constant 0 : index
    %get3A_14 = arith.constant 0 : index
    %get3A_15 = vector.load %arg6[%get3A_13, %get3A_14] : memref<1x128xf32, #tpu.memory_space<vmem>>, vector<1x128xf32>
    %add3A_16 = vector.broadcast %get3A_15 : vector<1x128xf32> to vector<400x128xf32>
    %add3A_17 = arith.addf %mul3A_12, %add3A_16 : vector<400x128xf32>
    %max3A = arith.constant 0.000000e+00 : f32
    %max3A_18 = vector.broadcast %max3A : f32 to vector<400x128xf32>
    %max3A_19 = arith.maximumf %add3A_17, %max3A_18 : vector<400x128xf32>
    %get3A_20 = arith.constant 0 : index
    %get3A_21 = arith.constant 0 : index
    %get3A_22 = vector.load %arg5[%get3A_20, %get3A_21] : memref<128x8xf32, #tpu.memory_space<vmem>>, vector<128x8xf32>
    %dot_general3A = arith.constant dense<0.000000e+00> : vector<400x8xf32>
    %dot_general3A_23 = tpu.matmul %max3A_19, %get3A_22, %dot_general3A {dimension_numbers = #tpu.dot_dimension_numbers<[1], [0], [0], [1], [0, 0, 1, 1], [], []>, transpose_lhs_hint = false} : vector<400x128xf32>, vector<128x8xf32>, vector<400x8xf32> -> vector<400x8xf32>
    %mul3A_24 = vector.broadcast %get3A_11 : vector<400x1xf32> to vector<400x8xf32>
    %mul3A_25 = arith.mulf %dot_general3A_23, %mul3A_24 : vector<400x8xf32>
    %swap3A = arith.constant 0 : index
    %swap3A_26 = arith.constant 0 : index
    %swap3A_27 = vector.load %arg7[%swap3A, %swap3A_26] : memref<400x8xf32, #tpu.memory_space<vmem>>, vector<400x8xf32>
    tpu.vector_store %arg7[%swap3A, %swap3A_26], %mul3A_25 {strides = array<i32>} : memref<400x8xf32, #tpu.memory_space<vmem>>, vector<400x8xf32>,
    return
  }
  func.func @transform_0(%arg0: i32) -> (i32, i32) {
    %c0_i32 = arith.constant 0 : i32
    %c0_i32_0 = arith.constant 0 : i32
    return %arg0, %c0_i32 : i32, i32
  }
  func.func @transform_1(%arg0: i32) -> (i32, i32) {
    %add3A = arith.constant 25 : i32
    %add3A_0 = arith.addi %arg0, %add3A : i32
    %c0_i32 = arith.constant 0 : i32
    %c0_i32_1 = arith.constant 0 : i32
    return %add3A_0, %c0_i32 : i32, i32
  }
  func.func @transform_2(%arg0: i32) -> (i32, i32) {
    %c0_i32 = arith.constant 0 : i32
    %c0_i32_0 = arith.constant 0 : i32
    return %arg0, %c0_i32 : i32, i32
  }
  func.func @transform_3(%arg0: i32) -> (i32, i32) {
    %c0_i32 = arith.constant 0 : i32
    %c0_i32_0 = arith.constant 0 : i32
    return %arg0, %c0_i32 : i32, i32
  }
  func.func @transform_4(%arg0: i32) -> (i32, i32) {
    %c0_i32 = arith.constant 0 : i32
    %c0_i32_0 = arith.constant 0 : i32
    %c0_i32_1 = arith.constant 0 : i32
    return %c0_i32, %c0_i32_0 : i32, i32
  }
  func.func @transform_5(%arg0: i32) -> (i32, i32) {
    %c0_i32 = arith.constant 0 : i32
    %c0_i32_0 = arith.constant 0 : i32
    %c0_i32_1 = arith.constant 0 : i32
    return %c0_i32, %c0_i32_0 : i32, i32
  }
  func.func @transform_6(%arg0: i32) -> (i32, i32) {
    %c0_i32 = arith.constant 0 : i32
    %c0_i32_0 = arith.constant 0 : i32
    return %arg0, %c0_i32 : i32, i32
  }
}

module attributes {stable_mosaic.version = 14 : i64} {
  func.func @body(%arg0: i32, %arg1: memref<400x8xf32, #tpu.memory_space<vmem>>, %arg2: memref<400x8xf32, #tpu.memory_space<vmem>>, %arg3: memref<400x8xf32, #tpu.memory_space<vmem>>, %arg4: memref<400x1xf32, #tpu.memory_space<vmem>>, %arg5: memref<1x4xf32, #tpu.memory_space<vmem>>, %arg6: memref<400x4xf32, #tpu.memory_space<vmem>>) attributes {dimension_semantics = [#tpu.dimension_semantics<arbitrary>], iteration_bounds = array<i64: 25>, scalar_prefetch = 0 : i64, scratch_operands = 0 : i64, tpu.core_type = #tpu.core_type<tc>, window_params = [{transform_indices = @transform_0, window_bounds = array<i64: 400, 8>}, {transform_indices = @transform_1, window_bounds = array<i64: 400, 8>}, {transform_indices = @transform_2, window_bounds = array<i64: 400, 8>}, {transform_indices = @transform_3, window_bounds = array<i64: 400, 1>}, {pipeline_mode = #tpu.pipeline_mode<synchronous>, transform_indices = @transform_4, window_bounds = array<i64: 1, 4>}, {transform_indices = @transform_5, window_bounds = array<i64: 400, 4>}]} {
    %get3A = arith.constant 0 : index
    %get3A_0 = arith.constant 0 : index
    %get3A_1 = vector.load %arg1[%get3A, %get3A_0] : memref<400x8xf32, #tpu.memory_space<vmem>>, vector<400x8xf32>
    %get3A_2 = arith.constant 0 : index
    %get3A_3 = arith.constant 0 : index
    %get3A_4 = vector.load %arg2[%get3A_2, %get3A_3] : memref<400x8xf32, #tpu.memory_space<vmem>>, vector<400x8xf32>
    %add3A = arith.addf %get3A_1, %get3A_4 : vector<400x8xf32>
    %get3A_5 = arith.constant 0 : index
    %get3A_6 = arith.constant 0 : index
    %get3A_7 = vector.load %arg3[%get3A_5, %get3A_6] : memref<400x8xf32, #tpu.memory_space<vmem>>, vector<400x8xf32>
    %add3A_8 = arith.addf %add3A, %get3A_7 : vector<400x8xf32>
    %slice3A = vector.extract_strided_slice %add3A_8 {offsets = [0, 0], sizes = [400, 4], strides = [1, 1]} : vector<400x8xf32> to vector<400x4xf32>
    %get3A_9 = arith.constant 0 : index
    %get3A_10 = arith.constant 0 : index
    %get3A_11 = vector.load %arg4[%get3A_9, %get3A_10] : memref<400x1xf32, #tpu.memory_space<vmem>>, vector<400x1xf32>
    %mul3A = vector.broadcast %get3A_11 : vector<400x1xf32> to vector<400x4xf32>
    %mul3A_12 = arith.mulf %slice3A, %mul3A : vector<400x4xf32>
    %get3A_13 = arith.constant 0 : index
    %get3A_14 = arith.constant 0 : index
    %get3A_15 = vector.load %arg5[%get3A_13, %get3A_14] : memref<1x4xf32, #tpu.memory_space<vmem>>, vector<1x4xf32>
    %add3A_16 = vector.broadcast %get3A_15 : vector<1x4xf32> to vector<400x4xf32>
    %add3A_17 = arith.addf %mul3A_12, %add3A_16 : vector<400x4xf32>
    %swap3A = arith.constant 0 : index
    %swap3A_18 = arith.constant 0 : index
    %swap3A_19 = vector.load %arg6[%swap3A, %swap3A_18] : memref<400x4xf32, #tpu.memory_space<vmem>>, vector<400x4xf32>
    tpu.vector_store %arg6[%swap3A, %swap3A_18], %add3A_17 {strides = array<i32>} : memref<400x4xf32, #tpu.memory_space<vmem>>, vector<400x4xf32>,
    return
  }
  func.func @transform_0(%arg0: i32) -> (i32, i32) {
    %c0_i32 = arith.constant 0 : i32
    %c0_i32_0 = arith.constant 0 : i32
    return %arg0, %c0_i32 : i32, i32
  }
  func.func @transform_1(%arg0: i32) -> (i32, i32) {
    %add3A = arith.constant 25 : i32
    %add3A_0 = arith.addi %arg0, %add3A : i32
    %c0_i32 = arith.constant 0 : i32
    %c0_i32_1 = arith.constant 0 : i32
    return %add3A_0, %c0_i32 : i32, i32
  }
  func.func @transform_2(%arg0: i32) -> (i32, i32) {
    %c0_i32 = arith.constant 0 : i32
    %c0_i32_0 = arith.constant 0 : i32
    return %arg0, %c0_i32 : i32, i32
  }
  func.func @transform_3(%arg0: i32) -> (i32, i32) {
    %c0_i32 = arith.constant 0 : i32
    %c0_i32_0 = arith.constant 0 : i32
    return %arg0, %c0_i32 : i32, i32
  }
  func.func @transform_4(%arg0: i32) -> (i32, i32) {
    %c0_i32 = arith.constant 0 : i32
    %c0_i32_0 = arith.constant 0 : i32
    %c0_i32_1 = arith.constant 0 : i32
    return %c0_i32, %c0_i32_0 : i32, i32
  }
  func.func @transform_5(%arg0: i32) -> (i32, i32) {
    %c0_i32 = arith.constant 0 : i32
    %c0_i32_0 = arith.constant 0 : i32
    return %arg0, %c0_i32 : i32, i32
  }
}

</mosaic_0001>

<sc_bundles>
// kernel: kernel.11.cloned.1.call-start
scs
__scs_entry_jumppad:
0x0: {  	(pc) =	sbr.rel $0x88, $3  }
0x1: {  	(tag) =	ssettag $0x0;
	lr =	simm.s32 $0x1  }
0x2: {  	[smem:$0x3F99] =	sst lr;
	_ =	strace $0xD0000000  }
0x3: {  	_ = 	snop  }
0x4: {  	_ = 	snop  }
0x5: {  	_ = 	snop  }
0x6: {  	_ = 	snop  }
0x7: {  	_ = 	snop  }
__scs_overlays_trampoline_lowered:
0x8: {  	[smem:$0x3FA8] =	sst s0  }
0x9: {  	[smem:$0x3FA9] =	sst s1  }
0xa: {  	[smem:$0x3FAA] =	sst s2  }
0xb: {  	[smem:$0x3FAB] =	sst s3  }
0xc: {  	[smem:$0x3FAC] =	sst s4  }
0xd: {  	[smem:$0x3FAD] =	sst s5  }
0xe: {  	[smem:$0x3FAE] =	sst s6  }
0xf: {  	[smem:$0x3FAF] =	sst s7  }
0x10: {  	[smem:$0x3FB0] =	sst s8  }
0x11: {  	[smem:$0x3FB1] =	sst s9;
	s0 =	simm.s32 @!p0 $0x0  }
0x12: {  	s1 =	sld [smem:$0x3F97];
	s0 =	simm.s32 @p0 $0x1  }
0x13: {  	[smem:$0x3FB2] =	sst s0;
	s0 =	simm.s32 @!p1 $0x0  }
0x14: {  	s2 =	sld [smem:$0x3F96];
	s0 =	simm.s32 @p1 $0x1  }
0x15: {  	[smem:$0x3FB3] =	sst s0;
	s0 =	simm.s32 @!p2 $0x0  }
0x16: {  	s3 =	sld [smem:$0x3FDB];
	s0 =	simm.s32 @p2 $0x1  }
0x17: {  	s4 =	simm.s32 $0x1BF5;
	[smem:$0x3FB5] =	sst s0  }
0x18: {  	s0 =	sld [smem:$0x3F98];
	_ =	swait.ge [sflag:s4], $0x0  }
0x19: {  	s7 =	sld [smem:$0x3F99]  }
0x1a: {  	s8 =	sadd.s32 $0xFFFFE003, lr  }
0x1b: {  	s9 =	sadd.s32 $0xFFFFFEF7, lr;
	s5 =	simm.s32 $0xFFFFFFFF;
	p2 =	slt.u32 s8, $0xFFFFF086  }
0x1c: {  	p1 =	slt.u32 s9, $0xF7A;
	s5 =	simm.s32 @!p2 $0x0  }
0x1d: {  	s5 =	simm.s32 @p1 $0x1;
	p0 =	seq.s32 s7, s2  }
0x1e: {  	s7 =	smul.u32 @!p0 $0xF7A, s2;
	p2 =	seq.s32 @!p0 s5, $0x0  }
0x1f: {  	s9 =	smul.u32 $0xF7A, s1;
	s8 =	simm.s32 @!p0 $0x1BF5;
	p2 =	por !p2, p0  }
0x20: {  	[sflag:s8] =	ssyncset.s32 @!p0 $0xFFFFF086;
	s6 =	sadd.s32 @!p0 s3, s7;
	s7 =	simm.s32 @!p0 $0x108  }
0x21: {  	s3 =	sadd.s32 s3, s9;
	s6 =	sadd.s32 @!p0 $0x88, s6;
	s7 =	simm.s32 @p2 $0x1082  }
0x22: {  	[simem:s7], [sflag:s8] =	dma.local @!p0 [hbm:s6], $0xF7A  }
0x23: {  	s9 =	sor.u32 $0xD0000000, s2;
	s6 =	simm.s32 $0x108;
	_ =	swait.ge @!p0 [sflag:s8], $0x0  }
0x24: {  	s3 =	sadd.s32 $0x88, s3;
	s6 =	simm.s32 @!p1 $0x1082;
	[sflag:s4] =	ssyncset.s32 $0xFFFFF086  }
0x25: {  	[simem:s6], [sflag:s4] =	dma.local [hbm:s3], $0xF7A  }
0x26: {  	[smem:$0x3F99] =	sst s1;
	(tag) =	ssettag s2;
	_ =	strace s9  }
0x27: {  	s1 =	sld [smem:$0x3FA9]  }
0x28: {  	s2 =	sld [smem:$0x3FAA]  }
0x29: {  	s4 =	sld [smem:$0x3FAC]  }
0x2a: {  	p0 =	seq.s32 s5, $0x0;
	s5 =	sld [smem:$0x3FAD]  }
0x2b: {  	s6 =	sld [smem:$0x3FAE]  }
0x2c: {  	s7 =	sld [smem:$0x3FAF]  }
0x2d: {  	s3 =	simm.s32 $0x108;
	s8 =	sld [smem:$0x3FB0]  }
0x2e: {  	s3 =	simm.s32 @!p0 $0x1082;
	s9 =	sld [smem:$0x3FB1]  }
0x2f: {  	lr =	sadd.s32 s0, s3;
	s0 =	sld [smem:$0x3FA8]  }
0x30: {  	s3 =	sld [smem:$0x3FAB]  }
0x31: {  	[smem:$0x3FB4] =	sst s10  }
0x32: {  	s10 =	sld [smem:$0x3FB2];
	_ =	sdelay $0x3  }
0x33: {  	p0 =	seq.s32 s10, $0x1;
	s10 =	sld [smem:$0x3FB4];
	_ =	sdelay $0x3  }
0x34: {  	[smem:$0x3FB4] =	sst s10  }
0x35: {  	s10 =	sld [smem:$0x3FB3];
	_ =	sdelay $0x3  }
0x36: {  	p1 =	seq.s32 s10, $0x1;
	s10 =	sld [smem:$0x3FB4];
	_ =	sdelay $0x3  }
0x37: {  	[smem:$0x3FB4] =	sst s10  }
0x38: {  	s10 =	sld [smem:$0x3FB5]  }
0x39: {  	_ = 	snop;
	(pc) =	sbr.ind lr, $3  }
0x3a: {  	_ = 	snop  }
0x3b: {  	_ = 	snop  }
0x3c: {  	p2 =	seq.s32 s10, $0x1;
	s10 =	sld [smem:$0x3FB4]  }
0x3d: {  	_ =	shalt  }
0x3e: {  	_ =	shalt  }
0x3f: {  	_ =	shalt  }
0x40: {  	_ =	shalt  }
0x41: {  	_ =	shalt  }
0x42: {  	_ =	shalt  }
0x43: {  	_ =	shalt  }
0x44: {  	_ =	shalt  }
0x45: {  	_ =	shalt  }
0x46: {  	_ =	shalt  }
0x47: {  	_ =	shalt  }
0x48: {  	_ =	shalt  }
0x49: {  	_ =	shalt  }
0x4a: {  	_ =	shalt  }
0x4b: {  	_ =	shalt  }
0x4c: {  	_ =	shalt  }
0x4d: {  	_ =	shalt  }
0x4e: {  	_ =	shalt  }
0x4f: {  	_ =	shalt  }
0x50: {  	_ =	shalt  }
0x51: {  	_ =	shalt  }
0x52: {  	_ =	shalt  }
0x53: {  	_ =	shalt  }
0x54: {  	_ =	shalt  }
0x55: {  	_ =	shalt  }
0x56: {  	_ =	shalt  }
0x57: {  	_ =	shalt  }
0x58: {  	_ =	shalt  }
0x59: {  	_ =	shalt  }
0x5a: {  	_ =	shalt  }
0x5b: {  	_ =	shalt  }
0x5c: {  	_ =	shalt  }
0x5d: {  	_ =	shalt  }
0x5e: {  	_ =	shalt  }
0x5f: {  	_ =	shalt  }
0x60: {  	_ =	shalt  }
0x61: {  	_ =	shalt  }
0x62: {  	_ =	shalt  }
0x63: {  	_ =	shalt  }
0x64: {  	_ =	shalt  }
0x65: {  	_ =	shalt  }
0x66: {  	_ =	shalt  }
0x67: {  	_ =	shalt  }
0x68: {  	_ =	shalt  }
0x69: {  	_ =	shalt  }
0x6a: {  	_ =	shalt  }
0x6b: {  	_ =	shalt  }
0x6c: {  	_ =	shalt  }
0x6d: {  	_ =	shalt  }
0x6e: {  	_ =	shalt  }
0x6f: {  	_ =	shalt  }
0x70: {  	_ =	shalt  }
0x71: {  	_ =	shalt  }
0x72: {  	_ =	shalt  }
0x73: {  	_ =	shalt  }
0x74: {  	_ =	shalt  }
0x75: {  	_ =	shalt  }
0x76: {  	_ =	shalt  }
0x77: {  	_ =	shalt  }
0x78: {  	_ =	shalt  }
0x79: {  	_ =	shalt  }
0x7a: {  	_ =	shalt  }
0x7b: {  	_ =	shalt  }
0x7c: {  	_ =	shalt  }
0x7d: {  	_ =	shalt  }
0x7e: {  	_ =	shalt  }
0x7f: {  	_ =	shalt  }
0x80: {  	_ =	shalt  }
0x81: {  	_ =	shalt  }
0x82: {  	_ =	shalt  }
0x83: {  	_ =	shalt  }
0x84: {  	_ =	shalt  }
0x85: {  	_ =	shalt  }
0x86: {  	_ =	shalt  }
0x87: {  	_ =	shalt  }
.Lfunc_end0:
.L_simem_size_0:
called_computation.2_lowered:
.L_overlay_start_0:
0x88: {  	s2 =	sld [smem:$0x3FD9]  }
0x89: {  	s3 =	sld [smem:$0x3FFE];
	_ =	sdelay $0x1  }
0x8a: {  	s1 =	srdreg.scid  }
0x8b: {  	s0 =	sand.u32 $0x1, s1  }
0x8c: {  	s16 =	sshll.u32 s0, $0xA;
	s2 =	sadd.s32 s3, s2  }
0x8d: {  	s2 =	sadd.s32 s2, s16  }
0x8e: {  	[smem:$0x3FC0] =	sst s2  }
0x8f: {  	_ = 	snop  }
0x90: {  	(tm) =	ssettm $0x1  }
0x91: {  	s17 =	sld [smem:$0x3FFB];
	_ =	sdelay $0x3  }
0x92: {  	_ =	strace s17  }
0x93: {  	s2 =	sld [smem:$0x3FFC];
	_ =	sdelay $0x3  }
0x94: {  	_ =	strace s2  }
0x95: {  	s2 =	sld [smem:$0x3FFD];
	_ =	sdelay $0x3  }
0x96: {  	_ =	strace s2  }
0x97: {  	_ =	strace $0x8FFFFFFF  }
0x98: {  	s18 =	sld [smem:$0x3FDB];
	_ =	sdelay $0x1  }
0x99: {  	s19 =	simm.s32 $_scs_section_size  }
0x9a: {  	s4 =	simm.s32 $_size__tile_overlayer_lowered;
	s5 =	simm.s32 $_tile_overlayer_lowered  }
0x9b: {  	s22 =	simm.s32 $0x1BFF;
	s21 =	sshll.u32 s5, $0x1;
	s2 =	sadd.s32 s19, s18  }
0x9c: {  	s6 =	simm.s32 $0x0;
	s20 =	sshll.u32 s4, $0x1;
	s4 =	sadd.s32 s21, s2  }
0x9d: {  	[timem:s6], [sflag:s22] =	dma.local [hbm:s4], s20  }
0x9e: {  	_ =	swait.ge [sflag:s22], s20  }
0x9f: {  	s3 =	ssub.s32 $0x0, s20;
	[sflag:s22] =	ssyncset.done $0x0  }
0xa0: {  	[sflag:s22] =	ssyncadd.s32 s3;
	_ =	sdelay $0x1  }
0xa1: {  	s23 =	simm.s32 $0x1B8B  }
0xa2: {  	_ =	swait.ge [sflag:s23], $0x1  }
0xa3: {  	[sflag:s23] =	ssyncset.done $0x0  }
0xa4: {  	s25 =	simm.s32 $0x1B8E;
	s24 =	sld [smem:$0x3FFE];
	[sflag:s23] =	ssyncadd.s32 $0xFFFFFFFF  }
0xa5: {  	s26 =	simm.s32 $execute0_lowered;
	[smem:$0x3FD2] =	sst s25  }
0xa6: {  	s4 =	sshll.u32 s26, $0x1;
	_ =	strace $0x8000004C;
	[dreg:$0x1] =	wrdreg $0xFFFFFFFF  }
0xa7: {  	s28 =	simm.s32 $_size_execute0_lowered;
	s2 =	sadd.s32 s2, s4;
	[dreg:$0x0] =	wrdreg $0x0  }
0xa8: {  	s4 =	sshll.u32 s28, $0x1;
	[dreg:$0x2] =	wrdreg s2  }
0xa9: {  	[dreg:$0x3] =	wrdreg s4  }
0xaa: {  	[dreg:$0x4] =	wrdreg $0xC0  }
0xab: {  	_ =	task [dreg:s6], $0x5FFFF  }
0xac: {  	[dreg:$0x1] =	wrdreg $0xFFFFFFFF  }
0xad: {  	[dreg:$0x0] =	wrdreg $0x60  }
0xae: {  	[dreg:$0x2] =	wrdreg s24  }
0xaf: {  	[dreg:$0x3] =	wrdreg $0xAFA00  }
0xb0: {  	[dreg:$0x4] =	wrdreg $0x9  }
0xb1: {  	_ =	task.clear_ibuf [dreg:s6], $0x5FFFF;
	_ =	strace $0x9000004C  }
0xb2: {  	s29 =	simm.s32 $0x9;
	_ =	strace $0x8000004E  }
0xb3: {  	_ =	swait.ge [sflag:s29], $0x1  }
0xb4: {  	[sflag:s29] =	ssyncadd.s32 $0xFFFFFFFF  }
0xb5: {  	_ =	strace $0x9000004E  }
0xb6: {  	_ =	sfence  }
0xb7: {  	s30 =	sld [smem:$0x0];
	_ =	sdelay $0x2  }
0xb8: {  	s31 =	sshll.u32 s1, $0xD;
	s1 =	sshrl.u32 s1, $0x2  }
0xb9: {  	s3 =	sand.u32 $0x4000, s31;
	s1 =	sadd.s32 s1, s30  }
0xba: {  	s0 =	sor.u32 s3, s0;
	s1 =	sshll.u32 s1, $0x11  }
0xbb: {  	s0 =	sor.u32 s1, s0  }
0xbc: {  	s0 =	sadd.s32 $0x8F2B, s0  }
0xbd: {  	[sflag:s0] =	ssyncadd.remote.s32 $0x1  }
0xbe: {  	_ =	sfence.sel $0xFFFF  }
0xbf: {  	[dreg:$0x0] =	wrdreg $0xFFFFFFFF;
	(pc) =	sbr.abs _section_cstart, $3  }
0xc0: {  	[dreg:$0x1] =	wrdreg $0xFFFFFFFF  }
0xc1: {  	_ =	task.clear_ibuf [dreg:s6], $0x2FFFF;
	_ =	strace $0x9FFFFFFF  }
0xc2: {  	(tm) =	ssettm $0x7FFFFFFF  }
0xc3: {  	_ =	shalt  }
tec
execute0_lowered:
.L_overlay_start_1:
0x0: {  	(tag) =	ssettag $0x1  }
0x1: {  	s1 =	rddreg [dreg:$0x0]  }
0x2: {  	s2 =	rddreg [dreg:$0x1];
	s3 =	simm.s32 $0x0  }
0x3: {  	s22 =	simm.s32 $0xA0;
	[smem:$0x7FF] =	sst s3  }
0x4: {  	s23 =	simm.s32 $0xF0;
	_ =	strace $0x8000004D;
	[dreg:$0x5] =	wrdreg s22  }
0x5: {  	s24 =	simm.s32 $0x820;
	[dreg:$0x6] =	wrdreg s23  }
0x6: {  	s25 =	simm.s32 $0x140;
	[dreg:$0x7] =	wrdreg s24  }
0x7: {  	s6 =	simm.s32 $0x870;
	[dreg:$0x8] =	wrdreg s25  }
0x8: {  	s0 =	srdreg.scid;
	s9 =	simm.s32 $0x190;
	[dreg:$0x9] =	wrdreg s6  }
0x9: {  	s10 =	stileid.u32;
	s11 =	simm.s32 $0x8C0;
	[dreg:$0xa] =	wrdreg s9  }
0xa: {  	s12 =	simm.s32 $0x1E0;
	s13 =	simm.s32 $0x910;
	[dreg:$0xb] =	wrdreg s11  }
0xb: {  	s14 =	simm.s32 $0x230;
	s15 =	simm.s32 $0x960;
	[dreg:$0xc] =	wrdreg s12  }
0xc: {  	s16 =	simm.s32 $0x280;
	s17 =	simm.s32 $0x9B0;
	[dreg:$0xd] =	wrdreg s13  }
0xd: {  	s19 =	simm.s32 $0x2D0;
	s20 =	simm.s32 $0xA00;
	[dreg:$0xe] =	wrdreg s14  }
0xe: {  	s21 =	simm.s32 $0x320;
	s28 =	simm.s32 $0x6E0;
	[dreg:$0xf] =	wrdreg s15  }
0xf: {  	s29 =	simm.s32 $0xE10;
	s30 =	simm.s32 $0x730;
	[dreg:$0x10] =	wrdreg s16  }
0x10: {  	s31 =	simm.s32 $0xE60;
	s5 =	smul.u32 $0x4E2, s10;
	[dreg:$0x11] =	wrdreg s17  }
0x11: {  	s0 =	sand.u32 $0x1, s0;
	s26 =	smul.u32 $0x1F400, s10;
	[dreg:$0x12] =	wrdreg s19  }
0x12: {  	s8 =	smul.u32 $0x3E80, s10;
	p0 =	sgt.u32 s10, $0x9;
	[dreg:$0x13] =	wrdreg s20  }
0x13: {  	s4 =	smul.u32 $0x4E20, s0;
	[dreg:$0x14] =	wrdreg s21;
	s22 =	simm.s32 $0xA50  }
0x14: {  	s9 =	smul.u32 $0x27100, s0;
	s24 =	simm.s32 $0x370;
	[dreg:$0x15] =	wrdreg s22  }
0x15: {  	s0 =	ssub.s32 $0x2, s0;
	s25 =	simm.s32 $0xAA0;
	[dreg:$0x16] =	wrdreg s24  }
0x16: {  	s23 =	smul.u32 $0x7D000, s10;
	s11 =	simm.s32 $0xB40;
	[dreg:$0x17] =	wrdreg s25  }
0x17: {  	s12 =	simm.s32 $0x460;
	s13 =	simm.s32 $0xB90;
	[dreg:$0x1b] =	wrdreg s11  }
0x18: {  	s14 =	simm.s32 $0x4B0;
	s15 =	simm.s32 $0xBE0;
	[dreg:$0x1c] =	wrdreg s12  }
0x19: {  	s16 =	simm.s32 $0x500;
	s17 =	simm.s32 $0xC30;
	[dreg:$0x1d] =	wrdreg s13  }
0x1a: {  	s19 =	simm.s32 $0xC80;
	s20 =	simm.s32 $0x5A0;
	[dreg:$0x1e] =	wrdreg s14  }
0x1b: {  	s21 =	simm.s32 $0xCD0;
	s7 =	sshrl.u32 s26, $0x3;
	[dreg:$0x1f] =	wrdreg s15  }
0x1c: {  	s18 =	sshrl.u32 s0, $0x1;
	s11 =	simm.s32 $0x9;
	[smem:$0x7F1] =	sst s16  }
0x1d: {  	s12 =	simm.s32 $0x50;
	s13 =	simm.s32 $0xFA0;
	[smem:$0x7F2] =	sst s17  }
0x1e: {  	s14 =	simm.s32 $0x37A0;
	s15 =	simm.s32 $0x5FA0;
	[smem:$0x7F4] =	sst s19  }
0x1f: {  	s16 =	simm.s32 $0x1;
	[smem:$0x7F5] =	sst s20;
	s17 =	simm.s32 $0x87A0  }
0x20: {  	[smem:$0x7F6] =	sst s21;
	s22 =	simm.s32 $0x5F0;
	s19 =	simm.s32 $0x5  }
0x21: {  	s24 =	simm.s32 $0x640;
	s20 =	simm.s32 $0x3;
	s25 =	simm.s32 $0xD70  }
0x22: {  	s21 =	simm.s32 $0x6;
	s4 =	sadd.s32 s4, s1;
	[smem:$0x7F7] =	sst s22  }
0x23: {  	s7 =	sadd.s32 s7, s1;
	s8 =	sadd.s32 s8, s9;
	[smem:$0x7F9] =	sst s24  }
0x24: {  	s0 =	ssub.s32 s0, s18;
	s9 =	simm.s32 $0x410;
	[smem:$0x7FA] =	sst s25  }
0x25: {  	s18 =	simm.s32 $0x550;
	s22 =	simm.s32 $0x4;
	[dreg:$0x1a] =	wrdreg s9  }
0x26: {  	s24 =	simm.s32 $0x8;
	s7 =	sadd.s32 $0x28E00, s7;
	[smem:$0x7F3] =	sst s18  }
0x27: {  	s4 =	sadd.s32 s5, s4;
	s0 =	smax.u32 s0, $0x1;
	[smem:$0x7ED] =	sst s7  }
0x28: {  	s25 =	simm.s32 $0x0;
	s5 =	sadd.s32 $0x4F4A00, s4;
	[smem:$0x7EF] =	sst s0  }
0x29: {  	s18 =	simm.s32 $0x2;
	s4 =	sadd.s32 $0x4EAC00, s4;
	[dreg:$0x3] =	wrdreg s5  }
0x2a: {  	s7 =	simm.s32 $0x3C0;
	[dreg:$0x4] =	wrdreg s4;
	s4 =	sadd.s32 $0x1C00, s1  }
0x2b: {  	s1 =	sadd.s32 s8, s1;
	s5 =	sadd.s32 s26, s2;
	s26 =	sshrl.u32 s23, $0x2  }
0x2c: {  	[dreg:$0x18] =	wrdreg s7;
	s8 =	simm.s32 $0xAF0;
	s23 =	simm.s32 $0xD20  }
0x2d: {  	s1 =	sadd.s32 $0x50000, s1;
	s6 =	sadd.s32 s26, s2;
	[dreg:$0x19] =	wrdreg s8  }
0x2e: {  	[smem:$0x7F8] =	sst s23;
	s26 =	simm.s32 $0x690;
	s23 =	simm.s32 $0x7  }
0x2f: {  	[smem:$0x7EE] =	sst s1;
	s1 =	sshll.u32 @!p0 s10, $0x6;
	s10 =	simm.s32 $0x7D0  }
0x30: {  	[smem:$0x7FB] =	sst s26;
	s0 =	sshrl.u32 @!p0 s6, $0x3;
	s26 =	simm.s32 $0xDC0  }
0x31: {  	s9 =	sor.u32 @!p0 $0x1C09, s1;
	s1 =	sshrl.u32 @!p0 s5, $0x3;
	[smem:$0x7FC] =	sst s0  }
0x32: {  	s6 =	simm.s32 $0xF50;
	s0 =	simm.s32 $0xEB0;
	[smem:$0x7F0] =	sst s1  }
0x33: {  	s5 =	simm.s32 $0xF00;
	s1 =	simm.s32 $0x780;
	[smem:$0x7FD] =	sst s9  }
.LBB2_1:
0x34: {  	s7 =	sld [smem:$0x7ED]  }
0x35: {  	s8 =	sld [smem:$0x7F0];
	_ =	sdelay $0x1  }
0x36: {  	[smem:$0x7EC] =	sst s25  }
0x37: {  	[spmem:s8], [sflag:s9] =	dma.local @!p0 [hbm:s7], $0x3E80  }
0x38: {  	s8 =	simm.s32 @!p0 $0x9  }
0x39: {  	_ =	swait.ge @!p0 [sflag:s8], $0x3E80  }
0x3a: {  	[sflag:s8] =	ssyncset.done @!p0 $0x0  }
0x3b: {  	[sflag:s8] =	ssyncadd.s32 @!p0 $0xFFFFC180  }
0x3c: {  	[bflag:$0x0] =	sbarrier.arrive $0xFFFF  }
0x3d: {  	s25 =	rddreg [dreg:$0x3]  }
0x3e: {  	s8 =	sadd.s32 $0x0, s25  }
0x3f: {  	[tilespmem:s10], [sflag:$0x9] =	stream.linear.gather [hbm4b:s8+s3], $0x7D0, $0x38;
	[tilespmem:$0x1E820] =	vst v63  }
0x40: {  	_ =	swait.ge [sflag:s11], $0x7D0  }
0x41: {  	s7 =	rddreg [dreg:$0x4];
	[sflag:s11] =	ssyncset.done $0x0  }
0x42: {  	[sflag:s11] =	ssyncadd.s32 $0xFFFFF830;
	s8 =	sadd.s32 $0x0, s7  }
0x43: {  	[tilespmem:s3], [sflag:$0x9] =	stream.linear.gather [hbm4b:s8+s3], $0x7D0, $0x38;
	[tilespmem:$0x1E820] =	vst v63  }
0x44: {  	_ =	swait.ge [sflag:s11], $0x7D0  }
0x45: {  	[sflag:s11] =	ssyncset.done $0x0  }
0x46: {  	[sflag:s11] =	ssyncadd.s32 $0xFFFFF830  }
0x47: {  	[tilespmem:s13], [sflag:$0x1] =	stream.indirect.gather [hbm4b:s4+s12], $0x80, s3, s12, $0xb8;
	[tilespmem:$0x1E820] =	vst v63  }
0x48: {  	_ = 	snop  }
0x49: {  	[tilespmem:s14], [sflag:$0x2] =	stream.indirect.gather [hbm4b:s4+s12], $0x80, s12, s12, $0xb8;
	[tilespmem:$0x1E820] =	vst v63  }
0x4a: {  	s9 =	rddreg [dreg:$0x5]  }
0x4b: {  	[tilespmem:s15], [sflag:$0x3] =	stream.indirect.gather [hbm4b:s4+s12], $0x80, s9, s12, $0xb8;
	[tilespmem:$0x1E820] =	vst v63  }
0x4c: {  	_ =	swait.ge [sflag:s16], $0x2800  }
0x4d: {  	[sflag:s16] =	ssyncset.done $0x0  }
0x4e: {  	[sflag:s16] =	ssyncadd.s32 $0xFFFFD800  }
0x4f: {  	[spmem:s2] =	stream.indirect.scatter.add.f32 [tilespmem:s13], [sflag:$0x5], $0x80, s10, s12, $0xb8;
	[tilespmem:$0x1E820] =	vst v63  }
0x50: {  	s25 =	rddreg [dreg:$0x6]  }
0x51: {  	[tilespmem:s17], [sflag:$0x4] =	stream.indirect.gather [hbm4b:s4+s12], $0x80, s25, s12, $0xb8;
	[tilespmem:$0x1E820] =	vst v63  }
0x52: {  	_ =	swait.ge [sflag:s18], $0x2800  }
0x53: {  	[sflag:s18] =	ssyncset.done $0x0  }
0x54: {  	s7 =	rddreg [dreg:$0x7];
	[sflag:s18] =	ssyncadd.s32 $0xFFFFD800  }
0x55: {  	[spmem:s2] =	stream.indirect.scatter.add.f32 [tilespmem:s14], [sflag:$0x6], $0x80, s7, s12, $0xb8;
	[tilespmem:$0x1E820] =	vst v63  }
0x56: {  	_ =	swait.ge [sflag:s19], $0x2800  }
0x57: {  	[sflag:s19] =	ssyncset.done $0x0  }
0x58: {  	s9 =	rddreg [dreg:$0x8];
	[sflag:s19] =	ssyncadd.s32 $0xFFFFD800  }
0x59: {  	[tilespmem:s13], [sflag:$0x1] =	stream.indirect.gather [hbm4b:s4+s12], $0x80, s9, s12, $0xb8;
	[tilespmem:$0x1E820] =	vst v63  }
0x5a: {  	_ =	swait.ge [sflag:s20], $0x2800  }
0x5b: {  	[sflag:s20] =	ssyncset.done $0x0  }
0x5c: {  	s25 =	rddreg [dreg:$0x9];
	[sflag:s20] =	ssyncadd.s32 $0xFFFFD800  }
0x5d: {  	[spmem:s2] =	stream.indirect.scatter.add.f32 [tilespmem:s15], [sflag:$0x7], $0x80, s25, s12, $0xb8;
	[tilespmem:$0x1E820] =	vst v63  }
0x5e: {  	_ =	swait.ge [sflag:s21], $0x2800  }
0x5f: {  	[sflag:s21] =	ssyncset.done $0x0  }
0x60: {  	s7 =	rddreg [dreg:$0xa];
	[sflag:s21] =	ssyncadd.s32 $0xFFFFD800  }
0x61: {  	[tilespmem:s14], [sflag:$0x2] =	stream.indirect.gather [hbm4b:s4+s12], $0x80, s7, s12, $0xb8;
	[tilespmem:$0x1E820] =	vst v63  }
0x62: {  	_ =	swait.ge [sflag:s22], $0x2800  }
0x63: {  	[sflag:s22] =	ssyncset.done $0x0  }
0x64: {  	s9 =	rddreg [dreg:$0xb];
	[sflag:s22] =	ssyncadd.s32 $0xFFFFD800  }
0x65: {  	[spmem:s2] =	stream.indirect.scatter.add.f32 [tilespmem:s17], [sflag:$0x8], $0x80, s9, s12, $0xb8;
	[tilespmem:$0x1E820] =	vst v63  }
0x66: {  	_ =	swait.ge [sflag:s23], $0x2800  }
0x67: {  	[sflag:s23] =	ssyncset.done $0x0  }
0x68: {  	s25 =	rddreg [dreg:$0xc];
	[sflag:s23] =	ssyncadd.s32 $0xFFFFD800  }
0x69: {  	[tilespmem:s15], [sflag:$0x3] =	stream.indirect.gather [hbm4b:s4+s12], $0x80, s25, s12, $0xb8;
	[tilespmem:$0x1E820] =	vst v63  }
0x6a: {  	_ =	swait.ge [sflag:s16], $0x2800  }
0x6b: {  	[sflag:s16] =	ssyncset.done $0x0  }
0x6c: {  	s7 =	rddreg [dreg:$0xd];
	[sflag:s16] =	ssyncadd.s32 $0xFFFFD800  }
0x6d: {  	[spmem:s2] =	stream.indirect.scatter.add.f32 [tilespmem:s13], [sflag:$0x5], $0x80, s7, s12, $0xb8;
	[tilespmem:$0x1E820] =	vst v63  }
0x6e: {  	_ =	swait.ge [sflag:s24], $0x2800  }
0x6f: {  	[sflag:s24] =	ssyncset.done $0x0  }
0x70: {  	s9 =	rddreg [dreg:$0xe];
	[sflag:s24] =	ssyncadd.s32 $0xFFFFD800  }
0x71: {  	[tilespmem:s17], [sflag:$0x4] =	stream.indirect.gather [hbm4b:s4+s12], $0x80, s9, s12, $0xb8;
	[tilespmem:$0x1E820] =	vst v63  }
0x72: {  	_ =	swait.ge [sflag:s18], $0x2800  }
0x73: {  	[sflag:s18] =	ssyncset.done $0x0  }
0x74: {  	s25 =	rddreg [dreg:$0xf];
	[sflag:s18] =	ssyncadd.s32 $0xFFFFD800  }
0x75: {  	[spmem:s2] =	stream.indirect.scatter.add.f32 [tilespmem:s14], [sflag:$0x6], $0x80, s25, s12, $0xb8;
	[tilespmem:$0x1E820] =	vst v63  }
0x76: {  	_ =	swait.ge [sflag:s19], $0x2800  }
0x77: {  	[sflag:s19] =	ssyncset.done $0x0  }
0x78: {  	s7 =	rddreg [dreg:$0x10];
	[sflag:s19] =	ssyncadd.s32 $0xFFFFD800  }
0x79: {  	[tilespmem:s13], [sflag:$0x1] =	stream.indirect.gather [hbm4b:s4+s12], $0x80, s7, s12, $0xb8;
	[tilespmem:$0x1E820] =	vst v63  }
0x7a: {  	_ =	swait.ge [sflag:s20], $0x2800  }
0x7b: {  	[sflag:s20] =	ssyncset.done $0x0  }
0x7c: {  	s9 =	rddreg [dreg:$0x11];
	[sflag:s20] =	ssyncadd.s32 $0xFFFFD800  }
0x7d: {  	[spmem:s2] =	stream.indirect.scatter.add.f32 [tilespmem:s15], [sflag:$0x7], $0x80, s9, s12, $0xb8;
	[tilespmem:$0x1E820] =	vst v63  }
0x7e: {  	_ =	swait.ge [sflag:s21], $0x2800  }
0x7f: {  	[sflag:s21] =	ssyncset.done $0x0  }
0x80: {  	s25 =	rddreg [dreg:$0x12];
	[sflag:s21] =	ssyncadd.s32 $0xFFFFD800  }
0x81: {  	[tilespmem:s14], [sflag:$0x2] =	stream.indirect.gather [hbm4b:s4+s12], $0x80, s25, s12, $0xb8;
	[tilespmem:$0x1E820] =	vst v63  }
0x82: {  	_ =	swait.ge [sflag:s22], $0x2800  }
0x83: {  	[sflag:s22] =	ssyncset.done $0x0  }
0x84: {  	s7 =	rddreg [dreg:$0x13];
	[sflag:s22] =	ssyncadd.s32 $0xFFFFD800  }
0x85: {  	[spmem:s2] =	stream.indirect.scatter.add.f32 [tilespmem:s17], [sflag:$0x8], $0x80, s7, s12, $0xb8;
	[tilespmem:$0x1E820] =	vst v63  }
0x86: {  	_ =	swait.ge [sflag:s23], $0x2800  }
0x87: {  	[sflag:s23] =	ssyncset.done $0x0  }
0x88: {  	s9 =	rddreg [dreg:$0x14];
	[sflag:s23] =	ssyncadd.s32 $0xFFFFD800  }
0x89: {  	[tilespmem:s15], [sflag:$0x3] =	stream.indirect.gather [hbm4b:s4+s12], $0x80, s9, s12, $0xb8;
	[tilespmem:$0x1E820] =	vst v63  }
0x8a: {  	_ =	swait.ge [sflag:s16], $0x2800  }
0x8b: {  	[sflag:s16] =	ssyncset.done $0x0  }
0x8c: {  	s25 =	rddreg [dreg:$0x15];
	[sflag:s16] =	ssyncadd.s32 $0xFFFFD800  }
0x8d: {  	[spmem:s2] =	stream.indirect.scatter.add.f32 [tilespmem:s13], [sflag:$0x5], $0x80, s25, s12, $0xb8;
	[tilespmem:$0x1E820] =	vst v63  }
0x8e: {  	_ =	swait.ge [sflag:s24], $0x2800  }
0x8f: {  	[sflag:s24] =	ssyncset.done $0x0  }
0x90: {  	s7 =	rddreg [dreg:$0x16];
	[sflag:s24] =	ssyncadd.s32 $0xFFFFD800  }
0x91: {  	[tilespmem:s17], [sflag:$0x4] =	stream.indirect.gather [hbm4b:s4+s12], $0x80, s7, s12, $0xb8;
	[tilespmem:$0x1E820] =	vst v63  }
0x92: {  	_ =	swait.ge [sflag:s18], $0x2800  }
0x93: {  	[sflag:s18] =	ssyncset.done $0x0  }
0x94: {  	s9 =	rddreg [dreg:$0x17];
	[sflag:s18] =	ssyncadd.s32 $0xFFFFD800  }
0x95: {  	[spmem:s2] =	stream.indirect.scatter.add.f32 [tilespmem:s14], [sflag:$0x6], $0x80, s9, s12, $0xb8;
	[tilespmem:$0x1E820] =	vst v63  }
0x96: {  	_ =	swait.ge [sflag:s19], $0x2800  }
0x97: {  	[sflag:s19] =	ssyncset.done $0x0  }
0x98: {  	s25 =	rddreg [dreg:$0x18];
	[sflag:s19] =	ssyncadd.s32 $0xFFFFD800  }
0x99: {  	[tilespmem:s13], [sflag:$0x1] =	stream.indirect.gather [hbm4b:s4+s12], $0x80, s25, s12, $0xb8;
	[tilespmem:$0x1E820] =	vst v63  }
0x9a: {  	_ =	swait.ge [sflag:s20], $0x2800  }
0x9b: {  	[sflag:s20] =	ssyncset.done $0x0  }
0x9c: {  	s7 =	rddreg [dreg:$0x19];
	[sflag:s20] =	ssyncadd.s32 $0xFFFFD800  }
0x9d: {  	[spmem:s2] =	stream.indirect.scatter.add.f32 [tilespmem:s15], [sflag:$0x7], $0x80, s7, s12, $0xb8;
	[tilespmem:$0x1E820] =	vst v63  }
0x9e: {  	_ =	swait.ge [sflag:s21], $0x2800  }
0x9f: {  	[sflag:s21] =	ssyncset.done $0x0  }
0xa0: {  	s9 =	rddreg [dreg:$0x1a];
	[sflag:s21] =	ssyncadd.s32 $0xFFFFD800  }
0xa1: {  	[tilespmem:s14], [sflag:$0x2] =	stream.indirect.gather [hbm4b:s4+s12], $0x80, s9, s12, $0xb8;
	[tilespmem:$0x1E820] =	vst v63  }
0xa2: {  	_ =	swait.ge [sflag:s22], $0x2800  }
0xa3: {  	[sflag:s22] =	ssyncset.done $0x0  }
0xa4: {  	s25 =	rddreg [dreg:$0x1b];
	[sflag:s22] =	ssyncadd.s32 $0xFFFFD800  }
0xa5: {  	[spmem:s2] =	stream.indirect.scatter.add.f32 [tilespmem:s17], [sflag:$0x8], $0x80, s25, s12, $0xb8;
	[tilespmem:$0x1E820] =	vst v63  }
0xa6: {  	_ =	swait.ge [sflag:s23], $0x2800  }
0xa7: {  	[sflag:s23] =	ssyncset.done $0x0  }
0xa8: {  	s7 =	rddreg [dreg:$0x1c];
	[sflag:s23] =	ssyncadd.s32 $0xFFFFD800  }
0xa9: {  	[tilespmem:s15], [sflag:$0x3] =	stream.indirect.gather [hbm4b:s4+s12], $0x80, s7, s12, $0xb8;
	[tilespmem:$0x1E820] =	vst v63  }
0xaa: {  	_ =	swait.ge [sflag:s16], $0x2800  }
0xab: {  	[sflag:s16] =	ssyncset.done $0x0  }
0xac: {  	s9 =	rddreg [dreg:$0x1d];
	[sflag:s16] =	ssyncadd.s32 $0xFFFFD800  }
0xad: {  	[spmem:s2] =	stream.indirect.scatter.add.f32 [tilespmem:s13], [sflag:$0x5], $0x80, s9, s12, $0xb8;
	[tilespmem:$0x1E820] =	vst v63  }
0xae: {  	_ =	swait.ge [sflag:s24], $0x2800  }
0xaf: {  	[sflag:s24] =	ssyncset.done $0x0  }
0xb0: {  	s25 =	rddreg [dreg:$0x1e];
	[sflag:s24] =	ssyncadd.s32 $0xFFFFD800  }
0xb1: {  	[tilespmem:s17], [sflag:$0x4] =	stream.indirect.gather [hbm4b:s4+s12], $0x80, s25, s12, $0xb8;
	[tilespmem:$0x1E820] =	vst v63  }
0xb2: {  	_ =	swait.ge [sflag:s18], $0x2800  }
0xb3: {  	[sflag:s18] =	ssyncset.done $0x0  }
0xb4: {  	s7 =	rddreg [dreg:$0x1f];
	[sflag:s18] =	ssyncadd.s32 $0xFFFFD800  }
0xb5: {  	[spmem:s2] =	stream.indirect.scatter.add.f32 [tilespmem:s14], [sflag:$0x6], $0x80, s7, s12, $0xb8;
	[tilespmem:$0x1E820] =	vst v63  }
0xb6: {  	_ =	swait.ge [sflag:s19], $0x2800  }
0xb7: {  	s9 =	sld [smem:$0x7F1]  }
0xb8: {  	[sflag:s19] =	ssyncset.done $0x0  }
0xb9: {  	[sflag:s19] =	ssyncadd.s32 $0xFFFFD800  }
0xba: {  	[tilespmem:s13], [sflag:$0x1] =	stream.indirect.gather [hbm4b:s4+s12], $0x80, s9, s12, $0xb8;
	[tilespmem:$0x1E820] =	vst v63  }
0xbb: {  	_ =	swait.ge [sflag:s20], $0x2800  }
0xbc: {  	s25 =	sld [smem:$0x7F2]  }
0xbd: {  	[sflag:s20] =	ssyncset.done $0x0  }
0xbe: {  	[sflag:s20] =	ssyncadd.s32 $0xFFFFD800  }
0xbf: {  	[spmem:s2] =	stream.indirect.scatter.add.f32 [tilespmem:s15], [sflag:$0x7], $0x80, s25, s12, $0xb8;
	[tilespmem:$0x1E820] =	vst v63  }
0xc0: {  	_ =	swait.ge [sflag:s21], $0x2800  }
0xc1: {  	s7 =	sld [smem:$0x7F3]  }
0xc2: {  	[sflag:s21] =	ssyncset.done $0x0  }
0xc3: {  	[sflag:s21] =	ssyncadd.s32 $0xFFFFD800  }
0xc4: {  	[tilespmem:s14], [sflag:$0x2] =	stream.indirect.gather [hbm4b:s4+s12], $0x80, s7, s12, $0xb8;
	[tilespmem:$0x1E820] =	vst v63  }
0xc5: {  	_ =	swait.ge [sflag:s22], $0x2800  }
0xc6: {  	s9 =	sld [smem:$0x7F4]  }
0xc7: {  	[sflag:s22] =	ssyncset.done $0x0  }
0xc8: {  	[sflag:s22] =	ssyncadd.s32 $0xFFFFD800  }
0xc9: {  	[spmem:s2] =	stream.indirect.scatter.add.f32 [tilespmem:s17], [sflag:$0x8], $0x80, s9, s12, $0xb8;
	[tilespmem:$0x1E820] =	vst v63  }
0xca: {  	_ =	swait.ge [sflag:s23], $0x2800  }
0xcb: {  	s25 =	sld [smem:$0x7F5]  }
0xcc: {  	[sflag:s23] =	ssyncset.done $0x0  }
0xcd: {  	[sflag:s23] =	ssyncadd.s32 $0xFFFFD800  }
0xce: {  	[tilespmem:s15], [sflag:$0x3] =	stream.indirect.gather [hbm4b:s4+s12], $0x80, s25, s12, $0xb8;
	[tilespmem:$0x1E820] =	vst v63  }
0xcf: {  	_ =	swait.ge [sflag:s16], $0x2800  }
0xd0: {  	s7 =	sld [smem:$0x7F6]  }
0xd1: {  	[sflag:s16] =	ssyncset.done $0x0  }
0xd2: {  	[sflag:s16] =	ssyncadd.s32 $0xFFFFD800  }
0xd3: {  	[spmem:s2] =	stream.indirect.scatter.add.f32 [tilespmem:s13], [sflag:$0x5], $0x80, s7, s12, $0xb8;
	[tilespmem:$0x1E820] =	vst v63  }
0xd4: {  	_ =	swait.ge [sflag:s24], $0x2800  }
0xd5: {  	s9 =	sld [smem:$0x7F7]  }
0xd6: {  	[sflag:s24] =	ssyncset.done $0x0  }
0xd7: {  	[sflag:s24] =	ssyncadd.s32 $0xFFFFD800  }
0xd8: {  	[tilespmem:s17], [sflag:$0x4] =	stream.indirect.gather [hbm4b:s4+s12], $0x80, s9, s12, $0xb8;
	[tilespmem:$0x1E820] =	vst v63  }
0xd9: {  	_ =	swait.ge [sflag:s18], $0x2800  }
0xda: {  	s25 =	sld [smem:$0x7F8]  }
0xdb: {  	[sflag:s18] =	ssyncset.done $0x0  }
0xdc: {  	[sflag:s18] =	ssyncadd.s32 $0xFFFFD800  }
0xdd: {  	[spmem:s2] =	stream.indirect.scatter.add.f32 [tilespmem:s14], [sflag:$0x6], $0x80, s25, s12, $0xb8;
	[tilespmem:$0x1E820] =	vst v63  }
0xde: {  	_ =	swait.ge [sflag:s19], $0x2800  }
0xdf: {  	s7 =	sld [smem:$0x7F9]  }
0xe0: {  	[sflag:s19] =	ssyncset.done $0x0  }
0xe1: {  	[sflag:s19] =	ssyncadd.s32 $0xFFFFD800  }
0xe2: {  	[tilespmem:s13], [sflag:$0x1] =	stream.indirect.gather [hbm4b:s4+s12], $0x80, s7, s12, $0xb8;
	[tilespmem:$0x1E820] =	vst v63  }
0xe3: {  	_ =	swait.ge [sflag:s20], $0x2800  }
0xe4: {  	s9 =	sld [smem:$0x7FA]  }
0xe5: {  	[sflag:s20] =	ssyncset.done $0x0  }
0xe6: {  	[sflag:s20] =	ssyncadd.s32 $0xFFFFD800  }
0xe7: {  	[spmem:s2] =	stream.indirect.scatter.add.f32 [tilespmem:s15], [sflag:$0x7], $0x80, s9, s12, $0xb8;
	[tilespmem:$0x1E820] =	vst v63  }
0xe8: {  	_ =	swait.ge [sflag:s21], $0x2800  }
0xe9: {  	s25 =	sld [smem:$0x7FB]  }
0xea: {  	[sflag:s21] =	ssyncset.done $0x0  }
0xeb: {  	[sflag:s21] =	ssyncadd.s32 $0xFFFFD800  }
0xec: {  	[tilespmem:s14], [sflag:$0x2] =	stream.indirect.gather [hbm4b:s4+s12], $0x80, s25, s12, $0xb8;
	[tilespmem:$0x1E820] =	vst v63  }
0xed: {  	_ =	swait.ge [sflag:s22], $0x2800  }
0xee: {  	[sflag:s22] =	ssyncset.done $0x0  }
0xef: {  	[sflag:s22] =	ssyncadd.s32 $0xFFFFD800  }
0xf0: {  	[spmem:s2] =	stream.indirect.scatter.add.f32 [tilespmem:s17], [sflag:$0x8], $0x80, s26, s12, $0xb8;
	[tilespmem:$0x1E820] =	vst v63  }
0xf1: {  	_ =	swait.ge [sflag:s23], $0x2800  }
0xf2: {  	[sflag:s23] =	ssyncset.done $0x0  }
0xf3: {  	[sflag:s23] =	ssyncadd.s32 $0xFFFFD800  }
0xf4: {  	[tilespmem:s15], [sflag:$0x3] =	stream.indirect.gather [hbm4b:s4+s12], $0x80, s28, s12, $0xb8;
	[tilespmem:$0x1E820] =	vst v63  }
0xf5: {  	_ =	swait.ge [sflag:s16], $0x2800  }
0xf6: {  	[sflag:s16] =	ssyncset.done $0x0  }
0xf7: {  	[sflag:s16] =	ssyncadd.s32 $0xFFFFD800  }
0xf8: {  	[spmem:s2] =	stream.indirect.scatter.add.f32 [tilespmem:s13], [sflag:$0x5], $0x80, s29, s12, $0xb8;
	[tilespmem:$0x1E820] =	vst v63  }
0xf9: {  	_ =	swait.ge [sflag:s24], $0x2800  }
0xfa: {  	[sflag:s24] =	ssyncset.done $0x0  }
0xfb: {  	[sflag:s24] =	ssyncadd.s32 $0xFFFFD800  }
0xfc: {  	[tilespmem:s17], [sflag:$0x4] =	stream.indirect.gather [hbm4b:s4+s12], $0x80, s30, s12, $0xb8;
	[tilespmem:$0x1E820] =	vst v63  }
0xfd: {  	_ =	swait.ge [sflag:s18], $0x2800  }
0xfe: {  	[sflag:s18] =	ssyncset.done $0x0  }
0xff: {  	[sflag:s18] =	ssyncadd.s32 $0xFFFFD800  }
0x100: {  	[spmem:s2] =	stream.indirect.scatter.add.f32 [tilespmem:s14], [sflag:$0x6], $0x80, s31, s12, $0xb8;
	[tilespmem:$0x1E820] =	vst v63  }
0x101: {  	_ =	swait.ge [sflag:s19], $0x2800  }
0x102: {  	[sflag:s19] =	ssyncset.done $0x0  }
0x103: {  	[sflag:s19] =	ssyncadd.s32 $0xFFFFD800  }
0x104: {  	[tilespmem:s13], [sflag:$0x1] =	stream.indirect.gather [hbm4b:s4+s12], $0x80, s1, s12, $0xb8;
	[tilespmem:$0x1E820] =	vst v63  }
0x105: {  	_ =	swait.ge [sflag:s20], $0x2800  }
0x106: {  	[sflag:s20] =	ssyncset.done $0x0  }
0x107: {  	[sflag:s20] =	ssyncadd.s32 $0xFFFFD800  }
0x108: {  	[spmem:s2] =	stream.indirect.scatter.add.f32 [tilespmem:s15], [sflag:$0x7], $0x80, s0, s12, $0xb8;
	[tilespmem:$0x1E820] =	vst v63  }
0x109: {  	_ =	swait.ge [sflag:s22], $0x2800  }
0x10a: {  	[sflag:s22] =	ssyncset.done $0x0  }
0x10b: {  	[sflag:s22] =	ssyncadd.s32 $0xFFFFD800  }
0x10c: {  	[spmem:s2] =	stream.indirect.scatter.add.f32 [tilespmem:s17], [sflag:$0x8], $0x80, s5, s12, $0xb8;
	[tilespmem:$0x1E820] =	vst v63  }
0x10d: {  	_ =	swait.ge [sflag:s16], $0x2800  }
0x10e: {  	[sflag:s16] =	ssyncset.done $0x0  }
0x10f: {  	[sflag:s16] =	ssyncadd.s32 $0xFFFFD800  }
0x110: {  	[spmem:s2] =	stream.indirect.scatter.add.f32 [tilespmem:s13], [sflag:$0x5], $0x80, s6, s12, $0xb8;
	[tilespmem:$0x1E820] =	vst v63  }
0x111: {  	_ =	swait.ge [sflag:s21], $0x2800  }
0x112: {  	[sflag:s21] =	ssyncset.done $0x0  }
0x113: {  	[sflag:s21] =	ssyncadd.s32 $0xFFFFD800  }
0x114: {  	_ =	swait.ge [sflag:s23], $0x2800  }
0x115: {  	[sflag:s23] =	ssyncset.done $0x0  }
0x116: {  	[sflag:s23] =	ssyncadd.s32 $0xFFFFD800  }
0x117: {  	_ =	swait.ge [sflag:s24], $0x2800  }
0x118: {  	[sflag:s24] =	ssyncset.done $0x0  }
0x119: {  	[sflag:s24] =	ssyncadd.s32 $0xFFFFD800  }
0x11a: {  	s9 =	simm.s32 $0xFA;
	_ =	swait.ge [sflag:s19], $0x2800  }
0x11b: {  	s25 =	simm.s32 $0x1F4;
	s8 =	rddreg [dreg:$0x3];
	[sflag:s19] =	ssyncset.done $0x0  }
.LBB2_2:
0x11c: {  	[sflag:s19] =	ssyncadd.s32 $0xFFFFD800;
	s8 =	sadd.s32 s9, s8  }
0x11d: {  	[tilespmem:s10], [sflag:$0x9] =	stream.linear.gather [hbm4b:s8+s3], $0x7D0, $0x38;
	[tilespmem:$0x1E820] =	vst v63  }
0x11e: {  	_ =	swait.ge [sflag:s11], $0x7D0  }
0x11f: {  	s8 =	rddreg [dreg:$0x4];
	[sflag:s11] =	ssyncset.done $0x0  }
0x120: {  	[sflag:s11] =	ssyncadd.s32 $0xFFFFF830;
	s8 =	sadd.s32 s9, s8  }
0x121: {  	[tilespmem:s3], [sflag:$0x9] =	stream.linear.gather [hbm4b:s8+s3], $0x7D0, $0x38;
	[tilespmem:$0x1E820] =	vst v63  }
0x122: {  	_ =	swait.ge [sflag:s11], $0x7D0  }
0x123: {  	[sflag:s11] =	ssyncset.done $0x0  }
0x124: {  	[sflag:s11] =	ssyncadd.s32 $0xFFFFF830  }
0x125: {  	[tilespmem:s13], [sflag:$0x1] =	stream.indirect.gather [hbm4b:s4+s12], $0x80, s3, s12, $0xb8;
	[tilespmem:$0x1E820] =	vst v63  }
0x126: {  	_ = 	snop  }
0x127: {  	[tilespmem:s14], [sflag:$0x2] =	stream.indirect.gather [hbm4b:s4+s12], $0x80, s12, s12, $0xb8;
	[tilespmem:$0x1E820] =	vst v63  }
0x128: {  	s8 =	rddreg [dreg:$0x5]  }
0x129: {  	[tilespmem:s15], [sflag:$0x3] =	stream.indirect.gather [hbm4b:s4+s12], $0x80, s8, s12, $0xb8;
	[tilespmem:$0x1E820] =	vst v63  }
0x12a: {  	_ =	swait.ge [sflag:s16], $0x2800  }
0x12b: {  	[sflag:s16] =	ssyncset.done $0x0  }
0x12c: {  	[sflag:s16] =	ssyncadd.s32 $0xFFFFD800  }
0x12d: {  	[spmem:s2] =	stream.indirect.scatter.add.f32 [tilespmem:s13], [sflag:$0x5], $0x80, s10, s12, $0xb8;
	[tilespmem:$0x1E820] =	vst v63  }
0x12e: {  	s8 =	rddreg [dreg:$0x6]  }
0x12f: {  	[tilespmem:s17], [sflag:$0x4] =	stream.indirect.gather [hbm4b:s4+s12], $0x80, s8, s12, $0xb8;
	[tilespmem:$0x1E820] =	vst v63  }
0x130: {  	_ =	swait.ge [sflag:s18], $0x2800  }
0x131: {  	[sflag:s18] =	ssyncset.done $0x0  }
0x132: {  	s8 =	rddreg [dreg:$0x7];
	[sflag:s18] =	ssyncadd.s32 $0xFFFFD800  }
0x133: {  	[spmem:s2] =	stream.indirect.scatter.add.f32 [tilespmem:s14], [sflag:$0x6], $0x80, s8, s12, $0xb8;
	[tilespmem:$0x1E820] =	vst v63  }
0x134: {  	_ =	swait.ge [sflag:s19], $0x2800  }
0x135: {  	[sflag:s19] =	ssyncset.done $0x0  }
0x136: {  	s8 =	rddreg [dreg:$0x8];
	[sflag:s19] =	ssyncadd.s32 $0xFFFFD800  }
0x137: {  	[tilespmem:s13], [sflag:$0x1] =	stream.indirect.gather [hbm4b:s4+s12], $0x80, s8, s12, $0xb8;
	[tilespmem:$0x1E820] =	vst v63  }
0x138: {  	_ =	swait.ge [sflag:s20], $0x2800  }
0x139: {  	[sflag:s20] =	ssyncset.done $0x0  }
0x13a: {  	s8 =	rddreg [dreg:$0x9];
	[sflag:s20] =	ssyncadd.s32 $0xFFFFD800  }
0x13b: {  	[spmem:s2] =	stream.indirect.scatter.add.f32 [tilespmem:s15], [sflag:$0x7], $0x80, s8, s12, $0xb8;
	[tilespmem:$0x1E820] =	vst v63  }
0x13c: {  	_ =	swait.ge [sflag:s21], $0x2800  }
0x13d: {  	[sflag:s21] =	ssyncset.done $0x0  }
0x13e: {  	s8 =	rddreg [dreg:$0xa];
	[sflag:s21] =	ssyncadd.s32 $0xFFFFD800  }
0x13f: {  	[tilespmem:s14], [sflag:$0x2] =	stream.indirect.gather [hbm4b:s4+s12], $0x80, s8, s12, $0xb8;
	[tilespmem:$0x1E820] =	vst v63  }
0x140: {  	_ =	swait.ge [sflag:s22], $0x2800  }
0x141: {  	[sflag:s22] =	ssyncset.done $0x0  }
0x142: {  	s8 =	rddreg [dreg:$0xb];
	[sflag:s22] =	ssyncadd.s32 $0xFFFFD800  }
0x143: {  	[spmem:s2] =	stream.indirect.scatter.add.f32 [tilespmem:s17], [sflag:$0x8], $0x80, s8, s12, $0xb8;
	[tilespmem:$0x1E820] =	vst v63  }
0x144: {  	_ =	swait.ge [sflag:s23], $0x2800  }
0x145: {  	[sflag:s23] =	ssyncset.done $0x0  }
0x146: {  	s8 =	rddreg [dreg:$0xc];
	[sflag:s23] =	ssyncadd.s32 $0xFFFFD800  }
0x147: {  	[tilespmem:s15], [sflag:$0x3] =	stream.indirect.gather [hbm4b:s4+s12], $0x80, s8, s12, $0xb8;
	[tilespmem:$0x1E820] =	vst v63  }
0x148: {  	_ =	swait.ge [sflag:s16], $0x2800  }
0x149: {  	[sflag:s16] =	ssyncset.done $0x0  }
0x14a: {  	s8 =	rddreg [dreg:$0xd];
	[sflag:s16] =	ssyncadd.s32 $0xFFFFD800  }
0x14b: {  	[spmem:s2] =	stream.indirect.scatter.add.f32 [tilespmem:s13], [sflag:$0x5], $0x80, s8, s12, $0xb8;
	[tilespmem:$0x1E820] =	vst v63  }
0x14c: {  	_ =	swait.ge [sflag:s24], $0x2800  }
0x14d: {  	[sflag:s24] =	ssyncset.done $0x0  }
0x14e: {  	s8 =	rddreg [dreg:$0xe];
	[sflag:s24] =	ssyncadd.s32 $0xFFFFD800  }
0x14f: {  	[tilespmem:s17], [sflag:$0x4] =	stream.indirect.gather [hbm4b:s4+s12], $0x80, s8, s12, $0xb8;
	[tilespmem:$0x1E820] =	vst v63  }
0x150: {  	_ =	swait.ge [sflag:s18], $0x2800  }
0x151: {  	[sflag:s18] =	ssyncset.done $0x0  }
0x152: {  	s8 =	rddreg [dreg:$0xf];
	[sflag:s18] =	ssyncadd.s32 $0xFFFFD800  }
0x153: {  	[spmem:s2] =	stream.indirect.scatter.add.f32 [tilespmem:s14], [sflag:$0x6], $0x80, s8, s12, $0xb8;
	[tilespmem:$0x1E820] =	vst v63  }
0x154: {  	_ =	swait.ge [sflag:s19], $0x2800  }
0x155: {  	[sflag:s19] =	ssyncset.done $0x0  }
0x156: {  	s8 =	rddreg [dreg:$0x10];
	[sflag:s19] =	ssyncadd.s32 $0xFFFFD800  }
0x157: {  	[tilespmem:s13], [sflag:$0x1] =	stream.indirect.gather [hbm4b:s4+s12], $0x80, s8, s12, $0xb8;
	[tilespmem:$0x1E820] =	vst v63  }
0x158: {  	_ =	swait.ge [sflag:s20], $0x2800  }
0x159: {  	[sflag:s20] =	ssyncset.done $0x0  }
0x15a: {  	s8 =	rddreg [dreg:$0x11];
	[sflag:s20] =	ssyncadd.s32 $0xFFFFD800  }
0x15b: {  	[spmem:s2] =	stream.indirect.scatter.add.f32 [tilespmem:s15], [sflag:$0x7], $0x80, s8, s12, $0xb8;
	[tilespmem:$0x1E820] =	vst v63  }
0x15c: {  	_ =	swait.ge [sflag:s21], $0x2800  }
0x15d: {  	[sflag:s21] =	ssyncset.done $0x0  }
0x15e: {  	s8 =	rddreg [dreg:$0x12];
	[sflag:s21] =	ssyncadd.s32 $0xFFFFD800  }
0x15f: {  	[tilespmem:s14], [sflag:$0x2] =	stream.indirect.gather [hbm4b:s4+s12], $0x80, s8, s12, $0xb8;
	[tilespmem:$0x1E820] =	vst v63  }
0x160: {  	_ =	swait.ge [sflag:s22], $0x2800  }
0x161: {  	[sflag:s22] =	ssyncset.done $0x0  }
0x162: {  	s8 =	rddreg [dreg:$0x13];
	[sflag:s22] =	ssyncadd.s32 $0xFFFFD800  }
0x163: {  	[spmem:s2] =	stream.indirect.scatter.add.f32 [tilespmem:s17], [sflag:$0x8], $0x80, s8, s12, $0xb8;
	[tilespmem:$0x1E820] =	vst v63  }
0x164: {  	_ =	swait.ge [sflag:s23], $0x2800  }
0x165: {  	[sflag:s23] =	ssyncset.done $0x0  }
0x166: {  	s8 =	rddreg [dreg:$0x14];
	[sflag:s23] =	ssyncadd.s32 $0xFFFFD800  }
0x167: {  	[tilespmem:s15], [sflag:$0x3] =	stream.indirect.gather [hbm4b:s4+s12], $0x80, s8, s12, $0xb8;
	[tilespmem:$0x1E820] =	vst v63  }
0x168: {  	_ =	swait.ge [sflag:s16], $0x2800  }
0x169: {  	[sflag:s16] =	ssyncset.done $0x0  }
0x16a: {  	s8 =	rddreg [dreg:$0x15];
	[sflag:s16] =	ssyncadd.s32 $0xFFFFD800  }
0x16b: {  	[spmem:s2] =	stream.indirect.scatter.add.f32 [tilespmem:s13], [sflag:$0x5], $0x80, s8, s12, $0xb8;
	[tilespmem:$0x1E820] =	vst v63  }
0x16c: {  	_ =	swait.ge [sflag:s24], $0x2800  }
0x16d: {  	[sflag:s24] =	ssyncset.done $0x0  }
0x16e: {  	s8 =	rddreg [dreg:$0x16];
	[sflag:s24] =	ssyncadd.s32 $0xFFFFD800  }
0x16f: {  	[tilespmem:s17], [sflag:$0x4] =	stream.indirect.gather [hbm4b:s4+s12], $0x80, s8, s12, $0xb8;
	[tilespmem:$0x1E820] =	vst v63  }
0x170: {  	_ =	swait.ge [sflag:s18], $0x2800  }
0x171: {  	[sflag:s18] =	ssyncset.done $0x0  }
0x172: {  	s8 =	rddreg [dreg:$0x17];
	[sflag:s18] =	ssyncadd.s32 $0xFFFFD800  }
0x173: {  	[spmem:s2] =	stream.indirect.scatter.add.f32 [tilespmem:s14], [sflag:$0x6], $0x80, s8, s12, $0xb8;
	[tilespmem:$0x1E820] =	vst v63  }
0x174: {  	_ =	swait.ge [sflag:s19], $0x2800  }
0x175: {  	[sflag:s19] =	ssyncset.done $0x0  }
0x176: {  	s8 =	rddreg [dreg:$0x18];
	[sflag:s19] =	ssyncadd.s32 $0xFFFFD800  }
0x177: {  	[tilespmem:s13], [sflag:$0x1] =	stream.indirect.gather [hbm4b:s4+s12], $0x80, s8, s12, $0xb8;
	[tilespmem:$0x1E820] =	vst v63  }
0x178: {  	_ =	swait.ge [sflag:s20], $0x2800  }
0x179: {  	[sflag:s20] =	ssyncset.done $0x0  }
0x17a: {  	s8 =	rddreg [dreg:$0x19];
	[sflag:s20] =	ssyncadd.s32 $0xFFFFD800  }
0x17b: {  	[spmem:s2] =	stream.indirect.scatter.add.f32 [tilespmem:s15], [sflag:$0x7], $0x80, s8, s12, $0xb8;
	[tilespmem:$0x1E820] =	vst v63  }
0x17c: {  	_ =	swait.ge [sflag:s21], $0x2800  }
0x17d: {  	[sflag:s21] =	ssyncset.done $0x0  }
0x17e: {  	s8 =	rddreg [dreg:$0x1a];
	[sflag:s21] =	ssyncadd.s32 $0xFFFFD800  }
0x17f: {  	[tilespmem:s14], [sflag:$0x2] =	stream.indirect.gather [hbm4b:s4+s12], $0x80, s8, s12, $0xb8;
	[tilespmem:$0x1E820] =	vst v63  }
0x180: {  	_ =	swait.ge [sflag:s22], $0x2800  }
0x181: {  	[sflag:s22] =	ssyncset.done $0x0  }
0x182: {  	s8 =	rddreg [dreg:$0x1b];
	[sflag:s22] =	ssyncadd.s32 $0xFFFFD800  }
0x183: {  	[spmem:s2] =	stream.indirect.scatter.add.f32 [tilespmem:s17], [sflag:$0x8], $0x80, s8, s12, $0xb8;
	[tilespmem:$0x1E820] =	vst v63  }
0x184: {  	_ =	swait.ge [sflag:s23], $0x2800  }
0x185: {  	[sflag:s23] =	ssyncset.done $0x0  }
0x186: {  	s8 =	rddreg [dreg:$0x1c];
	[sflag:s23] =	ssyncadd.s32 $0xFFFFD800  }
0x187: {  	[tilespmem:s15], [sflag:$0x3] =	stream.indirect.gather [hbm4b:s4+s12], $0x80, s8, s12, $0xb8;
	[tilespmem:$0x1E820] =	vst v63  }
0x188: {  	_ =	swait.ge [sflag:s16], $0x2800  }
0x189: {  	[sflag:s16] =	ssyncset.done $0x0  }
0x18a: {  	s8 =	rddreg [dreg:$0x1d];
	[sflag:s16] =	ssyncadd.s32 $0xFFFFD800  }
0x18b: {  	[spmem:s2] =	stream.indirect.scatter.add.f32 [tilespmem:s13], [sflag:$0x5], $0x80, s8, s12, $0xb8;
	[tilespmem:$0x1E820] =	vst v63  }
0x18c: {  	_ =	swait.ge [sflag:s24], $0x2800  }
0x18d: {  	[sflag:s24] =	ssyncset.done $0x0  }
0x18e: {  	s8 =	rddreg [dreg:$0x1e];
	[sflag:s24] =	ssyncadd.s32 $0xFFFFD800  }
0x18f: {  	[tilespmem:s17], [sflag:$0x4] =	stream.indirect.gather [hbm4b:s4+s12], $0x80, s8, s12, $0xb8;
	[tilespmem:$0x1E820] =	vst v63  }
0x190: {  	_ =	swait.ge [sflag:s18], $0x2800  }
0x191: {  	[sflag:s18] =	ssyncset.done $0x0  }
0x192: {  	s8 =	rddreg [dreg:$0x1f];
	[sflag:s18] =	ssyncadd.s32 $0xFFFFD800  }
0x193: {  	[spmem:s2] =	stream.indirect.scatter.add.f32 [tilespmem:s14], [sflag:$0x6], $0x80, s8, s12, $0xb8;
	[tilespmem:$0x1E820] =	vst v63  }
0x194: {  	_ =	swait.ge [sflag:s19], $0x2800  }
0x195: {  	s8 =	sld [smem:$0x7F1]  }
0x196: {  	[sflag:s19] =	ssyncset.done $0x0  }
0x197: {  	[sflag:s19] =	ssyncadd.s32 $0xFFFFD800  }
0x198: {  	[tilespmem:s13], [sflag:$0x1] =	stream.indirect.gather [hbm4b:s4+s12], $0x80, s8, s12, $0xb8;
	[tilespmem:$0x1E820] =	vst v63  }
0x199: {  	_ =	swait.ge [sflag:s20], $0x2800  }
0x19a: {  	s8 =	sld [smem:$0x7F2]  }
0x19b: {  	[sflag:s20] =	ssyncset.done $0x0  }
0x19c: {  	[sflag:s20] =	ssyncadd.s32 $0xFFFFD800  }
0x19d: {  	[spmem:s2] =	stream.indirect.scatter.add.f32 [tilespmem:s15], [sflag:$0x7], $0x80, s8, s12, $0xb8;
	[tilespmem:$0x1E820] =	vst v63  }
0x19e: {  	_ =	swait.ge [sflag:s21], $0x2800  }
0x19f: {  	s8 =	sld [smem:$0x7F3]  }
0x1a0: {  	[sflag:s21] =	ssyncset.done $0x0  }
0x1a1: {  	[sflag:s21] =	ssyncadd.s32 $0xFFFFD800  }
0x1a2: {  	[tilespmem:s14], [sflag:$0x2] =	stream.indirect.gather [hbm4b:s4+s12], $0x80, s8, s12, $0xb8;
	[tilespmem:$0x1E820] =	vst v63  }
0x1a3: {  	_ =	swait.ge [sflag:s22], $0x2800  }
0x1a4: {  	s8 =	sld [smem:$0x7F4]  }
0x1a5: {  	[sflag:s22] =	ssyncset.done $0x0  }
0x1a6: {  	[sflag:s22] =	ssyncadd.s32 $0xFFFFD800  }
0x1a7: {  	[spmem:s2] =	stream.indirect.scatter.add.f32 [tilespmem:s17], [sflag:$0x8], $0x80, s8, s12, $0xb8;
	[tilespmem:$0x1E820] =	vst v63  }
0x1a8: {  	_ =	swait.ge [sflag:s23], $0x2800  }
0x1a9: {  	s8 =	sld [smem:$0x7F5]  }
0x1aa: {  	[sflag:s23] =	ssyncset.done $0x0  }
0x1ab: {  	[sflag:s23] =	ssyncadd.s32 $0xFFFFD800  }
0x1ac: {  	[tilespmem:s15], [sflag:$0x3] =	stream.indirect.gather [hbm4b:s4+s12], $0x80, s8, s12, $0xb8;
	[tilespmem:$0x1E820] =	vst v63  }
0x1ad: {  	_ =	swait.ge [sflag:s16], $0x2800  }
0x1ae: {  	s8 =	sld [smem:$0x7F6]  }
0x1af: {  	[sflag:s16] =	ssyncset.done $0x0  }
0x1b0: {  	[sflag:s16] =	ssyncadd.s32 $0xFFFFD800  }
0x1b1: {  	[spmem:s2] =	stream.indirect.scatter.add.f32 [tilespmem:s13], [sflag:$0x5], $0x80, s8, s12, $0xb8;
	[tilespmem:$0x1E820] =	vst v63  }
0x1b2: {  	_ =	swait.ge [sflag:s24], $0x2800  }
0x1b3: {  	s8 =	sld [smem:$0x7F7]  }
0x1b4: {  	[sflag:s24] =	ssyncset.done $0x0  }
0x1b5: {  	[sflag:s24] =	ssyncadd.s32 $0xFFFFD800  }
0x1b6: {  	[tilespmem:s17], [sflag:$0x4] =	stream.indirect.gather [hbm4b:s4+s12], $0x80, s8, s12, $0xb8;
	[tilespmem:$0x1E820] =	vst v63  }
0x1b7: {  	_ =	swait.ge [sflag:s18], $0x2800  }
0x1b8: {  	s8 =	sld [smem:$0x7F8]  }
0x1b9: {  	[sflag:s18] =	ssyncset.done $0x0  }
0x1ba: {  	[sflag:s18] =	ssyncadd.s32 $0xFFFFD800  }
0x1bb: {  	[spmem:s2] =	stream.indirect.scatter.add.f32 [tilespmem:s14], [sflag:$0x6], $0x80, s8, s12, $0xb8;
	[tilespmem:$0x1E820] =	vst v63  }
0x1bc: {  	_ =	swait.ge [sflag:s19], $0x2800  }
0x1bd: {  	s8 =	sld [smem:$0x7F9]  }
0x1be: {  	[sflag:s19] =	ssyncset.done $0x0  }
0x1bf: {  	[sflag:s19] =	ssyncadd.s32 $0xFFFFD800  }
0x1c0: {  	[tilespmem:s13], [sflag:$0x1] =	stream.indirect.gather [hbm4b:s4+s12], $0x80, s8, s12, $0xb8;
	[tilespmem:$0x1E820] =	vst v63  }
0x1c1: {  	_ =	swait.ge [sflag:s20], $0x2800  }
0x1c2: {  	s8 =	sld [smem:$0x7FA]  }
0x1c3: {  	[sflag:s20] =	ssyncset.done $0x0  }
0x1c4: {  	[sflag:s20] =	ssyncadd.s32 $0xFFFFD800  }
0x1c5: {  	[spmem:s2] =	stream.indirect.scatter.add.f32 [tilespmem:s15], [sflag:$0x7], $0x80, s8, s12, $0xb8;
	[tilespmem:$0x1E820] =	vst v63  }
0x1c6: {  	_ =	swait.ge [sflag:s21], $0x2800  }
0x1c7: {  	s8 =	sld [smem:$0x7FB]  }
0x1c8: {  	[sflag:s21] =	ssyncset.done $0x0  }
0x1c9: {  	[sflag:s21] =	ssyncadd.s32 $0xFFFFD800  }
0x1ca: {  	[tilespmem:s14], [sflag:$0x2] =	stream.indirect.gather [hbm4b:s4+s12], $0x80, s8, s12, $0xb8;
	[tilespmem:$0x1E820] =	vst v63  }
0x1cb: {  	_ =	swait.ge [sflag:s22], $0x2800  }
0x1cc: {  	[sflag:s22] =	ssyncset.done $0x0  }
0x1cd: {  	[sflag:s22] =	ssyncadd.s32 $0xFFFFD800  }
0x1ce: {  	[spmem:s2] =	stream.indirect.scatter.add.f32 [tilespmem:s17], [sflag:$0x8], $0x80, s26, s12, $0xb8;
	[tilespmem:$0x1E820] =	vst v63  }
0x1cf: {  	_ =	swait.ge [sflag:s23], $0x2800  }
0x1d0: {  	[sflag:s23] =	ssyncset.done $0x0  }
0x1d1: {  	[sflag:s23] =	ssyncadd.s32 $0xFFFFD800  }
0x1d2: {  	[tilespmem:s15], [sflag:$0x3] =	stream.indirect.gather [hbm4b:s4+s12], $0x80, s28, s12, $0xb8;
	[tilespmem:$0x1E820] =	vst v63  }
0x1d3: {  	_ =	swait.ge [sflag:s16], $0x2800  }
0x1d4: {  	[sflag:s16] =	ssyncset.done $0x0  }
0x1d5: {  	[sflag:s16] =	ssyncadd.s32 $0xFFFFD800  }
0x1d6: {  	[spmem:s2] =	stream.indirect.scatter.add.f32 [tilespmem:s13], [sflag:$0x5], $0x80, s29, s12, $0xb8;
	[tilespmem:$0x1E820] =	vst v63  }
0x1d7: {  	_ =	swait.ge [sflag:s24], $0x2800  }
0x1d8: {  	[sflag:s24] =	ssyncset.done $0x0  }
0x1d9: {  	[sflag:s24] =	ssyncadd.s32 $0xFFFFD800  }
0x1da: {  	[tilespmem:s17], [sflag:$0x4] =	stream.indirect.gather [hbm4b:s4+s12], $0x80, s30, s12, $0xb8;
	[tilespmem:$0x1E820] =	vst v63  }
0x1db: {  	_ =	swait.ge [sflag:s18], $0x2800  }
0x1dc: {  	[sflag:s18] =	ssyncset.done $0x0  }
0x1dd: {  	[sflag:s18] =	ssyncadd.s32 $0xFFFFD800  }
0x1de: {  	[spmem:s2] =	stream.indirect.scatter.add.f32 [tilespmem:s14], [sflag:$0x6], $0x80, s31, s12, $0xb8;
	[tilespmem:$0x1E820] =	vst v63  }
0x1df: {  	_ =	swait.ge [sflag:s19], $0x2800  }
0x1e0: {  	[sflag:s19] =	ssyncset.done $0x0  }
0x1e1: {  	[sflag:s19] =	ssyncadd.s32 $0xFFFFD800  }
0x1e2: {  	[tilespmem:s13], [sflag:$0x1] =	stream.indirect.gather [hbm4b:s4+s12], $0x80, s1, s12, $0xb8;
	[tilespmem:$0x1E820] =	vst v63  }
0x1e3: {  	_ =	swait.ge [sflag:s20], $0x2800  }
0x1e4: {  	[sflag:s20] =	ssyncset.done $0x0  }
0x1e5: {  	[sflag:s20] =	ssyncadd.s32 $0xFFFFD800  }
0x1e6: {  	[spmem:s2] =	stream.indirect.scatter.add.f32 [tilespmem:s15], [sflag:$0x7], $0x80, s0, s12, $0xb8;
	[tilespmem:$0x1E820] =	vst v63  }
0x1e7: {  	_ =	swait.ge [sflag:s22], $0x2800  }
0x1e8: {  	[sflag:s22] =	ssyncset.done $0x0  }
0x1e9: {  	[sflag:s22] =	ssyncadd.s32 $0xFFFFD800  }
0x1ea: {  	[spmem:s2] =	stream.indirect.scatter.add.f32 [tilespmem:s17], [sflag:$0x8], $0x80, s5, s12, $0xb8;
	[tilespmem:$0x1E820] =	vst v63  }
0x1eb: {  	_ =	swait.ge [sflag:s16], $0x2800  }
0x1ec: {  	[sflag:s16] =	ssyncset.done $0x0  }
0x1ed: {  	[sflag:s16] =	ssyncadd.s32 $0xFFFFD800  }
0x1ee: {  	[spmem:s2] =	stream.indirect.scatter.add.f32 [tilespmem:s13], [sflag:$0x5], $0x80, s6, s12, $0xb8;
	[tilespmem:$0x1E820] =	vst v63  }
0x1ef: {  	_ =	swait.ge [sflag:s21], $0x2800  }
0x1f0: {  	[sflag:s21] =	ssyncset.done $0x0  }
0x1f1: {  	[sflag:s21] =	ssyncadd.s32 $0xFFFFD800  }
0x1f2: {  	_ =	swait.ge [sflag:s23], $0x2800  }
0x1f3: {  	[sflag:s23] =	ssyncset.done $0x0  }
0x1f4: {  	p1 =	sne.s32 s25, $0x3E8;
	[sflag:s23] =	ssyncadd.s32 $0xFFFFD800  }
.Ltmp0:
0x1f5: {  	_ =	swait.ge [sflag:s24], $0x2800;
	(pc) =	sbr.rel @p1 .LBB2_2-.Ltmp0, $4  }
0x1f6: {  	[sflag:s24] =	ssyncset.done $0x0  }
0x1f7: {  	[sflag:s24] =	ssyncadd.s32 $0xFFFFD800  }
0x1f8: {  	s7 =	smov.u32 s25;
	s25 =	sadd.s32 $0xFA, s25;
	_ =	swait.ge [sflag:s19], $0x2800  }
0x1f9: {  	s9 =	smov.u32 s7;
	s8 =	rddreg [dreg:$0x3];
	[sflag:s19] =	ssyncset.done $0x0  }
0x1fa: {  	[sflag:s19] =	ssyncadd.s32 $0xFFFFD800;
	s7 =	sadd.s32 s9, s8  }
0x1fb: {  	[tilespmem:s10], [sflag:$0x9] =	stream.linear.gather [hbm4b:s7+s3], $0x7D0, $0x38;
	[tilespmem:$0x1E820] =	vst v63  }
0x1fc: {  	_ =	swait.ge [sflag:s11], $0x7D0  }
0x1fd: {  	s8 =	rddreg [dreg:$0x4];
	[sflag:s11] =	ssyncset.done $0x0  }
0x1fe: {  	s7 =	sadd.s32 s9, s8;
	[sflag:s11] =	ssyncadd.s32 $0xFFFFF830  }
0x1ff: {  	[tilespmem:s3], [sflag:$0x9] =	stream.linear.gather [hbm4b:s7+s3], $0x7D0, $0x38;
	[tilespmem:$0x1E820] =	vst v63  }
0x200: {  	_ =	swait.ge [sflag:s11], $0x7D0  }
0x201: {  	[sflag:s11] =	ssyncset.done $0x0  }
0x202: {  	[sflag:s11] =	ssyncadd.s32 $0xFFFFF830  }
0x203: {  	[tilespmem:s13], [sflag:$0x1] =	stream.indirect.gather [hbm4b:s4+s12], $0x80, s3, s12, $0xb8;
	[tilespmem:$0x1E820] =	vst v63  }
0x204: {  	_ = 	snop  }
0x205: {  	[tilespmem:s14], [sflag:$0x2] =	stream.indirect.gather [hbm4b:s4+s12], $0x80, s12, s12, $0xb8;
	[tilespmem:$0x1E820] =	vst v63  }
0x206: {  	s9 =	rddreg [dreg:$0x5]  }
0x207: {  	[tilespmem:s15], [sflag:$0x3] =	stream.indirect.gather [hbm4b:s4+s12], $0x80, s9, s12, $0xb8;
	[tilespmem:$0x1E820] =	vst v63  }
0x208: {  	_ =	swait.ge [sflag:s16], $0x2800  }
0x209: {  	[sflag:s16] =	ssyncset.done $0x0  }
0x20a: {  	[sflag:s16] =	ssyncadd.s32 $0xFFFFD800  }
0x20b: {  	[spmem:s2] =	stream.indirect.scatter.add.f32 [tilespmem:s13], [sflag:$0x5], $0x80, s10, s12, $0xb8;
	[tilespmem:$0x1E820] =	vst v63  }
0x20c: {  	s25 =	rddreg [dreg:$0x6]  }
0x20d: {  	[tilespmem:s17], [sflag:$0x4] =	stream.indirect.gather [hbm4b:s4+s12], $0x80, s25, s12, $0xb8;
	[tilespmem:$0x1E820] =	vst v63  }
0x20e: {  	_ =	swait.ge [sflag:s18], $0x2800  }
0x20f: {  	[sflag:s18] =	ssyncset.done $0x0  }
0x210: {  	s8 =	rddreg [dreg:$0x7];
	[sflag:s18] =	ssyncadd.s32 $0xFFFFD800  }
0x211: {  	[spmem:s2] =	stream.indirect.scatter.add.f32 [tilespmem:s14], [sflag:$0x6], $0x80, s8, s12, $0xb8;
	[tilespmem:$0x1E820] =	vst v63  }
0x212: {  	_ =	swait.ge [sflag:s19], $0x2800  }
0x213: {  	[sflag:s19] =	ssyncset.done $0x0  }
0x214: {  	s9 =	rddreg [dreg:$0x8];
	[sflag:s19] =	ssyncadd.s32 $0xFFFFD800  }
0x215: {  	[tilespmem:s13], [sflag:$0x1] =	stream.indirect.gather [hbm4b:s4+s12], $0x80, s9, s12, $0xb8;
	[tilespmem:$0x1E820] =	vst v63  }
0x216: {  	_ =	swait.ge [sflag:s20], $0x2800  }
0x217: {  	[sflag:s20] =	ssyncset.done $0x0  }
0x218: {  	s25 =	rddreg [dreg:$0x9];
	[sflag:s20] =	ssyncadd.s32 $0xFFFFD800  }
0x219: {  	[spmem:s2] =	stream.indirect.scatter.add.f32 [tilespmem:s15], [sflag:$0x7], $0x80, s25, s12, $0xb8;
	[tilespmem:$0x1E820] =	vst v63  }
0x21a: {  	_ =	swait.ge [sflag:s21], $0x2800  }
0x21b: {  	[sflag:s21] =	ssyncset.done $0x0  }
0x21c: {  	s8 =	rddreg [dreg:$0xa];
	[sflag:s21] =	ssyncadd.s32 $0xFFFFD800  }
0x21d: {  	[tilespmem:s14], [sflag:$0x2] =	stream.indirect.gather [hbm4b:s4+s12], $0x80, s8, s12, $0xb8;
	[tilespmem:$0x1E820] =	vst v63  }
0x21e: {  	_ =	swait.ge [sflag:s22], $0x2800  }
0x21f: {  	[sflag:s22] =	ssyncset.done $0x0  }
0x220: {  	s9 =	rddreg [dreg:$0xb];
	[sflag:s22] =	ssyncadd.s32 $0xFFFFD800  }
0x221: {  	[spmem:s2] =	stream.indirect.scatter.add.f32 [tilespmem:s17], [sflag:$0x8], $0x80, s9, s12, $0xb8;
	[tilespmem:$0x1E820] =	vst v63  }
0x222: {  	_ =	swait.ge [sflag:s23], $0x2800  }
0x223: {  	[sflag:s23] =	ssyncset.done $0x0  }
0x224: {  	s25 =	rddreg [dreg:$0xc];
	[sflag:s23] =	ssyncadd.s32 $0xFFFFD800  }
0x225: {  	[tilespmem:s15], [sflag:$0x3] =	stream.indirect.gather [hbm4b:s4+s12], $0x80, s25, s12, $0xb8;
	[tilespmem:$0x1E820] =	vst v63  }
0x226: {  	_ =	swait.ge [sflag:s16], $0x2800  }
0x227: {  	[sflag:s16] =	ssyncset.done $0x0  }
0x228: {  	s8 =	rddreg [dreg:$0xd];
	[sflag:s16] =	ssyncadd.s32 $0xFFFFD800  }
0x229: {  	[spmem:s2] =	stream.indirect.scatter.add.f32 [tilespmem:s13], [sflag:$0x5], $0x80, s8, s12, $0xb8;
	[tilespmem:$0x1E820] =	vst v63  }
0x22a: {  	_ =	swait.ge [sflag:s24], $0x2800  }
0x22b: {  	[sflag:s24] =	ssyncset.done $0x0  }
0x22c: {  	s9 =	rddreg [dreg:$0xe];
	[sflag:s24] =	ssyncadd.s32 $0xFFFFD800  }
0x22d: {  	[tilespmem:s17], [sflag:$0x4] =	stream.indirect.gather [hbm4b:s4+s12], $0x80, s9, s12, $0xb8;
	[tilespmem:$0x1E820] =	vst v63  }
0x22e: {  	_ =	swait.ge [sflag:s18], $0x2800  }
0x22f: {  	[sflag:s18] =	ssyncset.done $0x0  }
0x230: {  	s25 =	rddreg [dreg:$0xf];
	[sflag:s18] =	ssyncadd.s32 $0xFFFFD800  }
0x231: {  	[spmem:s2] =	stream.indirect.scatter.add.f32 [tilespmem:s14], [sflag:$0x6], $0x80, s25, s12, $0xb8;
	[tilespmem:$0x1E820] =	vst v63  }
0x232: {  	_ =	swait.ge [sflag:s19], $0x2800  }
0x233: {  	[sflag:s19] =	ssyncset.done $0x0  }
0x234: {  	s8 =	rddreg [dreg:$0x10];
	[sflag:s19] =	ssyncadd.s32 $0xFFFFD800  }
0x235: {  	[tilespmem:s13], [sflag:$0x1] =	stream.indirect.gather [hbm4b:s4+s12], $0x80, s8, s12, $0xb8;
	[tilespmem:$0x1E820] =	vst v63  }
0x236: {  	_ =	swait.ge [sflag:s20], $0x2800  }
0x237: {  	[sflag:s20] =	ssyncset.done $0x0  }
0x238: {  	s9 =	rddreg [dreg:$0x11];
	[sflag:s20] =	ssyncadd.s32 $0xFFFFD800  }
0x239: {  	[spmem:s2] =	stream.indirect.scatter.add.f32 [tilespmem:s15], [sflag:$0x7], $0x80, s9, s12, $0xb8;
	[tilespmem:$0x1E820] =	vst v63  }
0x23a: {  	_ =	swait.ge [sflag:s21], $0x2800  }
0x23b: {  	[sflag:s21] =	ssyncset.done $0x0  }
0x23c: {  	s25 =	rddreg [dreg:$0x12];
	[sflag:s21] =	ssyncadd.s32 $0xFFFFD800  }
0x23d: {  	[tilespmem:s14], [sflag:$0x2] =	stream.indirect.gather [hbm4b:s4+s12], $0x80, s25, s12, $0xb8;
	[tilespmem:$0x1E820] =	vst v63  }
0x23e: {  	_ =	swait.ge [sflag:s22], $0x2800  }
0x23f: {  	[sflag:s22] =	ssyncset.done $0x0  }
0x240: {  	s8 =	rddreg [dreg:$0x13];
	[sflag:s22] =	ssyncadd.s32 $0xFFFFD800  }
0x241: {  	[spmem:s2] =	stream.indirect.scatter.add.f32 [tilespmem:s17], [sflag:$0x8], $0x80, s8, s12, $0xb8;
	[tilespmem:$0x1E820] =	vst v63  }
0x242: {  	_ =	swait.ge [sflag:s23], $0x2800  }
0x243: {  	[sflag:s23] =	ssyncset.done $0x0  }
0x244: {  	s9 =	rddreg [dreg:$0x14];
	[sflag:s23] =	ssyncadd.s32 $0xFFFFD800  }
0x245: {  	[tilespmem:s15], [sflag:$0x3] =	stream.indirect.gather [hbm4b:s4+s12], $0x80, s9, s12, $0xb8;
	[tilespmem:$0x1E820] =	vst v63  }
0x246: {  	_ =	swait.ge [sflag:s16], $0x2800  }
0x247: {  	[sflag:s16] =	ssyncset.done $0x0  }
0x248: {  	s25 =	rddreg [dreg:$0x15];
	[sflag:s16] =	ssyncadd.s32 $0xFFFFD800  }
0x249: {  	[spmem:s2] =	stream.indirect.scatter.add.f32 [tilespmem:s13], [sflag:$0x5], $0x80, s25, s12, $0xb8;
	[tilespmem:$0x1E820] =	vst v63  }
0x24a: {  	_ =	swait.ge [sflag:s24], $0x2800  }
0x24b: {  	[sflag:s24] =	ssyncset.done $0x0  }
0x24c: {  	s8 =	rddreg [dreg:$0x16];
	[sflag:s24] =	ssyncadd.s32 $0xFFFFD800  }
0x24d: {  	[tilespmem:s17], [sflag:$0x4] =	stream.indirect.gather [hbm4b:s4+s12], $0x80, s8, s12, $0xb8;
	[tilespmem:$0x1E820] =	vst v63  }
0x24e: {  	_ =	swait.ge [sflag:s18], $0x2800  }
0x24f: {  	[sflag:s18] =	ssyncset.done $0x0  }
0x250: {  	s9 =	rddreg [dreg:$0x17];
	[sflag:s18] =	ssyncadd.s32 $0xFFFFD800  }
0x251: {  	[spmem:s2] =	stream.indirect.scatter.add.f32 [tilespmem:s14], [sflag:$0x6], $0x80, s9, s12, $0xb8;
	[tilespmem:$0x1E820] =	vst v63  }
0x252: {  	_ =	swait.ge [sflag:s19], $0x2800  }
0x253: {  	[sflag:s19] =	ssyncset.done $0x0  }
0x254: {  	s25 =	rddreg [dreg:$0x18];
	[sflag:s19] =	ssyncadd.s32 $0xFFFFD800  }
0x255: {  	[tilespmem:s13], [sflag:$0x1] =	stream.indirect.gather [hbm4b:s4+s12], $0x80, s25, s12, $0xb8;
	[tilespmem:$0x1E820] =	vst v63  }
0x256: {  	_ =	swait.ge [sflag:s20], $0x2800  }
0x257: {  	[sflag:s20] =	ssyncset.done $0x0  }
0x258: {  	s8 =	rddreg [dreg:$0x19];
	[sflag:s20] =	ssyncadd.s32 $0xFFFFD800  }
0x259: {  	[spmem:s2] =	stream.indirect.scatter.add.f32 [tilespmem:s15], [sflag:$0x7], $0x80, s8, s12, $0xb8;
	[tilespmem:$0x1E820] =	vst v63  }
0x25a: {  	_ =	swait.ge [sflag:s21], $0x2800  }
0x25b: {  	[sflag:s21] =	ssyncset.done $0x0  }
0x25c: {  	s9 =	rddreg [dreg:$0x1a];
	[sflag:s21] =	ssyncadd.s32 $0xFFFFD800  }
0x25d: {  	[tilespmem:s14], [sflag:$0x2] =	stream.indirect.gather [hbm4b:s4+s12], $0x80, s9, s12, $0xb8;
	[tilespmem:$0x1E820] =	vst v63  }
0x25e: {  	_ =	swait.ge [sflag:s22], $0x2800  }
0x25f: {  	[sflag:s22] =	ssyncset.done $0x0  }
0x260: {  	s25 =	rddreg [dreg:$0x1b];
	[sflag:s22] =	ssyncadd.s32 $0xFFFFD800  }
0x261: {  	[spmem:s2] =	stream.indirect.scatter.add.f32 [tilespmem:s17], [sflag:$0x8], $0x80, s25, s12, $0xb8;
	[tilespmem:$0x1E820] =	vst v63  }
0x262: {  	_ =	swait.ge [sflag:s23], $0x2800  }
0x263: {  	[sflag:s23] =	ssyncset.done $0x0  }
0x264: {  	s8 =	rddreg [dreg:$0x1c];
	[sflag:s23] =	ssyncadd.s32 $0xFFFFD800  }
0x265: {  	[tilespmem:s15], [sflag:$0x3] =	stream.indirect.gather [hbm4b:s4+s12], $0x80, s8, s12, $0xb8;
	[tilespmem:$0x1E820] =	vst v63  }
0x266: {  	_ =	swait.ge [sflag:s16], $0x2800  }
0x267: {  	[sflag:s16] =	ssyncset.done $0x0  }
0x268: {  	s9 =	rddreg [dreg:$0x1d];
	[sflag:s16] =	ssyncadd.s32 $0xFFFFD800  }
0x269: {  	[spmem:s2] =	stream.indirect.scatter.add.f32 [tilespmem:s13], [sflag:$0x5], $0x80, s9, s12, $0xb8;
	[tilespmem:$0x1E820] =	vst v63  }
0x26a: {  	_ =	swait.ge [sflag:s24], $0x2800  }
0x26b: {  	[sflag:s24] =	ssyncset.done $0x0  }
0x26c: {  	s25 =	rddreg [dreg:$0x1e];
	[sflag:s24] =	ssyncadd.s32 $0xFFFFD800  }
0x26d: {  	[tilespmem:s17], [sflag:$0x4] =	stream.indirect.gather [hbm4b:s4+s12], $0x80, s25, s12, $0xb8;
	[tilespmem:$0x1E820] =	vst v63  }
0x26e: {  	_ =	swait.ge [sflag:s18], $0x2800  }
0x26f: {  	[sflag:s18] =	ssyncset.done $0x0  }
0x270: {  	s8 =	rddreg [dreg:$0x1f];
	[sflag:s18] =	ssyncadd.s32 $0xFFFFD800  }
0x271: {  	[spmem:s2] =	stream.indirect.scatter.add.f32 [tilespmem:s14], [sflag:$0x6], $0x80, s8, s12, $0xb8;
	[tilespmem:$0x1E820] =	vst v63  }
0x272: {  	_ =	swait.ge [sflag:s19], $0x2800  }
0x273: {  	s9 =	sld [smem:$0x7F1]  }
0x274: {  	[sflag:s19] =	ssyncset.done $0x0  }
0x275: {  	[sflag:s19] =	ssyncadd.s32 $0xFFFFD800  }
0x276: {  	[tilespmem:s13], [sflag:$0x1] =	stream.indirect.gather [hbm4b:s4+s12], $0x80, s9, s12, $0xb8;
	[tilespmem:$0x1E820] =	vst v63  }
0x277: {  	_ =	swait.ge [sflag:s20], $0x2800  }
0x278: {  	s25 =	sld [smem:$0x7F2]  }
0x279: {  	[sflag:s20] =	ssyncset.done $0x0  }
0x27a: {  	[sflag:s20] =	ssyncadd.s32 $0xFFFFD800  }
0x27b: {  	[spmem:s2] =	stream.indirect.scatter.add.f32 [tilespmem:s15], [sflag:$0x7], $0x80, s25, s12, $0xb8;
	[tilespmem:$0x1E820] =	vst v63  }
0x27c: {  	_ =	swait.ge [sflag:s21], $0x2800  }
0x27d: {  	s8 =	sld [smem:$0x7F3]  }
0x27e: {  	[sflag:s21] =	ssyncset.done $0x0  }
0x27f: {  	[sflag:s21] =	ssyncadd.s32 $0xFFFFD800  }
0x280: {  	[tilespmem:s14], [sflag:$0x2] =	stream.indirect.gather [hbm4b:s4+s12], $0x80, s8, s12, $0xb8;
	[tilespmem:$0x1E820] =	vst v63  }
0x281: {  	_ =	swait.ge [sflag:s22], $0x2800  }
0x282: {  	s9 =	sld [smem:$0x7F4]  }
0x283: {  	[sflag:s22] =	ssyncset.done $0x0  }
0x284: {  	[sflag:s22] =	ssyncadd.s32 $0xFFFFD800  }
0x285: {  	[spmem:s2] =	stream.indirect.scatter.add.f32 [tilespmem:s17], [sflag:$0x8], $0x80, s9, s12, $0xb8;
	[tilespmem:$0x1E820] =	vst v63  }
0x286: {  	_ =	swait.ge [sflag:s23], $0x2800  }
0x287: {  	s25 =	sld [smem:$0x7F5]  }
0x288: {  	[sflag:s23] =	ssyncset.done $0x0  }
0x289: {  	[sflag:s23] =	ssyncadd.s32 $0xFFFFD800  }
0x28a: {  	[tilespmem:s15], [sflag:$0x3] =	stream.indirect.gather [hbm4b:s4+s12], $0x80, s25, s12, $0xb8;
	[tilespmem:$0x1E820] =	vst v63  }
0x28b: {  	_ =	swait.ge [sflag:s16], $0x2800  }
0x28c: {  	s8 =	sld [smem:$0x7F6]  }
0x28d: {  	[sflag:s16] =	ssyncset.done $0x0  }
0x28e: {  	[sflag:s16] =	ssyncadd.s32 $0xFFFFD800  }
0x28f: {  	[spmem:s2] =	stream.indirect.scatter.add.f32 [tilespmem:s13], [sflag:$0x5], $0x80, s8, s12, $0xb8;
	[tilespmem:$0x1E820] =	vst v63  }
0x290: {  	_ =	swait.ge [sflag:s24], $0x2800  }
0x291: {  	s9 =	sld [smem:$0x7F7]  }
0x292: {  	[sflag:s24] =	ssyncset.done $0x0  }
0x293: {  	[sflag:s24] =	ssyncadd.s32 $0xFFFFD800  }
0x294: {  	[tilespmem:s17], [sflag:$0x4] =	stream.indirect.gather [hbm4b:s4+s12], $0x80, s9, s12, $0xb8;
	[tilespmem:$0x1E820] =	vst v63  }
0x295: {  	_ =	swait.ge [sflag:s18], $0x2800  }
0x296: {  	s25 =	sld [smem:$0x7F8]  }
0x297: {  	[sflag:s18] =	ssyncset.done $0x0  }
0x298: {  	[sflag:s18] =	ssyncadd.s32 $0xFFFFD800  }
0x299: {  	[spmem:s2] =	stream.indirect.scatter.add.f32 [tilespmem:s14], [sflag:$0x6], $0x80, s25, s12, $0xb8;
	[tilespmem:$0x1E820] =	vst v63  }
0x29a: {  	_ =	swait.ge [sflag:s19], $0x2800  }
0x29b: {  	s8 =	sld [smem:$0x7F9]  }
0x29c: {  	[sflag:s19] =	ssyncset.done $0x0  }
0x29d: {  	[sflag:s19] =	ssyncadd.s32 $0xFFFFD800  }
0x29e: {  	[tilespmem:s13], [sflag:$0x1] =	stream.indirect.gather [hbm4b:s4+s12], $0x80, s8, s12, $0xb8;
	[tilespmem:$0x1E820] =	vst v63  }
0x29f: {  	_ =	swait.ge [sflag:s20], $0x2800  }
0x2a0: {  	s9 =	sld [smem:$0x7FA]  }
0x2a1: {  	[sflag:s20] =	ssyncset.done $0x0  }
0x2a2: {  	[sflag:s20] =	ssyncadd.s32 $0xFFFFD800  }
0x2a3: {  	[spmem:s2] =	stream.indirect.scatter.add.f32 [tilespmem:s15], [sflag:$0x7], $0x80, s9, s12, $0xb8;
	[tilespmem:$0x1E820] =	vst v63  }
0x2a4: {  	_ =	swait.ge [sflag:s21], $0x2800  }
0x2a5: {  	s25 =	sld [smem:$0x7FB]  }
0x2a6: {  	[sflag:s21] =	ssyncset.done $0x0  }
0x2a7: {  	[sflag:s21] =	ssyncadd.s32 $0xFFFFD800  }
0x2a8: {  	[tilespmem:s14], [sflag:$0x2] =	stream.indirect.gather [hbm4b:s4+s12], $0x80, s25, s12, $0xb8;
	[tilespmem:$0x1E820] =	vst v63  }
0x2a9: {  	_ =	swait.ge [sflag:s22], $0x2800  }
0x2aa: {  	[sflag:s22] =	ssyncset.done $0x0  }
0x2ab: {  	[sflag:s22] =	ssyncadd.s32 $0xFFFFD800  }
0x2ac: {  	[spmem:s2] =	stream.indirect.scatter.add.f32 [tilespmem:s17], [sflag:$0x8], $0x80, s26, s12, $0xb8;
	[tilespmem:$0x1E820] =	vst v63  }
0x2ad: {  	_ =	swait.ge [sflag:s23], $0x2800  }
0x2ae: {  	[sflag:s23] =	ssyncset.done $0x0  }
0x2af: {  	[sflag:s23] =	ssyncadd.s32 $0xFFFFD800  }
0x2b0: {  	[tilespmem:s15], [sflag:$0x3] =	stream.indirect.gather [hbm4b:s4+s12], $0x80, s28, s12, $0xb8;
	[tilespmem:$0x1E820] =	vst v63  }
0x2b1: {  	_ =	swait.ge [sflag:s16], $0x2800  }
0x2b2: {  	[sflag:s16] =	ssyncset.done $0x0  }
0x2b3: {  	[sflag:s16] =	ssyncadd.s32 $0xFFFFD800  }
0x2b4: {  	[spmem:s2] =	stream.indirect.scatter.add.f32 [tilespmem:s13], [sflag:$0x5], $0x80, s29, s12, $0xb8;
	[tilespmem:$0x1E820] =	vst v63  }
0x2b5: {  	_ =	swait.ge [sflag:s24], $0x2800  }
0x2b6: {  	[sflag:s24] =	ssyncset.done $0x0  }
0x2b7: {  	[sflag:s24] =	ssyncadd.s32 $0xFFFFD800  }
0x2b8: {  	[tilespmem:s17], [sflag:$0x4] =	stream.indirect.gather [hbm4b:s4+s12], $0x80, s30, s12, $0xb8;
	[tilespmem:$0x1E820] =	vst v63  }
0x2b9: {  	_ =	swait.ge [sflag:s18], $0x2800  }
0x2ba: {  	[sflag:s18] =	ssyncset.done $0x0  }
0x2bb: {  	[sflag:s18] =	ssyncadd.s32 $0xFFFFD800  }
0x2bc: {  	[spmem:s2] =	stream.indirect.scatter.add.f32 [tilespmem:s14], [sflag:$0x6], $0x80, s31, s12, $0xb8;
	[tilespmem:$0x1E820] =	vst v63  }
0x2bd: {  	_ =	swait.ge [sflag:s19], $0x2800  }
0x2be: {  	[sflag:s19] =	ssyncset.done $0x0  }
0x2bf: {  	[sflag:s19] =	ssyncadd.s32 $0xFFFFD800  }
0x2c0: {  	[tilespmem:s13], [sflag:$0x1] =	stream.indirect.gather [hbm4b:s4+s12], $0x80, s1, s12, $0xb8;
	[tilespmem:$0x1E820] =	vst v63  }
0x2c1: {  	_ =	swait.ge [sflag:s20], $0x2800  }
0x2c2: {  	[sflag:s20] =	ssyncset.done $0x0  }
0x2c3: {  	[sflag:s20] =	ssyncadd.s32 $0xFFFFD800  }
0x2c4: {  	[spmem:s2] =	stream.indirect.scatter.add.f32 [tilespmem:s15], [sflag:$0x7], $0x80, s0, s12, $0xb8;
	[tilespmem:$0x1E820] =	vst v63  }
0x2c5: {  	_ =	swait.ge [sflag:s22], $0x2800  }
0x2c6: {  	[sflag:s22] =	ssyncset.done $0x0  }
0x2c7: {  	[sflag:s22] =	ssyncadd.s32 $0xFFFFD800  }
0x2c8: {  	[spmem:s2] =	stream.indirect.scatter.add.f32 [tilespmem:s17], [sflag:$0x8], $0x80, s5, s12, $0xb8;
	[tilespmem:$0x1E820] =	vst v63  }
0x2c9: {  	_ =	swait.ge [sflag:s16], $0x2800  }
0x2ca: {  	[sflag:s16] =	ssyncset.done $0x0  }
0x2cb: {  	[sflag:s16] =	ssyncadd.s32 $0xFFFFD800  }
0x2cc: {  	[spmem:s2] =	stream.indirect.scatter.add.f32 [tilespmem:s13], [sflag:$0x5], $0x80, s6, s12, $0xb8;
	[tilespmem:$0x1E820] =	vst v63  }
0x2cd: {  	_ =	swait.ge [sflag:s21], $0x2800  }
0x2ce: {  	[sflag:s21] =	ssyncset.done $0x0  }
0x2cf: {  	[sflag:s21] =	ssyncadd.s32 $0xFFFFD800  }
0x2d0: {  	_ =	swait.ge [sflag:s23], $0x2800  }
0x2d1: {  	[sflag:s23] =	ssyncset.done $0x0  }
0x2d2: {  	[sflag:s23] =	ssyncadd.s32 $0xFFFFD800  }
0x2d3: {  	_ =	swait.ge [sflag:s24], $0x2800  }
0x2d4: {  	[sflag:s24] =	ssyncset.done $0x0  }
0x2d5: {  	[sflag:s24] =	ssyncadd.s32 $0xFFFFD800  }
0x2d6: {  	_ =	swait.ge [sflag:s19], $0x2800  }
0x2d7: {  	[sflag:s19] =	ssyncset.done $0x0  }
0x2d8: {  	[sflag:s19] =	ssyncadd.s32 $0xFFFFD800  }
0x2d9: {  	[bflag:$0x0] =	sbarrier.arrive $0xFFFF  }
0x2da: {  	s7 =	sld [smem:$0x7EE]  }
0x2db: {  	s9 =	sld [smem:$0x7FD]  }
0x2dc: {  	s8 =	sld [smem:$0x7FC];
	_ =	sdelay $0x2  }
0x2dd: {  	[hbm:s7], [sflag:s9] =	dma.local @!p0 [spmem:s8], $0x3E80  }
0x2de: {  	s7 =	simm.s32 @!p0 $0x9  }
0x2df: {  	_ =	swait.ge @!p0 [sflag:s7], $0x3E80  }
0x2e0: {  	s25 =	sld [smem:$0x7EC]  }
0x2e1: {  	s8 =	sld [smem:$0x7EF];
	_ =	sdelay $0x1  }
0x2e2: {  	s25 =	sadd.s32 $0x1, s25  }
0x2e3: {  	p1 =	sne.s32 s25, s8  }
.Ltmp1:
0x2e4: {  	_ = 	snop;
	(pc) =	sbr.rel @p1 .LBB2_1-.Ltmp1, $3  }
0x2e5: {  	_ =	sdelay $0x1  }
0x2e6: {  	[sflag:s7] =	ssyncset.done @!p0 $0x0  }
0x2e7: {  	[sflag:s7] =	ssyncadd.s32 @!p0 $0xFFFFC180  }
0x2e8: {  	_ =	sfence.sel $0x180000  }
0x2e9: {  	[bflag:$0x0] =	sbarrier.arrive $0xFFFF  }
0x2ea: {  	_ =	strace $0x9000004D  }
0x2eb: {  	s0 =	stileid.u32;
	[bflag:$0x2] =	sbarrier.arrive $0xFFFF  }
0x2ec: {  	p0 =	sne.s32 s0, $0x0;
	s0 =	rddreg [dreg:$0x2]  }
0x2ed: {  	s0 =	sadd.s32 @!p0 $0x100000, s0  }
0x2ee: {  	[sflag:s0] =	ssyncadd.tile.s32 @!p0 $0x1;
	_ =	shalt  }
.Lfunc_end2:
_tile_overlayer_lowered:
.L_overlay_start_2:
0x2ef: {  	(tag) =	ssettag $0x2  }
0x2f0: {  	s0 =	rddreg [dreg:$0x0];
	s2 =	stileid.u32  }
0x2f1: {  	s1 =	rddreg [dreg:$0x1];
	p0 =	sne.s32 s2, $0x0  }
0x2f2: {  	s3 =	rddreg [dreg:$0x2];
	[bflag:$0x3] =	sbarrier.arrive $0xFFFF;
	s2 =	simm.s32 @!p0 $0x1C09  }
0x2f3: {  	[timem:s3], [sflag:s2] =	dma.local @!p0 [hbm:s0], s1  }
0x2f4: {  	s0 =	simm.s32 @!p0 $0x9  }
0x2f5: {  	_ =	swait.ge @!p0 [sflag:s0], s1  }
0x2f6: {  	s1 =	ssub.s32 @!p0 $0x0, s1;
	[sflag:s0] =	ssyncset.done @!p0 $0x0  }
0x2f7: {  	[sflag:s0] =	ssyncadd.s32 @!p0 s1  }
0x2f8: {  	[bflag:$0x3] =	sbarrier.arrive $0xFFFF  }
0x2f9: {  	_ =	shalt  }

// kernel: kernel.14.cloned.1.call-start
scs
__scs_entry_jumppad:
0x0: {  	(pc) =	sbr.rel $0x88, $3  }
0x1: {  	(tag) =	ssettag $0x0;
	lr =	simm.s32 $0x1  }
0x2: {  	[smem:$0x3F99] =	sst lr;
	_ =	strace $0xD0000000  }
0x3: {  	_ = 	snop  }
0x4: {  	_ = 	snop  }
0x5: {  	_ = 	snop  }
0x6: {  	_ = 	snop  }
0x7: {  	_ = 	snop  }
__scs_overlays_trampoline_lowered:
0x8: {  	[smem:$0x3FA8] =	sst s0  }
0x9: {  	[smem:$0x3FA9] =	sst s1  }
0xa: {  	[smem:$0x3FAA] =	sst s2  }
0xb: {  	[smem:$0x3FAB] =	sst s3  }
0xc: {  	[smem:$0x3FAC] =	sst s4  }
0xd: {  	[smem:$0x3FAD] =	sst s5  }
0xe: {  	[smem:$0x3FAE] =	sst s6  }
0xf: {  	[smem:$0x3FAF] =	sst s7  }
0x10: {  	[smem:$0x3FB0] =	sst s8  }
0x11: {  	[smem:$0x3FB1] =	sst s9;
	s0 =	simm.s32 @!p0 $0x0  }
0x12: {  	s1 =	sld [smem:$0x3F97];
	s0 =	simm.s32 @p0 $0x1  }
0x13: {  	[smem:$0x3FB2] =	sst s0;
	s0 =	simm.s32 @!p1 $0x0  }
0x14: {  	s2 =	sld [smem:$0x3F96];
	s0 =	simm.s32 @p1 $0x1  }
0x15: {  	[smem:$0x3FB3] =	sst s0;
	s0 =	simm.s32 @!p2 $0x0  }
0x16: {  	s3 =	sld [smem:$0x3FDB];
	s0 =	simm.s32 @p2 $0x1  }
0x17: {  	s4 =	simm.s32 $0x1BF5;
	[smem:$0x3FB5] =	sst s0  }
0x18: {  	s0 =	sld [smem:$0x3F98];
	_ =	swait.ge [sflag:s4], $0x0  }
0x19: {  	s7 =	sld [smem:$0x3F99]  }
0x1a: {  	s8 =	sadd.s32 $0xFFFFE003, lr  }
0x1b: {  	s9 =	sadd.s32 $0xFFFFFEF7, lr;
	s5 =	simm.s32 $0xFFFFFFFF;
	p2 =	slt.u32 s8, $0xFFFFF086  }
0x1c: {  	p1 =	slt.u32 s9, $0xF7A;
	s5 =	simm.s32 @!p2 $0x0  }
0x1d: {  	s5 =	simm.s32 @p1 $0x1;
	p0 =	seq.s32 s7, s2  }
0x1e: {  	s7 =	smul.u32 @!p0 $0xF7A, s2;
	p2 =	seq.s32 @!p0 s5, $0x0  }
0x1f: {  	s9 =	smul.u32 $0xF7A, s1;
	s8 =	simm.s32 @!p0 $0x1BF5;
	p2 =	por !p2, p0  }
0x20: {  	[sflag:s8] =	ssyncset.s32 @!p0 $0xFFFFF086;
	s6 =	sadd.s32 @!p0 s3, s7;
	s7 =	simm.s32 @!p0 $0x108  }
0x21: {  	s3 =	sadd.s32 s3, s9;
	s6 =	sadd.s32 @!p0 $0x88, s6;
	s7 =	simm.s32 @p2 $0x1082  }
0x22: {  	[simem:s7], [sflag:s8] =	dma.local @!p0 [hbm:s6], $0xF7A  }
0x23: {  	s9 =	sor.u32 $0xD0000000, s2;
	s6 =	simm.s32 $0x108;
	_ =	swait.ge @!p0 [sflag:s8], $0x0  }
0x24: {  	s3 =	sadd.s32 $0x88, s3;
	s6 =	simm.s32 @!p1 $0x1082;
	[sflag:s4] =	ssyncset.s32 $0xFFFFF086  }
0x25: {  	[simem:s6], [sflag:s4] =	dma.local [hbm:s3], $0xF7A  }
0x26: {  	[smem:$0x3F99] =	sst s1;
	(tag) =	ssettag s2;
	_ =	strace s9  }
0x27: {  	s1 =	sld [smem:$0x3FA9]  }
0x28: {  	s2 =	sld [smem:$0x3FAA]  }
0x29: {  	s4 =	sld [smem:$0x3FAC]  }
0x2a: {  	p0 =	seq.s32 s5, $0x0;
	s5 =	sld [smem:$0x3FAD]  }
0x2b: {  	s6 =	sld [smem:$0x3FAE]  }
0x2c: {  	s7 =	sld [smem:$0x3FAF]  }
0x2d: {  	s3 =	simm.s32 $0x108;
	s8 =	sld [smem:$0x3FB0]  }
0x2e: {  	s3 =	simm.s32 @!p0 $0x1082;
	s9 =	sld [smem:$0x3FB1]  }
0x2f: {  	lr =	sadd.s32 s0, s3;
	s0 =	sld [smem:$0x3FA8]  }
0x30: {  	s3 =	sld [smem:$0x3FAB]  }
0x31: {  	[smem:$0x3FB4] =	sst s10  }
0x32: {  	s10 =	sld [smem:$0x3FB2];
	_ =	sdelay $0x3  }
0x33: {  	p0 =	seq.s32 s10, $0x1;
	s10 =	sld [smem:$0x3FB4];
	_ =	sdelay $0x3  }
0x34: {  	[smem:$0x3FB4] =	sst s10  }
0x35: {  	s10 =	sld [smem:$0x3FB3];
	_ =	sdelay $0x3  }
0x36: {  	p1 =	seq.s32 s10, $0x1;
	s10 =	sld [smem:$0x3FB4];
	_ =	sdelay $0x3  }
0x37: {  	[smem:$0x3FB4] =	sst s10  }
0x38: {  	s10 =	sld [smem:$0x3FB5]  }
0x39: {  	_ = 	snop;
	(pc) =	sbr.ind lr, $3  }
0x3a: {  	_ = 	snop  }
0x3b: {  	_ = 	snop  }
0x3c: {  	p2 =	seq.s32 s10, $0x1;
	s10 =	sld [smem:$0x3FB4]  }
0x3d: {  	_ =	shalt  }
0x3e: {  	_ =	shalt  }
0x3f: {  	_ =	shalt  }
0x40: {  	_ =	shalt  }
0x41: {  	_ =	shalt  }
0x42: {  	_ =	shalt  }
0x43: {  	_ =	shalt  }
0x44: {  	_ =	shalt  }
0x45: {  	_ =	shalt  }
0x46: {  	_ =	shalt  }
0x47: {  	_ =	shalt  }
0x48: {  	_ =	shalt  }
0x49: {  	_ =	shalt  }
0x4a: {  	_ =	shalt  }
0x4b: {  	_ =	shalt  }
0x4c: {  	_ =	shalt  }
0x4d: {  	_ =	shalt  }
0x4e: {  	_ =	shalt  }
0x4f: {  	_ =	shalt  }
0x50: {  	_ =	shalt  }
0x51: {  	_ =	shalt  }
0x52: {  	_ =	shalt  }
0x53: {  	_ =	shalt  }
0x54: {  	_ =	shalt  }
0x55: {  	_ =	shalt  }
0x56: {  	_ =	shalt  }
0x57: {  	_ =	shalt  }
0x58: {  	_ =	shalt  }
0x59: {  	_ =	shalt  }
0x5a: {  	_ =	shalt  }
0x5b: {  	_ =	shalt  }
0x5c: {  	_ =	shalt  }
0x5d: {  	_ =	shalt  }
0x5e: {  	_ =	shalt  }
0x5f: {  	_ =	shalt  }
0x60: {  	_ =	shalt  }
0x61: {  	_ =	shalt  }
0x62: {  	_ =	shalt  }
0x63: {  	_ =	shalt  }
0x64: {  	_ =	shalt  }
0x65: {  	_ =	shalt  }
0x66: {  	_ =	shalt  }
0x67: {  	_ =	shalt  }
0x68: {  	_ =	shalt  }
0x69: {  	_ =	shalt  }
0x6a: {  	_ =	shalt  }
0x6b: {  	_ =	shalt  }
0x6c: {  	_ =	shalt  }
0x6d: {  	_ =	shalt  }
0x6e: {  	_ =	shalt  }
0x6f: {  	_ =	shalt  }
0x70: {  	_ =	shalt  }
0x71: {  	_ =	shalt  }
0x72: {  	_ =	shalt  }
0x73: {  	_ =	shalt  }
0x74: {  	_ =	shalt  }
0x75: {  	_ =	shalt  }
0x76: {  	_ =	shalt  }
0x77: {  	_ =	shalt  }
0x78: {  	_ =	shalt  }
0x79: {  	_ =	shalt  }
0x7a: {  	_ =	shalt  }
0x7b: {  	_ =	shalt  }
0x7c: {  	_ =	shalt  }
0x7d: {  	_ =	shalt  }
0x7e: {  	_ =	shalt  }
0x7f: {  	_ =	shalt  }
0x80: {  	_ =	shalt  }
0x81: {  	_ =	shalt  }
0x82: {  	_ =	shalt  }
0x83: {  	_ =	shalt  }
0x84: {  	_ =	shalt  }
0x85: {  	_ =	shalt  }
0x86: {  	_ =	shalt  }
0x87: {  	_ =	shalt  }
.Lfunc_end0:
.L_simem_size_0:
called_computation.3_lowered:
.L_overlay_start_0:
0x88: {  	s2 =	sld [smem:$0x3FD9]  }
0x89: {  	s3 =	sld [smem:$0x3FFE];
	_ =	sdelay $0x1  }
0x8a: {  	s1 =	srdreg.scid  }
0x8b: {  	s0 =	sand.u32 $0x1, s1  }
0x8c: {  	s16 =	sshll.u32 s0, $0xA;
	s2 =	sadd.s32 s3, s2  }
0x8d: {  	s2 =	sadd.s32 s2, s16  }
0x8e: {  	[smem:$0x3FC0] =	sst s2  }
0x8f: {  	_ = 	snop  }
0x90: {  	(tm) =	ssettm $0x1  }
0x91: {  	s17 =	sld [smem:$0x3FFB];
	_ =	sdelay $0x3  }
0x92: {  	_ =	strace s17  }
0x93: {  	s2 =	sld [smem:$0x3FFC];
	_ =	sdelay $0x3  }
0x94: {  	_ =	strace s2  }
0x95: {  	s2 =	sld [smem:$0x3FFD];
	_ =	sdelay $0x3  }
0x96: {  	_ =	strace s2  }
0x97: {  	_ =	strace $0x8FFFFFFF  }
0x98: {  	s18 =	sld [smem:$0x3FDB];
	_ =	sdelay $0x1  }
0x99: {  	s19 =	simm.s32 $_scs_section_size  }
0x9a: {  	s4 =	simm.s32 $_size__tile_overlayer_lowered;
	s5 =	simm.s32 $_tile_overlayer_lowered  }
0x9b: {  	s22 =	simm.s32 $0x1BFF;
	s21 =	sshll.u32 s5, $0x1;
	s2 =	sadd.s32 s19, s18  }
0x9c: {  	s6 =	simm.s32 $0x0;
	s20 =	sshll.u32 s4, $0x1;
	s4 =	sadd.s32 s21, s2  }
0x9d: {  	[timem:s6], [sflag:s22] =	dma.local [hbm:s4], s20  }
0x9e: {  	_ =	swait.ge [sflag:s22], s20  }
0x9f: {  	s3 =	ssub.s32 $0x0, s20;
	[sflag:s22] =	ssyncset.done $0x0  }
0xa0: {  	[sflag:s22] =	ssyncadd.s32 s3;
	_ =	sdelay $0x1  }
0xa1: {  	s23 =	simm.s32 $0x1B8B  }
0xa2: {  	_ =	swait.ge [sflag:s23], $0x1  }
0xa3: {  	[sflag:s23] =	ssyncset.done $0x0  }
0xa4: {  	s25 =	simm.s32 $0x1B8E;
	s24 =	sld [smem:$0x3FFE];
	[sflag:s23] =	ssyncadd.s32 $0xFFFFFFFF  }
0xa5: {  	s26 =	simm.s32 $execute0_lowered;
	[smem:$0x3FD2] =	sst s25  }
0xa6: {  	s4 =	sshll.u32 s26, $0x1;
	_ =	strace $0x8000004F;
	[dreg:$0x1] =	wrdreg $0xFFFFFFFF  }
0xa7: {  	s28 =	simm.s32 $_size_execute0_lowered;
	s2 =	sadd.s32 s2, s4;
	[dreg:$0x0] =	wrdreg $0x0  }
0xa8: {  	s4 =	sshll.u32 s28, $0x1;
	[dreg:$0x2] =	wrdreg s2  }
0xa9: {  	[dreg:$0x3] =	wrdreg s4  }
0xaa: {  	[dreg:$0x4] =	wrdreg $0xC0  }
0xab: {  	_ =	task [dreg:s6], $0x5FFFF  }
0xac: {  	[dreg:$0x1] =	wrdreg $0xFFFFFFFF  }
0xad: {  	[dreg:$0x0] =	wrdreg $0x60  }
0xae: {  	[dreg:$0x2] =	wrdreg s24  }
0xaf: {  	[dreg:$0x3] =	wrdreg $0x19A00  }
0xb0: {  	[dreg:$0x4] =	wrdreg $0x9  }
0xb1: {  	_ =	task.clear_ibuf [dreg:s6], $0x5FFFF;
	_ =	strace $0x9000004F  }
0xb2: {  	s29 =	simm.s32 $0x9;
	_ =	strace $0x80000051  }
0xb3: {  	_ =	swait.ge [sflag:s29], $0x1  }
0xb4: {  	[sflag:s29] =	ssyncadd.s32 $0xFFFFFFFF  }
0xb5: {  	_ =	strace $0x90000051  }
0xb6: {  	_ =	sfence  }
0xb7: {  	s30 =	sld [smem:$0x0];
	_ =	sdelay $0x2  }
0xb8: {  	s31 =	sshll.u32 s1, $0xD;
	s1 =	sshrl.u32 s1, $0x2  }
0xb9: {  	s3 =	sand.u32 $0x4000, s31;
	s1 =	sadd.s32 s1, s30  }
0xba: {  	s0 =	sor.u32 s3, s0;
	s1 =	sshll.u32 s1, $0x11  }
0xbb: {  	s0 =	sor.u32 s1, s0  }
0xbc: {  	s0 =	sadd.s32 $0x8F2B, s0  }
0xbd: {  	[sflag:s0] =	ssyncadd.remote.s32 $0x1  }
0xbe: {  	_ =	sfence.sel $0xFFFF  }
0xbf: {  	[dreg:$0x0] =	wrdreg $0xFFFFFFFF;
	(pc) =	sbr.abs _section_cstart, $3  }
0xc0: {  	[dreg:$0x1] =	wrdreg $0xFFFFFFFF  }
0xc1: {  	_ =	task.clear_ibuf [dreg:s6], $0x2FFFF;
	_ =	strace $0x9FFFFFFF  }
0xc2: {  	(tm) =	ssettm $0x7FFFFFFF  }
0xc3: {  	_ =	shalt  }
tec
execute0_lowered:
.L_overlay_start_1:
0x0: {  	(tag) =	ssettag $0x1  }
0x1: {  	s1 =	rddreg [dreg:$0x0]  }
0x2: {  	s2 =	rddreg [dreg:$0x1];
	s3 =	simm.s32 $0x0  }
0x3: {  	s22 =	simm.s32 $0xA0;
	[smem:$0x7FF] =	sst s3  }
0x4: {  	s23 =	simm.s32 $0xF0;
	_ =	strace $0x80000050;
	[dreg:$0x5] =	wrdreg s22  }
0x5: {  	s24 =	simm.s32 $0x820;
	[dreg:$0x6] =	wrdreg s23  }
0x6: {  	s25 =	simm.s32 $0x140;
	[dreg:$0x7] =	wrdreg s24  }
0x7: {  	s6 =	simm.s32 $0x870;
	[dreg:$0x8] =	wrdreg s25  }
0x8: {  	s0 =	srdreg.scid;
	s9 =	simm.s32 $0x190;
	[dreg:$0x9] =	wrdreg s6  }
0x9: {  	s10 =	stileid.u32;
	s11 =	simm.s32 $0x8C0;
	[dreg:$0xa] =	wrdreg s9  }
0xa: {  	s12 =	simm.s32 $0x1E0;
	s13 =	simm.s32 $0x910;
	[dreg:$0xb] =	wrdreg s11  }
0xb: {  	s14 =	simm.s32 $0x230;
	s16 =	simm.s32 $0x960;
	[dreg:$0xc] =	wrdreg s12  }
0xc: {  	s17 =	simm.s32 $0x280;
	s18 =	simm.s32 $0x9B0;
	[dreg:$0xd] =	wrdreg s13  }
0xd: {  	s19 =	simm.s32 $0x2D0;
	s20 =	simm.s32 $0xA00;
	[dreg:$0xe] =	wrdreg s14  }
0xe: {  	s21 =	simm.s32 $0x320;
	s28 =	simm.s32 $0x6E0;
	[dreg:$0xf] =	wrdreg s16  }
0xf: {  	s29 =	simm.s32 $0xE10;
	s30 =	simm.s32 $0x730;
	[dreg:$0x10] =	wrdreg s17  }
0x10: {  	s31 =	simm.s32 $0xE60;
	s5 =	smul.u32 $0x4E2, s10;
	[dreg:$0x11] =	wrdreg s18  }
0x11: {  	s0 =	sand.u32 $0x1, s0;
	s26 =	smul.u32 $0x1F40, s10;
	[dreg:$0x12] =	wrdreg s19  }
0x12: {  	s8 =	smul.u32 $0x3E8, s10;
	p0 =	sgt.u32 s10, $0x9;
	[dreg:$0x13] =	wrdreg s20  }
0x13: {  	s4 =	smul.u32 $0x4E20, s0;
	[dreg:$0x14] =	wrdreg s21;
	s22 =	simm.s32 $0xA50  }
0x14: {  	s15 =	ssub.s32 $0x2, s0;
	s24 =	simm.s32 $0x370;
	[dreg:$0x15] =	wrdreg s22  }
0x15: {  	s0 =	smul.u32 $0x2710, s0;
	s25 =	simm.s32 $0xAA0;
	[dreg:$0x16] =	wrdreg s24  }
0x16: {  	s23 =	smul.u32 $0x7D00, s10;
	s6 =	simm.s32 $0x3C0;
	[dreg:$0x17] =	wrdreg s25  }
0x17: {  	s11 =	simm.s32 $0xB40;
	s12 =	simm.s32 $0x460;
	[dreg:$0x18] =	wrdreg s6  }
0x18: {  	s13 =	simm.s32 $0xB90;
	s14 =	simm.s32 $0x4B0;
	[dreg:$0x1b] =	wrdreg s11  }
0x19: {  	s16 =	simm.s32 $0x500;
	s17 =	simm.s32 $0xC30;
	[dreg:$0x1c] =	wrdreg s12  }
0x1a: {  	s18 =	simm.s32 $0x550;
	s19 =	simm.s32 $0xC80;
	[dreg:$0x1d] =	wrdreg s13  }
0x1b: {  	s20 =	simm.s32 $0x5A0;
	s21 =	simm.s32 $0xCD0;
	[dreg:$0x1e] =	wrdreg s14  }
0x1c: {  	s7 =	sshrl.u32 s26, $0x3;
	s9 =	sshrl.u32 s15, $0x1;
	[smem:$0x7F1] =	sst s16  }
0x1d: {  	s6 =	sshll.u32 @!p0 s10, $0x6;
	s10 =	simm.s32 $0x7D0;
	[smem:$0x7F2] =	sst s17  }
0x1e: {  	s11 =	simm.s32 $0x9;
	s12 =	simm.s32 $0x50;
	[smem:$0x7F3] =	sst s18  }
0x1f: {  	s13 =	simm.s32 $0xFA0;
	s14 =	simm.s32 $0x1220;
	[smem:$0x7F4] =	sst s19  }
0x20: {  	s16 =	simm.s32 $0x1;
	[smem:$0x7F5] =	sst s20;
	s17 =	simm.s32 $0x1720  }
0x21: {  	[smem:$0x7F6] =	sst s21;
	s22 =	simm.s32 $0x5F0;
	s18 =	simm.s32 $0x2  }
0x22: {  	s19 =	simm.s32 $0x5;
	s24 =	simm.s32 $0x640;
	s20 =	simm.s32 $0x3  }
0x23: {  	s25 =	simm.s32 $0xD70;
	s21 =	simm.s32 $0x6;
	[smem:$0x7F7] =	sst s22  }
0x24: {  	s4 =	sadd.s32 s4, s1;
	s7 =	sadd.s32 s7, s1;
	[smem:$0x7F9] =	sst s24  }
0x25: {  	[smem:$0x7FA] =	sst s25;
	s4 =	sadd.s32 s5, s4;
	s7 =	sadd.s32 $0x4400, s7  }
0x26: {  	s22 =	simm.s32 $0x4;
	s5 =	sadd.s32 $0x4F4A00, s4;
	[smem:$0x7ED] =	sst s7  }
0x27: {  	s24 =	simm.s32 $0x8;
	s4 =	sadd.s32 $0x4EAC00, s4;
	[dreg:$0x3] =	wrdreg s5  }
0x28: {  	s25 =	simm.s32 $0x0;
	s7 =	simm.s32 $0xAF0;
	[dreg:$0x4] =	wrdreg s4  }
0x29: {  	s4 =	sadd.s32 $0x1C00, s1;
	s1 =	sadd.s32 s8, s1;
	s8 =	ssub.s32 s15, s9  }
0x2a: {  	s5 =	sadd.s32 s26, s2;
	[dreg:$0x19] =	wrdreg s7;
	s9 =	simm.s32 $0x410  }
0x2b: {  	s26 =	sshrl.u32 s23, $0x2;
	s15 =	simm.s32 $0xBE0;
	[dreg:$0x1a] =	wrdreg s9  }
0x2c: {  	s23 =	simm.s32 $0xD20;
	s0 =	sadd.s32 s0, s1;
	[dreg:$0x1f] =	wrdreg s15  }
0x2d: {  	s1 =	sadd.s32 s26, s2;
	s8 =	smax.u32 s8, $0x1;
	[smem:$0x7F8] =	sst s23  }
0x2e: {  	s9 =	sor.u32 @!p0 $0x1C09, s6;
	s5 =	sshrl.u32 @!p0 s5, $0x3;
	[smem:$0x7EF] =	sst s8  }
0x2f: {  	s15 =	simm.s32 $0x14A0;
	s26 =	simm.s32 $0x690;
	[smem:$0x7F0] =	sst s5  }
0x30: {  	s23 =	simm.s32 $0x7;
	s6 =	simm.s32 $0xF50;
	[smem:$0x7FB] =	sst s26  }
0x31: {  	s0 =	sadd.s32 $0x6C00, s0;
	s26 =	simm.s32 $0xDC0;
	[smem:$0x7FD] =	sst s9  }
0x32: {  	s5 =	simm.s32 $0xF00;
	[smem:$0x7EE] =	sst s0;
	s0 =	sshrl.u32 @!p0 s1, $0x3  }
0x33: {  	s1 =	simm.s32 $0x780;
	[smem:$0x7FC] =	sst s0;
	s0 =	simm.s32 $0xEB0  }
.LBB2_1:
0x34: {  	s7 =	sld [smem:$0x7ED]  }
0x35: {  	s8 =	sld [smem:$0x7F0];
	_ =	sdelay $0x1  }
0x36: {  	[smem:$0x7EC] =	sst s25  }
0x37: {  	[spmem:s8], [sflag:s9] =	dma.local @!p0 [hbm:s7], $0x3E8  }
0x38: {  	s8 =	simm.s32 @!p0 $0x9  }
0x39: {  	_ =	swait.ge @!p0 [sflag:s8], $0x3E8  }
0x3a: {  	[sflag:s8] =	ssyncset.done @!p0 $0x0  }
0x3b: {  	[sflag:s8] =	ssyncadd.s32 @!p0 $0xFFFFFC18  }
0x3c: {  	[bflag:$0x0] =	sbarrier.arrive $0xFFFF  }
0x3d: {  	s25 =	rddreg [dreg:$0x3]  }
0x3e: {  	s8 =	sadd.s32 $0x0, s25  }
0x3f: {  	[tilespmem:s10], [sflag:$0x9] =	stream.linear.gather [hbm4b:s8+s3], $0x7D0, $0x38;
	[tilespmem:$0x2D28] =	vst v63  }
0x40: {  	_ =	swait.ge [sflag:s11], $0x7D0  }
0x41: {  	s7 =	rddreg [dreg:$0x4];
	[sflag:s11] =	ssyncset.done $0x0  }
0x42: {  	[sflag:s11] =	ssyncadd.s32 $0xFFFFF830;
	s8 =	sadd.s32 $0x0, s7  }
0x43: {  	[tilespmem:s3], [sflag:$0x9] =	stream.linear.gather [hbm4b:s8+s3], $0x7D0, $0x38;
	[tilespmem:$0x2D28] =	vst v63  }
0x44: {  	_ =	swait.ge [sflag:s11], $0x7D0  }
0x45: {  	[sflag:s11] =	ssyncset.done $0x0  }
0x46: {  	[sflag:s11] =	ssyncadd.s32 $0xFFFFF830  }
0x47: {  	[tilespmem:s13], [sflag:$0x1] =	stream.indirect.gather [hbm4b:s4+s12], $0x8, s3, s12, $0xb8;
	[tilespmem:$0x2D28] =	vst v63  }
0x48: {  	_ = 	snop  }
0x49: {  	[tilespmem:s14], [sflag:$0x2] =	stream.indirect.gather [hbm4b:s4+s12], $0x8, s12, s12, $0xb8;
	[tilespmem:$0x2D28] =	vst v63  }
0x4a: {  	s9 =	rddreg [dreg:$0x5]  }
0x4b: {  	[tilespmem:s15], [sflag:$0x3] =	stream.indirect.gather [hbm4b:s4+s12], $0x8, s9, s12, $0xb8;
	[tilespmem:$0x2D28] =	vst v63  }
0x4c: {  	_ =	swait.ge [sflag:s16], $0x280  }
0x4d: {  	[sflag:s16] =	ssyncset.done $0x0  }
0x4e: {  	[sflag:s16] =	ssyncadd.s32 $0xFFFFFD80  }
0x4f: {  	[spmem:s2] =	stream.indirect.scatter.add.f32 [tilespmem:s13], [sflag:$0x5], $0x8, s10, s12, $0xb8;
	[tilespmem:$0x2D28] =	vst v63  }
0x50: {  	s25 =	rddreg [dreg:$0x6]  }
0x51: {  	[tilespmem:s17], [sflag:$0x4] =	stream.indirect.gather [hbm4b:s4+s12], $0x8, s25, s12, $0xb8;
	[tilespmem:$0x2D28] =	vst v63  }
0x52: {  	_ =	swait.ge [sflag:s18], $0x280  }
0x53: {  	[sflag:s18] =	ssyncset.done $0x0  }
0x54: {  	s7 =	rddreg [dreg:$0x7];
	[sflag:s18] =	ssyncadd.s32 $0xFFFFFD80  }
0x55: {  	[spmem:s2] =	stream.indirect.scatter.add.f32 [tilespmem:s14], [sflag:$0x6], $0x8, s7, s12, $0xb8;
	[tilespmem:$0x2D28] =	vst v63  }
0x56: {  	_ =	swait.ge [sflag:s19], $0x280  }
0x57: {  	[sflag:s19] =	ssyncset.done $0x0  }
0x58: {  	s9 =	rddreg [dreg:$0x8];
	[sflag:s19] =	ssyncadd.s32 $0xFFFFFD80  }
0x59: {  	[tilespmem:s13], [sflag:$0x1] =	stream.indirect.gather [hbm4b:s4+s12], $0x8, s9, s12, $0xb8;
	[tilespmem:$0x2D28] =	vst v63  }
0x5a: {  	_ =	swait.ge [sflag:s20], $0x280  }
0x5b: {  	[sflag:s20] =	ssyncset.done $0x0  }
0x5c: {  	s25 =	rddreg [dreg:$0x9];
	[sflag:s20] =	ssyncadd.s32 $0xFFFFFD80  }
0x5d: {  	[spmem:s2] =	stream.indirect.scatter.add.f32 [tilespmem:s15], [sflag:$0x7], $0x8, s25, s12, $0xb8;
	[tilespmem:$0x2D28] =	vst v63  }
0x5e: {  	_ =	swait.ge [sflag:s21], $0x280  }
0x5f: {  	[sflag:s21] =	ssyncset.done $0x0  }
0x60: {  	s7 =	rddreg [dreg:$0xa];
	[sflag:s21] =	ssyncadd.s32 $0xFFFFFD80  }
0x61: {  	[tilespmem:s14], [sflag:$0x2] =	stream.indirect.gather [hbm4b:s4+s12], $0x8, s7, s12, $0xb8;
	[tilespmem:$0x2D28] =	vst v63  }
0x62: {  	_ =	swait.ge [sflag:s22], $0x280  }
0x63: {  	[sflag:s22] =	ssyncset.done $0x0  }
0x64: {  	s9 =	rddreg [dreg:$0xb];
	[sflag:s22] =	ssyncadd.s32 $0xFFFFFD80  }
0x65: {  	[spmem:s2] =	stream.indirect.scatter.add.f32 [tilespmem:s17], [sflag:$0x8], $0x8, s9, s12, $0xb8;
	[tilespmem:$0x2D28] =	vst v63  }
0x66: {  	_ =	swait.ge [sflag:s23], $0x280  }
0x67: {  	[sflag:s23] =	ssyncset.done $0x0  }
0x68: {  	s25 =	rddreg [dreg:$0xc];
	[sflag:s23] =	ssyncadd.s32 $0xFFFFFD80  }
0x69: {  	[tilespmem:s15], [sflag:$0x3] =	stream.indirect.gather [hbm4b:s4+s12], $0x8, s25, s12, $0xb8;
	[tilespmem:$0x2D28] =	vst v63  }
0x6a: {  	_ =	swait.ge [sflag:s16], $0x280  }
0x6b: {  	[sflag:s16] =	ssyncset.done $0x0  }
0x6c: {  	s7 =	rddreg [dreg:$0xd];
	[sflag:s16] =	ssyncadd.s32 $0xFFFFFD80  }
0x6d: {  	[spmem:s2] =	stream.indirect.scatter.add.f32 [tilespmem:s13], [sflag:$0x5], $0x8, s7, s12, $0xb8;
	[tilespmem:$0x2D28] =	vst v63  }
0x6e: {  	_ =	swait.ge [sflag:s24], $0x280  }
0x6f: {  	[sflag:s24] =	ssyncset.done $0x0  }
0x70: {  	s9 =	rddreg [dreg:$0xe];
	[sflag:s24] =	ssyncadd.s32 $0xFFFFFD80  }
0x71: {  	[tilespmem:s17], [sflag:$0x4] =	stream.indirect.gather [hbm4b:s4+s12], $0x8, s9, s12, $0xb8;
	[tilespmem:$0x2D28] =	vst v63  }
0x72: {  	_ =	swait.ge [sflag:s18], $0x280  }
0x73: {  	[sflag:s18] =	ssyncset.done $0x0  }
0x74: {  	s25 =	rddreg [dreg:$0xf];
	[sflag:s18] =	ssyncadd.s32 $0xFFFFFD80  }
0x75: {  	[spmem:s2] =	stream.indirect.scatter.add.f32 [tilespmem:s14], [sflag:$0x6], $0x8, s25, s12, $0xb8;
	[tilespmem:$0x2D28] =	vst v63  }
0x76: {  	_ =	swait.ge [sflag:s19], $0x280  }
0x77: {  	[sflag:s19] =	ssyncset.done $0x0  }
0x78: {  	s7 =	rddreg [dreg:$0x10];
	[sflag:s19] =	ssyncadd.s32 $0xFFFFFD80  }
0x79: {  	[tilespmem:s13], [sflag:$0x1] =	stream.indirect.gather [hbm4b:s4+s12], $0x8, s7, s12, $0xb8;
	[tilespmem:$0x2D28] =	vst v63  }
0x7a: {  	_ =	swait.ge [sflag:s20], $0x280  }
0x7b: {  	[sflag:s20] =	ssyncset.done $0x0  }
0x7c: {  	s9 =	rddreg [dreg:$0x11];
	[sflag:s20] =	ssyncadd.s32 $0xFFFFFD80  }
0x7d: {  	[spmem:s2] =	stream.indirect.scatter.add.f32 [tilespmem:s15], [sflag:$0x7], $0x8, s9, s12, $0xb8;
	[tilespmem:$0x2D28] =	vst v63  }
0x7e: {  	_ =	swait.ge [sflag:s21], $0x280  }
0x7f: {  	[sflag:s21] =	ssyncset.done $0x0  }
0x80: {  	s25 =	rddreg [dreg:$0x12];
	[sflag:s21] =	ssyncadd.s32 $0xFFFFFD80  }
0x81: {  	[tilespmem:s14], [sflag:$0x2] =	stream.indirect.gather [hbm4b:s4+s12], $0x8, s25, s12, $0xb8;
	[tilespmem:$0x2D28] =	vst v63  }
0x82: {  	_ =	swait.ge [sflag:s22], $0x280  }
0x83: {  	[sflag:s22] =	ssyncset.done $0x0  }
0x84: {  	s7 =	rddreg [dreg:$0x13];
	[sflag:s22] =	ssyncadd.s32 $0xFFFFFD80  }
0x85: {  	[spmem:s2] =	stream.indirect.scatter.add.f32 [tilespmem:s17], [sflag:$0x8], $0x8, s7, s12, $0xb8;
	[tilespmem:$0x2D28] =	vst v63  }
0x86: {  	_ =	swait.ge [sflag:s23], $0x280  }
0x87: {  	[sflag:s23] =	ssyncset.done $0x0  }
0x88: {  	s9 =	rddreg [dreg:$0x14];
	[sflag:s23] =	ssyncadd.s32 $0xFFFFFD80  }
0x89: {  	[tilespmem:s15], [sflag:$0x3] =	stream.indirect.gather [hbm4b:s4+s12], $0x8, s9, s12, $0xb8;
	[tilespmem:$0x2D28] =	vst v63  }
0x8a: {  	_ =	swait.ge [sflag:s16], $0x280  }
0x8b: {  	[sflag:s16] =	ssyncset.done $0x0  }
0x8c: {  	s25 =	rddreg [dreg:$0x15];
	[sflag:s16] =	ssyncadd.s32 $0xFFFFFD80  }
0x8d: {  	[spmem:s2] =	stream.indirect.scatter.add.f32 [tilespmem:s13], [sflag:$0x5], $0x8, s25, s12, $0xb8;
	[tilespmem:$0x2D28] =	vst v63  }
0x8e: {  	_ =	swait.ge [sflag:s24], $0x280  }
0x8f: {  	[sflag:s24] =	ssyncset.done $0x0  }
0x90: {  	s7 =	rddreg [dreg:$0x16];
	[sflag:s24] =	ssyncadd.s32 $0xFFFFFD80  }
0x91: {  	[tilespmem:s17], [sflag:$0x4] =	stream.indirect.gather [hbm4b:s4+s12], $0x8, s7, s12, $0xb8;
	[tilespmem:$0x2D28] =	vst v63  }
0x92: {  	_ =	swait.ge [sflag:s18], $0x280  }
0x93: {  	[sflag:s18] =	ssyncset.done $0x0  }
0x94: {  	s9 =	rddreg [dreg:$0x17];
	[sflag:s18] =	ssyncadd.s32 $0xFFFFFD80  }
0x95: {  	[spmem:s2] =	stream.indirect.scatter.add.f32 [tilespmem:s14], [sflag:$0x6], $0x8, s9, s12, $0xb8;
	[tilespmem:$0x2D28] =	vst v63  }
0x96: {  	_ =	swait.ge [sflag:s19], $0x280  }
0x97: {  	[sflag:s19] =	ssyncset.done $0x0  }
0x98: {  	s25 =	rddreg [dreg:$0x18];
	[sflag:s19] =	ssyncadd.s32 $0xFFFFFD80  }
0x99: {  	[tilespmem:s13], [sflag:$0x1] =	stream.indirect.gather [hbm4b:s4+s12], $0x8, s25, s12, $0xb8;
	[tilespmem:$0x2D28] =	vst v63  }
0x9a: {  	_ =	swait.ge [sflag:s20], $0x280  }
0x9b: {  	[sflag:s20] =	ssyncset.done $0x0  }
0x9c: {  	s7 =	rddreg [dreg:$0x19];
	[sflag:s20] =	ssyncadd.s32 $0xFFFFFD80  }
0x9d: {  	[spmem:s2] =	stream.indirect.scatter.add.f32 [tilespmem:s15], [sflag:$0x7], $0x8, s7, s12, $0xb8;
	[tilespmem:$0x2D28] =	vst v63  }
0x9e: {  	_ =	swait.ge [sflag:s21], $0x280  }
0x9f: {  	[sflag:s21] =	ssyncset.done $0x0  }
0xa0: {  	s9 =	rddreg [dreg:$0x1a];
	[sflag:s21] =	ssyncadd.s32 $0xFFFFFD80  }
0xa1: {  	[tilespmem:s14], [sflag:$0x2] =	stream.indirect.gather [hbm4b:s4+s12], $0x8, s9, s12, $0xb8;
	[tilespmem:$0x2D28] =	vst v63  }
0xa2: {  	_ =	swait.ge [sflag:s22], $0x280  }
0xa3: {  	[sflag:s22] =	ssyncset.done $0x0  }
0xa4: {  	s25 =	rddreg [dreg:$0x1b];
	[sflag:s22] =	ssyncadd.s32 $0xFFFFFD80  }
0xa5: {  	[spmem:s2] =	stream.indirect.scatter.add.f32 [tilespmem:s17], [sflag:$0x8], $0x8, s25, s12, $0xb8;
	[tilespmem:$0x2D28] =	vst v63  }
0xa6: {  	_ =	swait.ge [sflag:s23], $0x280  }
0xa7: {  	[sflag:s23] =	ssyncset.done $0x0  }
0xa8: {  	s7 =	rddreg [dreg:$0x1c];
	[sflag:s23] =	ssyncadd.s32 $0xFFFFFD80  }
0xa9: {  	[tilespmem:s15], [sflag:$0x3] =	stream.indirect.gather [hbm4b:s4+s12], $0x8, s7, s12, $0xb8;
	[tilespmem:$0x2D28] =	vst v63  }
0xaa: {  	_ =	swait.ge [sflag:s16], $0x280  }
0xab: {  	[sflag:s16] =	ssyncset.done $0x0  }
0xac: {  	s9 =	rddreg [dreg:$0x1d];
	[sflag:s16] =	ssyncadd.s32 $0xFFFFFD80  }
0xad: {  	[spmem:s2] =	stream.indirect.scatter.add.f32 [tilespmem:s13], [sflag:$0x5], $0x8, s9, s12, $0xb8;
	[tilespmem:$0x2D28] =	vst v63  }
0xae: {  	_ =	swait.ge [sflag:s24], $0x280  }
0xaf: {  	[sflag:s24] =	ssyncset.done $0x0  }
0xb0: {  	s25 =	rddreg [dreg:$0x1e];
	[sflag:s24] =	ssyncadd.s32 $0xFFFFFD80  }
0xb1: {  	[tilespmem:s17], [sflag:$0x4] =	stream.indirect.gather [hbm4b:s4+s12], $0x8, s25, s12, $0xb8;
	[tilespmem:$0x2D28] =	vst v63  }
0xb2: {  	_ =	swait.ge [sflag:s18], $0x280  }
0xb3: {  	[sflag:s18] =	ssyncset.done $0x0  }
0xb4: {  	s7 =	rddreg [dreg:$0x1f];
	[sflag:s18] =	ssyncadd.s32 $0xFFFFFD80  }
0xb5: {  	[spmem:s2] =	stream.indirect.scatter.add.f32 [tilespmem:s14], [sflag:$0x6], $0x8, s7, s12, $0xb8;
	[tilespmem:$0x2D28] =	vst v63  }
0xb6: {  	_ =	swait.ge [sflag:s19], $0x280  }
0xb7: {  	s9 =	sld [smem:$0x7F1]  }
0xb8: {  	[sflag:s19] =	ssyncset.done $0x0  }
0xb9: {  	[sflag:s19] =	ssyncadd.s32 $0xFFFFFD80  }
0xba: {  	[tilespmem:s13], [sflag:$0x1] =	stream.indirect.gather [hbm4b:s4+s12], $0x8, s9, s12, $0xb8;
	[tilespmem:$0x2D28] =	vst v63  }
0xbb: {  	_ =	swait.ge [sflag:s20], $0x280  }
0xbc: {  	s25 =	sld [smem:$0x7F2]  }
0xbd: {  	[sflag:s20] =	ssyncset.done $0x0  }
0xbe: {  	[sflag:s20] =	ssyncadd.s32 $0xFFFFFD80  }
0xbf: {  	[spmem:s2] =	stream.indirect.scatter.add.f32 [tilespmem:s15], [sflag:$0x7], $0x8, s25, s12, $0xb8;
	[tilespmem:$0x2D28] =	vst v63  }
0xc0: {  	_ =	swait.ge [sflag:s21], $0x280  }
0xc1: {  	s7 =	sld [smem:$0x7F3]  }
0xc2: {  	[sflag:s21] =	ssyncset.done $0x0  }
0xc3: {  	[sflag:s21] =	ssyncadd.s32 $0xFFFFFD80  }
0xc4: {  	[tilespmem:s14], [sflag:$0x2] =	stream.indirect.gather [hbm4b:s4+s12], $0x8, s7, s12, $0xb8;
	[tilespmem:$0x2D28] =	vst v63  }
0xc5: {  	_ =	swait.ge [sflag:s22], $0x280  }
0xc6: {  	s9 =	sld [smem:$0x7F4]  }
0xc7: {  	[sflag:s22] =	ssyncset.done $0x0  }
0xc8: {  	[sflag:s22] =	ssyncadd.s32 $0xFFFFFD80  }
0xc9: {  	[spmem:s2] =	stream.indirect.scatter.add.f32 [tilespmem:s17], [sflag:$0x8], $0x8, s9, s12, $0xb8;
	[tilespmem:$0x2D28] =	vst v63  }
0xca: {  	_ =	swait.ge [sflag:s23], $0x280  }
0xcb: {  	s25 =	sld [smem:$0x7F5]  }
0xcc: {  	[sflag:s23] =	ssyncset.done $0x0  }
0xcd: {  	[sflag:s23] =	ssyncadd.s32 $0xFFFFFD80  }
0xce: {  	[tilespmem:s15], [sflag:$0x3] =	stream.indirect.gather [hbm4b:s4+s12], $0x8, s25, s12, $0xb8;
	[tilespmem:$0x2D28] =	vst v63  }
0xcf: {  	_ =	swait.ge [sflag:s16], $0x280  }
0xd0: {  	s7 =	sld [smem:$0x7F6]  }
0xd1: {  	[sflag:s16] =	ssyncset.done $0x0  }
0xd2: {  	[sflag:s16] =	ssyncadd.s32 $0xFFFFFD80  }
0xd3: {  	[spmem:s2] =	stream.indirect.scatter.add.f32 [tilespmem:s13], [sflag:$0x5], $0x8, s7, s12, $0xb8;
	[tilespmem:$0x2D28] =	vst v63  }
0xd4: {  	_ =	swait.ge [sflag:s24], $0x280  }
0xd5: {  	s9 =	sld [smem:$0x7F7]  }
0xd6: {  	[sflag:s24] =	ssyncset.done $0x0  }
0xd7: {  	[sflag:s24] =	ssyncadd.s32 $0xFFFFFD80  }
0xd8: {  	[tilespmem:s17], [sflag:$0x4] =	stream.indirect.gather [hbm4b:s4+s12], $0x8, s9, s12, $0xb8;
	[tilespmem:$0x2D28] =	vst v63  }
0xd9: {  	_ =	swait.ge [sflag:s18], $0x280  }
0xda: {  	s25 =	sld [smem:$0x7F8]  }
0xdb: {  	[sflag:s18] =	ssyncset.done $0x0  }
0xdc: {  	[sflag:s18] =	ssyncadd.s32 $0xFFFFFD80  }
0xdd: {  	[spmem:s2] =	stream.indirect.scatter.add.f32 [tilespmem:s14], [sflag:$0x6], $0x8, s25, s12, $0xb8;
	[tilespmem:$0x2D28] =	vst v63  }
0xde: {  	_ =	swait.ge [sflag:s19], $0x280  }
0xdf: {  	s7 =	sld [smem:$0x7F9]  }
0xe0: {  	[sflag:s19] =	ssyncset.done $0x0  }
0xe1: {  	[sflag:s19] =	ssyncadd.s32 $0xFFFFFD80  }
0xe2: {  	[tilespmem:s13], [sflag:$0x1] =	stream.indirect.gather [hbm4b:s4+s12], $0x8, s7, s12, $0xb8;
	[tilespmem:$0x2D28] =	vst v63  }
0xe3: {  	_ =	swait.ge [sflag:s20], $0x280  }
0xe4: {  	s9 =	sld [smem:$0x7FA]  }
0xe5: {  	[sflag:s20] =	ssyncset.done $0x0  }
0xe6: {  	[sflag:s20] =	ssyncadd.s32 $0xFFFFFD80  }
0xe7: {  	[spmem:s2] =	stream.indirect.scatter.add.f32 [tilespmem:s15], [sflag:$0x7], $0x8, s9, s12, $0xb8;
	[tilespmem:$0x2D28] =	vst v63  }
0xe8: {  	_ =	swait.ge [sflag:s21], $0x280  }
0xe9: {  	s25 =	sld [smem:$0x7FB]  }
0xea: {  	[sflag:s21] =	ssyncset.done $0x0  }
0xeb: {  	[sflag:s21] =	ssyncadd.s32 $0xFFFFFD80  }
0xec: {  	[tilespmem:s14], [sflag:$0x2] =	stream.indirect.gather [hbm4b:s4+s12], $0x8, s25, s12, $0xb8;
	[tilespmem:$0x2D28] =	vst v63  }
0xed: {  	_ =	swait.ge [sflag:s22], $0x280  }
0xee: {  	[sflag:s22] =	ssyncset.done $0x0  }
0xef: {  	[sflag:s22] =	ssyncadd.s32 $0xFFFFFD80  }
0xf0: {  	[spmem:s2] =	stream.indirect.scatter.add.f32 [tilespmem:s17], [sflag:$0x8], $0x8, s26, s12, $0xb8;
	[tilespmem:$0x2D28] =	vst v63  }
0xf1: {  	_ =	swait.ge [sflag:s23], $0x280  }
0xf2: {  	[sflag:s23] =	ssyncset.done $0x0  }
0xf3: {  	[sflag:s23] =	ssyncadd.s32 $0xFFFFFD80  }
0xf4: {  	[tilespmem:s15], [sflag:$0x3] =	stream.indirect.gather [hbm4b:s4+s12], $0x8, s28, s12, $0xb8;
	[tilespmem:$0x2D28] =	vst v63  }
0xf5: {  	_ =	swait.ge [sflag:s16], $0x280  }
0xf6: {  	[sflag:s16] =	ssyncset.done $0x0  }
0xf7: {  	[sflag:s16] =	ssyncadd.s32 $0xFFFFFD80  }
0xf8: {  	[spmem:s2] =	stream.indirect.scatter.add.f32 [tilespmem:s13], [sflag:$0x5], $0x8, s29, s12, $0xb8;
	[tilespmem:$0x2D28] =	vst v63  }
0xf9: {  	_ =	swait.ge [sflag:s24], $0x280  }
0xfa: {  	[sflag:s24] =	ssyncset.done $0x0  }
0xfb: {  	[sflag:s24] =	ssyncadd.s32 $0xFFFFFD80  }
0xfc: {  	[tilespmem:s17], [sflag:$0x4] =	stream.indirect.gather [hbm4b:s4+s12], $0x8, s30, s12, $0xb8;
	[tilespmem:$0x2D28] =	vst v63  }
0xfd: {  	_ =	swait.ge [sflag:s18], $0x280  }
0xfe: {  	[sflag:s18] =	ssyncset.done $0x0  }
0xff: {  	[sflag:s18] =	ssyncadd.s32 $0xFFFFFD80  }
0x100: {  	[spmem:s2] =	stream.indirect.scatter.add.f32 [tilespmem:s14], [sflag:$0x6], $0x8, s31, s12, $0xb8;
	[tilespmem:$0x2D28] =	vst v63  }
0x101: {  	_ =	swait.ge [sflag:s19], $0x280  }
0x102: {  	[sflag:s19] =	ssyncset.done $0x0  }
0x103: {  	[sflag:s19] =	ssyncadd.s32 $0xFFFFFD80  }
0x104: {  	[tilespmem:s13], [sflag:$0x1] =	stream.indirect.gather [hbm4b:s4+s12], $0x8, s1, s12, $0xb8;
	[tilespmem:$0x2D28] =	vst v63  }
0x105: {  	_ =	swait.ge [sflag:s20], $0x280  }
0x106: {  	[sflag:s20] =	ssyncset.done $0x0  }
0x107: {  	[sflag:s20] =	ssyncadd.s32 $0xFFFFFD80  }
0x108: {  	[spmem:s2] =	stream.indirect.scatter.add.f32 [tilespmem:s15], [sflag:$0x7], $0x8, s0, s12, $0xb8;
	[tilespmem:$0x2D28] =	vst v63  }
0x109: {  	_ =	swait.ge [sflag:s22], $0x280  }
0x10a: {  	[sflag:s22] =	ssyncset.done $0x0  }
0x10b: {  	[sflag:s22] =	ssyncadd.s32 $0xFFFFFD80  }
0x10c: {  	[spmem:s2] =	stream.indirect.scatter.add.f32 [tilespmem:s17], [sflag:$0x8], $0x8, s5, s12, $0xb8;
	[tilespmem:$0x2D28] =	vst v63  }
0x10d: {  	_ =	swait.ge [sflag:s16], $0x280  }
0x10e: {  	[sflag:s16] =	ssyncset.done $0x0  }
0x10f: {  	[sflag:s16] =	ssyncadd.s32 $0xFFFFFD80  }
0x110: {  	[spmem:s2] =	stream.indirect.scatter.add.f32 [tilespmem:s13], [sflag:$0x5], $0x8, s6, s12, $0xb8;
	[tilespmem:$0x2D28] =	vst v63  }
0x111: {  	_ =	swait.ge [sflag:s21], $0x280  }
0x112: {  	[sflag:s21] =	ssyncset.done $0x0  }
0x113: {  	[sflag:s21] =	ssyncadd.s32 $0xFFFFFD80  }
0x114: {  	_ =	swait.ge [sflag:s23], $0x280  }
0x115: {  	[sflag:s23] =	ssyncset.done $0x0  }
0x116: {  	[sflag:s23] =	ssyncadd.s32 $0xFFFFFD80  }
0x117: {  	_ =	swait.ge [sflag:s24], $0x280  }
0x118: {  	[sflag:s24] =	ssyncset.done $0x0  }
0x119: {  	[sflag:s24] =	ssyncadd.s32 $0xFFFFFD80  }
0x11a: {  	s9 =	simm.s32 $0xFA;
	_ =	swait.ge [sflag:s19], $0x280  }
0x11b: {  	s25 =	simm.s32 $0x1F4;
	s8 =	rddreg [dreg:$0x3];
	[sflag:s19] =	ssyncset.done $0x0  }
.LBB2_2:
0x11c: {  	[sflag:s19] =	ssyncadd.s32 $0xFFFFFD80;
	s8 =	sadd.s32 s9, s8  }
0x11d: {  	[tilespmem:s10], [sflag:$0x9] =	stream.linear.gather [hbm4b:s8+s3], $0x7D0, $0x38;
	[tilespmem:$0x2D28] =	vst v63  }
0x11e: {  	_ =	swait.ge [sflag:s11], $0x7D0  }
0x11f: {  	s8 =	rddreg [dreg:$0x4];
	[sflag:s11] =	ssyncset.done $0x0  }
0x120: {  	[sflag:s11] =	ssyncadd.s32 $0xFFFFF830;
	s8 =	sadd.s32 s9, s8  }
0x121: {  	[tilespmem:s3], [sflag:$0x9] =	stream.linear.gather [hbm4b:s8+s3], $0x7D0, $0x38;
	[tilespmem:$0x2D28] =	vst v63  }
0x122: {  	_ =	swait.ge [sflag:s11], $0x7D0  }
0x123: {  	[sflag:s11] =	ssyncset.done $0x0  }
0x124: {  	[sflag:s11] =	ssyncadd.s32 $0xFFFFF830  }
0x125: {  	[tilespmem:s13], [sflag:$0x1] =	stream.indirect.gather [hbm4b:s4+s12], $0x8, s3, s12, $0xb8;
	[tilespmem:$0x2D28] =	vst v63  }
0x126: {  	_ = 	snop  }
0x127: {  	[tilespmem:s14], [sflag:$0x2] =	stream.indirect.gather [hbm4b:s4+s12], $0x8, s12, s12, $0xb8;
	[tilespmem:$0x2D28] =	vst v63  }
0x128: {  	s8 =	rddreg [dreg:$0x5]  }
0x129: {  	[tilespmem:s15], [sflag:$0x3] =	stream.indirect.gather [hbm4b:s4+s12], $0x8, s8, s12, $0xb8;
	[tilespmem:$0x2D28] =	vst v63  }
0x12a: {  	_ =	swait.ge [sflag:s16], $0x280  }
0x12b: {  	[sflag:s16] =	ssyncset.done $0x0  }
0x12c: {  	[sflag:s16] =	ssyncadd.s32 $0xFFFFFD80  }
0x12d: {  	[spmem:s2] =	stream.indirect.scatter.add.f32 [tilespmem:s13], [sflag:$0x5], $0x8, s10, s12, $0xb8;
	[tilespmem:$0x2D28] =	vst v63  }
0x12e: {  	s8 =	rddreg [dreg:$0x6]  }
0x12f: {  	[tilespmem:s17], [sflag:$0x4] =	stream.indirect.gather [hbm4b:s4+s12], $0x8, s8, s12, $0xb8;
	[tilespmem:$0x2D28] =	vst v63  }
0x130: {  	_ =	swait.ge [sflag:s18], $0x280  }
0x131: {  	[sflag:s18] =	ssyncset.done $0x0  }
0x132: {  	s8 =	rddreg [dreg:$0x7];
	[sflag:s18] =	ssyncadd.s32 $0xFFFFFD80  }
0x133: {  	[spmem:s2] =	stream.indirect.scatter.add.f32 [tilespmem:s14], [sflag:$0x6], $0x8, s8, s12, $0xb8;
	[tilespmem:$0x2D28] =	vst v63  }
0x134: {  	_ =	swait.ge [sflag:s19], $0x280  }
0x135: {  	[sflag:s19] =	ssyncset.done $0x0  }
0x136: {  	s8 =	rddreg [dreg:$0x8];
	[sflag:s19] =	ssyncadd.s32 $0xFFFFFD80  }
0x137: {  	[tilespmem:s13], [sflag:$0x1] =	stream.indirect.gather [hbm4b:s4+s12], $0x8, s8, s12, $0xb8;
	[tilespmem:$0x2D28] =	vst v63  }
0x138: {  	_ =	swait.ge [sflag:s20], $0x280  }
0x139: {  	[sflag:s20] =	ssyncset.done $0x0  }
0x13a: {  	s8 =	rddreg [dreg:$0x9];
	[sflag:s20] =	ssyncadd.s32 $0xFFFFFD80  }
0x13b: {  	[spmem:s2] =	stream.indirect.scatter.add.f32 [tilespmem:s15], [sflag:$0x7], $0x8, s8, s12, $0xb8;
	[tilespmem:$0x2D28] =	vst v63  }
0x13c: {  	_ =	swait.ge [sflag:s21], $0x280  }
0x13d: {  	[sflag:s21] =	ssyncset.done $0x0  }
0x13e: {  	s8 =	rddreg [dreg:$0xa];
	[sflag:s21] =	ssyncadd.s32 $0xFFFFFD80  }
0x13f: {  	[tilespmem:s14], [sflag:$0x2] =	stream.indirect.gather [hbm4b:s4+s12], $0x8, s8, s12, $0xb8;
	[tilespmem:$0x2D28] =	vst v63  }
0x140: {  	_ =	swait.ge [sflag:s22], $0x280  }
0x141: {  	[sflag:s22] =	ssyncset.done $0x0  }
0x142: {  	s8 =	rddreg [dreg:$0xb];
	[sflag:s22] =	ssyncadd.s32 $0xFFFFFD80  }
0x143: {  	[spmem:s2] =	stream.indirect.scatter.add.f32 [tilespmem:s17], [sflag:$0x8], $0x8, s8, s12, $0xb8;
	[tilespmem:$0x2D28] =	vst v63  }
0x144: {  	_ =	swait.ge [sflag:s23], $0x280  }
0x145: {  	[sflag:s23] =	ssyncset.done $0x0  }
0x146: {  	s8 =	rddreg [dreg:$0xc];
	[sflag:s23] =	ssyncadd.s32 $0xFFFFFD80  }
0x147: {  	[tilespmem:s15], [sflag:$0x3] =	stream.indirect.gather [hbm4b:s4+s12], $0x8, s8, s12, $0xb8;
	[tilespmem:$0x2D28] =	vst v63  }
0x148: {  	_ =	swait.ge [sflag:s16], $0x280  }
0x149: {  	[sflag:s16] =	ssyncset.done $0x0  }
0x14a: {  	s8 =	rddreg [dreg:$0xd];
	[sflag:s16] =	ssyncadd.s32 $0xFFFFFD80  }
0x14b: {  	[spmem:s2] =	stream.indirect.scatter.add.f32 [tilespmem:s13], [sflag:$0x5], $0x8, s8, s12, $0xb8;
	[tilespmem:$0x2D28] =	vst v63  }
0x14c: {  	_ =	swait.ge [sflag:s24], $0x280  }
0x14d: {  	[sflag:s24] =	ssyncset.done $0x0  }
0x14e: {  	s8 =	rddreg [dreg:$0xe];
	[sflag:s24] =	ssyncadd.s32 $0xFFFFFD80  }
0x14f: {  	[tilespmem:s17], [sflag:$0x4] =	stream.indirect.gather [hbm4b:s4+s12], $0x8, s8, s12, $0xb8;
	[tilespmem:$0x2D28] =	vst v63  }
0x150: {  	_ =	swait.ge [sflag:s18], $0x280  }
0x151: {  	[sflag:s18] =	ssyncset.done $0x0  }
0x152: {  	s8 =	rddreg [dreg:$0xf];
	[sflag:s18] =	ssyncadd.s32 $0xFFFFFD80  }
0x153: {  	[spmem:s2] =	stream.indirect.scatter.add.f32 [tilespmem:s14], [sflag:$0x6], $0x8, s8, s12, $0xb8;
	[tilespmem:$0x2D28] =	vst v63  }
0x154: {  	_ =	swait.ge [sflag:s19], $0x280  }
0x155: {  	[sflag:s19] =	ssyncset.done $0x0  }
0x156: {  	s8 =	rddreg [dreg:$0x10];
	[sflag:s19] =	ssyncadd.s32 $0xFFFFFD80  }
0x157: {  	[tilespmem:s13], [sflag:$0x1] =	stream.indirect.gather [hbm4b:s4+s12], $0x8, s8, s12, $0xb8;
	[tilespmem:$0x2D28] =	vst v63  }
0x158: {  	_ =	swait.ge [sflag:s20], $0x280  }
0x159: {  	[sflag:s20] =	ssyncset.done $0x0  }
0x15a: {  	s8 =	rddreg [dreg:$0x11];
	[sflag:s20] =	ssyncadd.s32 $0xFFFFFD80  }
0x15b: {  	[spmem:s2] =	stream.indirect.scatter.add.f32 [tilespmem:s15], [sflag:$0x7], $0x8, s8, s12, $0xb8;
	[tilespmem:$0x2D28] =	vst v63  }
0x15c: {  	_ =	swait.ge [sflag:s21], $0x280  }
0x15d: {  	[sflag:s21] =	ssyncset.done $0x0  }
0x15e: {  	s8 =	rddreg [dreg:$0x12];
	[sflag:s21] =	ssyncadd.s32 $0xFFFFFD80  }
0x15f: {  	[tilespmem:s14], [sflag:$0x2] =	stream.indirect.gather [hbm4b:s4+s12], $0x8, s8, s12, $0xb8;
	[tilespmem:$0x2D28] =	vst v63  }
0x160: {  	_ =	swait.ge [sflag:s22], $0x280  }
0x161: {  	[sflag:s22] =	ssyncset.done $0x0  }
0x162: {  	s8 =	rddreg [dreg:$0x13];
	[sflag:s22] =	ssyncadd.s32 $0xFFFFFD80  }
0x163: {  	[spmem:s2] =	stream.indirect.scatter.add.f32 [tilespmem:s17], [sflag:$0x8], $0x8, s8, s12, $0xb8;
	[tilespmem:$0x2D28] =	vst v63  }
0x164: {  	_ =	swait.ge [sflag:s23], $0x280  }
0x165: {  	[sflag:s23] =	ssyncset.done $0x0  }
0x166: {  	s8 =	rddreg [dreg:$0x14];
	[sflag:s23] =	ssyncadd.s32 $0xFFFFFD80  }
0x167: {  	[tilespmem:s15], [sflag:$0x3] =	stream.indirect.gather [hbm4b:s4+s12], $0x8, s8, s12, $0xb8;
	[tilespmem:$0x2D28] =	vst v63  }
0x168: {  	_ =	swait.ge [sflag:s16], $0x280  }
0x169: {  	[sflag:s16] =	ssyncset.done $0x0  }
0x16a: {  	s8 =	rddreg [dreg:$0x15];
	[sflag:s16] =	ssyncadd.s32 $0xFFFFFD80  }
0x16b: {  	[spmem:s2] =	stream.indirect.scatter.add.f32 [tilespmem:s13], [sflag:$0x5], $0x8, s8, s12, $0xb8;
	[tilespmem:$0x2D28] =	vst v63  }
0x16c: {  	_ =	swait.ge [sflag:s24], $0x280  }
0x16d: {  	[sflag:s24] =	ssyncset.done $0x0  }
0x16e: {  	s8 =	rddreg [dreg:$0x16];
	[sflag:s24] =	ssyncadd.s32 $0xFFFFFD80  }
0x16f: {  	[tilespmem:s17], [sflag:$0x4] =	stream.indirect.gather [hbm4b:s4+s12], $0x8, s8, s12, $0xb8;
	[tilespmem:$0x2D28] =	vst v63  }
0x170: {  	_ =	swait.ge [sflag:s18], $0x280  }
0x171: {  	[sflag:s18] =	ssyncset.done $0x0  }
0x172: {  	s8 =	rddreg [dreg:$0x17];
	[sflag:s18] =	ssyncadd.s32 $0xFFFFFD80  }
0x173: {  	[spmem:s2] =	stream.indirect.scatter.add.f32 [tilespmem:s14], [sflag:$0x6], $0x8, s8, s12, $0xb8;
	[tilespmem:$0x2D28] =	vst v63  }
0x174: {  	_ =	swait.ge [sflag:s19], $0x280  }
0x175: {  	[sflag:s19] =	ssyncset.done $0x0  }
0x176: {  	s8 =	rddreg [dreg:$0x18];
	[sflag:s19] =	ssyncadd.s32 $0xFFFFFD80  }
0x177: {  	[tilespmem:s13], [sflag:$0x1] =	stream.indirect.gather [hbm4b:s4+s12], $0x8, s8, s12, $0xb8;
	[tilespmem:$0x2D28] =	vst v63  }
0x178: {  	_ =	swait.ge [sflag:s20], $0x280  }
0x179: {  	[sflag:s20] =	ssyncset.done $0x0  }
0x17a: {  	s8 =	rddreg [dreg:$0x19];
	[sflag:s20] =	ssyncadd.s32 $0xFFFFFD80  }
0x17b: {  	[spmem:s2] =	stream.indirect.scatter.add.f32 [tilespmem:s15], [sflag:$0x7], $0x8, s8, s12, $0xb8;
	[tilespmem:$0x2D28] =	vst v63  }
0x17c: {  	_ =	swait.ge [sflag:s21], $0x280  }
0x17d: {  	[sflag:s21] =	ssyncset.done $0x0  }
0x17e: {  	s8 =	rddreg [dreg:$0x1a];
	[sflag:s21] =	ssyncadd.s32 $0xFFFFFD80  }
0x17f: {  	[tilespmem:s14], [sflag:$0x2] =	stream.indirect.gather [hbm4b:s4+s12], $0x8, s8, s12, $0xb8;
	[tilespmem:$0x2D28] =	vst v63  }
0x180: {  	_ =	swait.ge [sflag:s22], $0x280  }
0x181: {  	[sflag:s22] =	ssyncset.done $0x0  }
0x182: {  	s8 =	rddreg [dreg:$0x1b];
	[sflag:s22] =	ssyncadd.s32 $0xFFFFFD80  }
0x183: {  	[spmem:s2] =	stream.indirect.scatter.add.f32 [tilespmem:s17], [sflag:$0x8], $0x8, s8, s12, $0xb8;
	[tilespmem:$0x2D28] =	vst v63  }
0x184: {  	_ =	swait.ge [sflag:s23], $0x280  }
0x185: {  	[sflag:s23] =	ssyncset.done $0x0  }
0x186: {  	s8 =	rddreg [dreg:$0x1c];
	[sflag:s23] =	ssyncadd.s32 $0xFFFFFD80  }
0x187: {  	[tilespmem:s15], [sflag:$0x3] =	stream.indirect.gather [hbm4b:s4+s12], $0x8, s8, s12, $0xb8;
	[tilespmem:$0x2D28] =	vst v63  }
0x188: {  	_ =	swait.ge [sflag:s16], $0x280  }
0x189: {  	[sflag:s16] =	ssyncset.done $0x0  }
0x18a: {  	s8 =	rddreg [dreg:$0x1d];
	[sflag:s16] =	ssyncadd.s32 $0xFFFFFD80  }
0x18b: {  	[spmem:s2] =	stream.indirect.scatter.add.f32 [tilespmem:s13], [sflag:$0x5], $0x8, s8, s12, $0xb8;
	[tilespmem:$0x2D28] =	vst v63  }
0x18c: {  	_ =	swait.ge [sflag:s24], $0x280  }
0x18d: {  	[sflag:s24] =	ssyncset.done $0x0  }
0x18e: {  	s8 =	rddreg [dreg:$0x1e];
	[sflag:s24] =	ssyncadd.s32 $0xFFFFFD80  }
0x18f: {  	[tilespmem:s17], [sflag:$0x4] =	stream.indirect.gather [hbm4b:s4+s12], $0x8, s8, s12, $0xb8;
	[tilespmem:$0x2D28] =	vst v63  }
0x190: {  	_ =	swait.ge [sflag:s18], $0x280  }
0x191: {  	[sflag:s18] =	ssyncset.done $0x0  }
0x192: {  	s8 =	rddreg [dreg:$0x1f];
	[sflag:s18] =	ssyncadd.s32 $0xFFFFFD80  }
0x193: {  	[spmem:s2] =	stream.indirect.scatter.add.f32 [tilespmem:s14], [sflag:$0x6], $0x8, s8, s12, $0xb8;
	[tilespmem:$0x2D28] =	vst v63  }
0x194: {  	_ =	swait.ge [sflag:s19], $0x280  }
0x195: {  	s8 =	sld [smem:$0x7F1]  }
0x196: {  	[sflag:s19] =	ssyncset.done $0x0  }
0x197: {  	[sflag:s19] =	ssyncadd.s32 $0xFFFFFD80  }
0x198: {  	[tilespmem:s13], [sflag:$0x1] =	stream.indirect.gather [hbm4b:s4+s12], $0x8, s8, s12, $0xb8;
	[tilespmem:$0x2D28] =	vst v63  }
0x199: {  	_ =	swait.ge [sflag:s20], $0x280  }
0x19a: {  	s8 =	sld [smem:$0x7F2]  }
0x19b: {  	[sflag:s20] =	ssyncset.done $0x0  }
0x19c: {  	[sflag:s20] =	ssyncadd.s32 $0xFFFFFD80  }
0x19d: {  	[spmem:s2] =	stream.indirect.scatter.add.f32 [tilespmem:s15], [sflag:$0x7], $0x8, s8, s12, $0xb8;
	[tilespmem:$0x2D28] =	vst v63  }
0x19e: {  	_ =	swait.ge [sflag:s21], $0x280  }
0x19f: {  	s8 =	sld [smem:$0x7F3]  }
0x1a0: {  	[sflag:s21] =	ssyncset.done $0x0  }
0x1a1: {  	[sflag:s21] =	ssyncadd.s32 $0xFFFFFD80  }
0x1a2: {  	[tilespmem:s14], [sflag:$0x2] =	stream.indirect.gather [hbm4b:s4+s12], $0x8, s8, s12, $0xb8;
	[tilespmem:$0x2D28] =	vst v63  }
0x1a3: {  	_ =	swait.ge [sflag:s22], $0x280  }
0x1a4: {  	s8 =	sld [smem:$0x7F4]  }
0x1a5: {  	[sflag:s22] =	ssyncset.done $0x0  }
0x1a6: {  	[sflag:s22] =	ssyncadd.s32 $0xFFFFFD80  }
0x1a7: {  	[spmem:s2] =	stream.indirect.scatter.add.f32 [tilespmem:s17], [sflag:$0x8], $0x8, s8, s12, $0xb8;
	[tilespmem:$0x2D28] =	vst v63  }
0x1a8: {  	_ =	swait.ge [sflag:s23], $0x280  }
0x1a9: {  	s8 =	sld [smem:$0x7F5]  }
0x1aa: {  	[sflag:s23] =	ssyncset.done $0x0  }
0x1ab: {  	[sflag:s23] =	ssyncadd.s32 $0xFFFFFD80  }
0x1ac: {  	[tilespmem:s15], [sflag:$0x3] =	stream.indirect.gather [hbm4b:s4+s12], $0x8, s8, s12, $0xb8;
	[tilespmem:$0x2D28] =	vst v63  }
0x1ad: {  	_ =	swait.ge [sflag:s16], $0x280  }
0x1ae: {  	s8 =	sld [smem:$0x7F6]  }
0x1af: {  	[sflag:s16] =	ssyncset.done $0x0  }
0x1b0: {  	[sflag:s16] =	ssyncadd.s32 $0xFFFFFD80  }
0x1b1: {  	[spmem:s2] =	stream.indirect.scatter.add.f32 [tilespmem:s13], [sflag:$0x5], $0x8, s8, s12, $0xb8;
	[tilespmem:$0x2D28] =	vst v63  }
0x1b2: {  	_ =	swait.ge [sflag:s24], $0x280  }
0x1b3: {  	s8 =	sld [smem:$0x7F7]  }
0x1b4: {  	[sflag:s24] =	ssyncset.done $0x0  }
0x1b5: {  	[sflag:s24] =	ssyncadd.s32 $0xFFFFFD80  }
0x1b6: {  	[tilespmem:s17], [sflag:$0x4] =	stream.indirect.gather [hbm4b:s4+s12], $0x8, s8, s12, $0xb8;
	[tilespmem:$0x2D28] =	vst v63  }
0x1b7: {  	_ =	swait.ge [sflag:s18], $0x280  }
0x1b8: {  	s8 =	sld [smem:$0x7F8]  }
0x1b9: {  	[sflag:s18] =	ssyncset.done $0x0  }
0x1ba: {  	[sflag:s18] =	ssyncadd.s32 $0xFFFFFD80  }
0x1bb: {  	[spmem:s2] =	stream.indirect.scatter.add.f32 [tilespmem:s14], [sflag:$0x6], $0x8, s8, s12, $0xb8;
	[tilespmem:$0x2D28] =	vst v63  }
0x1bc: {  	_ =	swait.ge [sflag:s19], $0x280  }
0x1bd: {  	s8 =	sld [smem:$0x7F9]  }
0x1be: {  	[sflag:s19] =	ssyncset.done $0x0  }
0x1bf: {  	[sflag:s19] =	ssyncadd.s32 $0xFFFFFD80  }
0x1c0: {  	[tilespmem:s13], [sflag:$0x1] =	stream.indirect.gather [hbm4b:s4+s12], $0x8, s8, s12, $0xb8;
	[tilespmem:$0x2D28] =	vst v63  }
0x1c1: {  	_ =	swait.ge [sflag:s20], $0x280  }
0x1c2: {  	s8 =	sld [smem:$0x7FA]  }
0x1c3: {  	[sflag:s20] =	ssyncset.done $0x0  }
0x1c4: {  	[sflag:s20] =	ssyncadd.s32 $0xFFFFFD80  }
0x1c5: {  	[spmem:s2] =	stream.indirect.scatter.add.f32 [tilespmem:s15], [sflag:$0x7], $0x8, s8, s12, $0xb8;
	[tilespmem:$0x2D28] =	vst v63  }
0x1c6: {  	_ =	swait.ge [sflag:s21], $0x280  }
0x1c7: {  	s8 =	sld [smem:$0x7FB]  }
0x1c8: {  	[sflag:s21] =	ssyncset.done $0x0  }
0x1c9: {  	[sflag:s21] =	ssyncadd.s32 $0xFFFFFD80  }
0x1ca: {  	[tilespmem:s14], [sflag:$0x2] =	stream.indirect.gather [hbm4b:s4+s12], $0x8, s8, s12, $0xb8;
	[tilespmem:$0x2D28] =	vst v63  }
0x1cb: {  	_ =	swait.ge [sflag:s22], $0x280  }
0x1cc: {  	[sflag:s22] =	ssyncset.done $0x0  }
0x1cd: {  	[sflag:s22] =	ssyncadd.s32 $0xFFFFFD80  }
0x1ce: {  	[spmem:s2] =	stream.indirect.scatter.add.f32 [tilespmem:s17], [sflag:$0x8], $0x8, s26, s12, $0xb8;
	[tilespmem:$0x2D28] =	vst v63  }
0x1cf: {  	_ =	swait.ge [sflag:s23], $0x280  }
0x1d0: {  	[sflag:s23] =	ssyncset.done $0x0  }
0x1d1: {  	[sflag:s23] =	ssyncadd.s32 $0xFFFFFD80  }
0x1d2: {  	[tilespmem:s15], [sflag:$0x3] =	stream.indirect.gather [hbm4b:s4+s12], $0x8, s28, s12, $0xb8;
	[tilespmem:$0x2D28] =	vst v63  }
0x1d3: {  	_ =	swait.ge [sflag:s16], $0x280  }
0x1d4: {  	[sflag:s16] =	ssyncset.done $0x0  }
0x1d5: {  	[sflag:s16] =	ssyncadd.s32 $0xFFFFFD80  }
0x1d6: {  	[spmem:s2] =	stream.indirect.scatter.add.f32 [tilespmem:s13], [sflag:$0x5], $0x8, s29, s12, $0xb8;
	[tilespmem:$0x2D28] =	vst v63  }
0x1d7: {  	_ =	swait.ge [sflag:s24], $0x280  }
0x1d8: {  	[sflag:s24] =	ssyncset.done $0x0  }
0x1d9: {  	[sflag:s24] =	ssyncadd.s32 $0xFFFFFD80  }
0x1da: {  	[tilespmem:s17], [sflag:$0x4] =	stream.indirect.gather [hbm4b:s4+s12], $0x8, s30, s12, $0xb8;
	[tilespmem:$0x2D28] =	vst v63  }
0x1db: {  	_ =	swait.ge [sflag:s18], $0x280  }
0x1dc: {  	[sflag:s18] =	ssyncset.done $0x0  }
0x1dd: {  	[sflag:s18] =	ssyncadd.s32 $0xFFFFFD80  }
0x1de: {  	[spmem:s2] =	stream.indirect.scatter.add.f32 [tilespmem:s14], [sflag:$0x6], $0x8, s31, s12, $0xb8;
	[tilespmem:$0x2D28] =	vst v63  }
0x1df: {  	_ =	swait.ge [sflag:s19], $0x280  }
0x1e0: {  	[sflag:s19] =	ssyncset.done $0x0  }
0x1e1: {  	[sflag:s19] =	ssyncadd.s32 $0xFFFFFD80  }
0x1e2: {  	[tilespmem:s13], [sflag:$0x1] =	stream.indirect.gather [hbm4b:s4+s12], $0x8, s1, s12, $0xb8;
	[tilespmem:$0x2D28] =	vst v63  }
0x1e3: {  	_ =	swait.ge [sflag:s20], $0x280  }
0x1e4: {  	[sflag:s20] =	ssyncset.done $0x0  }
0x1e5: {  	[sflag:s20] =	ssyncadd.s32 $0xFFFFFD80  }
0x1e6: {  	[spmem:s2] =	stream.indirect.scatter.add.f32 [tilespmem:s15], [sflag:$0x7], $0x8, s0, s12, $0xb8;
	[tilespmem:$0x2D28] =	vst v63  }
0x1e7: {  	_ =	swait.ge [sflag:s22], $0x280  }
0x1e8: {  	[sflag:s22] =	ssyncset.done $0x0  }
0x1e9: {  	[sflag:s22] =	ssyncadd.s32 $0xFFFFFD80  }
0x1ea: {  	[spmem:s2] =	stream.indirect.scatter.add.f32 [tilespmem:s17], [sflag:$0x8], $0x8, s5, s12, $0xb8;
	[tilespmem:$0x2D28] =	vst v63  }
0x1eb: {  	_ =	swait.ge [sflag:s16], $0x280  }
0x1ec: {  	[sflag:s16] =	ssyncset.done $0x0  }
0x1ed: {  	[sflag:s16] =	ssyncadd.s32 $0xFFFFFD80  }
0x1ee: {  	[spmem:s2] =	stream.indirect.scatter.add.f32 [tilespmem:s13], [sflag:$0x5], $0x8, s6, s12, $0xb8;
	[tilespmem:$0x2D28] =	vst v63  }
0x1ef: {  	_ =	swait.ge [sflag:s21], $0x280  }
0x1f0: {  	[sflag:s21] =	ssyncset.done $0x0  }
0x1f1: {  	[sflag:s21] =	ssyncadd.s32 $0xFFFFFD80  }
0x1f2: {  	_ =	swait.ge [sflag:s23], $0x280  }
0x1f3: {  	[sflag:s23] =	ssyncset.done $0x0  }
0x1f4: {  	p1 =	sne.s32 s25, $0x3E8;
	[sflag:s23] =	ssyncadd.s32 $0xFFFFFD80  }
.Ltmp0:
0x1f5: {  	_ =	swait.ge [sflag:s24], $0x280;
	(pc) =	sbr.rel @p1 .LBB2_2-.Ltmp0, $4  }
0x1f6: {  	[sflag:s24] =	ssyncset.done $0x0  }
0x1f7: {  	[sflag:s24] =	ssyncadd.s32 $0xFFFFFD80  }
0x1f8: {  	s7 =	smov.u32 s25;
	s25 =	sadd.s32 $0xFA, s25;
	_ =	swait.ge [sflag:s19], $0x280  }
0x1f9: {  	s9 =	smov.u32 s7;
	s8 =	rddreg [dreg:$0x3];
	[sflag:s19] =	ssyncset.done $0x0  }
0x1fa: {  	[sflag:s19] =	ssyncadd.s32 $0xFFFFFD80;
	s7 =	sadd.s32 s9, s8  }
0x1fb: {  	[tilespmem:s10], [sflag:$0x9] =	stream.linear.gather [hbm4b:s7+s3], $0x7D0, $0x38;
	[tilespmem:$0x2D28] =	vst v63  }
0x1fc: {  	_ =	swait.ge [sflag:s11], $0x7D0  }
0x1fd: {  	s8 =	rddreg [dreg:$0x4];
	[sflag:s11] =	ssyncset.done $0x0  }
0x1fe: {  	s7 =	sadd.s32 s9, s8;
	[sflag:s11] =	ssyncadd.s32 $0xFFFFF830  }
0x1ff: {  	[tilespmem:s3], [sflag:$0x9] =	stream.linear.gather [hbm4b:s7+s3], $0x7D0, $0x38;
	[tilespmem:$0x2D28] =	vst v63  }
0x200: {  	_ =	swait.ge [sflag:s11], $0x7D0  }
0x201: {  	[sflag:s11] =	ssyncset.done $0x0  }
0x202: {  	[sflag:s11] =	ssyncadd.s32 $0xFFFFF830  }
0x203: {  	[tilespmem:s13], [sflag:$0x1] =	stream.indirect.gather [hbm4b:s4+s12], $0x8, s3, s12, $0xb8;
	[tilespmem:$0x2D28] =	vst v63  }
0x204: {  	_ = 	snop  }
0x205: {  	[tilespmem:s14], [sflag:$0x2] =	stream.indirect.gather [hbm4b:s4+s12], $0x8, s12, s12, $0xb8;
	[tilespmem:$0x2D28] =	vst v63  }
0x206: {  	s9 =	rddreg [dreg:$0x5]  }
0x207: {  	[tilespmem:s15], [sflag:$0x3] =	stream.indirect.gather [hbm4b:s4+s12], $0x8, s9, s12, $0xb8;
	[tilespmem:$0x2D28] =	vst v63  }
0x208: {  	_ =	swait.ge [sflag:s16], $0x280  }
0x209: {  	[sflag:s16] =	ssyncset.done $0x0  }
0x20a: {  	[sflag:s16] =	ssyncadd.s32 $0xFFFFFD80  }
0x20b: {  	[spmem:s2] =	stream.indirect.scatter.add.f32 [tilespmem:s13], [sflag:$0x5], $0x8, s10, s12, $0xb8;
	[tilespmem:$0x2D28] =	vst v63  }
0x20c: {  	s25 =	rddreg [dreg:$0x6]  }
0x20d: {  	[tilespmem:s17], [sflag:$0x4] =	stream.indirect.gather [hbm4b:s4+s12], $0x8, s25, s12, $0xb8;
	[tilespmem:$0x2D28] =	vst v63  }
0x20e: {  	_ =	swait.ge [sflag:s18], $0x280  }
0x20f: {  	[sflag:s18] =	ssyncset.done $0x0  }
0x210: {  	s8 =	rddreg [dreg:$0x7];
	[sflag:s18] =	ssyncadd.s32 $0xFFFFFD80  }
0x211: {  	[spmem:s2] =	stream.indirect.scatter.add.f32 [tilespmem:s14], [sflag:$0x6], $0x8, s8, s12, $0xb8;
	[tilespmem:$0x2D28] =	vst v63  }
0x212: {  	_ =	swait.ge [sflag:s19], $0x280  }
0x213: {  	[sflag:s19] =	ssyncset.done $0x0  }
0x214: {  	s9 =	rddreg [dreg:$0x8];
	[sflag:s19] =	ssyncadd.s32 $0xFFFFFD80  }
0x215: {  	[tilespmem:s13], [sflag:$0x1] =	stream.indirect.gather [hbm4b:s4+s12], $0x8, s9, s12, $0xb8;
	[tilespmem:$0x2D28] =	vst v63  }
0x216: {  	_ =	swait.ge [sflag:s20], $0x280  }
0x217: {  	[sflag:s20] =	ssyncset.done $0x0  }
0x218: {  	s25 =	rddreg [dreg:$0x9];
	[sflag:s20] =	ssyncadd.s32 $0xFFFFFD80  }
0x219: {  	[spmem:s2] =	stream.indirect.scatter.add.f32 [tilespmem:s15], [sflag:$0x7], $0x8, s25, s12, $0xb8;
	[tilespmem:$0x2D28] =	vst v63  }
0x21a: {  	_ =	swait.ge [sflag:s21], $0x280  }
0x21b: {  	[sflag:s21] =	ssyncset.done $0x0  }
0x21c: {  	s8 =	rddreg [dreg:$0xa];
	[sflag:s21] =	ssyncadd.s32 $0xFFFFFD80  }
0x21d: {  	[tilespmem:s14], [sflag:$0x2] =	stream.indirect.gather [hbm4b:s4+s12], $0x8, s8, s12, $0xb8;
	[tilespmem:$0x2D28] =	vst v63  }
0x21e: {  	_ =	swait.ge [sflag:s22], $0x280  }
0x21f: {  	[sflag:s22] =	ssyncset.done $0x0  }
0x220: {  	s9 =	rddreg [dreg:$0xb];
	[sflag:s22] =	ssyncadd.s32 $0xFFFFFD80  }
0x221: {  	[spmem:s2] =	stream.indirect.scatter.add.f32 [tilespmem:s17], [sflag:$0x8], $0x8, s9, s12, $0xb8;
	[tilespmem:$0x2D28] =	vst v63  }
0x222: {  	_ =	swait.ge [sflag:s23], $0x280  }
0x223: {  	[sflag:s23] =	ssyncset.done $0x0  }
0x224: {  	s25 =	rddreg [dreg:$0xc];
	[sflag:s23] =	ssyncadd.s32 $0xFFFFFD80  }
0x225: {  	[tilespmem:s15], [sflag:$0x3] =	stream.indirect.gather [hbm4b:s4+s12], $0x8, s25, s12, $0xb8;
	[tilespmem:$0x2D28] =	vst v63  }
0x226: {  	_ =	swait.ge [sflag:s16], $0x280  }
0x227: {  	[sflag:s16] =	ssyncset.done $0x0  }
0x228: {  	s8 =	rddreg [dreg:$0xd];
	[sflag:s16] =	ssyncadd.s32 $0xFFFFFD80  }
0x229: {  	[spmem:s2] =	stream.indirect.scatter.add.f32 [tilespmem:s13], [sflag:$0x5], $0x8, s8, s12, $0xb8;
	[tilespmem:$0x2D28] =	vst v63  }
0x22a: {  	_ =	swait.ge [sflag:s24], $0x280  }
0x22b: {  	[sflag:s24] =	ssyncset.done $0x0  }
0x22c: {  	s9 =	rddreg [dreg:$0xe];
	[sflag:s24] =	ssyncadd.s32 $0xFFFFFD80  }
0x22d: {  	[tilespmem:s17], [sflag:$0x4] =	stream.indirect.gather [hbm4b:s4+s12], $0x8, s9, s12, $0xb8;
	[tilespmem:$0x2D28] =	vst v63  }
0x22e: {  	_ =	swait.ge [sflag:s18], $0x280  }
0x22f: {  	[sflag:s18] =	ssyncset.done $0x0  }
0x230: {  	s25 =	rddreg [dreg:$0xf];
	[sflag:s18] =	ssyncadd.s32 $0xFFFFFD80  }
0x231: {  	[spmem:s2] =	stream.indirect.scatter.add.f32 [tilespmem:s14], [sflag:$0x6], $0x8, s25, s12, $0xb8;
	[tilespmem:$0x2D28] =	vst v63  }
0x232: {  	_ =	swait.ge [sflag:s19], $0x280  }
0x233: {  	[sflag:s19] =	ssyncset.done $0x0  }
0x234: {  	s8 =	rddreg [dreg:$0x10];
	[sflag:s19] =	ssyncadd.s32 $0xFFFFFD80  }
0x235: {  	[tilespmem:s13], [sflag:$0x1] =	stream.indirect.gather [hbm4b:s4+s12], $0x8, s8, s12, $0xb8;
	[tilespmem:$0x2D28] =	vst v63  }
0x236: {  	_ =	swait.ge [sflag:s20], $0x280  }
0x237: {  	[sflag:s20] =	ssyncset.done $0x0  }
0x238: {  	s9 =	rddreg [dreg:$0x11];
	[sflag:s20] =	ssyncadd.s32 $0xFFFFFD80  }
0x239: {  	[spmem:s2] =	stream.indirect.scatter.add.f32 [tilespmem:s15], [sflag:$0x7], $0x8, s9, s12, $0xb8;
	[tilespmem:$0x2D28] =	vst v63  }
0x23a: {  	_ =	swait.ge [sflag:s21], $0x280  }
0x23b: {  	[sflag:s21] =	ssyncset.done $0x0  }
0x23c: {  	s25 =	rddreg [dreg:$0x12];
	[sflag:s21] =	ssyncadd.s32 $0xFFFFFD80  }
0x23d: {  	[tilespmem:s14], [sflag:$0x2] =	stream.indirect.gather [hbm4b:s4+s12], $0x8, s25, s12, $0xb8;
	[tilespmem:$0x2D28] =	vst v63  }
0x23e: {  	_ =	swait.ge [sflag:s22], $0x280  }
0x23f: {  	[sflag:s22] =	ssyncset.done $0x0  }
0x240: {  	s8 =	rddreg [dreg:$0x13];
	[sflag:s22] =	ssyncadd.s32 $0xFFFFFD80  }
0x241: {  	[spmem:s2] =	stream.indirect.scatter.add.f32 [tilespmem:s17], [sflag:$0x8], $0x8, s8, s12, $0xb8;
	[tilespmem:$0x2D28] =	vst v63  }
0x242: {  	_ =	swait.ge [sflag:s23], $0x280  }
0x243: {  	[sflag:s23] =	ssyncset.done $0x0  }
0x244: {  	s9 =	rddreg [dreg:$0x14];
	[sflag:s23] =	ssyncadd.s32 $0xFFFFFD80  }
0x245: {  	[tilespmem:s15], [sflag:$0x3] =	stream.indirect.gather [hbm4b:s4+s12], $0x8, s9, s12, $0xb8;
	[tilespmem:$0x2D28] =	vst v63  }
0x246: {  	_ =	swait.ge [sflag:s16], $0x280  }
0x247: {  	[sflag:s16] =	ssyncset.done $0x0  }
0x248: {  	s25 =	rddreg [dreg:$0x15];
	[sflag:s16] =	ssyncadd.s32 $0xFFFFFD80  }
0x249: {  	[spmem:s2] =	stream.indirect.scatter.add.f32 [tilespmem:s13], [sflag:$0x5], $0x8, s25, s12, $0xb8;
	[tilespmem:$0x2D28] =	vst v63  }
0x24a: {  	_ =	swait.ge [sflag:s24], $0x280  }
0x24b: {  	[sflag:s24] =	ssyncset.done $0x0  }
0x24c: {  	s8 =	rddreg [dreg:$0x16];
	[sflag:s24] =	ssyncadd.s32 $0xFFFFFD80  }
0x24d: {  	[tilespmem:s17], [sflag:$0x4] =	stream.indirect.gather [hbm4b:s4+s12], $0x8, s8, s12, $0xb8;
	[tilespmem:$0x2D28] =	vst v63  }
0x24e: {  	_ =	swait.ge [sflag:s18], $0x280  }
0x24f: {  	[sflag:s18] =	ssyncset.done $0x0  }
0x250: {  	s9 =	rddreg [dreg:$0x17];
	[sflag:s18] =	ssyncadd.s32 $0xFFFFFD80  }
0x251: {  	[spmem:s2] =	stream.indirect.scatter.add.f32 [tilespmem:s14], [sflag:$0x6], $0x8, s9, s12, $0xb8;
	[tilespmem:$0x2D28] =	vst v63  }
0x252: {  	_ =	swait.ge [sflag:s19], $0x280  }
0x253: {  	[sflag:s19] =	ssyncset.done $0x0  }
0x254: {  	s25 =	rddreg [dreg:$0x18];
	[sflag:s19] =	ssyncadd.s32 $0xFFFFFD80  }
0x255: {  	[tilespmem:s13], [sflag:$0x1] =	stream.indirect.gather [hbm4b:s4+s12], $0x8, s25, s12, $0xb8;
	[tilespmem:$0x2D28] =	vst v63  }
0x256: {  	_ =	swait.ge [sflag:s20], $0x280  }
0x257: {  	[sflag:s20] =	ssyncset.done $0x0  }
0x258: {  	s8 =	rddreg [dreg:$0x19];
	[sflag:s20] =	ssyncadd.s32 $0xFFFFFD80  }
0x259: {  	[spmem:s2] =	stream.indirect.scatter.add.f32 [tilespmem:s15], [sflag:$0x7], $0x8, s8, s12, $0xb8;
	[tilespmem:$0x2D28] =	vst v63  }
0x25a: {  	_ =	swait.ge [sflag:s21], $0x280  }
0x25b: {  	[sflag:s21] =	ssyncset.done $0x0  }
0x25c: {  	s9 =	rddreg [dreg:$0x1a];
	[sflag:s21] =	ssyncadd.s32 $0xFFFFFD80  }
0x25d: {  	[tilespmem:s14], [sflag:$0x2] =	stream.indirect.gather [hbm4b:s4+s12], $0x8, s9, s12, $0xb8;
	[tilespmem:$0x2D28] =	vst v63  }
0x25e: {  	_ =	swait.ge [sflag:s22], $0x280  }
0x25f: {  	[sflag:s22] =	ssyncset.done $0x0  }
0x260: {  	s25 =	rddreg [dreg:$0x1b];
	[sflag:s22] =	ssyncadd.s32 $0xFFFFFD80  }
0x261: {  	[spmem:s2] =	stream.indirect.scatter.add.f32 [tilespmem:s17], [sflag:$0x8], $0x8, s25, s12, $0xb8;
	[tilespmem:$0x2D28] =	vst v63  }
0x262: {  	_ =	swait.ge [sflag:s23], $0x280  }
0x263: {  	[sflag:s23] =	ssyncset.done $0x0  }
0x264: {  	s8 =	rddreg [dreg:$0x1c];
	[sflag:s23] =	ssyncadd.s32 $0xFFFFFD80  }
0x265: {  	[tilespmem:s15], [sflag:$0x3] =	stream.indirect.gather [hbm4b:s4+s12], $0x8, s8, s12, $0xb8;
	[tilespmem:$0x2D28] =	vst v63  }
0x266: {  	_ =	swait.ge [sflag:s16], $0x280  }
0x267: {  	[sflag:s16] =	ssyncset.done $0x0  }
0x268: {  	s9 =	rddreg [dreg:$0x1d];
	[sflag:s16] =	ssyncadd.s32 $0xFFFFFD80  }
0x269: {  	[spmem:s2] =	stream.indirect.scatter.add.f32 [tilespmem:s13], [sflag:$0x5], $0x8, s9, s12, $0xb8;
	[tilespmem:$0x2D28] =	vst v63  }
0x26a: {  	_ =	swait.ge [sflag:s24], $0x280  }
0x26b: {  	[sflag:s24] =	ssyncset.done $0x0  }
0x26c: {  	s25 =	rddreg [dreg:$0x1e];
	[sflag:s24] =	ssyncadd.s32 $0xFFFFFD80  }
0x26d: {  	[tilespmem:s17], [sflag:$0x4] =	stream.indirect.gather [hbm4b:s4+s12], $0x8, s25, s12, $0xb8;
	[tilespmem:$0x2D28] =	vst v63  }
0x26e: {  	_ =	swait.ge [sflag:s18], $0x280  }
0x26f: {  	[sflag:s18] =	ssyncset.done $0x0  }
0x270: {  	s8 =	rddreg [dreg:$0x1f];
	[sflag:s18] =	ssyncadd.s32 $0xFFFFFD80  }
0x271: {  	[spmem:s2] =	stream.indirect.scatter.add.f32 [tilespmem:s14], [sflag:$0x6], $0x8, s8, s12, $0xb8;
	[tilespmem:$0x2D28] =	vst v63  }
0x272: {  	_ =	swait.ge [sflag:s19], $0x280  }
0x273: {  	s9 =	sld [smem:$0x7F1]  }
0x274: {  	[sflag:s19] =	ssyncset.done $0x0  }
0x275: {  	[sflag:s19] =	ssyncadd.s32 $0xFFFFFD80  }
0x276: {  	[tilespmem:s13], [sflag:$0x1] =	stream.indirect.gather [hbm4b:s4+s12], $0x8, s9, s12, $0xb8;
	[tilespmem:$0x2D28] =	vst v63  }
0x277: {  	_ =	swait.ge [sflag:s20], $0x280  }
0x278: {  	s25 =	sld [smem:$0x7F2]  }
0x279: {  	[sflag:s20] =	ssyncset.done $0x0  }
0x27a: {  	[sflag:s20] =	ssyncadd.s32 $0xFFFFFD80  }
0x27b: {  	[spmem:s2] =	stream.indirect.scatter.add.f32 [tilespmem:s15], [sflag:$0x7], $0x8, s25, s12, $0xb8;
	[tilespmem:$0x2D28] =	vst v63  }
0x27c: {  	_ =	swait.ge [sflag:s21], $0x280  }
0x27d: {  	s8 =	sld [smem:$0x7F3]  }
0x27e: {  	[sflag:s21] =	ssyncset.done $0x0  }
0x27f: {  	[sflag:s21] =	ssyncadd.s32 $0xFFFFFD80  }
0x280: {  	[tilespmem:s14], [sflag:$0x2] =	stream.indirect.gather [hbm4b:s4+s12], $0x8, s8, s12, $0xb8;
	[tilespmem:$0x2D28] =	vst v63  }
0x281: {  	_ =	swait.ge [sflag:s22], $0x280  }
0x282: {  	s9 =	sld [smem:$0x7F4]  }
0x283: {  	[sflag:s22] =	ssyncset.done $0x0  }
0x284: {  	[sflag:s22] =	ssyncadd.s32 $0xFFFFFD80  }
0x285: {  	[spmem:s2] =	stream.indirect.scatter.add.f32 [tilespmem:s17], [sflag:$0x8], $0x8, s9, s12, $0xb8;
	[tilespmem:$0x2D28] =	vst v63  }
0x286: {  	_ =	swait.ge [sflag:s23], $0x280  }
0x287: {  	s25 =	sld [smem:$0x7F5]  }
0x288: {  	[sflag:s23] =	ssyncset.done $0x0  }
0x289: {  	[sflag:s23] =	ssyncadd.s32 $0xFFFFFD80  }
0x28a: {  	[tilespmem:s15], [sflag:$0x3] =	stream.indirect.gather [hbm4b:s4+s12], $0x8, s25, s12, $0xb8;
	[tilespmem:$0x2D28] =	vst v63  }
0x28b: {  	_ =	swait.ge [sflag:s16], $0x280  }
0x28c: {  	s8 =	sld [smem:$0x7F6]  }
0x28d: {  	[sflag:s16] =	ssyncset.done $0x0  }
0x28e: {  	[sflag:s16] =	ssyncadd.s32 $0xFFFFFD80  }
0x28f: {  	[spmem:s2] =	stream.indirect.scatter.add.f32 [tilespmem:s13], [sflag:$0x5], $0x8, s8, s12, $0xb8;
	[tilespmem:$0x2D28] =	vst v63  }
0x290: {  	_ =	swait.ge [sflag:s24], $0x280  }
0x291: {  	s9 =	sld [smem:$0x7F7]  }
0x292: {  	[sflag:s24] =	ssyncset.done $0x0  }
0x293: {  	[sflag:s24] =	ssyncadd.s32 $0xFFFFFD80  }
0x294: {  	[tilespmem:s17], [sflag:$0x4] =	stream.indirect.gather [hbm4b:s4+s12], $0x8, s9, s12, $0xb8;
	[tilespmem:$0x2D28] =	vst v63  }
0x295: {  	_ =	swait.ge [sflag:s18], $0x280  }
0x296: {  	s25 =	sld [smem:$0x7F8]  }
0x297: {  	[sflag:s18] =	ssyncset.done $0x0  }
0x298: {  	[sflag:s18] =	ssyncadd.s32 $0xFFFFFD80  }
0x299: {  	[spmem:s2] =	stream.indirect.scatter.add.f32 [tilespmem:s14], [sflag:$0x6], $0x8, s25, s12, $0xb8;
	[tilespmem:$0x2D28] =	vst v63  }
0x29a: {  	_ =	swait.ge [sflag:s19], $0x280  }
0x29b: {  	s8 =	sld [smem:$0x7F9]  }
0x29c: {  	[sflag:s19] =	ssyncset.done $0x0  }
0x29d: {  	[sflag:s19] =	ssyncadd.s32 $0xFFFFFD80  }
0x29e: {  	[tilespmem:s13], [sflag:$0x1] =	stream.indirect.gather [hbm4b:s4+s12], $0x8, s8, s12, $0xb8;
	[tilespmem:$0x2D28] =	vst v63  }
0x29f: {  	_ =	swait.ge [sflag:s20], $0x280  }
0x2a0: {  	s9 =	sld [smem:$0x7FA]  }
0x2a1: {  	[sflag:s20] =	ssyncset.done $0x0  }
0x2a2: {  	[sflag:s20] =	ssyncadd.s32 $0xFFFFFD80  }
0x2a3: {  	[spmem:s2] =	stream.indirect.scatter.add.f32 [tilespmem:s15], [sflag:$0x7], $0x8, s9, s12, $0xb8;
	[tilespmem:$0x2D28] =	vst v63  }
0x2a4: {  	_ =	swait.ge [sflag:s21], $0x280  }
0x2a5: {  	s25 =	sld [smem:$0x7FB]  }
0x2a6: {  	[sflag:s21] =	ssyncset.done $0x0  }
0x2a7: {  	[sflag:s21] =	ssyncadd.s32 $0xFFFFFD80  }
0x2a8: {  	[tilespmem:s14], [sflag:$0x2] =	stream.indirect.gather [hbm4b:s4+s12], $0x8, s25, s12, $0xb8;
	[tilespmem:$0x2D28] =	vst v63  }
0x2a9: {  	_ =	swait.ge [sflag:s22], $0x280  }
0x2aa: {  	[sflag:s22] =	ssyncset.done $0x0  }
0x2ab: {  	[sflag:s22] =	ssyncadd.s32 $0xFFFFFD80  }
0x2ac: {  	[spmem:s2] =	stream.indirect.scatter.add.f32 [tilespmem:s17], [sflag:$0x8], $0x8, s26, s12, $0xb8;
	[tilespmem:$0x2D28] =	vst v63  }
0x2ad: {  	_ =	swait.ge [sflag:s23], $0x280  }
0x2ae: {  	[sflag:s23] =	ssyncset.done $0x0  }
0x2af: {  	[sflag:s23] =	ssyncadd.s32 $0xFFFFFD80  }
0x2b0: {  	[tilespmem:s15], [sflag:$0x3] =	stream.indirect.gather [hbm4b:s4+s12], $0x8, s28, s12, $0xb8;
	[tilespmem:$0x2D28] =	vst v63  }
0x2b1: {  	_ =	swait.ge [sflag:s16], $0x280  }
0x2b2: {  	[sflag:s16] =	ssyncset.done $0x0  }
0x2b3: {  	[sflag:s16] =	ssyncadd.s32 $0xFFFFFD80  }
0x2b4: {  	[spmem:s2] =	stream.indirect.scatter.add.f32 [tilespmem:s13], [sflag:$0x5], $0x8, s29, s12, $0xb8;
	[tilespmem:$0x2D28] =	vst v63  }
0x2b5: {  	_ =	swait.ge [sflag:s24], $0x280  }
0x2b6: {  	[sflag:s24] =	ssyncset.done $0x0  }
0x2b7: {  	[sflag:s24] =	ssyncadd.s32 $0xFFFFFD80  }
0x2b8: {  	[tilespmem:s17], [sflag:$0x4] =	stream.indirect.gather [hbm4b:s4+s12], $0x8, s30, s12, $0xb8;
	[tilespmem:$0x2D28] =	vst v63  }
0x2b9: {  	_ =	swait.ge [sflag:s18], $0x280  }
0x2ba: {  	[sflag:s18] =	ssyncset.done $0x0  }
0x2bb: {  	[sflag:s18] =	ssyncadd.s32 $0xFFFFFD80  }
0x2bc: {  	[spmem:s2] =	stream.indirect.scatter.add.f32 [tilespmem:s14], [sflag:$0x6], $0x8, s31, s12, $0xb8;
	[tilespmem:$0x2D28] =	vst v63  }
0x2bd: {  	_ =	swait.ge [sflag:s19], $0x280  }
0x2be: {  	[sflag:s19] =	ssyncset.done $0x0  }
0x2bf: {  	[sflag:s19] =	ssyncadd.s32 $0xFFFFFD80  }
0x2c0: {  	[tilespmem:s13], [sflag:$0x1] =	stream.indirect.gather [hbm4b:s4+s12], $0x8, s1, s12, $0xb8;
	[tilespmem:$0x2D28] =	vst v63  }
0x2c1: {  	_ =	swait.ge [sflag:s20], $0x280  }
0x2c2: {  	[sflag:s20] =	ssyncset.done $0x0  }
0x2c3: {  	[sflag:s20] =	ssyncadd.s32 $0xFFFFFD80  }
0x2c4: {  	[spmem:s2] =	stream.indirect.scatter.add.f32 [tilespmem:s15], [sflag:$0x7], $0x8, s0, s12, $0xb8;
	[tilespmem:$0x2D28] =	vst v63  }
0x2c5: {  	_ =	swait.ge [sflag:s22], $0x280  }
0x2c6: {  	[sflag:s22] =	ssyncset.done $0x0  }
0x2c7: {  	[sflag:s22] =	ssyncadd.s32 $0xFFFFFD80  }
0x2c8: {  	[spmem:s2] =	stream.indirect.scatter.add.f32 [tilespmem:s17], [sflag:$0x8], $0x8, s5, s12, $0xb8;
	[tilespmem:$0x2D28] =	vst v63  }
0x2c9: {  	_ =	swait.ge [sflag:s16], $0x280  }
0x2ca: {  	[sflag:s16] =	ssyncset.done $0x0  }
0x2cb: {  	[sflag:s16] =	ssyncadd.s32 $0xFFFFFD80  }
0x2cc: {  	[spmem:s2] =	stream.indirect.scatter.add.f32 [tilespmem:s13], [sflag:$0x5], $0x8, s6, s12, $0xb8;
	[tilespmem:$0x2D28] =	vst v63  }
0x2cd: {  	_ =	swait.ge [sflag:s21], $0x280  }
0x2ce: {  	[sflag:s21] =	ssyncset.done $0x0  }
0x2cf: {  	[sflag:s21] =	ssyncadd.s32 $0xFFFFFD80  }
0x2d0: {  	_ =	swait.ge [sflag:s23], $0x280  }
0x2d1: {  	[sflag:s23] =	ssyncset.done $0x0  }
0x2d2: {  	[sflag:s23] =	ssyncadd.s32 $0xFFFFFD80  }
0x2d3: {  	_ =	swait.ge [sflag:s24], $0x280  }
0x2d4: {  	[sflag:s24] =	ssyncset.done $0x0  }
0x2d5: {  	[sflag:s24] =	ssyncadd.s32 $0xFFFFFD80  }
0x2d6: {  	_ =	swait.ge [sflag:s19], $0x280  }
0x2d7: {  	[sflag:s19] =	ssyncset.done $0x0  }
0x2d8: {  	[sflag:s19] =	ssyncadd.s32 $0xFFFFFD80  }
0x2d9: {  	[bflag:$0x0] =	sbarrier.arrive $0xFFFF  }
0x2da: {  	s7 =	sld [smem:$0x7EE]  }
0x2db: {  	s9 =	sld [smem:$0x7FD]  }
0x2dc: {  	s8 =	sld [smem:$0x7FC];
	_ =	sdelay $0x2  }
0x2dd: {  	[hbm:s7], [sflag:s9] =	dma.local @!p0 [spmem:s8], $0x3E8  }
0x2de: {  	s7 =	simm.s32 @!p0 $0x9  }
0x2df: {  	_ =	swait.ge @!p0 [sflag:s7], $0x3E8  }
0x2e0: {  	s25 =	sld [smem:$0x7EC]  }
0x2e1: {  	s8 =	sld [smem:$0x7EF];
	_ =	sdelay $0x1  }
0x2e2: {  	s25 =	sadd.s32 $0x1, s25  }
0x2e3: {  	p1 =	sne.s32 s25, s8  }
.Ltmp1:
0x2e4: {  	_ = 	snop;
	(pc) =	sbr.rel @p1 .LBB2_1-.Ltmp1, $3  }
0x2e5: {  	_ =	sdelay $0x1  }
0x2e6: {  	[sflag:s7] =	ssyncset.done @!p0 $0x0  }
0x2e7: {  	[sflag:s7] =	ssyncadd.s32 @!p0 $0xFFFFFC18  }
0x2e8: {  	_ =	sfence.sel $0x180000  }
0x2e9: {  	[bflag:$0x0] =	sbarrier.arrive $0xFFFF  }
0x2ea: {  	_ =	strace $0x90000050  }
0x2eb: {  	s0 =	stileid.u32;
	[bflag:$0x2] =	sbarrier.arrive $0xFFFF  }
0x2ec: {  	p0 =	sne.s32 s0, $0x0;
	s0 =	rddreg [dreg:$0x2]  }
0x2ed: {  	s0 =	sadd.s32 @!p0 $0x100000, s0  }
0x2ee: {  	[sflag:s0] =	ssyncadd.tile.s32 @!p0 $0x1;
	_ =	shalt  }
.Lfunc_end2:
_tile_overlayer_lowered:
.L_overlay_start_2:
0x2ef: {  	(tag) =	ssettag $0x2  }
0x2f0: {  	s0 =	rddreg [dreg:$0x0];
	s2 =	stileid.u32  }
0x2f1: {  	s1 =	rddreg [dreg:$0x1];
	p0 =	sne.s32 s2, $0x0  }
0x2f2: {  	s3 =	rddreg [dreg:$0x2];
	[bflag:$0x3] =	sbarrier.arrive $0xFFFF;
	s2 =	simm.s32 @!p0 $0x1C09  }
0x2f3: {  	[timem:s3], [sflag:s2] =	dma.local @!p0 [hbm:s0], s1  }
0x2f4: {  	s0 =	simm.s32 @!p0 $0x9  }
0x2f5: {  	_ =	swait.ge @!p0 [sflag:s0], s1  }
0x2f6: {  	s1 =	ssub.s32 @!p0 $0x0, s1;
	[sflag:s0] =	ssyncset.done @!p0 $0x0  }
0x2f7: {  	[sflag:s0] =	ssyncadd.s32 @!p0 s1  }
0x2f8: {  	[bflag:$0x3] =	sbarrier.arrive $0xFFFF  }
0x2f9: {  	_ =	shalt  }

// kernel: kernel.8.cloned.1.call-start
scs
__scs_entry_jumppad:
0x0: {  	(pc) =	sbr.rel $0x88, $3  }
0x1: {  	(tag) =	ssettag $0x0;
	lr =	simm.s32 $0x1  }
0x2: {  	[smem:$0x3F99] =	sst lr;
	_ =	strace $0xD0000000  }
0x3: {  	_ = 	snop  }
0x4: {  	_ = 	snop  }
0x5: {  	_ = 	snop  }
0x6: {  	_ = 	snop  }
0x7: {  	_ = 	snop  }
__scs_overlays_trampoline_lowered:
0x8: {  	[smem:$0x3FA8] =	sst s0  }
0x9: {  	[smem:$0x3FA9] =	sst s1  }
0xa: {  	[smem:$0x3FAA] =	sst s2  }
0xb: {  	[smem:$0x3FAB] =	sst s3  }
0xc: {  	[smem:$0x3FAC] =	sst s4  }
0xd: {  	[smem:$0x3FAD] =	sst s5  }
0xe: {  	[smem:$0x3FAE] =	sst s6  }
0xf: {  	[smem:$0x3FAF] =	sst s7  }
0x10: {  	[smem:$0x3FB0] =	sst s8  }
0x11: {  	[smem:$0x3FB1] =	sst s9;
	s0 =	simm.s32 @!p0 $0x0  }
0x12: {  	s1 =	sld [smem:$0x3F97];
	s0 =	simm.s32 @p0 $0x1  }
0x13: {  	[smem:$0x3FB2] =	sst s0;
	s0 =	simm.s32 @!p1 $0x0  }
0x14: {  	s2 =	sld [smem:$0x3F96];
	s0 =	simm.s32 @p1 $0x1  }
0x15: {  	[smem:$0x3FB3] =	sst s0;
	s0 =	simm.s32 @!p2 $0x0  }
0x16: {  	s3 =	sld [smem:$0x3FDB];
	s0 =	simm.s32 @p2 $0x1  }
0x17: {  	s4 =	simm.s32 $0x1BF5;
	[smem:$0x3FB5] =	sst s0  }
0x18: {  	s0 =	sld [smem:$0x3F98];
	_ =	swait.ge [sflag:s4], $0x0  }
0x19: {  	s7 =	sld [smem:$0x3F99]  }
0x1a: {  	s8 =	sadd.s32 $0xFFFFE003, lr  }
0x1b: {  	s9 =	sadd.s32 $0xFFFFFEF7, lr;
	s5 =	simm.s32 $0xFFFFFFFF;
	p2 =	slt.u32 s8, $0xFFFFF086  }
0x1c: {  	p1 =	slt.u32 s9, $0xF7A;
	s5 =	simm.s32 @!p2 $0x0  }
0x1d: {  	s5 =	simm.s32 @p1 $0x1;
	p0 =	seq.s32 s7, s2  }
0x1e: {  	s7 =	smul.u32 @!p0 $0xF7A, s2;
	p2 =	seq.s32 @!p0 s5, $0x0  }
0x1f: {  	s9 =	smul.u32 $0xF7A, s1;
	s8 =	simm.s32 @!p0 $0x1BF5;
	p2 =	por !p2, p0  }
0x20: {  	[sflag:s8] =	ssyncset.s32 @!p0 $0xFFFFF086;
	s6 =	sadd.s32 @!p0 s3, s7;
	s7 =	simm.s32 @!p0 $0x108  }
0x21: {  	s3 =	sadd.s32 s3, s9;
	s6 =	sadd.s32 @!p0 $0x88, s6;
	s7 =	simm.s32 @p2 $0x1082  }
0x22: {  	[simem:s7], [sflag:s8] =	dma.local @!p0 [hbm:s6], $0xF7A  }
0x23: {  	s9 =	sor.u32 $0xD0000000, s2;
	s6 =	simm.s32 $0x108;
	_ =	swait.ge @!p0 [sflag:s8], $0x0  }
0x24: {  	s3 =	sadd.s32 $0x88, s3;
	s6 =	simm.s32 @!p1 $0x1082;
	[sflag:s4] =	ssyncset.s32 $0xFFFFF086  }
0x25: {  	[simem:s6], [sflag:s4] =	dma.local [hbm:s3], $0xF7A  }
0x26: {  	[smem:$0x3F99] =	sst s1;
	(tag) =	ssettag s2;
	_ =	strace s9  }
0x27: {  	s1 =	sld [smem:$0x3FA9]  }
0x28: {  	s2 =	sld [smem:$0x3FAA]  }
0x29: {  	s4 =	sld [smem:$0x3FAC]  }
0x2a: {  	p0 =	seq.s32 s5, $0x0;
	s5 =	sld [smem:$0x3FAD]  }
0x2b: {  	s6 =	sld [smem:$0x3FAE]  }
0x2c: {  	s7 =	sld [smem:$0x3FAF]  }
0x2d: {  	s3 =	simm.s32 $0x108;
	s8 =	sld [smem:$0x3FB0]  }
0x2e: {  	s3 =	simm.s32 @!p0 $0x1082;
	s9 =	sld [smem:$0x3FB1]  }
0x2f: {  	lr =	sadd.s32 s0, s3;
	s0 =	sld [smem:$0x3FA8]  }
0x30: {  	s3 =	sld [smem:$0x3FAB]  }
0x31: {  	[smem:$0x3FB4] =	sst s10  }
0x32: {  	s10 =	sld [smem:$0x3FB2];
	_ =	sdelay $0x3  }
0x33: {  	p0 =	seq.s32 s10, $0x1;
	s10 =	sld [smem:$0x3FB4];
	_ =	sdelay $0x3  }
0x34: {  	[smem:$0x3FB4] =	sst s10  }
0x35: {  	s10 =	sld [smem:$0x3FB3];
	_ =	sdelay $0x3  }
0x36: {  	p1 =	seq.s32 s10, $0x1;
	s10 =	sld [smem:$0x3FB4];
	_ =	sdelay $0x3  }
0x37: {  	[smem:$0x3FB4] =	sst s10  }
0x38: {  	s10 =	sld [smem:$0x3FB5]  }
0x39: {  	_ = 	snop;
	(pc) =	sbr.ind lr, $3  }
0x3a: {  	_ = 	snop  }
0x3b: {  	_ = 	snop  }
0x3c: {  	p2 =	seq.s32 s10, $0x1;
	s10 =	sld [smem:$0x3FB4]  }
0x3d: {  	_ =	shalt  }
0x3e: {  	_ =	shalt  }
0x3f: {  	_ =	shalt  }
0x40: {  	_ =	shalt  }
0x41: {  	_ =	shalt  }
0x42: {  	_ =	shalt  }
0x43: {  	_ =	shalt  }
0x44: {  	_ =	shalt  }
0x45: {  	_ =	shalt  }
0x46: {  	_ =	shalt  }
0x47: {  	_ =	shalt  }
0x48: {  	_ =	shalt  }
0x49: {  	_ =	shalt  }
0x4a: {  	_ =	shalt  }
0x4b: {  	_ =	shalt  }
0x4c: {  	_ =	shalt  }
0x4d: {  	_ =	shalt  }
0x4e: {  	_ =	shalt  }
0x4f: {  	_ =	shalt  }
0x50: {  	_ =	shalt  }
0x51: {  	_ =	shalt  }
0x52: {  	_ =	shalt  }
0x53: {  	_ =	shalt  }
0x54: {  	_ =	shalt  }
0x55: {  	_ =	shalt  }
0x56: {  	_ =	shalt  }
0x57: {  	_ =	shalt  }
0x58: {  	_ =	shalt  }
0x59: {  	_ =	shalt  }
0x5a: {  	_ =	shalt  }
0x5b: {  	_ =	shalt  }
0x5c: {  	_ =	shalt  }
0x5d: {  	_ =	shalt  }
0x5e: {  	_ =	shalt  }
0x5f: {  	_ =	shalt  }
0x60: {  	_ =	shalt  }
0x61: {  	_ =	shalt  }
0x62: {  	_ =	shalt  }
0x63: {  	_ =	shalt  }
0x64: {  	_ =	shalt  }
0x65: {  	_ =	shalt  }
0x66: {  	_ =	shalt  }
0x67: {  	_ =	shalt  }
0x68: {  	_ =	shalt  }
0x69: {  	_ =	shalt  }
0x6a: {  	_ =	shalt  }
0x6b: {  	_ =	shalt  }
0x6c: {  	_ =	shalt  }
0x6d: {  	_ =	shalt  }
0x6e: {  	_ =	shalt  }
0x6f: {  	_ =	shalt  }
0x70: {  	_ =	shalt  }
0x71: {  	_ =	shalt  }
0x72: {  	_ =	shalt  }
0x73: {  	_ =	shalt  }
0x74: {  	_ =	shalt  }
0x75: {  	_ =	shalt  }
0x76: {  	_ =	shalt  }
0x77: {  	_ =	shalt  }
0x78: {  	_ =	shalt  }
0x79: {  	_ =	shalt  }
0x7a: {  	_ =	shalt  }
0x7b: {  	_ =	shalt  }
0x7c: {  	_ =	shalt  }
0x7d: {  	_ =	shalt  }
0x7e: {  	_ =	shalt  }
0x7f: {  	_ =	shalt  }
0x80: {  	_ =	shalt  }
0x81: {  	_ =	shalt  }
0x82: {  	_ =	shalt  }
0x83: {  	_ =	shalt  }
0x84: {  	_ =	shalt  }
0x85: {  	_ =	shalt  }
0x86: {  	_ =	shalt  }
0x87: {  	_ =	shalt  }
.Lfunc_end0:
.L_simem_size_0:
called_computation.1_lowered:
.L_overlay_start_0:
0x88: {  	s2 =	sld [smem:$0x3FD9]  }
0x89: {  	s3 =	sld [smem:$0x3FFE];
	_ =	sdelay $0x1  }
0x8a: {  	s1 =	srdreg.scid  }
0x8b: {  	s0 =	sand.u32 $0x1, s1  }
0x8c: {  	s17 =	sshll.u32 s0, $0xA;
	s2 =	sadd.s32 s3, s2  }
0x8d: {  	s2 =	sadd.s32 s2, s17  }
0x8e: {  	[smem:$0x3FC0] =	sst s2  }
0x8f: {  	_ = 	snop  }
0x90: {  	(tm) =	ssettm $0x1  }
0x91: {  	s18 =	sld [smem:$0x3FFB];
	_ =	sdelay $0x3  }
0x92: {  	_ =	strace s18  }
0x93: {  	s2 =	sld [smem:$0x3FFC];
	_ =	sdelay $0x3  }
0x94: {  	_ =	strace s2  }
0x95: {  	s2 =	sld [smem:$0x3FFD];
	_ =	sdelay $0x3  }
0x96: {  	_ =	strace s2  }
0x97: {  	_ =	strace $0x8FFFFFFF  }
0x98: {  	s19 =	sld [smem:$0x3FDB];
	_ =	sdelay $0x1  }
0x99: {  	s20 =	simm.s32 $_scs_section_size  }
0x9a: {  	s4 =	simm.s32 $_size__tile_overlayer_lowered;
	s5 =	simm.s32 $_tile_overlayer_lowered  }
0x9b: {  	s6 =	simm.s32 $0x1BFF;
	s21 =	sshll.u32 s5, $0x1;
	s3 =	sadd.s32 s20, s19  }
0x9c: {  	s22 =	simm.s32 $0x0;
	s4 =	sshll.u32 s4, $0x1;
	s5 =	sadd.s32 s21, s3  }
0x9d: {  	[timem:s22], [sflag:s6] =	dma.local [hbm:s5], s4  }
0x9e: {  	_ =	swait.ge [sflag:s6], s4  }
0x9f: {  	s4 =	ssub.s32 $0x0, s4;
	[sflag:s6] =	ssyncset.done $0x0  }
0xa0: {  	[sflag:s6] =	ssyncadd.s32 s4;
	_ =	sdelay $0x1  }
0xa1: {  	s23 =	simm.s32 $0x1B8B  }
0xa2: {  	_ =	swait.ge [sflag:s23], $0x1  }
0xa3: {  	[sflag:s23] =	ssyncset.done $0x0  }
0xa4: {  	[sflag:s23] =	ssyncadd.s32 $0xFFFFFFFF  }
0xa5: {  	s4 =	sld [smem:$0x0]  }
0xa6: {  	s5 =	sand.u32 $0xFFFFFFFE, s1  }
0xa7: {  	p0 =	sne.s32 s1, s5  }
0xa8: {  	s5 =	sshll.u32 @p0 s5, $0xE  }
0xa9: {  	s5 =	sadd.s32 @p0 $0x11B8D, s5;
	s6 =	sshll.u32 @p0 s4, $0x11  }
0xaa: {  	s5 =	sor.u32 @p0 s6, s5  }
0xab: {  	[sflag:s5] =	ssyncadd.remote.s32 @p0 $0x1;
	_ =	sdelay $0x1  }
0xac: {  	s5 =	simm.s32 @p0 $0x1B8D  }
0xad: {  	_ =	swait.eq @p0 [sflag:s5], $0x1  }
0xae: {  	[sflag:s5] =	ssyncadd.s32 @p0 $0xFFFFFFFF  }
0xaf: {  	s6 =	sshll.u32 @!p0 s1, $0xE  }
0xb0: {  	s6 =	sor.u32 @!p0 $0x4000, s6;
	s5 =	simm.s32 @!p0 $0x1B8D  }
0xb1: {  	s4 =	sshll.u32 @!p0 s4, $0x11;
	s6 =	sadd.s32 @!p0 $0x11B8D, s6;
	_ =	swait.eq @!p0 [sflag:s5], $0x1  }
0xb2: {  	s4 =	sor.u32 @!p0 s4, s6;
	[sflag:s5] =	ssyncadd.s32 @!p0 $0xFFFFFFFF  }
0xb3: {  	s25 =	simm.s32 $0x1B8E;
	s24 =	sld [smem:$0x3FFE];
	[sflag:s4] =	ssyncadd.remote.s32 @!p0 $0x1  }
0xb4: {  	s26 =	simm.s32 $execute0_lowered;
	[smem:$0x3FD2] =	sst s25  }
0xb5: {  	s5 =	sshll.u32 s26, $0x1;
	_ =	strace $0x80000049;
	[dreg:$0x1] =	wrdreg $0xFFFFFFFF  }
0xb6: {  	s28 =	simm.s32 $_size_execute0_lowered;
	s3 =	sadd.s32 s3, s5;
	[dreg:$0x0] =	wrdreg $0x0  }
0xb7: {  	s5 =	sshll.u32 s28, $0x1;
	[dreg:$0x2] =	wrdreg s3  }
0xb8: {  	[dreg:$0x3] =	wrdreg s5  }
0xb9: {  	[dreg:$0x4] =	wrdreg $0xC0  }
0xba: {  	_ =	task [dreg:s22], $0x5FFFF  }
0xbb: {  	[dreg:$0x1] =	wrdreg $0xFFFFFFFF  }
0xbc: {  	[dreg:$0x0] =	wrdreg $0x60  }
0xbd: {  	[dreg:$0x2] =	wrdreg s24  }
0xbe: {  	[dreg:$0x3] =	wrdreg $0xCD00  }
0xbf: {  	[dreg:$0x4] =	wrdreg $0xA  }
0xc0: {  	_ =	task.clear_ibuf [dreg:s22], $0x5FFFF;
	_ =	strace $0x90000049  }
0xc1: {  	s29 =	simm.s32 $0xA;
	_ =	strace $0x8000004B  }
0xc2: {  	_ =	swait.ge [sflag:s29], $0x1  }
0xc3: {  	[sflag:s29] =	ssyncadd.s32 $0xFFFFFFFF  }
0xc4: {  	_ =	strace $0x9000004B  }
0xc5: {  	_ =	sfence  }
0xc6: {  	s30 =	sld [smem:$0x0];
	_ =	sdelay $0x2  }
0xc7: {  	s31 =	sshll.u32 s1, $0xD;
	s1 =	sshrl.u32 s1, $0x2  }
0xc8: {  	s4 =	sand.u32 $0x4000, s31;
	s1 =	sadd.s32 s1, s30  }
0xc9: {  	s0 =	sor.u32 s4, s0;
	s1 =	sshll.u32 s1, $0x11  }
0xca: {  	s0 =	sor.u32 s1, s0  }
0xcb: {  	s0 =	sadd.s32 $0x8F2B, s0  }
0xcc: {  	[sflag:s0] =	ssyncadd.remote.s32 $0x1  }
0xcd: {  	_ =	sfence.sel $0xFFFF  }
0xce: {  	[dreg:$0x0] =	wrdreg $0xFFFFFFFF;
	(pc) =	sbr.abs _section_cstart, $3  }
0xcf: {  	[dreg:$0x1] =	wrdreg $0xFFFFFFFF  }
0xd0: {  	_ =	task.clear_ibuf [dreg:s22], $0x2FFFF;
	_ =	strace $0x9FFFFFFF  }
0xd1: {  	(tm) =	ssettm $0x7FFFFFFF  }
tec
execute0_lowered:
.L_overlay_start_1:
0x0: {  	(tag) =	ssettag $0x1  }
0x1: {  	s0 =	rddreg [dreg:$0x0];
	s1 =	srdreg.scid  }
0x2: {  	s2 =	rddreg [dreg:$0x1];
	s9 =	stileid.u32;
	s3 =	simm.s32 $0x0  }
0x3: {  	s10 =	simm.s32 $0x50;
	s11 =	simm.s32 $0x7D0;
	s13 =	simm.s32 $0xF0  }
0x4: {  	s15 =	simm.s32 $0x140;
	s14 =	simm.s32 $0x1;
	s16 =	simm.s32 $0x190  }
0x5: {  	s17 =	simm.s32 $0x1E0;
	s18 =	simm.s32 $0x230;
	s19 =	simm.s32 $0x280  }
0x6: {  	s20 =	simm.s32 $0x2D0;
	s21 =	simm.s32 $0x320;
	s5 =	smul.u32 $0x3E80, s9  }
0x7: {  	s22 =	simm.s32 $0x370;
	s28 =	simm.s32 $0x500;
	s6 =	smul.u32 $0x7D0, s9  }
0x8: {  	s29 =	simm.s32 $0x550;
	s30 =	simm.s32 $0x5A0;
	s24 =	smul.u32 $0xFA00, s9  }
0x9: {  	s31 =	simm.s32 $0x780;
	s1 =	sand.u32 $0x1, s1;
	s25 =	smul.u32 $0x4E2, s9  }
0xa: {  	[smem:$0x7FF] =	sst s3;
	p0 =	sgt.u32 s9, $0x9;
	s4 =	smul.u32 $0x4E20, s1  }
0xb: {  	_ =	strace $0x8000004A;
	s1 =	ssub.s32 $0x2, s1;
	s8 =	sshrl.u32 s5, $0x3  }
0xc: {  	s23 =	sshrl.u32 s1, $0x1;
	s26 =	sshrl.u32 s24, $0x2;
	s24 =	simm.s32 $0x410  }
0xd: {  	s7 =	sadd.s32 s4, s0;
	s8 =	sadd.s32 s8, s0;
	s4 =	sadd.s32 s6, s4  }
0xe: {  	s1 =	ssub.s32 s1, s23;
	s23 =	simm.s32 $0x3C0;
	s0 =	sadd.s32 s4, s0  }
0xf: {  	s4 =	sadd.s32 s5, s2;
	s8 =	sadd.s32 $0x4FE800, s8;
	s5 =	sadd.s32 s25, s7  }
0x10: {  	s1 =	smax.u32 s1, $0x1;
	s7 =	simm.s32 $0xA0;
	[dreg:$0x5] =	wrdreg s8  }
0x11: {  	s25 =	simm.s32 $0x460;
	s0 =	sadd.s32 $0x503800, s0;
	[dreg:$0x7] =	wrdreg s1  }
0x12: {  	s6 =	sadd.s32 $0x4F4A00, s5;
	s5 =	sshll.u32 @!p0 s9, $0x6;
	[dreg:$0x4] =	wrdreg s7  }
0x13: {  	s1 =	sshrl.u32 @!p0 s4, $0x3;
	s9 =	simm.s32 $0x2;
	[dreg:$0x6] =	wrdreg s0  }
0x14: {  	s4 =	simm.s32 $0x690;
	s8 =	simm.s32 $0x0;
	[dreg:$0x3] =	wrdreg s6  }
0x15: {  	s0 =	sadd.s32 s26, s2;
	s12 =	sor.u32 @!p0 $0x1C02, s5;
	[dreg:$0x9] =	wrdreg s1  }
0x16: {  	s26 =	simm.s32 $0x4B0;
	s1 =	simm.s32 $0x640;
	[dreg:$0xb] =	wrdreg s8  }
0x17: {  	s5 =	simm.s32 $0x6E0;
	s0 =	sshrl.u32 @!p0 s0, $0x3;
	[dreg:$0x8] =	wrdreg s12  }
0x18: {  	v0 =	vimm.f32 $1.000000000e+00;
	s6 =	simm.s32 $0x730;
	[dreg:$0xa] =	wrdreg s0;
	s0 =	simm.s32 $0x5F0  }
.LBB2_1:
0x19: {  	s7 =	rddreg [dreg:$0x5]  }
0x1a: {  	s8 =	rddreg [dreg:$0x9]  }
0x1b: {  	[spmem:s8], [sflag:s12] =	dma.local @!p0 [hbm:s7], $0x7D0  }
0x1c: {  	s7 =	simm.s32 @!p0 $0x2  }
0x1d: {  	_ =	swait.ge @!p0 [sflag:s7], $0x7D0  }
0x1e: {  	[sflag:s7] =	ssyncset.done @!p0 $0x0  }
0x1f: {  	s8 =	simm.s32 $0x0;
	[sflag:s7] =	ssyncadd.s32 @!p0 $0xFFFFF830;
	s7 =	simm.s32 $0x40  }
.LBB2_2:
0x20: {  	p1 =	sne.s32 s7, $0x13C0;
	[tilespmem:s8+$0x7D0] =	vst v0;
	s8 =	smov.u32 s7;
	s7 =	sadd.s32 $0x40, s7  }
.Ltmp0:
0x21: {  	(pc) =	sbr.rel @p1 .LBB2_2-.Ltmp0, $2  }
0x22: {  	_ =	sdelay $0x2  }
0x23: {  	s8 =	sshra.s32 s8, $0x2  }
0x24: {  	[tilespmem:s8+$0x7D0] =	vst v0  }
0x25: {  	[bflag:$0x0] =	sbarrier.arrive $0xFFFF  }
0x26: {  	s7 =	rddreg [dreg:$0x3]  }
0x27: {  	s7 =	sadd.s32 $0x0, s7  }
0x28: {  	[tilespmem:s3], [sflag:$0x2] =	stream.linear.gather [hbm4b:s7+s3], $0x7D0, $0x38;
	[tilespmem:$0x33E0] =	vst v63  }
0x29: {  	_ =	swait.ge [sflag:s9], $0x7D0  }
0x2a: {  	[sflag:s9] =	ssyncset.done $0x0  }
0x2b: {  	[sflag:s9] =	ssyncadd.s32 $0xFFFFF830  }
0x2c: {  	[spmem:s2] =	stream.indirect.scatter.add.f32 [tilespmem:s11], [sflag:$0x1], $0x10, s3, s10, $0xb8;
	[tilespmem:$0x33E0] =	vst v63  }
0x2d: {  	_ = 	snop  }
0x2e: {  	[spmem:s2] =	stream.indirect.scatter.add.f32 [tilespmem:s11], [sflag:$0x1], $0x10, s10, s10, $0xb8;
	[tilespmem:$0x33E0] =	vst v63  }
0x2f: {  	s12 =	rddreg [dreg:$0x4]  }
0x30: {  	[spmem:s2] =	stream.indirect.scatter.add.f32 [tilespmem:s11], [sflag:$0x1], $0x10, s12, s10, $0xb8;
	[tilespmem:$0x33E0] =	vst v63  }
0x31: {  	_ = 	snop  }
0x32: {  	[spmem:s2] =	stream.indirect.scatter.add.f32 [tilespmem:s11], [sflag:$0x1], $0x10, s13, s10, $0xb8;
	[tilespmem:$0x33E0] =	vst v63  }
0x33: {  	_ = 	snop  }
0x34: {  	[spmem:s2] =	stream.indirect.scatter.add.f32 [tilespmem:s11], [sflag:$0x1], $0x10, s15, s10, $0xb8;
	[tilespmem:$0x33E0] =	vst v63  }
0x35: {  	_ =	swait.ge [sflag:s14], $0x500  }
0x36: {  	[sflag:s14] =	ssyncset.done $0x0  }
0x37: {  	[sflag:s14] =	ssyncadd.s32 $0xFFFFFB00  }
0x38: {  	_ =	swait.ge [sflag:s14], $0x500  }
0x39: {  	[sflag:s14] =	ssyncset.done $0x0  }
0x3a: {  	[sflag:s14] =	ssyncadd.s32 $0xFFFFFB00  }
0x3b: {  	_ =	swait.ge [sflag:s14], $0x500  }
0x3c: {  	[sflag:s14] =	ssyncset.done $0x0  }
0x3d: {  	[sflag:s14] =	ssyncadd.s32 $0xFFFFFB00  }
0x3e: {  	_ =	swait.ge [sflag:s14], $0x500  }
0x3f: {  	[sflag:s14] =	ssyncset.done $0x0  }
0x40: {  	[sflag:s14] =	ssyncadd.s32 $0xFFFFFB00  }
0x41: {  	_ =	swait.ge [sflag:s14], $0x500  }
0x42: {  	[sflag:s14] =	ssyncset.done $0x0  }
0x43: {  	[sflag:s14] =	ssyncadd.s32 $0xFFFFFB00  }
0x44: {  	[spmem:s2] =	stream.indirect.scatter.add.f32 [tilespmem:s11], [sflag:$0x1], $0x10, s16, s10, $0xb8;
	[tilespmem:$0x33E0] =	vst v63  }
0x45: {  	_ = 	snop  }
0x46: {  	[spmem:s2] =	stream.indirect.scatter.add.f32 [tilespmem:s11], [sflag:$0x1], $0x10, s17, s10, $0xb8;
	[tilespmem:$0x33E0] =	vst v63  }
0x47: {  	_ = 	snop  }
0x48: {  	[spmem:s2] =	stream.indirect.scatter.add.f32 [tilespmem:s11], [sflag:$0x1], $0x10, s18, s10, $0xb8;
	[tilespmem:$0x33E0] =	vst v63  }
0x49: {  	_ = 	snop  }
0x4a: {  	[spmem:s2] =	stream.indirect.scatter.add.f32 [tilespmem:s11], [sflag:$0x1], $0x10, s19, s10, $0xb8;
	[tilespmem:$0x33E0] =	vst v63  }
0x4b: {  	_ = 	snop  }
0x4c: {  	[spmem:s2] =	stream.indirect.scatter.add.f32 [tilespmem:s11], [sflag:$0x1], $0x10, s20, s10, $0xb8;
	[tilespmem:$0x33E0] =	vst v63  }
0x4d: {  	_ =	swait.ge [sflag:s14], $0x500  }
0x4e: {  	[sflag:s14] =	ssyncset.done $0x0  }
0x4f: {  	[sflag:s14] =	ssyncadd.s32 $0xFFFFFB00  }
0x50: {  	_ =	swait.ge [sflag:s14], $0x500  }
0x51: {  	[sflag:s14] =	ssyncset.done $0x0  }
0x52: {  	[sflag:s14] =	ssyncadd.s32 $0xFFFFFB00  }
0x53: {  	_ =	swait.ge [sflag:s14], $0x500  }
0x54: {  	[sflag:s14] =	ssyncset.done $0x0  }
0x55: {  	[sflag:s14] =	ssyncadd.s32 $0xFFFFFB00  }
0x56: {  	_ =	swait.ge [sflag:s14], $0x500  }
0x57: {  	[sflag:s14] =	ssyncset.done $0x0  }
0x58: {  	[sflag:s14] =	ssyncadd.s32 $0xFFFFFB00  }
0x59: {  	_ =	swait.ge [sflag:s14], $0x500  }
0x5a: {  	[sflag:s14] =	ssyncset.done $0x0  }
0x5b: {  	[sflag:s14] =	ssyncadd.s32 $0xFFFFFB00  }
0x5c: {  	[spmem:s2] =	stream.indirect.scatter.add.f32 [tilespmem:s11], [sflag:$0x1], $0x10, s21, s10, $0xb8;
	[tilespmem:$0x33E0] =	vst v63  }
0x5d: {  	_ = 	snop  }
0x5e: {  	[spmem:s2] =	stream.indirect.scatter.add.f32 [tilespmem:s11], [sflag:$0x1], $0x10, s22, s10, $0xb8;
	[tilespmem:$0x33E0] =	vst v63  }
0x5f: {  	_ = 	snop  }
0x60: {  	[spmem:s2] =	stream.indirect.scatter.add.f32 [tilespmem:s11], [sflag:$0x1], $0x10, s23, s10, $0xb8;
	[tilespmem:$0x33E0] =	vst v63  }
0x61: {  	_ = 	snop  }
0x62: {  	[spmem:s2] =	stream.indirect.scatter.add.f32 [tilespmem:s11], [sflag:$0x1], $0x10, s24, s10, $0xb8;
	[tilespmem:$0x33E0] =	vst v63  }
0x63: {  	_ = 	snop  }
0x64: {  	[spmem:s2] =	stream.indirect.scatter.add.f32 [tilespmem:s11], [sflag:$0x1], $0x10, s25, s10, $0xb8;
	[tilespmem:$0x33E0] =	vst v63  }
0x65: {  	_ =	swait.ge [sflag:s14], $0x500  }
0x66: {  	[sflag:s14] =	ssyncset.done $0x0  }
0x67: {  	[sflag:s14] =	ssyncadd.s32 $0xFFFFFB00  }
0x68: {  	_ =	swait.ge [sflag:s14], $0x500  }
0x69: {  	[sflag:s14] =	ssyncset.done $0x0  }
0x6a: {  	[sflag:s14] =	ssyncadd.s32 $0xFFFFFB00  }
0x6b: {  	_ =	swait.ge [sflag:s14], $0x500  }
0x6c: {  	[sflag:s14] =	ssyncset.done $0x0  }
0x6d: {  	[sflag:s14] =	ssyncadd.s32 $0xFFFFFB00  }
0x6e: {  	_ =	swait.ge [sflag:s14], $0x500  }
0x6f: {  	[sflag:s14] =	ssyncset.done $0x0  }
0x70: {  	[sflag:s14] =	ssyncadd.s32 $0xFFFFFB00  }
0x71: {  	_ =	swait.ge [sflag:s14], $0x500  }
0x72: {  	[sflag:s14] =	ssyncset.done $0x0  }
0x73: {  	[sflag:s14] =	ssyncadd.s32 $0xFFFFFB00  }
0x74: {  	[spmem:s2] =	stream.indirect.scatter.add.f32 [tilespmem:s11], [sflag:$0x1], $0x10, s26, s10, $0xb8;
	[tilespmem:$0x33E0] =	vst v63  }
0x75: {  	_ = 	snop  }
0x76: {  	[spmem:s2] =	stream.indirect.scatter.add.f32 [tilespmem:s11], [sflag:$0x1], $0x10, s28, s10, $0xb8;
	[tilespmem:$0x33E0] =	vst v63  }
0x77: {  	_ = 	snop  }
0x78: {  	[spmem:s2] =	stream.indirect.scatter.add.f32 [tilespmem:s11], [sflag:$0x1], $0x10, s29, s10, $0xb8;
	[tilespmem:$0x33E0] =	vst v63  }
0x79: {  	_ = 	snop  }
0x7a: {  	[spmem:s2] =	stream.indirect.scatter.add.f32 [tilespmem:s11], [sflag:$0x1], $0x10, s30, s10, $0xb8;
	[tilespmem:$0x33E0] =	vst v63  }
0x7b: {  	_ = 	snop  }
0x7c: {  	[spmem:s2] =	stream.indirect.scatter.add.f32 [tilespmem:s11], [sflag:$0x1], $0x10, s0, s10, $0xb8;
	[tilespmem:$0x33E0] =	vst v63  }
0x7d: {  	_ =	swait.ge [sflag:s14], $0x500  }
0x7e: {  	[sflag:s14] =	ssyncset.done $0x0  }
0x7f: {  	[sflag:s14] =	ssyncadd.s32 $0xFFFFFB00  }
0x80: {  	_ =	swait.ge [sflag:s14], $0x500  }
0x81: {  	[sflag:s14] =	ssyncset.done $0x0  }
0x82: {  	[sflag:s14] =	ssyncadd.s32 $0xFFFFFB00  }
0x83: {  	_ =	swait.ge [sflag:s14], $0x500  }
0x84: {  	[sflag:s14] =	ssyncset.done $0x0  }
0x85: {  	[sflag:s14] =	ssyncadd.s32 $0xFFFFFB00  }
0x86: {  	_ =	swait.ge [sflag:s14], $0x500  }
0x87: {  	[sflag:s14] =	ssyncset.done $0x0  }
0x88: {  	[sflag:s14] =	ssyncadd.s32 $0xFFFFFB00  }
0x89: {  	_ =	swait.ge [sflag:s14], $0x500  }
0x8a: {  	[sflag:s14] =	ssyncset.done $0x0  }
0x8b: {  	[sflag:s14] =	ssyncadd.s32 $0xFFFFFB00  }
0x8c: {  	[spmem:s2] =	stream.indirect.scatter.add.f32 [tilespmem:s11], [sflag:$0x1], $0x10, s1, s10, $0xb8;
	[tilespmem:$0x33E0] =	vst v63  }
0x8d: {  	_ = 	snop  }
0x8e: {  	[spmem:s2] =	stream.indirect.scatter.add.f32 [tilespmem:s11], [sflag:$0x1], $0x10, s4, s10, $0xb8;
	[tilespmem:$0x33E0] =	vst v63  }
0x8f: {  	_ = 	snop  }
0x90: {  	[spmem:s2] =	stream.indirect.scatter.add.f32 [tilespmem:s11], [sflag:$0x1], $0x10, s5, s10, $0xb8;
	[tilespmem:$0x33E0] =	vst v63  }
0x91: {  	_ = 	snop  }
0x92: {  	[spmem:s2] =	stream.indirect.scatter.add.f32 [tilespmem:s11], [sflag:$0x1], $0x10, s6, s10, $0xb8;
	[tilespmem:$0x33E0] =	vst v63  }
0x93: {  	_ = 	snop  }
0x94: {  	[spmem:s2] =	stream.indirect.scatter.add.f32 [tilespmem:s11], [sflag:$0x1], $0x10, s31, s10, $0xb8;
	[tilespmem:$0x33E0] =	vst v63  }
0x95: {  	_ =	swait.ge [sflag:s14], $0x500  }
0x96: {  	[sflag:s14] =	ssyncset.done $0x0  }
0x97: {  	s7 =	simm.s32 $0x1F4;
	s13 =	simm.s32 $0xF0;
	[sflag:s14] =	ssyncadd.s32 $0xFFFFFB00  }
0x98: {  	s15 =	simm.s32 $0x140;
	s16 =	simm.s32 $0x190;
	_ =	swait.ge [sflag:s14], $0x500  }
0x99: {  	s17 =	simm.s32 $0x1E0;
	s18 =	simm.s32 $0x230;
	[sflag:s14] =	ssyncset.done $0x0  }
0x9a: {  	s19 =	simm.s32 $0x280;
	s20 =	simm.s32 $0x2D0;
	[sflag:s14] =	ssyncadd.s32 $0xFFFFFB00  }
0x9b: {  	s21 =	simm.s32 $0x320;
	s22 =	simm.s32 $0x370;
	_ =	swait.ge [sflag:s14], $0x500  }
0x9c: {  	s23 =	simm.s32 $0x3C0;
	s24 =	simm.s32 $0x410;
	[sflag:s14] =	ssyncset.done $0x0  }
0x9d: {  	s25 =	simm.s32 $0xFA;
	s26 =	simm.s32 $0x460;
	[sflag:s14] =	ssyncadd.s32 $0xFFFFFB00  }
0x9e: {  	s28 =	simm.s32 $0x4B0;
	s29 =	simm.s32 $0x500;
	_ =	swait.ge [sflag:s14], $0x500  }
0x9f: {  	s30 =	simm.s32 $0x550;
	s0 =	simm.s32 $0x5F0;
	[sflag:s14] =	ssyncset.done $0x0  }
0xa0: {  	s1 =	simm.s32 $0x640;
	s4 =	simm.s32 $0x690;
	[sflag:s14] =	ssyncadd.s32 $0xFFFFFB00  }
0xa1: {  	s5 =	simm.s32 $0x6E0;
	s6 =	simm.s32 $0x730;
	_ =	swait.ge [sflag:s14], $0x500  }
0xa2: {  	s31 =	simm.s32 $0x5A0;
	s8 =	rddreg [dreg:$0x3];
	[sflag:s14] =	ssyncset.done $0x0  }
.LBB2_4:
0xa3: {  	[sflag:s14] =	ssyncadd.s32 $0xFFFFFB00;
	s8 =	sadd.s32 s25, s8  }
0xa4: {  	[tilespmem:s3], [sflag:$0x2] =	stream.linear.gather [hbm4b:s8+s3], $0x7D0, $0x38;
	[tilespmem:$0x33E0] =	vst v63  }
0xa5: {  	_ =	swait.ge [sflag:s9], $0x7D0  }
0xa6: {  	[sflag:s9] =	ssyncset.done $0x0  }
0xa7: {  	[sflag:s9] =	ssyncadd.s32 $0xFFFFF830  }
0xa8: {  	[spmem:s2] =	stream.indirect.scatter.add.f32 [tilespmem:s11], [sflag:$0x1], $0x10, s3, s10, $0xb8;
	[tilespmem:$0x33E0] =	vst v63  }
0xa9: {  	s12 =	smov.u32 s7  }
0xaa: {  	[spmem:s2] =	stream.indirect.scatter.add.f32 [tilespmem:s11], [sflag:$0x1], $0x10, s10, s10, $0xb8;
	[tilespmem:$0x33E0] =	vst v63  }
0xab: {  	s25 =	smov.u32 s12;
	s12 =	rddreg [dreg:$0x4]  }
0xac: {  	[spmem:s2] =	stream.indirect.scatter.add.f32 [tilespmem:s11], [sflag:$0x1], $0x10, s12, s10, $0xb8;
	[tilespmem:$0x33E0] =	vst v63  }
0xad: {  	_ = 	snop  }
0xae: {  	[spmem:s2] =	stream.indirect.scatter.add.f32 [tilespmem:s11], [sflag:$0x1], $0x10, s13, s10, $0xb8;
	[tilespmem:$0x33E0] =	vst v63  }
0xaf: {  	_ = 	snop  }
0xb0: {  	[spmem:s2] =	stream.indirect.scatter.add.f32 [tilespmem:s11], [sflag:$0x1], $0x10, s15, s10, $0xb8;
	[tilespmem:$0x33E0] =	vst v63  }
0xb1: {  	_ =	swait.ge [sflag:s14], $0x500  }
0xb2: {  	[sflag:s14] =	ssyncset.done $0x0  }
0xb3: {  	[sflag:s14] =	ssyncadd.s32 $0xFFFFFB00  }
0xb4: {  	_ =	swait.ge [sflag:s14], $0x500  }
0xb5: {  	[sflag:s14] =	ssyncset.done $0x0  }
0xb6: {  	[sflag:s14] =	ssyncadd.s32 $0xFFFFFB00  }
0xb7: {  	_ =	swait.ge [sflag:s14], $0x500  }
0xb8: {  	[sflag:s14] =	ssyncset.done $0x0  }
0xb9: {  	[sflag:s14] =	ssyncadd.s32 $0xFFFFFB00  }
0xba: {  	_ =	swait.ge [sflag:s14], $0x500  }
0xbb: {  	[sflag:s14] =	ssyncset.done $0x0  }
0xbc: {  	[sflag:s14] =	ssyncadd.s32 $0xFFFFFB00  }
0xbd: {  	_ =	swait.ge [sflag:s14], $0x500  }
0xbe: {  	[sflag:s14] =	ssyncset.done $0x0  }
0xbf: {  	[sflag:s14] =	ssyncadd.s32 $0xFFFFFB00  }
0xc0: {  	[spmem:s2] =	stream.indirect.scatter.add.f32 [tilespmem:s11], [sflag:$0x1], $0x10, s16, s10, $0xb8;
	[tilespmem:$0x33E0] =	vst v63  }
0xc1: {  	_ = 	snop  }
0xc2: {  	[spmem:s2] =	stream.indirect.scatter.add.f32 [tilespmem:s11], [sflag:$0x1], $0x10, s17, s10, $0xb8;
	[tilespmem:$0x33E0] =	vst v63  }
0xc3: {  	_ = 	snop  }
0xc4: {  	[spmem:s2] =	stream.indirect.scatter.add.f32 [tilespmem:s11], [sflag:$0x1], $0x10, s18, s10, $0xb8;
	[tilespmem:$0x33E0] =	vst v63  }
0xc5: {  	_ = 	snop  }
0xc6: {  	[spmem:s2] =	stream.indirect.scatter.add.f32 [tilespmem:s11], [sflag:$0x1], $0x10, s19, s10, $0xb8;
	[tilespmem:$0x33E0] =	vst v63  }
0xc7: {  	_ = 	snop  }
0xc8: {  	[spmem:s2] =	stream.indirect.scatter.add.f32 [tilespmem:s11], [sflag:$0x1], $0x10, s20, s10, $0xb8;
	[tilespmem:$0x33E0] =	vst v63  }
0xc9: {  	_ =	swait.ge [sflag:s14], $0x500  }
0xca: {  	[sflag:s14] =	ssyncset.done $0x0  }
0xcb: {  	[sflag:s14] =	ssyncadd.s32 $0xFFFFFB00  }
0xcc: {  	_ =	swait.ge [sflag:s14], $0x500  }
0xcd: {  	[sflag:s14] =	ssyncset.done $0x0  }
0xce: {  	[sflag:s14] =	ssyncadd.s32 $0xFFFFFB00  }
0xcf: {  	_ =	swait.ge [sflag:s14], $0x500  }
0xd0: {  	[sflag:s14] =	ssyncset.done $0x0  }
0xd1: {  	[sflag:s14] =	ssyncadd.s32 $0xFFFFFB00  }
0xd2: {  	_ =	swait.ge [sflag:s14], $0x500  }
0xd3: {  	[sflag:s14] =	ssyncset.done $0x0  }
0xd4: {  	[sflag:s14] =	ssyncadd.s32 $0xFFFFFB00  }
0xd5: {  	_ =	swait.ge [sflag:s14], $0x500  }
0xd6: {  	[sflag:s14] =	ssyncset.done $0x0  }
0xd7: {  	[sflag:s14] =	ssyncadd.s32 $0xFFFFFB00  }
0xd8: {  	[spmem:s2] =	stream.indirect.scatter.add.f32 [tilespmem:s11], [sflag:$0x1], $0x10, s21, s10, $0xb8;
	[tilespmem:$0x33E0] =	vst v63  }
0xd9: {  	_ = 	snop  }
0xda: {  	[spmem:s2] =	stream.indirect.scatter.add.f32 [tilespmem:s11], [sflag:$0x1], $0x10, s22, s10, $0xb8;
	[tilespmem:$0x33E0] =	vst v63  }
0xdb: {  	_ = 	snop  }
0xdc: {  	[spmem:s2] =	stream.indirect.scatter.add.f32 [tilespmem:s11], [sflag:$0x1], $0x10, s23, s10, $0xb8;
	[tilespmem:$0x33E0] =	vst v63  }
0xdd: {  	_ = 	snop  }
0xde: {  	[spmem:s2] =	stream.indirect.scatter.add.f32 [tilespmem:s11], [sflag:$0x1], $0x10, s24, s10, $0xb8;
	[tilespmem:$0x33E0] =	vst v63  }
0xdf: {  	_ = 	snop  }
0xe0: {  	[spmem:s2] =	stream.indirect.scatter.add.f32 [tilespmem:s11], [sflag:$0x1], $0x10, s26, s10, $0xb8;
	[tilespmem:$0x33E0] =	vst v63  }
0xe1: {  	_ =	swait.ge [sflag:s14], $0x500  }
0xe2: {  	[sflag:s14] =	ssyncset.done $0x0  }
0xe3: {  	[sflag:s14] =	ssyncadd.s32 $0xFFFFFB00  }
0xe4: {  	_ =	swait.ge [sflag:s14], $0x500  }
0xe5: {  	[sflag:s14] =	ssyncset.done $0x0  }
0xe6: {  	[sflag:s14] =	ssyncadd.s32 $0xFFFFFB00  }
0xe7: {  	_ =	swait.ge [sflag:s14], $0x500  }
0xe8: {  	[sflag:s14] =	ssyncset.done $0x0  }
0xe9: {  	[sflag:s14] =	ssyncadd.s32 $0xFFFFFB00  }
0xea: {  	_ =	swait.ge [sflag:s14], $0x500  }
0xeb: {  	[sflag:s14] =	ssyncset.done $0x0  }
0xec: {  	[sflag:s14] =	ssyncadd.s32 $0xFFFFFB00  }
0xed: {  	_ =	swait.ge [sflag:s14], $0x500  }
0xee: {  	[sflag:s14] =	ssyncset.done $0x0  }
0xef: {  	[sflag:s14] =	ssyncadd.s32 $0xFFFFFB00  }
0xf0: {  	[spmem:s2] =	stream.indirect.scatter.add.f32 [tilespmem:s11], [sflag:$0x1], $0x10, s28, s10, $0xb8;
	[tilespmem:$0x33E0] =	vst v63  }
0xf1: {  	_ = 	snop  }
0xf2: {  	[spmem:s2] =	stream.indirect.scatter.add.f32 [tilespmem:s11], [sflag:$0x1], $0x10, s29, s10, $0xb8;
	[tilespmem:$0x33E0] =	vst v63  }
0xf3: {  	_ = 	snop  }
0xf4: {  	[spmem:s2] =	stream.indirect.scatter.add.f32 [tilespmem:s11], [sflag:$0x1], $0x10, s30, s10, $0xb8;
	[tilespmem:$0x33E0] =	vst v63  }
0xf5: {  	_ = 	snop  }
0xf6: {  	[spmem:s2] =	stream.indirect.scatter.add.f32 [tilespmem:s11], [sflag:$0x1], $0x10, s31, s10, $0xb8;
	[tilespmem:$0x33E0] =	vst v63  }
0xf7: {  	_ = 	snop  }
0xf8: {  	[spmem:s2] =	stream.indirect.scatter.add.f32 [tilespmem:s11], [sflag:$0x1], $0x10, s0, s10, $0xb8;
	[tilespmem:$0x33E0] =	vst v63  }
0xf9: {  	_ =	swait.ge [sflag:s14], $0x500  }
0xfa: {  	[sflag:s14] =	ssyncset.done $0x0  }
0xfb: {  	[sflag:s14] =	ssyncadd.s32 $0xFFFFFB00  }
0xfc: {  	_ =	swait.ge [sflag:s14], $0x500  }
0xfd: {  	[sflag:s14] =	ssyncset.done $0x0  }
0xfe: {  	[sflag:s14] =	ssyncadd.s32 $0xFFFFFB00  }
0xff: {  	_ =	swait.ge [sflag:s14], $0x500  }
0x100: {  	[sflag:s14] =	ssyncset.done $0x0  }
0x101: {  	[sflag:s14] =	ssyncadd.s32 $0xFFFFFB00  }
0x102: {  	_ =	swait.ge [sflag:s14], $0x500  }
0x103: {  	[sflag:s14] =	ssyncset.done $0x0  }
0x104: {  	[sflag:s14] =	ssyncadd.s32 $0xFFFFFB00  }
0x105: {  	_ =	swait.ge [sflag:s14], $0x500  }
0x106: {  	[sflag:s14] =	ssyncset.done $0x0  }
0x107: {  	[sflag:s14] =	ssyncadd.s32 $0xFFFFFB00  }
0x108: {  	[spmem:s2] =	stream.indirect.scatter.add.f32 [tilespmem:s11], [sflag:$0x1], $0x10, s1, s10, $0xb8;
	[tilespmem:$0x33E0] =	vst v63  }
0x109: {  	_ = 	snop  }
0x10a: {  	[spmem:s2] =	stream.indirect.scatter.add.f32 [tilespmem:s11], [sflag:$0x1], $0x10, s4, s10, $0xb8;
	[tilespmem:$0x33E0] =	vst v63  }
0x10b: {  	_ = 	snop  }
0x10c: {  	[spmem:s2] =	stream.indirect.scatter.add.f32 [tilespmem:s11], [sflag:$0x1], $0x10, s5, s10, $0xb8;
	[tilespmem:$0x33E0] =	vst v63  }
0x10d: {  	_ = 	snop  }
0x10e: {  	[spmem:s2] =	stream.indirect.scatter.add.f32 [tilespmem:s11], [sflag:$0x1], $0x10, s6, s10, $0xb8;
	[tilespmem:$0x33E0] =	vst v63  }
0x10f: {  	s12 =	simm.s32 $0x780  }
0x110: {  	[spmem:s2] =	stream.indirect.scatter.add.f32 [tilespmem:s11], [sflag:$0x1], $0x10, s12, s10, $0xb8;
	[tilespmem:$0x33E0] =	vst v63  }
0x111: {  	_ =	swait.ge [sflag:s14], $0x500  }
0x112: {  	[sflag:s14] =	ssyncset.done $0x0  }
0x113: {  	[sflag:s14] =	ssyncadd.s32 $0xFFFFFB00  }
0x114: {  	_ =	swait.ge [sflag:s14], $0x500  }
0x115: {  	[sflag:s14] =	ssyncset.done $0x0  }
0x116: {  	[sflag:s14] =	ssyncadd.s32 $0xFFFFFB00  }
0x117: {  	_ =	swait.ge [sflag:s14], $0x500  }
0x118: {  	[sflag:s14] =	ssyncset.done $0x0  }
0x119: {  	p1 =	sne.s32 s7, $0x3E8;
	[sflag:s14] =	ssyncadd.s32 $0xFFFFFB00  }
.Ltmp1:
0x11a: {  	_ =	swait.ge [sflag:s14], $0x500;
	(pc) =	sbr.rel @p1 .LBB2_4-.Ltmp1, $4  }
0x11b: {  	[sflag:s14] =	ssyncset.done $0x0  }
0x11c: {  	[sflag:s14] =	ssyncadd.s32 $0xFFFFFB00  }
0x11d: {  	_ =	swait.ge [sflag:s14], $0x500  }
0x11e: {  	s7 =	sadd.s32 $0xFA, s7;
	s8 =	rddreg [dreg:$0x3];
	[sflag:s14] =	ssyncset.done $0x0  }
0x11f: {  	s7 =	sadd.s32 s25, s8;
	[sflag:s14] =	ssyncadd.s32 $0xFFFFFB00  }
0x120: {  	[tilespmem:s3], [sflag:$0x2] =	stream.linear.gather [hbm4b:s7+s3], $0x7D0, $0x38;
	[tilespmem:$0x33E0] =	vst v63  }
0x121: {  	_ =	swait.ge [sflag:s9], $0x7D0  }
0x122: {  	[sflag:s9] =	ssyncset.done $0x0  }
0x123: {  	[sflag:s9] =	ssyncadd.s32 $0xFFFFF830  }
0x124: {  	[spmem:s2] =	stream.indirect.scatter.add.f32 [tilespmem:s11], [sflag:$0x1], $0x10, s3, s10, $0xb8;
	[tilespmem:$0x33E0] =	vst v63  }
0x125: {  	_ = 	snop  }
0x126: {  	[spmem:s2] =	stream.indirect.scatter.add.f32 [tilespmem:s11], [sflag:$0x1], $0x10, s10, s10, $0xb8;
	[tilespmem:$0x33E0] =	vst v63  }
0x127: {  	s12 =	rddreg [dreg:$0x4]  }
0x128: {  	[spmem:s2] =	stream.indirect.scatter.add.f32 [tilespmem:s11], [sflag:$0x1], $0x10, s12, s10, $0xb8;
	[tilespmem:$0x33E0] =	vst v63  }
0x129: {  	_ = 	snop  }
0x12a: {  	[spmem:s2] =	stream.indirect.scatter.add.f32 [tilespmem:s11], [sflag:$0x1], $0x10, s13, s10, $0xb8;
	[tilespmem:$0x33E0] =	vst v63  }
0x12b: {  	_ = 	snop  }
0x12c: {  	[spmem:s2] =	stream.indirect.scatter.add.f32 [tilespmem:s11], [sflag:$0x1], $0x10, s15, s10, $0xb8;
	[tilespmem:$0x33E0] =	vst v63  }
0x12d: {  	_ =	swait.ge [sflag:s14], $0x500  }
0x12e: {  	[sflag:s14] =	ssyncset.done $0x0  }
0x12f: {  	[sflag:s14] =	ssyncadd.s32 $0xFFFFFB00  }
0x130: {  	_ =	swait.ge [sflag:s14], $0x500  }
0x131: {  	[sflag:s14] =	ssyncset.done $0x0  }
0x132: {  	[sflag:s14] =	ssyncadd.s32 $0xFFFFFB00  }
0x133: {  	_ =	swait.ge [sflag:s14], $0x500  }
0x134: {  	[sflag:s14] =	ssyncset.done $0x0  }
0x135: {  	[sflag:s14] =	ssyncadd.s32 $0xFFFFFB00  }
0x136: {  	_ =	swait.ge [sflag:s14], $0x500  }
0x137: {  	[sflag:s14] =	ssyncset.done $0x0  }
0x138: {  	[sflag:s14] =	ssyncadd.s32 $0xFFFFFB00  }
0x139: {  	_ =	swait.ge [sflag:s14], $0x500  }
0x13a: {  	[sflag:s14] =	ssyncset.done $0x0  }
0x13b: {  	[sflag:s14] =	ssyncadd.s32 $0xFFFFFB00  }
0x13c: {  	[spmem:s2] =	stream.indirect.scatter.add.f32 [tilespmem:s11], [sflag:$0x1], $0x10, s16, s10, $0xb8;
	[tilespmem:$0x33E0] =	vst v63  }
0x13d: {  	_ = 	snop  }
0x13e: {  	[spmem:s2] =	stream.indirect.scatter.add.f32 [tilespmem:s11], [sflag:$0x1], $0x10, s17, s10, $0xb8;
	[tilespmem:$0x33E0] =	vst v63  }
0x13f: {  	_ = 	snop  }
0x140: {  	[spmem:s2] =	stream.indirect.scatter.add.f32 [tilespmem:s11], [sflag:$0x1], $0x10, s18, s10, $0xb8;
	[tilespmem:$0x33E0] =	vst v63  }
0x141: {  	_ = 	snop  }
0x142: {  	[spmem:s2] =	stream.indirect.scatter.add.f32 [tilespmem:s11], [sflag:$0x1], $0x10, s19, s10, $0xb8;
	[tilespmem:$0x33E0] =	vst v63  }
0x143: {  	_ = 	snop  }
0x144: {  	[spmem:s2] =	stream.indirect.scatter.add.f32 [tilespmem:s11], [sflag:$0x1], $0x10, s20, s10, $0xb8;
	[tilespmem:$0x33E0] =	vst v63  }
0x145: {  	_ =	swait.ge [sflag:s14], $0x500  }
0x146: {  	[sflag:s14] =	ssyncset.done $0x0  }
0x147: {  	[sflag:s14] =	ssyncadd.s32 $0xFFFFFB00  }
0x148: {  	_ =	swait.ge [sflag:s14], $0x500  }
0x149: {  	[sflag:s14] =	ssyncset.done $0x0  }
0x14a: {  	[sflag:s14] =	ssyncadd.s32 $0xFFFFFB00  }
0x14b: {  	_ =	swait.ge [sflag:s14], $0x500  }
0x14c: {  	[sflag:s14] =	ssyncset.done $0x0  }
0x14d: {  	[sflag:s14] =	ssyncadd.s32 $0xFFFFFB00  }
0x14e: {  	_ =	swait.ge [sflag:s14], $0x500  }
0x14f: {  	[sflag:s14] =	ssyncset.done $0x0  }
0x150: {  	[sflag:s14] =	ssyncadd.s32 $0xFFFFFB00  }
0x151: {  	_ =	swait.ge [sflag:s14], $0x500  }
0x152: {  	[sflag:s14] =	ssyncset.done $0x0  }
0x153: {  	[sflag:s14] =	ssyncadd.s32 $0xFFFFFB00  }
0x154: {  	[spmem:s2] =	stream.indirect.scatter.add.f32 [tilespmem:s11], [sflag:$0x1], $0x10, s21, s10, $0xb8;
	[tilespmem:$0x33E0] =	vst v63  }
0x155: {  	_ = 	snop  }
0x156: {  	[spmem:s2] =	stream.indirect.scatter.add.f32 [tilespmem:s11], [sflag:$0x1], $0x10, s22, s10, $0xb8;
	[tilespmem:$0x33E0] =	vst v63  }
0x157: {  	_ = 	snop  }
0x158: {  	[spmem:s2] =	stream.indirect.scatter.add.f32 [tilespmem:s11], [sflag:$0x1], $0x10, s23, s10, $0xb8;
	[tilespmem:$0x33E0] =	vst v63  }
0x159: {  	_ = 	snop  }
0x15a: {  	[spmem:s2] =	stream.indirect.scatter.add.f32 [tilespmem:s11], [sflag:$0x1], $0x10, s24, s10, $0xb8;
	[tilespmem:$0x33E0] =	vst v63  }
0x15b: {  	_ = 	snop  }
0x15c: {  	[spmem:s2] =	stream.indirect.scatter.add.f32 [tilespmem:s11], [sflag:$0x1], $0x10, s26, s10, $0xb8;
	[tilespmem:$0x33E0] =	vst v63  }
0x15d: {  	_ =	swait.ge [sflag:s14], $0x500  }
0x15e: {  	[sflag:s14] =	ssyncset.done $0x0  }
0x15f: {  	[sflag:s14] =	ssyncadd.s32 $0xFFFFFB00  }
0x160: {  	_ =	swait.ge [sflag:s14], $0x500  }
0x161: {  	[sflag:s14] =	ssyncset.done $0x0  }
0x162: {  	[sflag:s14] =	ssyncadd.s32 $0xFFFFFB00  }
0x163: {  	_ =	swait.ge [sflag:s14], $0x500  }
0x164: {  	[sflag:s14] =	ssyncset.done $0x0  }
0x165: {  	[sflag:s14] =	ssyncadd.s32 $0xFFFFFB00  }
0x166: {  	_ =	swait.ge [sflag:s14], $0x500  }
0x167: {  	[sflag:s14] =	ssyncset.done $0x0  }
0x168: {  	[sflag:s14] =	ssyncadd.s32 $0xFFFFFB00  }
0x169: {  	_ =	swait.ge [sflag:s14], $0x500  }
0x16a: {  	[sflag:s14] =	ssyncset.done $0x0  }
0x16b: {  	[sflag:s14] =	ssyncadd.s32 $0xFFFFFB00  }
0x16c: {  	[spmem:s2] =	stream.indirect.scatter.add.f32 [tilespmem:s11], [sflag:$0x1], $0x10, s28, s10, $0xb8;
	[tilespmem:$0x33E0] =	vst v63  }
0x16d: {  	_ = 	snop  }
0x16e: {  	[spmem:s2] =	stream.indirect.scatter.add.f32 [tilespmem:s11], [sflag:$0x1], $0x10, s29, s10, $0xb8;
	[tilespmem:$0x33E0] =	vst v63  }
0x16f: {  	_ = 	snop  }
0x170: {  	[spmem:s2] =	stream.indirect.scatter.add.f32 [tilespmem:s11], [sflag:$0x1], $0x10, s30, s10, $0xb8;
	[tilespmem:$0x33E0] =	vst v63  }
0x171: {  	_ = 	snop  }
0x172: {  	[spmem:s2] =	stream.indirect.scatter.add.f32 [tilespmem:s11], [sflag:$0x1], $0x10, s31, s10, $0xb8;
	[tilespmem:$0x33E0] =	vst v63  }
0x173: {  	_ = 	snop  }
0x174: {  	[spmem:s2] =	stream.indirect.scatter.add.f32 [tilespmem:s11], [sflag:$0x1], $0x10, s0, s10, $0xb8;
	[tilespmem:$0x33E0] =	vst v63  }
0x175: {  	_ =	swait.ge [sflag:s14], $0x500  }
0x176: {  	[sflag:s14] =	ssyncset.done $0x0  }
0x177: {  	[sflag:s14] =	ssyncadd.s32 $0xFFFFFB00  }
0x178: {  	_ =	swait.ge [sflag:s14], $0x500  }
0x179: {  	[sflag:s14] =	ssyncset.done $0x0  }
0x17a: {  	[sflag:s14] =	ssyncadd.s32 $0xFFFFFB00  }
0x17b: {  	_ =	swait.ge [sflag:s14], $0x500  }
0x17c: {  	[sflag:s14] =	ssyncset.done $0x0  }
0x17d: {  	[sflag:s14] =	ssyncadd.s32 $0xFFFFFB00  }
0x17e: {  	_ =	swait.ge [sflag:s14], $0x500  }
0x17f: {  	[sflag:s14] =	ssyncset.done $0x0  }
0x180: {  	[sflag:s14] =	ssyncadd.s32 $0xFFFFFB00  }
0x181: {  	_ =	swait.ge [sflag:s14], $0x500  }
0x182: {  	[sflag:s14] =	ssyncset.done $0x0  }
0x183: {  	[sflag:s14] =	ssyncadd.s32 $0xFFFFFB00  }
0x184: {  	[spmem:s2] =	stream.indirect.scatter.add.f32 [tilespmem:s11], [sflag:$0x1], $0x10, s1, s10, $0xb8;
	[tilespmem:$0x33E0] =	vst v63  }
0x185: {  	_ = 	snop  }
0x186: {  	[spmem:s2] =	stream.indirect.scatter.add.f32 [tilespmem:s11], [sflag:$0x1], $0x10, s4, s10, $0xb8;
	[tilespmem:$0x33E0] =	vst v63  }
0x187: {  	_ = 	snop  }
0x188: {  	[spmem:s2] =	stream.indirect.scatter.add.f32 [tilespmem:s11], [sflag:$0x1], $0x10, s5, s10, $0xb8;
	[tilespmem:$0x33E0] =	vst v63  }
0x189: {  	_ = 	snop  }
0x18a: {  	[spmem:s2] =	stream.indirect.scatter.add.f32 [tilespmem:s11], [sflag:$0x1], $0x10, s6, s10, $0xb8;
	[tilespmem:$0x33E0] =	vst v63  }
0x18b: {  	s24 =	simm.s32 $0x780  }
0x18c: {  	[spmem:s2] =	stream.indirect.scatter.add.f32 [tilespmem:s11], [sflag:$0x1], $0x10, s24, s10, $0xb8;
	[tilespmem:$0x33E0] =	vst v63  }
0x18d: {  	_ =	swait.ge [sflag:s14], $0x500  }
0x18e: {  	[sflag:s14] =	ssyncset.done $0x0  }
0x18f: {  	[sflag:s14] =	ssyncadd.s32 $0xFFFFFB00  }
0x190: {  	_ =	swait.ge [sflag:s14], $0x500  }
0x191: {  	[sflag:s14] =	ssyncset.done $0x0  }
0x192: {  	[sflag:s14] =	ssyncadd.s32 $0xFFFFFB00  }
0x193: {  	_ =	swait.ge [sflag:s14], $0x500  }
0x194: {  	[sflag:s14] =	ssyncset.done $0x0  }
0x195: {  	[sflag:s14] =	ssyncadd.s32 $0xFFFFFB00  }
0x196: {  	_ =	swait.ge [sflag:s14], $0x500  }
0x197: {  	[sflag:s14] =	ssyncset.done $0x0  }
0x198: {  	[sflag:s14] =	ssyncadd.s32 $0xFFFFFB00  }
0x199: {  	_ =	swait.ge [sflag:s14], $0x500  }
0x19a: {  	[sflag:s14] =	ssyncset.done $0x0  }
0x19b: {  	[sflag:s14] =	ssyncadd.s32 $0xFFFFFB00  }
0x19c: {  	[bflag:$0x0] =	sbarrier.arrive $0xFFFF  }
0x19d: {  	s7 =	rddreg [dreg:$0x6]  }
0x19e: {  	s12 =	rddreg [dreg:$0x8]  }
0x19f: {  	s13 =	simm.s32 $0xF0;
	s15 =	simm.s32 $0x140;
	s8 =	rddreg [dreg:$0xa]  }
0x1a0: {  	[hbm:s7], [sflag:s12] =	dma.local @!p0 [spmem:s8], $0x7D0  }
0x1a1: {  	s16 =	simm.s32 $0x190;
	s17 =	simm.s32 $0x1E0;
	s7 =	simm.s32 @!p0 $0x2  }
0x1a2: {  	s18 =	simm.s32 $0x230;
	s19 =	simm.s32 $0x280;
	_ =	swait.ge @!p0 [sflag:s7], $0x7D0  }
0x1a3: {  	s20 =	simm.s32 $0x2D0;
	s21 =	simm.s32 $0x320;
	s25 =	rddreg [dreg:$0xb]  }
0x1a4: {  	s22 =	simm.s32 $0x370;
	s26 =	rddreg [dreg:$0x7];
	s0 =	sadd.s32 $0x1, s25  }
0x1a5: {  	s23 =	simm.s32 $0x3C0;
	s28 =	simm.s32 $0x500;
	p1 =	sne.s32 s0, s26  }
.Ltmp2:
0x1a6: {  	s29 =	simm.s32 $0x550;
	s30 =	simm.s32 $0x5A0;
	(pc) =	sbr.rel @p1 .LBB2_1-.Ltmp2, $4  }
0x1a7: {  	s31 =	simm.s32 $0x780;
	s1 =	simm.s32 $0x640;
	s4 =	simm.s32 $0x690  }
0x1a8: {  	s5 =	simm.s32 $0x6E0;
	s6 =	simm.s32 $0x730;
	[sflag:s7] =	ssyncset.done @!p0 $0x0  }
0x1a9: {  	s24 =	simm.s32 $0x410;
	[sflag:s7] =	ssyncadd.s32 @!p0 $0xFFFFF830;
	s25 =	simm.s32 $0x460  }
0x1aa: {  	[dreg:$0xb] =	wrdreg s0;
	s26 =	simm.s32 $0x4B0;
	s0 =	simm.s32 $0x5F0  }
0x1ab: {  	_ =	sfence.sel $0x180000  }
0x1ac: {  	[bflag:$0x0] =	sbarrier.arrive $0xFFFF  }
0x1ad: {  	_ =	strace $0x9000004A  }
0x1ae: {  	s0 =	stileid.u32;
	[bflag:$0x2] =	sbarrier.arrive $0xFFFF  }
0x1af: {  	p0 =	sne.s32 s0, $0x0;
	s0 =	rddreg [dreg:$0x2]  }
0x1b0: {  	s0 =	sadd.s32 @!p0 $0x100000, s0  }
0x1b1: {  	[sflag:s0] =	ssyncadd.tile.s32 @!p0 $0x1;
	_ =	shalt  }
.Lfunc_end2:
_tile_overlayer_lowered:
.L_overlay_start_2:
0x1b2: {  	(tag) =	ssettag $0x2  }
0x1b3: {  	s0 =	rddreg [dreg:$0x0];
	s2 =	stileid.u32  }
0x1b4: {  	s1 =	rddreg [dreg:$0x1];
	p0 =	sne.s32 s2, $0x0  }
0x1b5: {  	s3 =	rddreg [dreg:$0x2];
	[bflag:$0x3] =	sbarrier.arrive $0xFFFF;
	s2 =	simm.s32 @!p0 $0x1C02  }
0x1b6: {  	[timem:s3], [sflag:s2] =	dma.local @!p0 [hbm:s0], s1  }
0x1b7: {  	s0 =	simm.s32 @!p0 $0x2  }
0x1b8: {  	_ =	swait.ge @!p0 [sflag:s0], s1  }
0x1b9: {  	s1 =	ssub.s32 @!p0 $0x0, s1;
	[sflag:s0] =	ssyncset.done @!p0 $0x0  }
0x1ba: {  	[sflag:s0] =	ssyncadd.s32 @!p0 s1  }
0x1bb: {  	[bflag:$0x3] =	sbarrier.arrive $0xFFFF  }
0x1bc: {  	_ =	shalt  }

// kernel: sparse-core-data-format-call.cloned.1.call-start
scs
called_computation_lowered:
.L_overlay_start_0:
0x0: {  	s1 =	sld [smem:$0x3FD9]  }
0x1: {  	s2 =	sld [smem:$0x3FFE];
	_ =	sdelay $0x1  }
0x2: {  	s3 =	srdreg.scid  }
0x3: {  	s0 =	sand.u32 $0x1, s3  }
0x4: {  	s17 =	sshll.u32 s0, $0xA;
	s1 =	sadd.s32 s2, s1  }
0x5: {  	s1 =	sadd.s32 s1, s17  }
0x6: {  	[smem:$0x3FC0] =	sst s1  }
0x7: {  	_ = 	snop  }
0x8: {  	(tm) =	ssettm $0x1  }
0x9: {  	s18 =	sld [smem:$0x3FFB];
	_ =	sdelay $0x3  }
0xa: {  	_ =	strace s18  }
0xb: {  	s1 =	sld [smem:$0x3FFC];
	_ =	sdelay $0x3  }
0xc: {  	_ =	strace s1  }
0xd: {  	s1 =	sld [smem:$0x3FFD];
	_ =	sdelay $0x3  }
0xe: {  	_ =	strace s1  }
0xf: {  	_ =	strace $0x8FFFFFFF  }
0x10: {  	s19 =	sld [smem:$0x3FDB];
	_ =	sdelay $0x1  }
0x11: {  	s20 =	simm.s32 $_scs_section_size  }
0x12: {  	s4 =	simm.s32 $_size__tile_overlayer_lowered;
	s5 =	simm.s32 $_tile_overlayer_lowered  }
0x13: {  	s23 =	simm.s32 $0x1BFF;
	s22 =	sshll.u32 s5, $0x1;
	s1 =	sadd.s32 s20, s19  }
0x14: {  	s6 =	simm.s32 $0x0;
	s21 =	sshll.u32 s4, $0x1;
	s4 =	sadd.s32 s22, s1  }
0x15: {  	[timem:s6], [sflag:s23] =	dma.local [hbm:s4], s21  }
0x16: {  	_ =	swait.ge [sflag:s23], s21  }
0x17: {  	s2 =	ssub.s32 $0x0, s21;
	[sflag:s23] =	ssyncset.done $0x0  }
0x18: {  	[sflag:s23] =	ssyncadd.s32 s2;
	_ =	sdelay $0x1  }
0x19: {  	s24 =	simm.s32 $0x1B8B  }
0x1a: {  	_ =	swait.ge [sflag:s24], $0x1  }
0x1b: {  	[sflag:s24] =	ssyncset.done $0x0  }
0x1c: {  	s26 =	simm.s32 $0x1B8E;
	s25 =	sld [smem:$0x3FFE];
	[sflag:s24] =	ssyncadd.s32 $0xFFFFFFFF  }
0x1d: {  	s27 =	simm.s32 $execute0_lowered;
	[smem:$0x3FD2] =	sst s26  }
0x1e: {  	s4 =	sshll.u32 s27, $0x1;
	_ =	strace $0x80000046;
	[dreg:$0x1] =	wrdreg $0xFFFFFFFF  }
0x1f: {  	s28 =	simm.s32 $_size_execute0_lowered;
	s1 =	sadd.s32 s1, s4;
	[dreg:$0x0] =	wrdreg $0x0  }
0x20: {  	s4 =	sshll.u32 s28, $0x1;
	[dreg:$0x2] =	wrdreg s1  }
0x21: {  	[dreg:$0x3] =	wrdreg s4  }
0x22: {  	[dreg:$0x4] =	wrdreg $0xC0  }
0x23: {  	_ =	task [dreg:s6], $0x5FFFF  }
0x24: {  	[dreg:$0x1] =	wrdreg $0xFFFFFFFF  }
0x25: {  	[dreg:$0x0] =	wrdreg $0x60  }
0x26: {  	[dreg:$0x2] =	wrdreg s25  }
0x27: {  	[dreg:$0x3] =	wrdreg $0x9  }
0x28: {  	_ =	task.clear_ibuf [dreg:s6], $0x4FFFF;
	_ =	strace $0x90000046  }
0x29: {  	s29 =	simm.s32 $0x9;
	_ =	strace $0x80000048  }
0x2a: {  	_ =	swait.ge [sflag:s29], $0x1  }
0x2b: {  	[sflag:s29] =	ssyncadd.s32 $0xFFFFFFFF  }
0x2c: {  	_ =	strace $0x90000048  }
0x2d: {  	_ =	sfence  }
0x2e: {  	s30 =	sld [smem:$0x0];
	_ =	sdelay $0x2  }
0x2f: {  	s31 =	sshll.u32 s3, $0xD;
	s3 =	sshrl.u32 s3, $0x2  }
0x30: {  	s2 =	sand.u32 $0x4000, s31;
	s1 =	sadd.s32 s3, s30  }
0x31: {  	s0 =	sor.u32 s2, s0;
	s1 =	sshll.u32 s1, $0x11  }
0x32: {  	s0 =	sor.u32 s1, s0  }
0x33: {  	s0 =	sadd.s32 $0x8F2B, s0  }
0x34: {  	[sflag:s0] =	ssyncadd.remote.s32 $0x1  }
0x35: {  	_ =	sfence.sel $0xFFFF  }
0x36: {  	[dreg:$0x0] =	wrdreg $0xFFFFFFFF;
	(pc) =	sbr.abs _section_cstart, $3  }
0x37: {  	[dreg:$0x1] =	wrdreg $0xFFFFFFFF  }
0x38: {  	_ =	task.clear_ibuf [dreg:s6], $0x2FFFF;
	_ =	strace $0x9FFFFFFF  }
0x39: {  	(tm) =	ssettm $0x7FFFFFFF  }
tec
execute0_lowered:
.L_overlay_start_1:
0x0: {  	(tag) =	ssettag $0x1  }
0x1: {  	s0 =	srdreg.scid  }
0x2: {  	s6 =	rddreg [dreg:$0x0];
	s1 =	stileid.u32;
	s9 =	simm.s32 $0x1  }
0x3: {  	s31 =	simm.s32 $0x2;
	s13 =	simm.s32 $0x0;
	s2 =	sshll.u32 s0, $0x4  }
0x4: {  	s12 =	simm.s32 $0x0;
	s11 =	simm.s32 $0x0;
	s2 =	sor.u32 s1, s2  }
0x5: {  	s0 =	rddreg [dreg:$0x1];
	_ =	strace $0x80000047;
	s2 =	sand.u32 $0x1E, s2  }
0x6: {  	s4 =	sshll.u32 s1, $0x7;
	s3 =	sshll.u32 s2, $0x3;
	s5 =	ssub.s32 $0x20, s2  }
0x7: {  	s7 =	sadd.s32 s3, s6;
	s3 =	sand.u32 $0x80, s4;
	s30 =	sand.u32 $0x1E, s5  }
0x8: {  	s5 =	sshrl.u32 s5, $0x5;
	s8 =	ssub.s32 $0x2700, s3;
	p0 =	sne.s32 s30, $0x0  }
.Ltmp0:
0x9: {  	s8 =	sshrl.u32 s8, $0x8;
	s9 =	simm.s32 @!p0 $0x0;
	(pc) =	sbr.rel .LBB1_1-.Ltmp0, $4  }
0xa: {  	s4 =	simm.s32 $0x1;
	s8 =	sadd.s32 $0x1, s8;
	s5 =	sadd.s32 s9, s5  }
0xb: {  	s6 =	sadd.s32 $0x272C00, s6;
	[sflag:s4] =	ssyncpa.u1 $0x0;
	s5 =	smul.u32 s8, s5  }
0xc: {  	s7 =	sadd.s32 $0x1C00, s7;
	s10 =	smov.u32 s3;
	[sflag:s31] =	ssyncpa.u1 $0x0  }
0xd: {  	p0 =	por $0x0, $0x0;
	s9 =	simm.s32 $0x27800;
	s8 =	sadd.s32 $0x1, s5  }
.LBB1_4:
0xe: {  	s19 =	sshrl.u32 s13, $0x3  }
0xf: {  	s20 =	sshll.u32 s12, $0x3;
	s19 =	smul.u32 $0x13C00, s19  }
0x10: {  	s26 =	sshll.u32 s13, $0x7;
	s20 =	sand.u32 $0xFFFFFC00, s20  }
0x11: {  	v5 =	vld [tilespmem:s17+$0xFFFFFFD0];
	[tilespmem:s16+$0x2040 ss:$0x81] =	vst.msk $0xffff, v4;
	s27 =	sshll.u32 s12, $0x1;
	s13 =	sand.u32 $0x300, s26;
	s19 =	sadd.s32 s20, s19  }
0x12: {  	v58 =	vld [tilespmem:s17+$0xFFFFFFE0];
	[tilespmem:s16+$0x2850 ss:$0x81] =	vst.msk $0xffff, v3;
	s12 =	sand.u32 $0xFE, s27;
	s13 =	sor.u32 s13, s19  }
0x13: {  	s18 =	sshra.s32 s18, $0x2;
	v59 =	vld [tilespmem:s17+$0xFFFFFFF0];
	[tilespmem:s16+$0x3060 ss:$0x81] =	vst.msk $0xffff, v2;
	s12 =	sor.u32 s12, s13  }
0x14: {  	v60 =	vld [tilespmem:s17+$0x0];
	[tilespmem:s16+$0x0 ss:$0x81] =	vst.msk $0xffff, v0;
	s28 =	sadd.s32 s18, s15;
	s29 =	smulhi.u32 $0xCF6474A9, s12  }
0x15: {  	v61 =	vld [tilespmem:s17+$0x10];
	[tilespmem:s28+$0x3870 ss:$0x81] =	vst.msk $0xffff, v1  }
0x16: {  	v62 =	vld [tilespmem:s17+$0x20];
	[tilespmem:s28+$0x810 ss:$0x81] =	vst.msk $0xffff, v5;
	s15 =	sshrl.u32 s29, $0xD  }
0x17: {  	v63 =	vld [tilespmem:s17+$0xFFFFFFC0];
	[tilespmem:s28+$0x1020 ss:$0x81] =	vst.msk $0xffff, v58;
	s30 =	smul.u32 $0x2780, s15  }
0x18: {  	[tilespmem:s28+$0x1830 ss:$0x81] =	vst.msk $0xffff, v59  }
0x19: {  	[tilespmem:s28+$0x2040 ss:$0x81] =	vst.msk $0xffff, v60;
	s15 =	sand.u32 $0x1F, s15;
	s12 =	ssub.s32 s12, s30  }
0x1a: {  	[tilespmem:s28+$0x2850 ss:$0x81] =	vst.msk $0xffff, v61;
	s15 =	smul.u32 $0x278, s15;
	s16 =	sshrl.u32 s12, $0x4;
	s12 =	sshll.u32 s12, $0x11  }
0x1b: {  	[tilespmem:s28+$0x3060 ss:$0x81] =	vst.msk $0xffff, v62;
	s16 =	sadd.s32 s6, s16;
	s12 =	sand.u32 $0x1C0000, s12  }
0x1c: {  	[tilespmem:s28+$0x0 ss:$0x81] =	vst.msk $0xffff, v63;
	s31 =	sadd.s32 s15, s16;
	s12 =	sor.u32 $0x80, s12  }
0x1d: {  	[hbm4b:s31+s12] =	stream.strided.scatter [tilespmem:s14], [sflag:$0x2], $0x4000, s9, s12, $0x20;
	[tilespmem:$0x10100] =	vst v63  }
.LBB1_5:
0x1e: {  	s14 =	sadd.s32 $0x100, s10  }
0x1f: {  	p2 =	sgt.s32 s14, $0x270F  }
0x20: {  	s14 =	smov.u32 @p2 s3;
	p2 =	sne.s32 s11, s8  }
.Ltmp1:
0x21: {  	p1 =	slt.u32 s11, $0x2;
	(pc) =	sbr.rel @!p2 .LBB1_6-.Ltmp1, $4  }
0x22: {  	s13 =	simm.s32 @!p1 $0x2  }
0x23: {  	s15 =	sadd.s32 $0x1, s11;
	s12 =	smov.u32 s10;
	_ =	swait.ge @!p1 [sflag:s13], $0x4000  }
0x24: {  	p0 =	por !p0, !p0;
	s11 =	smov.u32 s15;
	[sflag:s13] =	ssyncset.done @!p1 $0x0  }
0x25: {  	s10 =	smov.u32 s14;
	[sflag:s13] =	ssyncadd.s32 @!p1 $0xFFFFC000;
	s13 =	smov.u32 s2  }
.LBB1_1:
0x26: {  	p1 =	sge.u32 s11, s5  }
0x27: {  	p2 =	sgt.s32 @!p1 s10, $0x2690  }
0x28: {  	s14 =	smov.u32 s10;
	s15 =	sshra.s32 @!p1 s10, $0x1F;
	p2 =	por !p2, p1  }
0x29: {  	s15 =	sand.u32 @!p1 s15, s10;
	s14 =	simm.s32 @p2 $0x2690  }
0x2a: {  	s14 =	ssub.s32 @!p1 s14, s15  }
0x2b: {  	s31 =	sadd.s32 $0xFFFFFFFF, s11;
	s16 =	sxor.u32 @!p1 $0xFFFFFFFF, s11;
	s14 =	sadd.s32 @!p1 $0xFFFFD970, s14  }
0x2c: {  	s17 =	simm.s32 @!p1 $0x80;
	s18 =	simm.s32 @!p1 $0x800;
	s15 =	sshll.u32 @!p1 s14, $0x7  }
0x2d: {  	s16 =	sshll.u32 @!p1 s16, $0xE;
	p2 =	sgt.s32 @!p1 s14, $0x7F;
	s14 =	ssub.s32 @!p1 $0x4000, s15  }
0x2e: {  	p2 =	por !p2, p1;
	s15 =	sshll.u32 @!p1 s10, $0x8;
	s14 =	sand.u32 @!p1 $0x3FFFFF80, s14  }
0x2f: {  	s16 =	sand.u32 @!p1 $0x4000, s16;
	s15 =	sadd.s32 @!p1 s15, s7;
	s14 =	simm.s32 @!p2 $0x0  }
0x30: {  	[tilespmem:s16], [sflag:$0x1] =	stream.strided.gather @!p1 [hbm4b:s15+s17], s14, s18, s17, $0x38;
	[tilespmem:$0x10100] =	vst v63  }
0x31: {  	p1 =	sge.u32 s31, s5  }
.Ltmp2:
0x32: {  	_ = 	snop;
	(pc) =	sbr.rel @p1 .LBB1_5-.Ltmp2, $1  }
0x33: {  	_ =	sdelay $0x3  }
0x34: {  	p1 =	sgt.s32 s12, $0x2690;
	s14 =	smov.u32 s12;
	s15 =	sshra.s32 s12, $0x1F  }
0x35: {  	s14 =	simm.s32 @!p1 $0x2690;
	s15 =	sand.u32 s15, s12  }
0x36: {  	s14 =	ssub.s32 s14, s15  }
0x37: {  	s14 =	sadd.s32 $0xFFFFD970, s14  }
0x38: {  	s29 =	sshll.u32 s14, $0x7  }
0x39: {  	s15 =	ssub.s32 $0x4000, s29  }
0x3a: {  	p1 =	sgt.s32 s14, $0x7F;
	s14 =	sand.u32 $0x3FFFFF80, s15  }
0x3b: {  	s15 =	simm.s32 $0x1;
	s14 =	simm.s32 @p1 $0x0  }
0x3c: {  	s15 =	simm.s32 @!p0 $0x0;
	_ =	swait.ge [sflag:s4], s14  }
0x3d: {  	s16 =	sshll.u32 s15, $0xE;
	s14 =	ssub.s32 $0x0, s14;
	[sflag:s4] =	ssyncset.done $0x0  }
0x3e: {  	s17 =	sor.u32 $0x40, s16;
	[sflag:s4] =	ssyncadd.s32 s14  }
0x3f: {  	s30 =	smul.u32 $0x10200, s15;
	v0 =	vld [tilespmem:s17+$0x30]  }
0x40: {  	v1 =	vld [tilespmem:s17+$0xFFFFFFD0]  }
0x41: {  	s14 =	sshrl.u32 s30, $0x2;
	v5 =	vld [tilespmem:s17+$0xFFFFFFE0]  }
0x42: {  	s15 =	sor.u32 $0x8000, s14;
	v6 =	vld [tilespmem:s17+$0xFFFFFFF0]  }
0x43: {  	s31 =	sand.u32 $0x1, s11;
	v4 =	vld [tilespmem:s17+$0x0];
	s16 =	sadd.s32 $0x0, s15  }
0x44: {  	s14 =	smul.u32 $0x10200, s31;
	v3 =	vld [tilespmem:s17+$0x10];
	[tilespmem:s16+$0x3870 ss:$0x81] =	vst.msk $0xffff, v0  }
0x45: {  	v2 =	vld [tilespmem:s17+$0x20];
	[tilespmem:s16+$0x810 ss:$0x81] =	vst.msk $0xffff, v1  }
0x46: {  	s14 =	sshrl.u32 s14, $0x2;
	v0 =	vld [tilespmem:s17+$0xFFFFFFC0];
	[tilespmem:s16+$0x1020 ss:$0x81] =	vst.msk $0xffff, v5;
	s17 =	sadd.s32 $0x80, s17  }
0x47: {  	s18 =	simm.s32 $0x4;
	s19 =	simm.s32 $0x8;
	s14 =	sor.u32 $0x8000, s14;
	[tilespmem:s16+$0x1830 ss:$0x81] =	vst.msk $0xffff, v6;
	v1 =	vld [tilespmem:s17+$0x30]  }
.LBB1_3:
0x48: {  	p1 =	sne.s32 s19, $0x1FC;
	v5 =	vld [tilespmem:s17+$0xFFFFFFD0];
	[tilespmem:s16+$0x2040 ss:$0x81] =	vst.msk $0xffff, v4  }
0x49: {  	v6 =	vld [tilespmem:s17+$0xFFFFFFE0];
	[tilespmem:s16+$0x2850 ss:$0x81] =	vst.msk $0xffff, v3  }
0x4a: {  	s20 =	sshra.s32 s18, $0x2;
	s18 =	smov.u32 s19;
	v7 =	vld [tilespmem:s17+$0xFFFFFFF0];
	[tilespmem:s16+$0x3060 ss:$0x81] =	vst.msk $0xffff, v2  }
.Ltmp3:
0x4b: {  	v4 =	vld [tilespmem:s17+$0x0];
	[tilespmem:s16+$0x0 ss:$0x81] =	vst.msk $0xffff, v0;
	s16 =	sadd.s32 s20, s15;
	(pc) =	sbr.rel @p1 .LBB1_3-.Ltmp3, $4  }
0x4c: {  	v3 =	vld [tilespmem:s17+$0x10];
	[tilespmem:s16+$0x3870 ss:$0x81] =	vst.msk $0xffff, v1  }
0x4d: {  	[tilespmem:s16+$0x810 ss:$0x81] =	vst.msk $0xffff, v5;
	v2 =	vld [tilespmem:s17+$0x20]  }
0x4e: {  	v0 =	vld [tilespmem:s17+$0xFFFFFFC0];
	[tilespmem:s16+$0x1020 ss:$0x81] =	vst.msk $0xffff, v6;
	s17 =	sadd.s32 $0x80, s17  }
0x4f: {  	s19 =	sadd.s32 $0x4, s19;
	v1 =	vld [tilespmem:s17+$0x30];
	[tilespmem:s16+$0x1830 ss:$0x81] =	vst.msk $0xffff, v7  }
.Ltmp4:
0x50: {  	_ = 	snop;
	(pc) =	sbr.rel .LBB1_4-.Ltmp4, $1  }
0x51: {  	_ =	sdelay $0x3  }
.LBB1_6:
0x52: {  	_ =	sfence.sel $0x180000  }
0x53: {  	s2 =	simm.s32 $0x1;
	[bflag:$0x0] =	sbarrier.arrive $0xFFFF  }
0x54: {  	s31 =	simm.s32 $0x2;
	[sflag:s2] =	ssyncpa.u1 $0x1  }
0x55: {  	[sflag:s31] =	ssyncpa.u1 $0x1  }
0x56: {  	p0 =	sne.s32 s1, $0x0;
	_ =	strace $0x90000047  }
0x57: {  	s0 =	sadd.s32 @!p0 $0x100000, s0;
	[bflag:$0x2] =	sbarrier.arrive $0xFFFF  }
0x58: {  	[sflag:s0] =	ssyncadd.tile.s32 @!p0 $0x1;
	_ =	shalt  }
.Lfunc_end1:
_tile_overlayer_lowered:
.L_overlay_start_2:
0x59: {  	(tag) =	ssettag $0x2  }
0x5a: {  	s0 =	rddreg [dreg:$0x0];
	s2 =	stileid.u32  }
0x5b: {  	s1 =	rddreg [dreg:$0x1];
	p0 =	sne.s32 s2, $0x0  }
0x5c: {  	s3 =	rddreg [dreg:$0x2];
	[bflag:$0x3] =	sbarrier.arrive $0xFFFF;
	s2 =	simm.s32 @!p0 $0x1C01  }
0x5d: {  	[timem:s3], [sflag:s2] =	dma.local @!p0 [hbm:s0], s1  }
0x5e: {  	s0 =	simm.s32 @!p0 $0x1  }
0x5f: {  	_ =	swait.ge @!p0 [sflag:s0], s1  }
0x60: {  	s1 =	ssub.s32 @!p0 $0x0, s1;
	[sflag:s0] =	ssyncset.done @!p0 $0x0  }
0x61: {  	[sflag:s0] =	ssyncadd.s32 @!p0 s1  }
0x62: {  	[bflag:$0x3] =	sbarrier.arrive $0xFFFF  }
0x63: {  	_ =	shalt  }

</sc_bundles>
